<compile_context>
chip_gen: v7x
topology: tpu7x:2x2x1
jax: 0.10.2.dev20260603
libtpu: 0.0.44.dev20260713+nightly
codegen_flags: <defaults>
</compile_context>

<pallas_src>
import functools

import jax
import jax.numpy as jnp
from jax import lax
from jax.experimental import pallas as pl
from jax.experimental.pallas import tpu as pltpu
from jax.experimental.pallas import tpu_sc as plsc

N = 10000
E = 320000
D = 128
H1 = 4
C1 = 32
C2 = 128

NC = 2
NS = 16
NW = NC * NS
CH = 128
NCH = 79
EPW = NCH * CH
E_PAD = EPW * NW
ROWS_PT = 632
NACC = NS * ROWS_PT
AW = 16


def _leaky(x):
    return jnp.where(x >= 0, x, 0.2 * x)



RB = 1000


def _tc1_body(x_ref, w_ref, asp_ref, adp_ref, h_ref, as_ref, ad_ref):
    h = jnp.dot(x_ref[...], w_ref[...], preferred_element_type=jnp.float32)
    h_ref[...] = h
    as_ref[...] = jnp.dot(h, asp_ref[...], preferred_element_type=jnp.float32)
    ad_ref[...] = jnp.dot(h, adp_ref[...], preferred_element_type=jnp.float32)


def _tc1(x, W1, Ascp, Adcp):
    return pl.pallas_call(
        _tc1_body,
        grid=(N // RB,),
        in_specs=[
            pl.BlockSpec((RB, D), lambda i: (i, 0)),
            pl.BlockSpec((D, D), lambda i: (0, 0)),
            pl.BlockSpec((D, AW), lambda i: (0, 0)),
            pl.BlockSpec((D, AW), lambda i: (0, 0)),
        ],
        out_specs=[
            pl.BlockSpec((RB, D), lambda i: (i, 0)),
            pl.BlockSpec((RB, AW), lambda i: (i, 0)),
            pl.BlockSpec((RB, AW), lambda i: (i, 0)),
        ],
        out_shape=[
            jax.ShapeDtypeStruct((N, D), jnp.float32),
            jax.ShapeDtypeStruct((N, AW), jnp.float32),
            jax.ShapeDtypeStruct((N, AW), jnp.float32),
        ],
    )(x, W1, Ascp, Adcp)


def _tc2_body(accm_ref, accd_ref, h_ref, msmd_ref, eexp_ref, w2_ref,
              asp2_ref, adp2_ref, b_ref, h2_ref, as2_ref, ad2_ref):
    msg = accm_ref[0] + accm_ref[1]
    den = jnp.dot(accd_ref[0] + accd_ref[1], eexp_ref[...],
                  preferred_element_type=jnp.float32)
    h = h_ref[...]
    exii = jnp.exp(_leaky(jnp.dot(h, msmd_ref[...],
                                  preferred_element_type=jnp.float32)))
    o = (msg + exii * h) / (den + exii + 1e-16) + b_ref[...]
    o = jnp.where(o > 0, o, jnp.exp(o) - 1.0)
    h2 = jnp.dot(o, w2_ref[...], preferred_element_type=jnp.float32)
    h2_ref[...] = h2
    as2_ref[...] = jnp.dot(h2, asp2_ref[...], preferred_element_type=jnp.float32)
    ad2_ref[...] = jnp.dot(h2, adp2_ref[...], preferred_element_type=jnp.float32)


def _tc2(accm, accd, h1, MsMd1, Eexp16, W2, Ascp2, Adcp2, b1):
    return pl.pallas_call(
        _tc2_body,
        grid=(N // RB,),
        in_specs=[
            pl.BlockSpec((2, RB, D), lambda i: (0, i, 0)),
            pl.BlockSpec((2, RB, AW), lambda i: (0, i, 0)),
            pl.BlockSpec((RB, D), lambda i: (i, 0)),
            pl.BlockSpec((D, D), lambda i: (0, 0)),
            pl.BlockSpec((AW, D), lambda i: (0, 0)),
            pl.BlockSpec((D, D), lambda i: (0, 0)),
            pl.BlockSpec((D, AW), lambda i: (0, 0)),
            pl.BlockSpec((D, AW), lambda i: (0, 0)),
            pl.BlockSpec((1, D), lambda i: (0, 0)),
        ],
        out_specs=[
            pl.BlockSpec((RB, D), lambda i: (i, 0)),
            pl.BlockSpec((RB, AW), lambda i: (i, 0)),
            pl.BlockSpec((RB, AW), lambda i: (i, 0)),
        ],
        out_shape=[
            jax.ShapeDtypeStruct((N, D), jnp.float32),
            jax.ShapeDtypeStruct((N, AW), jnp.float32),
            jax.ShapeDtypeStruct((N, AW), jnp.float32),
        ],
    )(accm, accd, h1, MsMd1, Eexp16, W2, Ascp2, Adcp2, b1)


def _tc3_body(accm_ref, accd_ref, h_ref, msmd_ref, eexp_ref, b_ref, out_ref):
    msg = accm_ref[0] + accm_ref[1]
    den = jnp.dot(accd_ref[0] + accd_ref[1], eexp_ref[...],
                  preferred_element_type=jnp.float32)
    h = h_ref[...]
    exii = jnp.exp(_leaky(jnp.dot(h, msmd_ref[...],
                                  preferred_element_type=jnp.float32)))
    out_ref[...] = (msg + exii * h) / (den + exii + 1e-16) + b_ref[...]


def _tc3(accm, accd, h2, MsMd2, Eexp16_2, b2):
    return pl.pallas_call(
        _tc3_body,
        grid=(N // RB,),
        in_specs=[
            pl.BlockSpec((2, RB, D), lambda i: (0, i, 0)),
            pl.BlockSpec((2, RB, AW), lambda i: (0, i, 0)),
            pl.BlockSpec((RB, D), lambda i: (i, 0)),
            pl.BlockSpec((D, D), lambda i: (0, 0)),
            pl.BlockSpec((AW, D), lambda i: (0, 0)),
            pl.BlockSpec((1, D), lambda i: (0, 0)),
        ],
        out_specs=pl.BlockSpec((RB, D), lambda i: (i, 0)),
        out_shape=jax.ShapeDtypeStruct((N, D), jnp.float32),
    )(accm, accd, h2, MsMd2, Eexp16_2, b2)



@functools.lru_cache(maxsize=None)
def _make_sc_edge(H):
    C = D // H
    mesh = plsc.VectorSubcoreMesh(core_axis_name="c", subcore_axis_name="s",
                                  num_cores=NC, num_subcores=NS)

    @functools.partial(
        pl.kernel,
        out_type=[
            jax.ShapeDtypeStruct((NC, NACC, D), jnp.float32),
            jax.ShapeDtypeStruct((NC, NACC, AW), jnp.float32),
        ],
        mesh=mesh,
        compiler_params=pltpu.CompilerParams(use_tc_tiling_on_sc=False,
                                             needs_layout_passes=False),
        scratch_types=[
            pltpu.VMEM((CH,), jnp.int32),
            pltpu.VMEM((CH,), jnp.int32),
            pltpu.VMEM((CH, D), jnp.float32),
            pltpu.VMEM((CH, AW), jnp.float32),
            pltpu.VMEM((CH, AW), jnp.float32),
            pltpu.VMEM((CH, AW), jnp.float32),
            pltpu.VMEM_SHARED((NACC, D), jnp.float32),
            pltpu.VMEM_SHARED((NACC, AW), jnp.float32),
            pltpu.SemaphoreType.DMA,
        ],
    )
    def sc_edge(src_hbm, dst_hbm, as_hbm, ad_hbm, h_hbm,
                accm_hbm, accd_hbm,
                srcs_v, dsts_v, grows_v, asrc_v, adst_v, exd_v,
                accm_sh, accd_sh, sem):
        c = lax.axis_index("c")
        s = lax.axis_index("s")
        wid = c * NS + s
        row0 = s * ROWS_PT

        zero16 = jnp.zeros((16,), jnp.float32)

        def _zg(i, carry):
            for q in range(D // 16):
                grows_v[i, pl.ds(q * 16, 16)] = zero16
            exd_v[i, :] = zero16
            return carry

        lax.fori_loop(0, CH, _zg, 0)
        for k in range(5):
            nrows = CH if k < 4 else ROWS_PT - 4 * CH
            pltpu.sync_copy(grows_v.at[pl.ds(0, nrows)],
                            accm_sh.at[pl.ds(row0 + k * CH, nrows)])
            pltpu.sync_copy(exd_v.at[pl.ds(0, nrows)],
                            accd_sh.at[pl.ds(row0 + k * CH, nrows)])
        plsc.subcore_barrier()

        base = wid * EPW
        lanes = lax.iota(jnp.int32, 16)

        def _chunk(j, carry):
            off = base + j * CH
            pltpu.sync_copy(src_hbm.at[pl.ds(off, CH)], srcs_v)
            pltpu.sync_copy(dst_hbm.at[pl.ds(off, CH)], dsts_v)
            pltpu.async_copy(h_hbm.at[srcs_v], grows_v, sem).wait()
            pltpu.async_copy(as_hbm.at[srcs_v], asrc_v, sem).wait()
            pltpu.async_copy(ad_hbm.at[dsts_v], adst_v, sem).wait()

            def _erow(e, carry):
                al = asrc_v[e, :] + adst_v[e, :]
                exrow = jnp.exp(jnp.where(al >= 0, al, 0.2 * al))
                valid = (off + e) < E
                exrow = jnp.where((lanes < H) & valid, exrow, 0.0)
                exd_v[e, :] = exrow
                for q in range(D // 16):
                    sc = exrow[(q * 16) // C]
                    grows_v[e, pl.ds(q * 16, 16)] = (
                        grows_v[e, pl.ds(q * 16, 16)] * jnp.full((16,), sc))
                return carry

            lax.fori_loop(0, CH, _erow, 0)

            pltpu.sync_copy(grows_v, accm_sh.at[dsts_v], add=True)
            pltpu.sync_copy(exd_v, accd_sh.at[dsts_v], add=True)
            return carry

        lax.fori_loop(0, NCH, _chunk, 0)
        plsc.subcore_barrier()
        for k in range(5):
            nrows = CH if k < 4 else ROWS_PT - 4 * CH
            pltpu.sync_copy(accm_sh.at[pl.ds(row0 + k * CH, nrows)],
                            grows_v.at[pl.ds(0, nrows)])
            pltpu.sync_copy(grows_v.at[pl.ds(0, nrows)],
                            accm_hbm.at[c, pl.ds(row0 + k * CH, nrows)])
            pltpu.sync_copy(accd_sh.at[pl.ds(row0 + k * CH, nrows)],
                            exd_v.at[pl.ds(0, nrows)])
            pltpu.sync_copy(exd_v.at[pl.ds(0, nrows)],
                            accd_hbm.at[c, pl.ds(row0 + k * CH, nrows)])

    return sc_edge



def kernel(x, edge_index, W1, att_src1, att_dst1, b1, W2, att_src2, att_dst2, b2):
    Ascp = jnp.zeros((D, AW), jnp.float32)
    Adcp = jnp.zeros((D, AW), jnp.float32)
    for h in range(H1):
        Ascp = Ascp.at[h * C1:(h + 1) * C1, h].set(att_src1[h])
        Adcp = Adcp.at[h * C1:(h + 1) * C1, h].set(att_dst1[h])
    Eexp = (jnp.arange(D) // C1 == jnp.arange(H1)[:, None]).astype(jnp.float32)
    MsMd1 = (Ascp[:, :H1] + Adcp[:, :H1]) @ Eexp
    Eexp16 = jnp.pad(Eexp, ((0, AW - H1), (0, 0)))
    Ascp2 = jnp.pad(att_src2.T, ((0, 0), (0, AW - 1)))
    Adcp2 = jnp.pad(att_dst2.T, ((0, 0), (0, AW - 1)))
    MsMd2 = (att_src2 + att_dst2).T @ jnp.ones((1, D), jnp.float32)
    Eexp16_2 = jnp.pad(jnp.ones((1, D), jnp.float32), ((0, AW - 1), (0, 0)))

    pad = E_PAD - E
    src_p = jnp.concatenate([edge_index[0], jnp.zeros((pad,), jnp.int32)])
    dst_p = jnp.concatenate([edge_index[1], jnp.zeros((pad,), jnp.int32)])

    b1r = b1.reshape(1, D)
    b2r = b2.reshape(1, D)

    h1, as1, ad1 = _tc1(x, W1, Ascp, Adcp)
    accm1, accd1 = _make_sc_edge(H1)(src_p, dst_p, as1, ad1, h1)
    h2, as2, ad2 = _tc2(accm1, accd1, h1, MsMd1, Eexp16, W2, Ascp2, Adcp2, b1r)
    accm2, accd2 = _make_sc_edge(1)(src_p, dst_p, as2, ad2, h2)
    return _tc3(accm2, accd2, h2, MsMd2, Eexp16_2, b2r)

# --- scband reference (transcript-rebuilt; emitter-appended) ---
"""Pipeline reference for scband-gat-41832981463079 (READ-ONLY COPY).

The authoritative reference and input builder live on the scoring server;
editing this copy changes nothing except your own understanding.
"""

import jax, jax.numpy as jnp
import numpy as np

N = 10000
E = 320000
D = 128
H1 = 4
C1 = 32
C2 = 128


def setup_inputs(seed: int = 0):
    key = jax.random.key(seed)
    ks = jax.random.split(key, 10)
    x = jax.random.normal(ks[0], (N, D), dtype=jnp.float32)
    edge_index = jax.random.randint(ks[1], (2, E), 0, N, dtype=jnp.int32)
    W1 = jax.random.normal(ks[2], (D, H1 * C1), dtype=jnp.float32) * (1.0 / np.sqrt(D))
    att_src1 = jax.random.normal(ks[3], (H1, C1), dtype=jnp.float32) * 0.1
    att_dst1 = jax.random.normal(ks[4], (H1, C1), dtype=jnp.float32) * 0.1
    b1 = jnp.zeros((H1 * C1,), dtype=jnp.float32)
    W2 = jax.random.normal(ks[5], (H1 * C1, C2), dtype=jnp.float32) * (1.0 / np.sqrt(H1 * C1))
    att_src2 = jax.random.normal(ks[6], (1, C2), dtype=jnp.float32) * 0.1
    att_dst2 = jax.random.normal(ks[7], (1, C2), dtype=jnp.float32) * 0.1
    b2 = jnp.zeros((C2,), dtype=jnp.float32)
    return {"x": x, "edge_index": edge_index, "W1": W1, "att_src1": att_src1,
            "att_dst1": att_dst1, "b1": b1, "W2": W2, "att_src2": att_src2,
            "att_dst2": att_dst2, "b2": b2}


def gat_conv(x, src, dst, W, a_s, a_d, b, heads, out_ch, concat):
    n = x.shape[0]
    h = (x @ W).reshape(n, heads, out_ch)
    alpha_src = (h * a_s[None, :, :]).sum(-1)  # [n, heads]
    alpha_dst = (h * a_d[None, :, :]).sum(-1)  # [n, heads]
    alpha = alpha_src[src] + alpha_dst[dst]    # [e, heads]
    alpha = jax.nn.leaky_relu(alpha, 0.2)
    amax = jax.ops.segment_max(alpha, dst, num_segments=n)
    amax = jax.lax.stop_gradient(amax)
    ex = jnp.exp(alpha - amax[dst])
    denom = jax.ops.segment_sum(ex, dst, num_segments=n)
    att = ex / (denom[dst] + 1e-16)
    msg = h[src] * att[:, :, None]
    out = jax.ops.segment_sum(msg, dst, num_segments=n)
    if concat:
        out = out.reshape(n, heads * out_ch)
    else:
        out = out.mean(axis=1)
    return out + b


def reference(x, edge_index, W1, att_src1, att_dst1, b1, W2, att_src2, att_dst2, b2):
    n = x.shape[0]
    # GATConv default: add self-loops
    loops = jnp.arange(n, dtype=edge_index.dtype)
    src = jnp.concatenate([edge_index[0], loops])
    dst = jnp.concatenate([edge_index[1], loops])
    h1 = jax.nn.elu(gat_conv(x, src, dst, W1, att_src1, att_dst1, b1, H1, C1, True))
    out = gat_conv(h1, src, dst, W2, att_src2, att_dst2, b2, 1, C2, False)
    return out

if __name__ == "__main__":
    import jax
    _d = setup_inputs()
    print(jax.jit(kernel)(*tuple(_d.values())))

</pallas_src>

<mosaic_0001>
#map = affine_map<(d0, d1) -> (0)>
#map1 = affine_map<(d0, d1) -> (0, 0)>
#map2 = affine_map<(d0, d1) -> (0, 0, 0)>
module attributes {stable_mosaic.version = 14 : i64} {
  func.func @sc_edge(%arg0: i32, %arg1: i32, %arg2: memref<323584xi32, #tpu.memory_space<hbm>>, %arg3: memref<323584xi32, #tpu.memory_space<hbm>>, %arg4: memref<10000x16xf32, #tpu.memory_space<hbm>>, %arg5: memref<10000x16xf32, #tpu.memory_space<hbm>>, %arg6: memref<10000x128xf32, #tpu.memory_space<hbm>>, %arg7: memref<2x10112x128xf32, #tpu.memory_space<hbm>>, %arg8: memref<2x10112x16xf32, #tpu.memory_space<hbm>>, %arg9: memref<128xi32, #tpu.memory_space<vmem>>, %arg10: memref<128xi32, #tpu.memory_space<vmem>>, %arg11: memref<128x128xf32, #tpu.memory_space<vmem>>, %arg12: memref<128x16xf32, #tpu.memory_space<vmem>>, %arg13: memref<128x16xf32, #tpu.memory_space<vmem>>, %arg14: memref<128x16xf32, #tpu.memory_space<vmem>>, %arg15: memref<10112x128xf32, #tpu.memory_space<vmem_shared>>, %arg16: memref<10112x16xf32, #tpu.memory_space<vmem_shared>>, %arg17: memref<!tpu.dma_semaphore, #tpu.memory_space<semaphore_mem>>) attributes {dimension_semantics = [#tpu.dimension_semantics<core_parallel>, #tpu.dimension_semantics<subcore_parallel>], iteration_bounds = array<i64: 2, 16>, scalar_prefetch = 0 : i64, scratch_operands = 9 : i64, tpu.core_type = #tpu.core_type<sc_vector_subcore>, window_params = [{transform_indices = #map}, {transform_indices = #map}, {transform_indices = #map1}, {transform_indices = #map1}, {transform_indices = #map1}, {transform_indices = #map2}, {transform_indices = #map2}]} {
    %mul3A = arith.constant 16 : i32
    %mul3A_0 = arith.muli %arg0, %mul3A : i32
    %add3A = arith.addi %mul3A_0, %arg1 : i32
    %mul3A_1 = arith.constant 632 : i32
    %mul3A_2 = arith.muli %arg1, %mul3A_1 : i32
    %broadcast_in_dim3A = arith.constant 0.000000e+00 : f32
    %broadcast_in_dim3A_3 = vector.broadcast %broadcast_in_dim3A : f32 to vector<16xf32>
    %scan3A = arith.constant 0 : i32
    %scan3A_4 = arith.constant 0 : i32
    %scan3A_5 = arith.constant 128 : i32
    %scan3A_6 = arith.addi %scan3A_4, %scan3A_5 : i32
    %scan3A_7 = arith.constant 1 : i32
    scf.for %scan3A_78 = %scan3A_4 to %scan3A_6 step %scan3A_7  : i32 {
      %swap3A = arith.index_cast %scan3A_78 : i32 to index
      %swap3A_79 = arith.constant 0 : index
      %swap3A_80 = tpu.vector_load %arg11[%swap3A, %swap3A_79] {strides = array<i32>} : memref<128x128xf32, #tpu.memory_space<vmem>>, vector<16xf32>,
      tpu.vector_store %arg11[%swap3A, %swap3A_79], %broadcast_in_dim3A_3 {strides = array<i32>} : memref<128x128xf32, #tpu.memory_space<vmem>>, vector<16xf32>,
      %swap3A_81 = arith.index_cast %scan3A_78 : i32 to index
      %swap3A_82 = arith.constant 16 : index
      %swap3A_83 = tpu.vector_load %arg11[%swap3A_81, %swap3A_82] {strides = array<i32>} : memref<128x128xf32, #tpu.memory_space<vmem>>, vector<16xf32>,
      tpu.vector_store %arg11[%swap3A_81, %swap3A_82], %broadcast_in_dim3A_3 {strides = array<i32>} : memref<128x128xf32, #tpu.memory_space<vmem>>, vector<16xf32>,
      %swap3A_84 = arith.index_cast %scan3A_78 : i32 to index
      %swap3A_85 = arith.constant 32 : index
      %swap3A_86 = tpu.vector_load %arg11[%swap3A_84, %swap3A_85] {strides = array<i32>} : memref<128x128xf32, #tpu.memory_space<vmem>>, vector<16xf32>,
      tpu.vector_store %arg11[%swap3A_84, %swap3A_85], %broadcast_in_dim3A_3 {strides = array<i32>} : memref<128x128xf32, #tpu.memory_space<vmem>>, vector<16xf32>,
      %swap3A_87 = arith.index_cast %scan3A_78 : i32 to index
      %swap3A_88 = arith.constant 48 : index
      %swap3A_89 = tpu.vector_load %arg11[%swap3A_87, %swap3A_88] {strides = array<i32>} : memref<128x128xf32, #tpu.memory_space<vmem>>, vector<16xf32>,
      tpu.vector_store %arg11[%swap3A_87, %swap3A_88], %broadcast_in_dim3A_3 {strides = array<i32>} : memref<128x128xf32, #tpu.memory_space<vmem>>, vector<16xf32>,
      %swap3A_90 = arith.index_cast %scan3A_78 : i32 to index
      %swap3A_91 = arith.constant 64 : index
      %swap3A_92 = tpu.vector_load %arg11[%swap3A_90, %swap3A_91] {strides = array<i32>} : memref<128x128xf32, #tpu.memory_space<vmem>>, vector<16xf32>,
      tpu.vector_store %arg11[%swap3A_90, %swap3A_91], %broadcast_in_dim3A_3 {strides = array<i32>} : memref<128x128xf32, #tpu.memory_space<vmem>>, vector<16xf32>,
      %swap3A_93 = arith.index_cast %scan3A_78 : i32 to index
      %swap3A_94 = arith.constant 80 : index
      %swap3A_95 = tpu.vector_load %arg11[%swap3A_93, %swap3A_94] {strides = array<i32>} : memref<128x128xf32, #tpu.memory_space<vmem>>, vector<16xf32>,
      tpu.vector_store %arg11[%swap3A_93, %swap3A_94], %broadcast_in_dim3A_3 {strides = array<i32>} : memref<128x128xf32, #tpu.memory_space<vmem>>, vector<16xf32>,
      %swap3A_96 = arith.index_cast %scan3A_78 : i32 to index
      %swap3A_97 = arith.constant 96 : index
      %swap3A_98 = tpu.vector_load %arg11[%swap3A_96, %swap3A_97] {strides = array<i32>} : memref<128x128xf32, #tpu.memory_space<vmem>>, vector<16xf32>,
      tpu.vector_store %arg11[%swap3A_96, %swap3A_97], %broadcast_in_dim3A_3 {strides = array<i32>} : memref<128x128xf32, #tpu.memory_space<vmem>>, vector<16xf32>,
      %swap3A_99 = arith.index_cast %scan3A_78 : i32 to index
      %swap3A_100 = arith.constant 112 : index
      %swap3A_101 = tpu.vector_load %arg11[%swap3A_99, %swap3A_100] {strides = array<i32>} : memref<128x128xf32, #tpu.memory_space<vmem>>, vector<16xf32>,
      tpu.vector_store %arg11[%swap3A_99, %swap3A_100], %broadcast_in_dim3A_3 {strides = array<i32>} : memref<128x128xf32, #tpu.memory_space<vmem>>, vector<16xf32>,
      %swap3A_102 = arith.index_cast %scan3A_78 : i32 to index
      %swap3A_103 = arith.constant 0 : index
      %swap3A_104 = tpu.vector_load %arg14[%swap3A_102, %swap3A_103] {strides = array<i32>} : memref<128x16xf32, #tpu.memory_space<vmem>>, vector<16xf32>,
      tpu.vector_store %arg14[%swap3A_102, %swap3A_103], %broadcast_in_dim3A_3 {strides = array<i32>} : memref<128x16xf32, #tpu.memory_space<vmem>>, vector<16xf32>,
    }
    %scan3A_8 = arith.constant 128 : i32
    %add3A_9 = arith.constant 0 : i32
    %add3A_10 = arith.addi %mul3A_2, %add3A_9 : i32
    "tpu.region"() ({
      %run_scoped3A = tpu.sem_alloc : memref<!tpu.dma_semaphore, #tpu.memory_space<semaphore_mem>>
      %dma_start3A = arith.constant 0 : i32
      %dma_start3A_78 = arith.constant 0 : i32
      %dma_start3A_79 = tpu.memref_slice %arg11[%dma_start3A, %dma_start3A_78] : memref<128x128xf32, #tpu.memory_space<vmem>> -> memref<128x128xf32, #tpu.memory_space<vmem>>
      %dma_start3A_80 = arith.constant 0 : i32
      %dma_start3A_81 = tpu.memref_slice %arg15[%add3A_10, %dma_start3A_80] : memref<10112x128xf32, #tpu.memory_space<vmem_shared>> -> memref<128x128xf32, #tpu.memory_space<vmem_shared>>
      %dma_start3A_82 = arith.constant 0 : i32
      %dma_start3A_83 = tpu.memref_slice %arg15[%add3A_10, %dma_start3A_82] : memref<10112x128xf32, #tpu.memory_space<vmem_shared>> -> memref<128x128xf32, #tpu.memory_space<vmem_shared>>
      %dma_start3A_84 = arith.constant 0 : i32
      %dma_start3A_85 = arith.constant 0 : i32
      %dma_start3A_86 = tpu.memref_slice %arg11[%dma_start3A_84, %dma_start3A_85] : memref<128x128xf32, #tpu.memory_space<vmem>> -> memref<128x128xf32, #tpu.memory_space<vmem>>
      tpu.enqueue_dma source(%dma_start3A_86 : memref<128x128xf32, #tpu.memory_space<vmem>>) target(%dma_start3A_83 : memref<128x128xf32, #tpu.memory_space<vmem_shared>>) target_semaphore(%run_scoped3A : memref<!tpu.dma_semaphore, #tpu.memory_space<semaphore_mem>>)
      %dma_wait3A = arith.constant 0 : i32
      %dma_wait3A_87 = arith.constant 0 : i32
      %dma_wait3A_88 = tpu.memref_slice %arg11[%dma_wait3A, %dma_wait3A_87] : memref<128x128xf32, #tpu.memory_space<vmem>> -> memref<128x128xf32, #tpu.memory_space<vmem>>
      %dma_wait3A_89 = arith.constant 0 : i32
      %dma_wait3A_90 = tpu.memref_slice %arg15[%add3A_10, %dma_wait3A_89] : memref<10112x128xf32, #tpu.memory_space<vmem_shared>> -> memref<128x128xf32, #tpu.memory_space<vmem_shared>>
      %dma_wait3A_91 = arith.constant 0 : i32
      %dma_wait3A_92 = tpu.memref_slice %arg15[%add3A_10, %dma_wait3A_91] : memref<10112x128xf32, #tpu.memory_space<vmem_shared>> -> memref<128x128xf32, #tpu.memory_space<vmem_shared>>
      %dma_wait3A_93 = arith.constant 0 : i32
      %dma_wait3A_94 = arith.constant 0 : i32
      %dma_wait3A_95 = tpu.memref_slice %arg11[%dma_wait3A_93, %dma_wait3A_94] : memref<128x128xf32, #tpu.memory_space<vmem>> -> memref<128x128xf32, #tpu.memory_space<vmem>>
      tpu.wait_dma2 semaphore(%run_scoped3A : memref<!tpu.dma_semaphore, #tpu.memory_space<semaphore_mem>>) src(%dma_wait3A_95 : memref<128x128xf32, #tpu.memory_space<vmem>>) dst(%dma_wait3A_92 : memref<128x128xf32, #tpu.memory_space<vmem_shared>>)
      tpu.yield
    }) : () -> ()
    %add3A_11 = arith.constant 0 : i32
    %add3A_12 = arith.addi %mul3A_2, %add3A_11 : i32
    "tpu.region"() ({
      %run_scoped3A = tpu.sem_alloc : memref<!tpu.dma_semaphore, #tpu.memory_space<semaphore_mem>>
      %dma_start3A = arith.constant 0 : i32
      %dma_start3A_78 = arith.constant 0 : i32
      %dma_start3A_79 = tpu.memref_slice %arg14[%dma_start3A, %dma_start3A_78] : memref<128x16xf32, #tpu.memory_space<vmem>> -> memref<128x16xf32, #tpu.memory_space<vmem>>
      %dma_start3A_80 = arith.constant 0 : i32
      %dma_start3A_81 = tpu.memref_slice %arg16[%add3A_12, %dma_start3A_80] : memref<10112x16xf32, #tpu.memory_space<vmem_shared>> -> memref<128x16xf32, #tpu.memory_space<vmem_shared>>
      %dma_start3A_82 = arith.constant 0 : i32
      %dma_start3A_83 = tpu.memref_slice %arg16[%add3A_12, %dma_start3A_82] : memref<10112x16xf32, #tpu.memory_space<vmem_shared>> -> memref<128x16xf32, #tpu.memory_space<vmem_shared>>
      %dma_start3A_84 = arith.constant 0 : i32
      %dma_start3A_85 = arith.constant 0 : i32
      %dma_start3A_86 = tpu.memref_slice %arg14[%dma_start3A_84, %dma_start3A_85] : memref<128x16xf32, #tpu.memory_space<vmem>> -> memref<128x16xf32, #tpu.memory_space<vmem>>
      tpu.enqueue_dma source(%dma_start3A_86 : memref<128x16xf32, #tpu.memory_space<vmem>>) target(%dma_start3A_83 : memref<128x16xf32, #tpu.memory_space<vmem_shared>>) target_semaphore(%run_scoped3A : memref<!tpu.dma_semaphore, #tpu.memory_space<semaphore_mem>>)
      %dma_wait3A = arith.constant 0 : i32
      %dma_wait3A_87 = arith.constant 0 : i32
      %dma_wait3A_88 = tpu.memref_slice %arg14[%dma_wait3A, %dma_wait3A_87] : memref<128x16xf32, #tpu.memory_space<vmem>> -> memref<128x16xf32, #tpu.memory_space<vmem>>
      %dma_wait3A_89 = arith.constant 0 : i32
      %dma_wait3A_90 = tpu.memref_slice %arg16[%add3A_12, %dma_wait3A_89] : memref<10112x16xf32, #tpu.memory_space<vmem_shared>> -> memref<128x16xf32, #tpu.memory_space<vmem_shared>>
      %dma_wait3A_91 = arith.constant 0 : i32
      %dma_wait3A_92 = tpu.memref_slice %arg16[%add3A_12, %dma_wait3A_91] : memref<10112x16xf32, #tpu.memory_space<vmem_shared>> -> memref<128x16xf32, #tpu.memory_space<vmem_shared>>
      %dma_wait3A_93 = arith.constant 0 : i32
      %dma_wait3A_94 = arith.constant 0 : i32
      %dma_wait3A_95 = tpu.memref_slice %arg14[%dma_wait3A_93, %dma_wait3A_94] : memref<128x16xf32, #tpu.memory_space<vmem>> -> memref<128x16xf32, #tpu.memory_space<vmem>>
      tpu.wait_dma2 semaphore(%run_scoped3A : memref<!tpu.dma_semaphore, #tpu.memory_space<semaphore_mem>>) src(%dma_wait3A_95 : memref<128x16xf32, #tpu.memory_space<vmem>>) dst(%dma_wait3A_92 : memref<128x16xf32, #tpu.memory_space<vmem_shared>>)
      tpu.yield
    }) : () -> ()
    %add3A_13 = arith.constant 128 : i32
    %add3A_14 = arith.addi %mul3A_2, %add3A_13 : i32
    "tpu.region"() ({
      %run_scoped3A = tpu.sem_alloc : memref<!tpu.dma_semaphore, #tpu.memory_space<semaphore_mem>>
      %dma_start3A = arith.constant 0 : i32
      %dma_start3A_78 = arith.constant 0 : i32
      %dma_start3A_79 = tpu.memref_slice %arg11[%dma_start3A, %dma_start3A_78] : memref<128x128xf32, #tpu.memory_space<vmem>> -> memref<128x128xf32, #tpu.memory_space<vmem>>
      %dma_start3A_80 = arith.constant 0 : i32
      %dma_start3A_81 = tpu.memref_slice %arg15[%add3A_14, %dma_start3A_80] : memref<10112x128xf32, #tpu.memory_space<vmem_shared>> -> memref<128x128xf32, #tpu.memory_space<vmem_shared>>
      %dma_start3A_82 = arith.constant 0 : i32
      %dma_start3A_83 = tpu.memref_slice %arg15[%add3A_14, %dma_start3A_82] : memref<10112x128xf32, #tpu.memory_space<vmem_shared>> -> memref<128x128xf32, #tpu.memory_space<vmem_shared>>
      %dma_start3A_84 = arith.constant 0 : i32
      %dma_start3A_85 = arith.constant 0 : i32
      %dma_start3A_86 = tpu.memref_slice %arg11[%dma_start3A_84, %dma_start3A_85] : memref<128x128xf32, #tpu.memory_space<vmem>> -> memref<128x128xf32, #tpu.memory_space<vmem>>
      tpu.enqueue_dma source(%dma_start3A_86 : memref<128x128xf32, #tpu.memory_space<vmem>>) target(%dma_start3A_83 : memref<128x128xf32, #tpu.memory_space<vmem_shared>>) target_semaphore(%run_scoped3A : memref<!tpu.dma_semaphore, #tpu.memory_space<semaphore_mem>>)
      %dma_wait3A = arith.constant 0 : i32
      %dma_wait3A_87 = arith.constant 0 : i32
      %dma_wait3A_88 = tpu.memref_slice %arg11[%dma_wait3A, %dma_wait3A_87] : memref<128x128xf32, #tpu.memory_space<vmem>> -> memref<128x128xf32, #tpu.memory_space<vmem>>
      %dma_wait3A_89 = arith.constant 0 : i32
      %dma_wait3A_90 = tpu.memref_slice %arg15[%add3A_14, %dma_wait3A_89] : memref<10112x128xf32, #tpu.memory_space<vmem_shared>> -> memref<128x128xf32, #tpu.memory_space<vmem_shared>>
      %dma_wait3A_91 = arith.constant 0 : i32
      %dma_wait3A_92 = tpu.memref_slice %arg15[%add3A_14, %dma_wait3A_91] : memref<10112x128xf32, #tpu.memory_space<vmem_shared>> -> memref<128x128xf32, #tpu.memory_space<vmem_shared>>
      %dma_wait3A_93 = arith.constant 0 : i32
      %dma_wait3A_94 = arith.constant 0 : i32
      %dma_wait3A_95 = tpu.memref_slice %arg11[%dma_wait3A_93, %dma_wait3A_94] : memref<128x128xf32, #tpu.memory_space<vmem>> -> memref<128x128xf32, #tpu.memory_space<vmem>>
      tpu.wait_dma2 semaphore(%run_scoped3A : memref<!tpu.dma_semaphore, #tpu.memory_space<semaphore_mem>>) src(%dma_wait3A_95 : memref<128x128xf32, #tpu.memory_space<vmem>>) dst(%dma_wait3A_92 : memref<128x128xf32, #tpu.memory_space<vmem_shared>>)
      tpu.yield
    }) : () -> ()
    %add3A_15 = arith.constant 128 : i32
    %add3A_16 = arith.addi %mul3A_2, %add3A_15 : i32
    "tpu.region"() ({
      %run_scoped3A = tpu.sem_alloc : memref<!tpu.dma_semaphore, #tpu.memory_space<semaphore_mem>>
      %dma_start3A = arith.constant 0 : i32
      %dma_start3A_78 = arith.constant 0 : i32
      %dma_start3A_79 = tpu.memref_slice %arg14[%dma_start3A, %dma_start3A_78] : memref<128x16xf32, #tpu.memory_space<vmem>> -> memref<128x16xf32, #tpu.memory_space<vmem>>
      %dma_start3A_80 = arith.constant 0 : i32
      %dma_start3A_81 = tpu.memref_slice %arg16[%add3A_16, %dma_start3A_80] : memref<10112x16xf32, #tpu.memory_space<vmem_shared>> -> memref<128x16xf32, #tpu.memory_space<vmem_shared>>
      %dma_start3A_82 = arith.constant 0 : i32
      %dma_start3A_83 = tpu.memref_slice %arg16[%add3A_16, %dma_start3A_82] : memref<10112x16xf32, #tpu.memory_space<vmem_shared>> -> memref<128x16xf32, #tpu.memory_space<vmem_shared>>
      %dma_start3A_84 = arith.constant 0 : i32
      %dma_start3A_85 = arith.constant 0 : i32
      %dma_start3A_86 = tpu.memref_slice %arg14[%dma_start3A_84, %dma_start3A_85] : memref<128x16xf32, #tpu.memory_space<vmem>> -> memref<128x16xf32, #tpu.memory_space<vmem>>
      tpu.enqueue_dma source(%dma_start3A_86 : memref<128x16xf32, #tpu.memory_space<vmem>>) target(%dma_start3A_83 : memref<128x16xf32, #tpu.memory_space<vmem_shared>>) target_semaphore(%run_scoped3A : memref<!tpu.dma_semaphore, #tpu.memory_space<semaphore_mem>>)
      %dma_wait3A = arith.constant 0 : i32
      %dma_wait3A_87 = arith.constant 0 : i32
      %dma_wait3A_88 = tpu.memref_slice %arg14[%dma_wait3A, %dma_wait3A_87] : memref<128x16xf32, #tpu.memory_space<vmem>> -> memref<128x16xf32, #tpu.memory_space<vmem>>
      %dma_wait3A_89 = arith.constant 0 : i32
      %dma_wait3A_90 = tpu.memref_slice %arg16[%add3A_16, %dma_wait3A_89] : memref<10112x16xf32, #tpu.memory_space<vmem_shared>> -> memref<128x16xf32, #tpu.memory_space<vmem_shared>>
      %dma_wait3A_91 = arith.constant 0 : i32
      %dma_wait3A_92 = tpu.memref_slice %arg16[%add3A_16, %dma_wait3A_91] : memref<10112x16xf32, #tpu.memory_space<vmem_shared>> -> memref<128x16xf32, #tpu.memory_space<vmem_shared>>
      %dma_wait3A_93 = arith.constant 0 : i32
      %dma_wait3A_94 = arith.constant 0 : i32
      %dma_wait3A_95 = tpu.memref_slice %arg14[%dma_wait3A_93, %dma_wait3A_94] : memref<128x16xf32, #tpu.memory_space<vmem>> -> memref<128x16xf32, #tpu.memory_space<vmem>>
      tpu.wait_dma2 semaphore(%run_scoped3A : memref<!tpu.dma_semaphore, #tpu.memory_space<semaphore_mem>>) src(%dma_wait3A_95 : memref<128x16xf32, #tpu.memory_space<vmem>>) dst(%dma_wait3A_92 : memref<128x16xf32, #tpu.memory_space<vmem_shared>>)
      tpu.yield
    }) : () -> ()
    %add3A_17 = arith.constant 256 : i32
    %add3A_18 = arith.addi %mul3A_2, %add3A_17 : i32
    "tpu.region"() ({
      %run_scoped3A = tpu.sem_alloc : memref<!tpu.dma_semaphore, #tpu.memory_space<semaphore_mem>>
      %dma_start3A = arith.constant 0 : i32
      %dma_start3A_78 = arith.constant 0 : i32
      %dma_start3A_79 = tpu.memref_slice %arg11[%dma_start3A, %dma_start3A_78] : memref<128x128xf32, #tpu.memory_space<vmem>> -> memref<128x128xf32, #tpu.memory_space<vmem>>
      %dma_start3A_80 = arith.constant 0 : i32
      %dma_start3A_81 = tpu.memref_slice %arg15[%add3A_18, %dma_start3A_80] : memref<10112x128xf32, #tpu.memory_space<vmem_shared>> -> memref<128x128xf32, #tpu.memory_space<vmem_shared>>
      %dma_start3A_82 = arith.constant 0 : i32
      %dma_start3A_83 = tpu.memref_slice %arg15[%add3A_18, %dma_start3A_82] : memref<10112x128xf32, #tpu.memory_space<vmem_shared>> -> memref<128x128xf32, #tpu.memory_space<vmem_shared>>
      %dma_start3A_84 = arith.constant 0 : i32
      %dma_start3A_85 = arith.constant 0 : i32
      %dma_start3A_86 = tpu.memref_slice %arg11[%dma_start3A_84, %dma_start3A_85] : memref<128x128xf32, #tpu.memory_space<vmem>> -> memref<128x128xf32, #tpu.memory_space<vmem>>
      tpu.enqueue_dma source(%dma_start3A_86 : memref<128x128xf32, #tpu.memory_space<vmem>>) target(%dma_start3A_83 : memref<128x128xf32, #tpu.memory_space<vmem_shared>>) target_semaphore(%run_scoped3A : memref<!tpu.dma_semaphore, #tpu.memory_space<semaphore_mem>>)
      %dma_wait3A = arith.constant 0 : i32
      %dma_wait3A_87 = arith.constant 0 : i32
      %dma_wait3A_88 = tpu.memref_slice %arg11[%dma_wait3A, %dma_wait3A_87] : memref<128x128xf32, #tpu.memory_space<vmem>> -> memref<128x128xf32, #tpu.memory_space<vmem>>
      %dma_wait3A_89 = arith.constant 0 : i32
      %dma_wait3A_90 = tpu.memref_slice %arg15[%add3A_18, %dma_wait3A_89] : memref<10112x128xf32, #tpu.memory_space<vmem_shared>> -> memref<128x128xf32, #tpu.memory_space<vmem_shared>>
      %dma_wait3A_91 = arith.constant 0 : i32
      %dma_wait3A_92 = tpu.memref_slice %arg15[%add3A_18, %dma_wait3A_91] : memref<10112x128xf32, #tpu.memory_space<vmem_shared>> -> memref<128x128xf32, #tpu.memory_space<vmem_shared>>
      %dma_wait3A_93 = arith.constant 0 : i32
      %dma_wait3A_94 = arith.constant 0 : i32
      %dma_wait3A_95 = tpu.memref_slice %arg11[%dma_wait3A_93, %dma_wait3A_94] : memref<128x128xf32, #tpu.memory_space<vmem>> -> memref<128x128xf32, #tpu.memory_space<vmem>>
      tpu.wait_dma2 semaphore(%run_scoped3A : memref<!tpu.dma_semaphore, #tpu.memory_space<semaphore_mem>>) src(%dma_wait3A_95 : memref<128x128xf32, #tpu.memory_space<vmem>>) dst(%dma_wait3A_92 : memref<128x128xf32, #tpu.memory_space<vmem_shared>>)
      tpu.yield
    }) : () -> ()
    %add3A_19 = arith.constant 256 : i32
    %add3A_20 = arith.addi %mul3A_2, %add3A_19 : i32
    "tpu.region"() ({
      %run_scoped3A = tpu.sem_alloc : memref<!tpu.dma_semaphore, #tpu.memory_space<semaphore_mem>>
      %dma_start3A = arith.constant 0 : i32
      %dma_start3A_78 = arith.constant 0 : i32
      %dma_start3A_79 = tpu.memref_slice %arg14[%dma_start3A, %dma_start3A_78] : memref<128x16xf32, #tpu.memory_space<vmem>> -> memref<128x16xf32, #tpu.memory_space<vmem>>
      %dma_start3A_80 = arith.constant 0 : i32
      %dma_start3A_81 = tpu.memref_slice %arg16[%add3A_20, %dma_start3A_80] : memref<10112x16xf32, #tpu.memory_space<vmem_shared>> -> memref<128x16xf32, #tpu.memory_space<vmem_shared>>
      %dma_start3A_82 = arith.constant 0 : i32
      %dma_start3A_83 = tpu.memref_slice %arg16[%add3A_20, %dma_start3A_82] : memref<10112x16xf32, #tpu.memory_space<vmem_shared>> -> memref<128x16xf32, #tpu.memory_space<vmem_shared>>
      %dma_start3A_84 = arith.constant 0 : i32
      %dma_start3A_85 = arith.constant 0 : i32
      %dma_start3A_86 = tpu.memref_slice %arg14[%dma_start3A_84, %dma_start3A_85] : memref<128x16xf32, #tpu.memory_space<vmem>> -> memref<128x16xf32, #tpu.memory_space<vmem>>
      tpu.enqueue_dma source(%dma_start3A_86 : memref<128x16xf32, #tpu.memory_space<vmem>>) target(%dma_start3A_83 : memref<128x16xf32, #tpu.memory_space<vmem_shared>>) target_semaphore(%run_scoped3A : memref<!tpu.dma_semaphore, #tpu.memory_space<semaphore_mem>>)
      %dma_wait3A = arith.constant 0 : i32
      %dma_wait3A_87 = arith.constant 0 : i32
      %dma_wait3A_88 = tpu.memref_slice %arg14[%dma_wait3A, %dma_wait3A_87] : memref<128x16xf32, #tpu.memory_space<vmem>> -> memref<128x16xf32, #tpu.memory_space<vmem>>
      %dma_wait3A_89 = arith.constant 0 : i32
      %dma_wait3A_90 = tpu.memref_slice %arg16[%add3A_20, %dma_wait3A_89] : memref<10112x16xf32, #tpu.memory_space<vmem_shared>> -> memref<128x16xf32, #tpu.memory_space<vmem_shared>>
      %dma_wait3A_91 = arith.constant 0 : i32
      %dma_wait3A_92 = tpu.memref_slice %arg16[%add3A_20, %dma_wait3A_91] : memref<10112x16xf32, #tpu.memory_space<vmem_shared>> -> memref<128x16xf32, #tpu.memory_space<vmem_shared>>
      %dma_wait3A_93 = arith.constant 0 : i32
      %dma_wait3A_94 = arith.constant 0 : i32
      %dma_wait3A_95 = tpu.memref_slice %arg14[%dma_wait3A_93, %dma_wait3A_94] : memref<128x16xf32, #tpu.memory_space<vmem>> -> memref<128x16xf32, #tpu.memory_space<vmem>>
      tpu.wait_dma2 semaphore(%run_scoped3A : memref<!tpu.dma_semaphore, #tpu.memory_space<semaphore_mem>>) src(%dma_wait3A_95 : memref<128x16xf32, #tpu.memory_space<vmem>>) dst(%dma_wait3A_92 : memref<128x16xf32, #tpu.memory_space<vmem_shared>>)
      tpu.yield
    }) : () -> ()
    %add3A_21 = arith.constant 384 : i32
    %add3A_22 = arith.addi %mul3A_2, %add3A_21 : i32
    "tpu.region"() ({
      %run_scoped3A = tpu.sem_alloc : memref<!tpu.dma_semaphore, #tpu.memory_space<semaphore_mem>>
      %dma_start3A = arith.constant 0 : i32
      %dma_start3A_78 = arith.constant 0 : i32
      %dma_start3A_79 = tpu.memref_slice %arg11[%dma_start3A, %dma_start3A_78] : memref<128x128xf32, #tpu.memory_space<vmem>> -> memref<128x128xf32, #tpu.memory_space<vmem>>
      %dma_start3A_80 = arith.constant 0 : i32
      %dma_start3A_81 = tpu.memref_slice %arg15[%add3A_22, %dma_start3A_80] : memref<10112x128xf32, #tpu.memory_space<vmem_shared>> -> memref<128x128xf32, #tpu.memory_space<vmem_shared>>
      %dma_start3A_82 = arith.constant 0 : i32
      %dma_start3A_83 = tpu.memref_slice %arg15[%add3A_22, %dma_start3A_82] : memref<10112x128xf32, #tpu.memory_space<vmem_shared>> -> memref<128x128xf32, #tpu.memory_space<vmem_shared>>
      %dma_start3A_84 = arith.constant 0 : i32
      %dma_start3A_85 = arith.constant 0 : i32
      %dma_start3A_86 = tpu.memref_slice %arg11[%dma_start3A_84, %dma_start3A_85] : memref<128x128xf32, #tpu.memory_space<vmem>> -> memref<128x128xf32, #tpu.memory_space<vmem>>
      tpu.enqueue_dma source(%dma_start3A_86 : memref<128x128xf32, #tpu.memory_space<vmem>>) target(%dma_start3A_83 : memref<128x128xf32, #tpu.memory_space<vmem_shared>>) target_semaphore(%run_scoped3A : memref<!tpu.dma_semaphore, #tpu.memory_space<semaphore_mem>>)
      %dma_wait3A = arith.constant 0 : i32
      %dma_wait3A_87 = arith.constant 0 : i32
      %dma_wait3A_88 = tpu.memref_slice %arg11[%dma_wait3A, %dma_wait3A_87] : memref<128x128xf32, #tpu.memory_space<vmem>> -> memref<128x128xf32, #tpu.memory_space<vmem>>
      %dma_wait3A_89 = arith.constant 0 : i32
      %dma_wait3A_90 = tpu.memref_slice %arg15[%add3A_22, %dma_wait3A_89] : memref<10112x128xf32, #tpu.memory_space<vmem_shared>> -> memref<128x128xf32, #tpu.memory_space<vmem_shared>>
      %dma_wait3A_91 = arith.constant 0 : i32
      %dma_wait3A_92 = tpu.memref_slice %arg15[%add3A_22, %dma_wait3A_91] : memref<10112x128xf32, #tpu.memory_space<vmem_shared>> -> memref<128x128xf32, #tpu.memory_space<vmem_shared>>
      %dma_wait3A_93 = arith.constant 0 : i32
      %dma_wait3A_94 = arith.constant 0 : i32
      %dma_wait3A_95 = tpu.memref_slice %arg11[%dma_wait3A_93, %dma_wait3A_94] : memref<128x128xf32, #tpu.memory_space<vmem>> -> memref<128x128xf32, #tpu.memory_space<vmem>>
      tpu.wait_dma2 semaphore(%run_scoped3A : memref<!tpu.dma_semaphore, #tpu.memory_space<semaphore_mem>>) src(%dma_wait3A_95 : memref<128x128xf32, #tpu.memory_space<vmem>>) dst(%dma_wait3A_92 : memref<128x128xf32, #tpu.memory_space<vmem_shared>>)
      tpu.yield
    }) : () -> ()
    %add3A_23 = arith.constant 384 : i32
    %add3A_24 = arith.addi %mul3A_2, %add3A_23 : i32
    "tpu.region"() ({
      %run_scoped3A = tpu.sem_alloc : memref<!tpu.dma_semaphore, #tpu.memory_space<semaphore_mem>>
      %dma_start3A = arith.constant 0 : i32
      %dma_start3A_78 = arith.constant 0 : i32
      %dma_start3A_79 = tpu.memref_slice %arg14[%dma_start3A, %dma_start3A_78] : memref<128x16xf32, #tpu.memory_space<vmem>> -> memref<128x16xf32, #tpu.memory_space<vmem>>
      %dma_start3A_80 = arith.constant 0 : i32
      %dma_start3A_81 = tpu.memref_slice %arg16[%add3A_24, %dma_start3A_80] : memref<10112x16xf32, #tpu.memory_space<vmem_shared>> -> memref<128x16xf32, #tpu.memory_space<vmem_shared>>
      %dma_start3A_82 = arith.constant 0 : i32
      %dma_start3A_83 = tpu.memref_slice %arg16[%add3A_24, %dma_start3A_82] : memref<10112x16xf32, #tpu.memory_space<vmem_shared>> -> memref<128x16xf32, #tpu.memory_space<vmem_shared>>
      %dma_start3A_84 = arith.constant 0 : i32
      %dma_start3A_85 = arith.constant 0 : i32
      %dma_start3A_86 = tpu.memref_slice %arg14[%dma_start3A_84, %dma_start3A_85] : memref<128x16xf32, #tpu.memory_space<vmem>> -> memref<128x16xf32, #tpu.memory_space<vmem>>
      tpu.enqueue_dma source(%dma_start3A_86 : memref<128x16xf32, #tpu.memory_space<vmem>>) target(%dma_start3A_83 : memref<128x16xf32, #tpu.memory_space<vmem_shared>>) target_semaphore(%run_scoped3A : memref<!tpu.dma_semaphore, #tpu.memory_space<semaphore_mem>>)
      %dma_wait3A = arith.constant 0 : i32
      %dma_wait3A_87 = arith.constant 0 : i32
      %dma_wait3A_88 = tpu.memref_slice %arg14[%dma_wait3A, %dma_wait3A_87] : memref<128x16xf32, #tpu.memory_space<vmem>> -> memref<128x16xf32, #tpu.memory_space<vmem>>
      %dma_wait3A_89 = arith.constant 0 : i32
      %dma_wait3A_90 = tpu.memref_slice %arg16[%add3A_24, %dma_wait3A_89] : memref<10112x16xf32, #tpu.memory_space<vmem_shared>> -> memref<128x16xf32, #tpu.memory_space<vmem_shared>>
      %dma_wait3A_91 = arith.constant 0 : i32
      %dma_wait3A_92 = tpu.memref_slice %arg16[%add3A_24, %dma_wait3A_91] : memref<10112x16xf32, #tpu.memory_space<vmem_shared>> -> memref<128x16xf32, #tpu.memory_space<vmem_shared>>
      %dma_wait3A_93 = arith.constant 0 : i32
      %dma_wait3A_94 = arith.constant 0 : i32
      %dma_wait3A_95 = tpu.memref_slice %arg14[%dma_wait3A_93, %dma_wait3A_94] : memref<128x16xf32, #tpu.memory_space<vmem>> -> memref<128x16xf32, #tpu.memory_space<vmem>>
      tpu.wait_dma2 semaphore(%run_scoped3A : memref<!tpu.dma_semaphore, #tpu.memory_space<semaphore_mem>>) src(%dma_wait3A_95 : memref<128x16xf32, #tpu.memory_space<vmem>>) dst(%dma_wait3A_92 : memref<128x16xf32, #tpu.memory_space<vmem_shared>>)
      tpu.yield
    }) : () -> ()
    %add3A_25 = arith.constant 512 : i32
    %add3A_26 = arith.addi %mul3A_2, %add3A_25 : i32
    "tpu.region"() ({
      %run_scoped3A = tpu.sem_alloc : memref<!tpu.dma_semaphore, #tpu.memory_space<semaphore_mem>>
      %dma_start3A = arith.constant 0 : i32
      %dma_start3A_78 = arith.constant 0 : i32
      %dma_start3A_79 = tpu.memref_slice %arg11[%dma_start3A, %dma_start3A_78] : memref<128x128xf32, #tpu.memory_space<vmem>> -> memref<120x128xf32, #tpu.memory_space<vmem>>
      %dma_start3A_80 = arith.constant 0 : i32
      %dma_start3A_81 = tpu.memref_slice %arg15[%add3A_26, %dma_start3A_80] : memref<10112x128xf32, #tpu.memory_space<vmem_shared>> -> memref<120x128xf32, #tpu.memory_space<vmem_shared>>
      %dma_start3A_82 = arith.constant 0 : i32
      %dma_start3A_83 = tpu.memref_slice %arg15[%add3A_26, %dma_start3A_82] : memref<10112x128xf32, #tpu.memory_space<vmem_shared>> -> memref<120x128xf32, #tpu.memory_space<vmem_shared>>
      %dma_start3A_84 = arith.constant 0 : i32
      %dma_start3A_85 = arith.constant 0 : i32
      %dma_start3A_86 = tpu.memref_slice %arg11[%dma_start3A_84, %dma_start3A_85] : memref<128x128xf32, #tpu.memory_space<vmem>> -> memref<120x128xf32, #tpu.memory_space<vmem>>
      tpu.enqueue_dma source(%dma_start3A_86 : memref<120x128xf32, #tpu.memory_space<vmem>>) target(%dma_start3A_83 : memref<120x128xf32, #tpu.memory_space<vmem_shared>>) target_semaphore(%run_scoped3A : memref<!tpu.dma_semaphore, #tpu.memory_space<semaphore_mem>>)
      %dma_wait3A = arith.constant 0 : i32
      %dma_wait3A_87 = arith.constant 0 : i32
      %dma_wait3A_88 = tpu.memref_slice %arg11[%dma_wait3A, %dma_wait3A_87] : memref<128x128xf32, #tpu.memory_space<vmem>> -> memref<120x128xf32, #tpu.memory_space<vmem>>
      %dma_wait3A_89 = arith.constant 0 : i32
      %dma_wait3A_90 = tpu.memref_slice %arg15[%add3A_26, %dma_wait3A_89] : memref<10112x128xf32, #tpu.memory_space<vmem_shared>> -> memref<120x128xf32, #tpu.memory_space<vmem_shared>>
      %dma_wait3A_91 = arith.constant 0 : i32
      %dma_wait3A_92 = tpu.memref_slice %arg15[%add3A_26, %dma_wait3A_91] : memref<10112x128xf32, #tpu.memory_space<vmem_shared>> -> memref<120x128xf32, #tpu.memory_space<vmem_shared>>
      %dma_wait3A_93 = arith.constant 0 : i32
      %dma_wait3A_94 = arith.constant 0 : i32
      %dma_wait3A_95 = tpu.memref_slice %arg11[%dma_wait3A_93, %dma_wait3A_94] : memref<128x128xf32, #tpu.memory_space<vmem>> -> memref<120x128xf32, #tpu.memory_space<vmem>>
      tpu.wait_dma2 semaphore(%run_scoped3A : memref<!tpu.dma_semaphore, #tpu.memory_space<semaphore_mem>>) src(%dma_wait3A_95 : memref<120x128xf32, #tpu.memory_space<vmem>>) dst(%dma_wait3A_92 : memref<120x128xf32, #tpu.memory_space<vmem_shared>>)
      tpu.yield
    }) : () -> ()
    %add3A_27 = arith.constant 512 : i32
    %add3A_28 = arith.addi %mul3A_2, %add3A_27 : i32
    "tpu.region"() ({
      %run_scoped3A = tpu.sem_alloc : memref<!tpu.dma_semaphore, #tpu.memory_space<semaphore_mem>>
      %dma_start3A = arith.constant 0 : i32
      %dma_start3A_78 = arith.constant 0 : i32
      %dma_start3A_79 = tpu.memref_slice %arg14[%dma_start3A, %dma_start3A_78] : memref<128x16xf32, #tpu.memory_space<vmem>> -> memref<120x16xf32, #tpu.memory_space<vmem>>
      %dma_start3A_80 = arith.constant 0 : i32
      %dma_start3A_81 = tpu.memref_slice %arg16[%add3A_28, %dma_start3A_80] : memref<10112x16xf32, #tpu.memory_space<vmem_shared>> -> memref<120x16xf32, #tpu.memory_space<vmem_shared>>
      %dma_start3A_82 = arith.constant 0 : i32
      %dma_start3A_83 = tpu.memref_slice %arg16[%add3A_28, %dma_start3A_82] : memref<10112x16xf32, #tpu.memory_space<vmem_shared>> -> memref<120x16xf32, #tpu.memory_space<vmem_shared>>
      %dma_start3A_84 = arith.constant 0 : i32
      %dma_start3A_85 = arith.constant 0 : i32
      %dma_start3A_86 = tpu.memref_slice %arg14[%dma_start3A_84, %dma_start3A_85] : memref<128x16xf32, #tpu.memory_space<vmem>> -> memref<120x16xf32, #tpu.memory_space<vmem>>
      tpu.enqueue_dma source(%dma_start3A_86 : memref<120x16xf32, #tpu.memory_space<vmem>>) target(%dma_start3A_83 : memref<120x16xf32, #tpu.memory_space<vmem_shared>>) target_semaphore(%run_scoped3A : memref<!tpu.dma_semaphore, #tpu.memory_space<semaphore_mem>>)
      %dma_wait3A = arith.constant 0 : i32
      %dma_wait3A_87 = arith.constant 0 : i32
      %dma_wait3A_88 = tpu.memref_slice %arg14[%dma_wait3A, %dma_wait3A_87] : memref<128x16xf32, #tpu.memory_space<vmem>> -> memref<120x16xf32, #tpu.memory_space<vmem>>
      %dma_wait3A_89 = arith.constant 0 : i32
      %dma_wait3A_90 = tpu.memref_slice %arg16[%add3A_28, %dma_wait3A_89] : memref<10112x16xf32, #tpu.memory_space<vmem_shared>> -> memref<120x16xf32, #tpu.memory_space<vmem_shared>>
      %dma_wait3A_91 = arith.constant 0 : i32
      %dma_wait3A_92 = tpu.memref_slice %arg16[%add3A_28, %dma_wait3A_91] : memref<10112x16xf32, #tpu.memory_space<vmem_shared>> -> memref<120x16xf32, #tpu.memory_space<vmem_shared>>
      %dma_wait3A_93 = arith.constant 0 : i32
      %dma_wait3A_94 = arith.constant 0 : i32
      %dma_wait3A_95 = tpu.memref_slice %arg14[%dma_wait3A_93, %dma_wait3A_94] : memref<128x16xf32, #tpu.memory_space<vmem>> -> memref<120x16xf32, #tpu.memory_space<vmem>>
      tpu.wait_dma2 semaphore(%run_scoped3A : memref<!tpu.dma_semaphore, #tpu.memory_space<semaphore_mem>>) src(%dma_wait3A_95 : memref<120x16xf32, #tpu.memory_space<vmem>>) dst(%dma_wait3A_92 : memref<120x16xf32, #tpu.memory_space<vmem_shared>>)
      tpu.yield
    }) : () -> ()
    %barrier3A = arith.constant 0 : index
    tpu.barrier barrier_id(%barrier3A)
    %mul3A_29 = arith.constant 10112 : i32
    %mul3A_30 = arith.muli %add3A, %mul3A_29 : i32
    %iota3A = tpu.iota {dimensions = array<i32: 0>} : vector<16xi32>
    %scan3A_31 = arith.constant 0 : i32
    %scan3A_32 = arith.constant 0 : i32
    %scan3A_33 = arith.constant 79 : i32
    %scan3A_34 = arith.addi %scan3A_32, %scan3A_33 : i32
    %scan3A_35 = arith.constant 1 : i32
    scf.for %scan3A_78 = %scan3A_32 to %scan3A_34 step %scan3A_35  : i32 {
      %mul3A_79 = arith.constant 128 : i32
      %mul3A_80 = arith.muli %scan3A_78, %mul3A_79 : i32
      %add3A_81 = arith.addi %mul3A_30, %mul3A_80 : i32
      "tpu.region"() ({
        %run_scoped3A = tpu.sem_alloc : memref<!tpu.dma_semaphore, #tpu.memory_space<semaphore_mem>>
        %dma_start3A_104 = tpu.memref_slice %arg2[%add3A_81] : memref<323584xi32, #tpu.memory_space<hbm>> -> memref<128xi32, #tpu.memory_space<hbm>>
        %dma_start3A_105 = tpu.memref_slice %arg2[%add3A_81] : memref<323584xi32, #tpu.memory_space<hbm>> -> memref<128xi32, #tpu.memory_space<hbm>>
        tpu.enqueue_dma source(%dma_start3A_105 : memref<128xi32, #tpu.memory_space<hbm>>) target(%arg9 : memref<128xi32, #tpu.memory_space<vmem>>) target_semaphore(%run_scoped3A : memref<!tpu.dma_semaphore, #tpu.memory_space<semaphore_mem>>)
        %dma_wait3A_106 = tpu.memref_slice %arg2[%add3A_81] : memref<323584xi32, #tpu.memory_space<hbm>> -> memref<128xi32, #tpu.memory_space<hbm>>
        %dma_wait3A_107 = tpu.memref_slice %arg2[%add3A_81] : memref<323584xi32, #tpu.memory_space<hbm>> -> memref<128xi32, #tpu.memory_space<hbm>>
        tpu.wait_dma2 semaphore(%run_scoped3A : memref<!tpu.dma_semaphore, #tpu.memory_space<semaphore_mem>>) src(%dma_wait3A_107 : memref<128xi32, #tpu.memory_space<hbm>>) dst(%arg9 : memref<128xi32, #tpu.memory_space<vmem>>)
        tpu.yield
      }) : () -> ()
      "tpu.region"() ({
        %run_scoped3A = tpu.sem_alloc : memref<!tpu.dma_semaphore, #tpu.memory_space<semaphore_mem>>
        %dma_start3A_104 = tpu.memref_slice %arg3[%add3A_81] : memref<323584xi32, #tpu.memory_space<hbm>> -> memref<128xi32, #tpu.memory_space<hbm>>
        %dma_start3A_105 = tpu.memref_slice %arg3[%add3A_81] : memref<323584xi32, #tpu.memory_space<hbm>> -> memref<128xi32, #tpu.memory_space<hbm>>
        tpu.enqueue_dma source(%dma_start3A_105 : memref<128xi32, #tpu.memory_space<hbm>>) target(%arg10 : memref<128xi32, #tpu.memory_space<vmem>>) target_semaphore(%run_scoped3A : memref<!tpu.dma_semaphore, #tpu.memory_space<semaphore_mem>>)
        %dma_wait3A_106 = tpu.memref_slice %arg3[%add3A_81] : memref<323584xi32, #tpu.memory_space<hbm>> -> memref<128xi32, #tpu.memory_space<hbm>>
        %dma_wait3A_107 = tpu.memref_slice %arg3[%add3A_81] : memref<323584xi32, #tpu.memory_space<hbm>> -> memref<128xi32, #tpu.memory_space<hbm>>
        tpu.wait_dma2 semaphore(%run_scoped3A : memref<!tpu.dma_semaphore, #tpu.memory_space<semaphore_mem>>) src(%dma_wait3A_107 : memref<128xi32, #tpu.memory_space<hbm>>) dst(%arg10 : memref<128xi32, #tpu.memory_space<vmem>>)
        tpu.yield
      }) : () -> ()
      %dma_start3A = arith.constant 0 : i32
      %dma_start3A_82 = arith.constant 0 : i32
      %dma_start3A_83 = tpu.memref_slice %arg6[%dma_start3A, %dma_start3A_82] : memref<10000x128xf32, #tpu.memory_space<hbm>> -> memref<10000x128xf32, #tpu.memory_space<hbm>>
      tpu.enqueue_indirect_dma source(%dma_start3A_83 : memref<10000x128xf32, #tpu.memory_space<hbm>>) target(%arg11 : memref<128x128xf32, #tpu.memory_space<vmem>>) offsets(%arg9 : memref<128xi32, #tpu.memory_space<vmem>>) semaphore(%arg17 : memref<!tpu.dma_semaphore, #tpu.memory_space<semaphore_mem>>)
      %dma_wait3A = arith.constant 0 : i32
      %dma_wait3A_84 = arith.constant 0 : i32
      %dma_wait3A_85 = tpu.memref_slice %arg6[%dma_wait3A, %dma_wait3A_84] : memref<10000x128xf32, #tpu.memory_space<hbm>> -> memref<10000x128xf32, #tpu.memory_space<hbm>>
      tpu.wait_indirect_dma semaphore(%arg17 : memref<!tpu.dma_semaphore, #tpu.memory_space<semaphore_mem>>) src(%dma_wait3A_85 : memref<10000x128xf32, #tpu.memory_space<hbm>>) dst(%arg11 : memref<128x128xf32, #tpu.memory_space<vmem>>)
      %dma_start3A_86 = arith.constant 0 : i32
      %dma_start3A_87 = arith.constant 0 : i32
      %dma_start3A_88 = tpu.memref_slice %arg4[%dma_start3A_86, %dma_start3A_87] : memref<10000x16xf32, #tpu.memory_space<hbm>> -> memref<10000x16xf32, #tpu.memory_space<hbm>>
      tpu.enqueue_indirect_dma source(%dma_start3A_88 : memref<10000x16xf32, #tpu.memory_space<hbm>>) target(%arg12 : memref<128x16xf32, #tpu.memory_space<vmem>>) offsets(%arg9 : memref<128xi32, #tpu.memory_space<vmem>>) semaphore(%arg17 : memref<!tpu.dma_semaphore, #tpu.memory_space<semaphore_mem>>)
      %dma_wait3A_89 = arith.constant 0 : i32
      %dma_wait3A_90 = arith.constant 0 : i32
      %dma_wait3A_91 = tpu.memref_slice %arg4[%dma_wait3A_89, %dma_wait3A_90] : memref<10000x16xf32, #tpu.memory_space<hbm>> -> memref<10000x16xf32, #tpu.memory_space<hbm>>
      tpu.wait_indirect_dma semaphore(%arg17 : memref<!tpu.dma_semaphore, #tpu.memory_space<semaphore_mem>>) src(%dma_wait3A_91 : memref<10000x16xf32, #tpu.memory_space<hbm>>) dst(%arg12 : memref<128x16xf32, #tpu.memory_space<vmem>>)
      %dma_start3A_92 = arith.constant 0 : i32
      %dma_start3A_93 = arith.constant 0 : i32
      %dma_start3A_94 = tpu.memref_slice %arg5[%dma_start3A_92, %dma_start3A_93] : memref<10000x16xf32, #tpu.memory_space<hbm>> -> memref<10000x16xf32, #tpu.memory_space<hbm>>
      tpu.enqueue_indirect_dma source(%dma_start3A_94 : memref<10000x16xf32, #tpu.memory_space<hbm>>) target(%arg13 : memref<128x16xf32, #tpu.memory_space<vmem>>) offsets(%arg10 : memref<128xi32, #tpu.memory_space<vmem>>) semaphore(%arg17 : memref<!tpu.dma_semaphore, #tpu.memory_space<semaphore_mem>>)
      %dma_wait3A_95 = arith.constant 0 : i32
      %dma_wait3A_96 = arith.constant 0 : i32
      %dma_wait3A_97 = tpu.memref_slice %arg5[%dma_wait3A_95, %dma_wait3A_96] : memref<10000x16xf32, #tpu.memory_space<hbm>> -> memref<10000x16xf32, #tpu.memory_space<hbm>>
      tpu.wait_indirect_dma semaphore(%arg17 : memref<!tpu.dma_semaphore, #tpu.memory_space<semaphore_mem>>) src(%dma_wait3A_97 : memref<10000x16xf32, #tpu.memory_space<hbm>>) dst(%arg13 : memref<128x16xf32, #tpu.memory_space<vmem>>)
      %scan3A_98 = arith.constant 0 : i32
      %scan3A_99 = arith.constant 0 : i32
      %scan3A_100 = arith.constant 128 : i32
      %scan3A_101 = arith.addi %scan3A_99, %scan3A_100 : i32
      %scan3A_102 = arith.constant 1 : i32
      scf.for %scan3A_104 = %scan3A_99 to %scan3A_101 step %scan3A_102  : i32 {
        %get3A = arith.index_cast %scan3A_104 : i32 to index
        %get3A_105 = arith.constant 0 : index
        %get3A_106 = tpu.vector_load %arg12[%get3A, %get3A_105] {strides = array<i32>} : memref<128x16xf32, #tpu.memory_space<vmem>>, vector<16xf32>,
        %get3A_107 = arith.index_cast %scan3A_104 : i32 to index
        %get3A_108 = arith.constant 0 : index
        %get3A_109 = tpu.vector_load %arg13[%get3A_107, %get3A_108] {strides = array<i32>} : memref<128x16xf32, #tpu.memory_space<vmem>>, vector<16xf32>,
        %add3A_110 = arith.addf %get3A_106, %get3A_109 : vector<16xf32>
        %ge3A = arith.constant 0.000000e+00 : f32
        %ge3A_111 = vector.broadcast %ge3A : f32 to vector<16xf32>
        %ge3A_112 = arith.cmpf oge, %add3A_110, %ge3A_111 : vector<16xf32>
        %mul3A_113 = arith.constant 2.000000e-01 : f32
        %mul3A_114 = vector.broadcast %mul3A_113 : f32 to vector<16xf32>
        %mul3A_115 = arith.mulf %mul3A_114, %add3A_110 : vector<16xf32>
        %select_n3A = arith.select %ge3A_112, %add3A_110, %mul3A_115 : vector<16xi1>, vector<16xf32>
        %exp3A = math.exp %select_n3A : vector<16xf32>
        %add3A_116 = arith.addi %add3A_81, %scan3A_104 : i32
        %lt3A = arith.constant 320000 : i32
        %lt3A_117 = arith.cmpi slt, %add3A_116, %lt3A : i32
        %lt3A_118 = arith.constant 4 : i32
        %lt3A_119 = vector.broadcast %lt3A_118 : i32 to vector<16xi32>
        %lt3A_120 = arith.cmpi slt, %iota3A, %lt3A_119 : vector<16xi32>
        %and3A = vector.broadcast %lt3A_117 : i1 to vector<16xi1>
        %and3A_121 = arith.andi %lt3A_120, %and3A : vector<16xi1>
        %jit3A = arith.constant 0.000000e+00 : f32
        %broadcast_in_dim3A_122 = vector.broadcast %jit3A : f32 to vector<16xf32>
        %select_n3A_123 = arith.select %and3A_121, %exp3A, %broadcast_in_dim3A_122 : vector<16xi1>, vector<16xf32>
        %swap3A = arith.index_cast %scan3A_104 : i32 to index
        %swap3A_124 = arith.constant 0 : index
        %swap3A_125 = tpu.vector_load %arg14[%swap3A, %swap3A_124] {strides = array<i32>} : memref<128x16xf32, #tpu.memory_space<vmem>>, vector<16xf32>,
        tpu.vector_store %arg14[%swap3A, %swap3A_124], %select_n3A_123 {strides = array<i32>} : memref<128x16xf32, #tpu.memory_space<vmem>>, vector<16xf32>,
        %slice3A = vector.extract_strided_slice %select_n3A_123 {offsets = [0], sizes = [1], strides = [1]} : vector<16xf32> to vector<1xf32>
        %squeeze3A = vector.extract %slice3A[0] : f32 from vector<1xf32>
        %get3A_126 = arith.index_cast %scan3A_104 : i32 to index
        %get3A_127 = arith.constant 0 : index
        %get3A_128 = tpu.vector_load %arg11[%get3A_126, %get3A_127] {strides = array<i32>} : memref<128x128xf32, #tpu.memory_space<vmem>>, vector<16xf32>,
        %broadcast_in_dim3A_129 = vector.broadcast %squeeze3A : f32 to vector<16xf32>
        %mul3A_130 = arith.mulf %get3A_128, %broadcast_in_dim3A_129 : vector<16xf32>
        %swap3A_131 = arith.index_cast %scan3A_104 : i32 to index
        %swap3A_132 = arith.constant 0 : index
        %swap3A_133 = tpu.vector_load %arg11[%swap3A_131, %swap3A_132] {strides = array<i32>} : memref<128x128xf32, #tpu.memory_space<vmem>>, vector<16xf32>,
        tpu.vector_store %arg11[%swap3A_131, %swap3A_132], %mul3A_130 {strides = array<i32>} : memref<128x128xf32, #tpu.memory_space<vmem>>, vector<16xf32>,
        %slice3A_134 = vector.extract_strided_slice %select_n3A_123 {offsets = [0], sizes = [1], strides = [1]} : vector<16xf32> to vector<1xf32>
        %squeeze3A_135 = vector.extract %slice3A_134[0] : f32 from vector<1xf32>
        %get3A_136 = arith.index_cast %scan3A_104 : i32 to index
        %get3A_137 = arith.constant 16 : index
        %get3A_138 = tpu.vector_load %arg11[%get3A_136, %get3A_137] {strides = array<i32>} : memref<128x128xf32, #tpu.memory_space<vmem>>, vector<16xf32>,
        %broadcast_in_dim3A_139 = vector.broadcast %squeeze3A_135 : f32 to vector<16xf32>
        %mul3A_140 = arith.mulf %get3A_138, %broadcast_in_dim3A_139 : vector<16xf32>
        %swap3A_141 = arith.index_cast %scan3A_104 : i32 to index
        %swap3A_142 = arith.constant 16 : index
        %swap3A_143 = tpu.vector_load %arg11[%swap3A_141, %swap3A_142] {strides = array<i32>} : memref<128x128xf32, #tpu.memory_space<vmem>>, vector<16xf32>,
        tpu.vector_store %arg11[%swap3A_141, %swap3A_142], %mul3A_140 {strides = array<i32>} : memref<128x128xf32, #tpu.memory_space<vmem>>, vector<16xf32>,
        %slice3A_144 = vector.extract_strided_slice %select_n3A_123 {offsets = [1], sizes = [1], strides = [1]} : vector<16xf32> to vector<1xf32>
        %squeeze3A_145 = vector.extract %slice3A_144[0] : f32 from vector<1xf32>
        %get3A_146 = arith.index_cast %scan3A_104 : i32 to index
        %get3A_147 = arith.constant 32 : index
        %get3A_148 = tpu.vector_load %arg11[%get3A_146, %get3A_147] {strides = array<i32>} : memref<128x128xf32, #tpu.memory_space<vmem>>, vector<16xf32>,
        %broadcast_in_dim3A_149 = vector.broadcast %squeeze3A_145 : f32 to vector<16xf32>
        %mul3A_150 = arith.mulf %get3A_148, %broadcast_in_dim3A_149 : vector<16xf32>
        %swap3A_151 = arith.index_cast %scan3A_104 : i32 to index
        %swap3A_152 = arith.constant 32 : index
        %swap3A_153 = tpu.vector_load %arg11[%swap3A_151, %swap3A_152] {strides = array<i32>} : memref<128x128xf32, #tpu.memory_space<vmem>>, vector<16xf32>,
        tpu.vector_store %arg11[%swap3A_151, %swap3A_152], %mul3A_150 {strides = array<i32>} : memref<128x128xf32, #tpu.memory_space<vmem>>, vector<16xf32>,
        %slice3A_154 = vector.extract_strided_slice %select_n3A_123 {offsets = [1], sizes = [1], strides = [1]} : vector<16xf32> to vector<1xf32>
        %squeeze3A_155 = vector.extract %slice3A_154[0] : f32 from vector<1xf32>
        %get3A_156 = arith.index_cast %scan3A_104 : i32 to index
        %get3A_157 = arith.constant 48 : index
        %get3A_158 = tpu.vector_load %arg11[%get3A_156, %get3A_157] {strides = array<i32>} : memref<128x128xf32, #tpu.memory_space<vmem>>, vector<16xf32>,
        %broadcast_in_dim3A_159 = vector.broadcast %squeeze3A_155 : f32 to vector<16xf32>
        %mul3A_160 = arith.mulf %get3A_158, %broadcast_in_dim3A_159 : vector<16xf32>
        %swap3A_161 = arith.index_cast %scan3A_104 : i32 to index
        %swap3A_162 = arith.constant 48 : index
        %swap3A_163 = tpu.vector_load %arg11[%swap3A_161, %swap3A_162] {strides = array<i32>} : memref<128x128xf32, #tpu.memory_space<vmem>>, vector<16xf32>,
        tpu.vector_store %arg11[%swap3A_161, %swap3A_162], %mul3A_160 {strides = array<i32>} : memref<128x128xf32, #tpu.memory_space<vmem>>, vector<16xf32>,
        %slice3A_164 = vector.extract_strided_slice %select_n3A_123 {offsets = [2], sizes = [1], strides = [1]} : vector<16xf32> to vector<1xf32>
        %squeeze3A_165 = vector.extract %slice3A_164[0] : f32 from vector<1xf32>
        %get3A_166 = arith.index_cast %scan3A_104 : i32 to index
        %get3A_167 = arith.constant 64 : index
        %get3A_168 = tpu.vector_load %arg11[%get3A_166, %get3A_167] {strides = array<i32>} : memref<128x128xf32, #tpu.memory_space<vmem>>, vector<16xf32>,
        %broadcast_in_dim3A_169 = vector.broadcast %squeeze3A_165 : f32 to vector<16xf32>
        %mul3A_170 = arith.mulf %get3A_168, %broadcast_in_dim3A_169 : vector<16xf32>
        %swap3A_171 = arith.index_cast %scan3A_104 : i32 to index
        %swap3A_172 = arith.constant 64 : index
        %swap3A_173 = tpu.vector_load %arg11[%swap3A_171, %swap3A_172] {strides = array<i32>} : memref<128x128xf32, #tpu.memory_space<vmem>>, vector<16xf32>,
        tpu.vector_store %arg11[%swap3A_171, %swap3A_172], %mul3A_170 {strides = array<i32>} : memref<128x128xf32, #tpu.memory_space<vmem>>, vector<16xf32>,
        %slice3A_174 = vector.extract_strided_slice %select_n3A_123 {offsets = [2], sizes = [1], strides = [1]} : vector<16xf32> to vector<1xf32>
        %squeeze3A_175 = vector.extract %slice3A_174[0] : f32 from vector<1xf32>
        %get3A_176 = arith.index_cast %scan3A_104 : i32 to index
        %get3A_177 = arith.constant 80 : index
        %get3A_178 = tpu.vector_load %arg11[%get3A_176, %get3A_177] {strides = array<i32>} : memref<128x128xf32, #tpu.memory_space<vmem>>, vector<16xf32>,
        %broadcast_in_dim3A_179 = vector.broadcast %squeeze3A_175 : f32 to vector<16xf32>
        %mul3A_180 = arith.mulf %get3A_178, %broadcast_in_dim3A_179 : vector<16xf32>
        %swap3A_181 = arith.index_cast %scan3A_104 : i32 to index
        %swap3A_182 = arith.constant 80 : index
        %swap3A_183 = tpu.vector_load %arg11[%swap3A_181, %swap3A_182] {strides = array<i32>} : memref<128x128xf32, #tpu.memory_space<vmem>>, vector<16xf32>,
        tpu.vector_store %arg11[%swap3A_181, %swap3A_182], %mul3A_180 {strides = array<i32>} : memref<128x128xf32, #tpu.memory_space<vmem>>, vector<16xf32>,
        %slice3A_184 = vector.extract_strided_slice %select_n3A_123 {offsets = [3], sizes = [1], strides = [1]} : vector<16xf32> to vector<1xf32>
        %squeeze3A_185 = vector.extract %slice3A_184[0] : f32 from vector<1xf32>
        %get3A_186 = arith.index_cast %scan3A_104 : i32 to index
        %get3A_187 = arith.constant 96 : index
        %get3A_188 = tpu.vector_load %arg11[%get3A_186, %get3A_187] {strides = array<i32>} : memref<128x128xf32, #tpu.memory_space<vmem>>, vector<16xf32>,
        %broadcast_in_dim3A_189 = vector.broadcast %squeeze3A_185 : f32 to vector<16xf32>
        %mul3A_190 = arith.mulf %get3A_188, %broadcast_in_dim3A_189 : vector<16xf32>
        %swap3A_191 = arith.index_cast %scan3A_104 : i32 to index
        %swap3A_192 = arith.constant 96 : index
        %swap3A_193 = tpu.vector_load %arg11[%swap3A_191, %swap3A_192] {strides = array<i32>} : memref<128x128xf32, #tpu.memory_space<vmem>>, vector<16xf32>,
        tpu.vector_store %arg11[%swap3A_191, %swap3A_192], %mul3A_190 {strides = array<i32>} : memref<128x128xf32, #tpu.memory_space<vmem>>, vector<16xf32>,
        %slice3A_194 = vector.extract_strided_slice %select_n3A_123 {offsets = [3], sizes = [1], strides = [1]} : vector<16xf32> to vector<1xf32>
        %squeeze3A_195 = vector.extract %slice3A_194[0] : f32 from vector<1xf32>
        %get3A_196 = arith.index_cast %scan3A_104 : i32 to index
        %get3A_197 = arith.constant 112 : index
        %get3A_198 = tpu.vector_load %arg11[%get3A_196, %get3A_197] {strides = array<i32>} : memref<128x128xf32, #tpu.memory_space<vmem>>, vector<16xf32>,
        %broadcast_in_dim3A_199 = vector.broadcast %squeeze3A_195 : f32 to vector<16xf32>
        %mul3A_200 = arith.mulf %get3A_198, %broadcast_in_dim3A_199 : vector<16xf32>
        %swap3A_201 = arith.index_cast %scan3A_104 : i32 to index
        %swap3A_202 = arith.constant 112 : index
        %swap3A_203 = tpu.vector_load %arg11[%swap3A_201, %swap3A_202] {strides = array<i32>} : memref<128x128xf32, #tpu.memory_space<vmem>>, vector<16xf32>,
        tpu.vector_store %arg11[%swap3A_201, %swap3A_202], %mul3A_200 {strides = array<i32>} : memref<128x128xf32, #tpu.memory_space<vmem>>, vector<16xf32>,
      }
      %scan3A_103 = arith.constant 128 : i32
      "tpu.region"() ({
        %run_scoped3A = tpu.sem_alloc : memref<!tpu.dma_semaphore, #tpu.memory_space<semaphore_mem>>
        %dma_start3A_104 = arith.constant 0 : i32
        %dma_start3A_105 = arith.constant 0 : i32
        %dma_start3A_106 = tpu.memref_slice %arg15[%dma_start3A_104, %dma_start3A_105] : memref<10112x128xf32, #tpu.memory_space<vmem_shared>> -> memref<10112x128xf32, #tpu.memory_space<vmem_shared>>
        tpu.enqueue_indirect_dma source(%arg11 : memref<128x128xf32, #tpu.memory_space<vmem>>) target(%dma_start3A_106 : memref<10112x128xf32, #tpu.memory_space<vmem_shared>>) offsets(%arg10 : memref<128xi32, #tpu.memory_space<vmem>>) semaphore(%run_scoped3A : memref<!tpu.dma_semaphore, #tpu.memory_space<semaphore_mem>>) {add = true}
        %dma_wait3A_107 = arith.constant 0 : i32
        %dma_wait3A_108 = arith.constant 0 : i32
        %dma_wait3A_109 = tpu.memref_slice %arg15[%dma_wait3A_107, %dma_wait3A_108] : memref<10112x128xf32, #tpu.memory_space<vmem_shared>> -> memref<10112x128xf32, #tpu.memory_space<vmem_shared>>
        tpu.wait_indirect_dma semaphore(%run_scoped3A : memref<!tpu.dma_semaphore, #tpu.memory_space<semaphore_mem>>) src(%arg11 : memref<128x128xf32, #tpu.memory_space<vmem>>) dst(%dma_wait3A_109 : memref<10112x128xf32, #tpu.memory_space<vmem_shared>>)
        tpu.yield
      }) : () -> ()
      "tpu.region"() ({
        %run_scoped3A = tpu.sem_alloc : memref<!tpu.dma_semaphore, #tpu.memory_space<semaphore_mem>>
        %dma_start3A_104 = arith.constant 0 : i32
        %dma_start3A_105 = arith.constant 0 : i32
        %dma_start3A_106 = tpu.memref_slice %arg16[%dma_start3A_104, %dma_start3A_105] : memref<10112x16xf32, #tpu.memory_space<vmem_shared>> -> memref<10112x16xf32, #tpu.memory_space<vmem_shared>>
        tpu.enqueue_indirect_dma source(%arg14 : memref<128x16xf32, #tpu.memory_space<vmem>>) target(%dma_start3A_106 : memref<10112x16xf32, #tpu.memory_space<vmem_shared>>) offsets(%arg10 : memref<128xi32, #tpu.memory_space<vmem>>) semaphore(%run_scoped3A : memref<!tpu.dma_semaphore, #tpu.memory_space<semaphore_mem>>) {add = true}
        %dma_wait3A_107 = arith.constant 0 : i32
        %dma_wait3A_108 = arith.constant 0 : i32
        %dma_wait3A_109 = tpu.memref_slice %arg16[%dma_wait3A_107, %dma_wait3A_108] : memref<10112x16xf32, #tpu.memory_space<vmem_shared>> -> memref<10112x16xf32, #tpu.memory_space<vmem_shared>>
        tpu.wait_indirect_dma semaphore(%run_scoped3A : memref<!tpu.dma_semaphore, #tpu.memory_space<semaphore_mem>>) src(%arg14 : memref<128x16xf32, #tpu.memory_space<vmem>>) dst(%dma_wait3A_109 : memref<10112x16xf32, #tpu.memory_space<vmem_shared>>)
        tpu.yield
      }) : () -> ()
    }
    %scan3A_36 = arith.constant 79 : i32
    %barrier3A_37 = arith.constant 0 : index
    tpu.barrier barrier_id(%barrier3A_37)
    %add3A_38 = arith.constant 0 : i32
    %add3A_39 = arith.addi %mul3A_2, %add3A_38 : i32
    "tpu.region"() ({
      %run_scoped3A = tpu.sem_alloc : memref<!tpu.dma_semaphore, #tpu.memory_space<semaphore_mem>>
      %dma_start3A = arith.constant 0 : i32
      %dma_start3A_78 = arith.constant 0 : i32
      %dma_start3A_79 = tpu.memref_slice %arg11[%dma_start3A, %dma_start3A_78] : memref<128x128xf32, #tpu.memory_space<vmem>> -> memref<128x128xf32, #tpu.memory_space<vmem>>
      %dma_start3A_80 = arith.constant 0 : i32
      %dma_start3A_81 = tpu.memref_slice %arg15[%add3A_39, %dma_start3A_80] : memref<10112x128xf32, #tpu.memory_space<vmem_shared>> -> memref<128x128xf32, #tpu.memory_space<vmem_shared>>
      %dma_start3A_82 = arith.constant 0 : i32
      %dma_start3A_83 = arith.constant 0 : i32
      %dma_start3A_84 = tpu.memref_slice %arg11[%dma_start3A_82, %dma_start3A_83] : memref<128x128xf32, #tpu.memory_space<vmem>> -> memref<128x128xf32, #tpu.memory_space<vmem>>
      %dma_start3A_85 = arith.constant 0 : i32
      %dma_start3A_86 = tpu.memref_slice %arg15[%add3A_39, %dma_start3A_85] : memref<10112x128xf32, #tpu.memory_space<vmem_shared>> -> memref<128x128xf32, #tpu.memory_space<vmem_shared>>
      tpu.enqueue_dma source(%dma_start3A_86 : memref<128x128xf32, #tpu.memory_space<vmem_shared>>) target(%dma_start3A_84 : memref<128x128xf32, #tpu.memory_space<vmem>>) target_semaphore(%run_scoped3A : memref<!tpu.dma_semaphore, #tpu.memory_space<semaphore_mem>>)
      %dma_wait3A = arith.constant 0 : i32
      %dma_wait3A_87 = arith.constant 0 : i32
      %dma_wait3A_88 = tpu.memref_slice %arg11[%dma_wait3A, %dma_wait3A_87] : memref<128x128xf32, #tpu.memory_space<vmem>> -> memref<128x128xf32, #tpu.memory_space<vmem>>
      %dma_wait3A_89 = arith.constant 0 : i32
      %dma_wait3A_90 = tpu.memref_slice %arg15[%add3A_39, %dma_wait3A_89] : memref<10112x128xf32, #tpu.memory_space<vmem_shared>> -> memref<128x128xf32, #tpu.memory_space<vmem_shared>>
      %dma_wait3A_91 = arith.constant 0 : i32
      %dma_wait3A_92 = arith.constant 0 : i32
      %dma_wait3A_93 = tpu.memref_slice %arg11[%dma_wait3A_91, %dma_wait3A_92] : memref<128x128xf32, #tpu.memory_space<vmem>> -> memref<128x128xf32, #tpu.memory_space<vmem>>
      %dma_wait3A_94 = arith.constant 0 : i32
      %dma_wait3A_95 = tpu.memref_slice %arg15[%add3A_39, %dma_wait3A_94] : memref<10112x128xf32, #tpu.memory_space<vmem_shared>> -> memref<128x128xf32, #tpu.memory_space<vmem_shared>>
      tpu.wait_dma2 semaphore(%run_scoped3A : memref<!tpu.dma_semaphore, #tpu.memory_space<semaphore_mem>>) src(%dma_wait3A_95 : memref<128x128xf32, #tpu.memory_space<vmem_shared>>) dst(%dma_wait3A_93 : memref<128x128xf32, #tpu.memory_space<vmem>>)
      tpu.yield
    }) : () -> ()
    %add3A_40 = arith.constant 0 : i32
    %add3A_41 = arith.addi %mul3A_2, %add3A_40 : i32
    "tpu.region"() ({
      %run_scoped3A = tpu.sem_alloc : memref<!tpu.dma_semaphore, #tpu.memory_space<semaphore_mem>>
      %dma_start3A = arith.constant 0 : i32
      %dma_start3A_78 = arith.constant 0 : i32
      %dma_start3A_79 = tpu.memref_slice %arg11[%dma_start3A, %dma_start3A_78] : memref<128x128xf32, #tpu.memory_space<vmem>> -> memref<128x128xf32, #tpu.memory_space<vmem>>
      %dma_start3A_80 = arith.constant 0 : i32
      %dma_start3A_81 = tpu.memref_slice %arg7[%arg0, %add3A_41, %dma_start3A_80] : memref<2x10112x128xf32, #tpu.memory_space<hbm>> -> memref<1x128x128xf32, #tpu.memory_space<hbm>>
      %dma_start3A_82 = tpu.memref_squeeze %dma_start3A_81 : memref<1x128x128xf32, #tpu.memory_space<hbm>> -> memref<128x128xf32, #tpu.memory_space<hbm>>
      %dma_start3A_83 = arith.constant 0 : i32
      %dma_start3A_84 = tpu.memref_slice %arg7[%arg0, %add3A_41, %dma_start3A_83] : memref<2x10112x128xf32, #tpu.memory_space<hbm>> -> memref<1x128x128xf32, #tpu.memory_space<hbm>>
      %dma_start3A_85 = tpu.memref_squeeze %dma_start3A_84 : memref<1x128x128xf32, #tpu.memory_space<hbm>> -> memref<128x128xf32, #tpu.memory_space<hbm>>
      %dma_start3A_86 = arith.constant 0 : i32
      %dma_start3A_87 = arith.constant 0 : i32
      %dma_start3A_88 = tpu.memref_slice %arg11[%dma_start3A_86, %dma_start3A_87] : memref<128x128xf32, #tpu.memory_space<vmem>> -> memref<128x128xf32, #tpu.memory_space<vmem>>
      tpu.enqueue_dma source(%dma_start3A_88 : memref<128x128xf32, #tpu.memory_space<vmem>>) target(%dma_start3A_85 : memref<128x128xf32, #tpu.memory_space<hbm>>) target_semaphore(%run_scoped3A : memref<!tpu.dma_semaphore, #tpu.memory_space<semaphore_mem>>)
      %dma_wait3A = arith.constant 0 : i32
      %dma_wait3A_89 = arith.constant 0 : i32
      %dma_wait3A_90 = tpu.memref_slice %arg11[%dma_wait3A, %dma_wait3A_89] : memref<128x128xf32, #tpu.memory_space<vmem>> -> memref<128x128xf32, #tpu.memory_space<vmem>>
      %dma_wait3A_91 = arith.constant 0 : i32
      %dma_wait3A_92 = tpu.memref_slice %arg7[%arg0, %add3A_41, %dma_wait3A_91] : memref<2x10112x128xf32, #tpu.memory_space<hbm>> -> memref<1x128x128xf32, #tpu.memory_space<hbm>>
      %dma_wait3A_93 = tpu.memref_squeeze %dma_wait3A_92 : memref<1x128x128xf32, #tpu.memory_space<hbm>> -> memref<128x128xf32, #tpu.memory_space<hbm>>
      %dma_wait3A_94 = arith.constant 0 : i32
      %dma_wait3A_95 = tpu.memref_slice %arg7[%arg0, %add3A_41, %dma_wait3A_94] : memref<2x10112x128xf32, #tpu.memory_space<hbm>> -> memref<1x128x128xf32, #tpu.memory_space<hbm>>
      %dma_wait3A_96 = tpu.memref_squeeze %dma_wait3A_95 : memref<1x128x128xf32, #tpu.memory_space<hbm>> -> memref<128x128xf32, #tpu.memory_space<hbm>>
      %dma_wait3A_97 = arith.constant 0 : i32
      %dma_wait3A_98 = arith.constant 0 : i32
      %dma_wait3A_99 = tpu.memref_slice %arg11[%dma_wait3A_97, %dma_wait3A_98] : memref<128x128xf32, #tpu.memory_space<vmem>> -> memref<128x128xf32, #tpu.memory_space<vmem>>
      tpu.wait_dma2 semaphore(%run_scoped3A : memref<!tpu.dma_semaphore, #tpu.memory_space<semaphore_mem>>) src(%dma_wait3A_99 : memref<128x128xf32, #tpu.memory_space<vmem>>) dst(%dma_wait3A_96 : memref<128x128xf32, #tpu.memory_space<hbm>>)
      tpu.yield
    }) : () -> ()
    %add3A_42 = arith.constant 0 : i32
    %add3A_43 = arith.addi %mul3A_2, %add3A_42 : i32
    "tpu.region"() ({
      %run_scoped3A = tpu.sem_alloc : memref<!tpu.dma_semaphore, #tpu.memory_space<semaphore_mem>>
      %dma_start3A = arith.constant 0 : i32
      %dma_start3A_78 = arith.constant 0 : i32
      %dma_start3A_79 = tpu.memref_slice %arg14[%dma_start3A, %dma_start3A_78] : memref<128x16xf32, #tpu.memory_space<vmem>> -> memref<128x16xf32, #tpu.memory_space<vmem>>
      %dma_start3A_80 = arith.constant 0 : i32
      %dma_start3A_81 = tpu.memref_slice %arg16[%add3A_43, %dma_start3A_80] : memref<10112x16xf32, #tpu.memory_space<vmem_shared>> -> memref<128x16xf32, #tpu.memory_space<vmem_shared>>
      %dma_start3A_82 = arith.constant 0 : i32
      %dma_start3A_83 = arith.constant 0 : i32
      %dma_start3A_84 = tpu.memref_slice %arg14[%dma_start3A_82, %dma_start3A_83] : memref<128x16xf32, #tpu.memory_space<vmem>> -> memref<128x16xf32, #tpu.memory_space<vmem>>
      %dma_start3A_85 = arith.constant 0 : i32
      %dma_start3A_86 = tpu.memref_slice %arg16[%add3A_43, %dma_start3A_85] : memref<10112x16xf32, #tpu.memory_space<vmem_shared>> -> memref<128x16xf32, #tpu.memory_space<vmem_shared>>
      tpu.enqueue_dma source(%dma_start3A_86 : memref<128x16xf32, #tpu.memory_space<vmem_shared>>) target(%dma_start3A_84 : memref<128x16xf32, #tpu.memory_space<vmem>>) target_semaphore(%run_scoped3A : memref<!tpu.dma_semaphore, #tpu.memory_space<semaphore_mem>>)
      %dma_wait3A = arith.constant 0 : i32
      %dma_wait3A_87 = arith.constant 0 : i32
      %dma_wait3A_88 = tpu.memref_slice %arg14[%dma_wait3A, %dma_wait3A_87] : memref<128x16xf32, #tpu.memory_space<vmem>> -> memref<128x16xf32, #tpu.memory_space<vmem>>
      %dma_wait3A_89 = arith.constant 0 : i32
      %dma_wait3A_90 = tpu.memref_slice %arg16[%add3A_43, %dma_wait3A_89] : memref<10112x16xf32, #tpu.memory_space<vmem_shared>> -> memref<128x16xf32, #tpu.memory_space<vmem_shared>>
      %dma_wait3A_91 = arith.constant 0 : i32
      %dma_wait3A_92 = arith.constant 0 : i32
      %dma_wait3A_93 = tpu.memref_slice %arg14[%dma_wait3A_91, %dma_wait3A_92] : memref<128x16xf32, #tpu.memory_space<vmem>> -> memref<128x16xf32, #tpu.memory_space<vmem>>
      %dma_wait3A_94 = arith.constant 0 : i32
      %dma_wait3A_95 = tpu.memref_slice %arg16[%add3A_43, %dma_wait3A_94] : memref<10112x16xf32, #tpu.memory_space<vmem_shared>> -> memref<128x16xf32, #tpu.memory_space<vmem_shared>>
      tpu.wait_dma2 semaphore(%run_scoped3A : memref<!tpu.dma_semaphore, #tpu.memory_space<semaphore_mem>>) src(%dma_wait3A_95 : memref<128x16xf32, #tpu.memory_space<vmem_shared>>) dst(%dma_wait3A_93 : memref<128x16xf32, #tpu.memory_space<vmem>>)
      tpu.yield
    }) : () -> ()
    %add3A_44 = arith.constant 0 : i32
    %add3A_45 = arith.addi %mul3A_2, %add3A_44 : i32
    "tpu.region"() ({
      %run_scoped3A = tpu.sem_alloc : memref<!tpu.dma_semaphore, #tpu.memory_space<semaphore_mem>>
      %dma_start3A = arith.constant 0 : i32
      %dma_start3A_78 = arith.constant 0 : i32
      %dma_start3A_79 = tpu.memref_slice %arg14[%dma_start3A, %dma_start3A_78] : memref<128x16xf32, #tpu.memory_space<vmem>> -> memref<128x16xf32, #tpu.memory_space<vmem>>
      %dma_start3A_80 = arith.constant 0 : i32
      %dma_start3A_81 = tpu.memref_slice %arg8[%arg0, %add3A_45, %dma_start3A_80] : memref<2x10112x16xf32, #tpu.memory_space<hbm>> -> memref<1x128x16xf32, #tpu.memory_space<hbm>>
      %dma_start3A_82 = tpu.memref_squeeze %dma_start3A_81 : memref<1x128x16xf32, #tpu.memory_space<hbm>> -> memref<128x16xf32, #tpu.memory_space<hbm>>
      %dma_start3A_83 = arith.constant 0 : i32
      %dma_start3A_84 = tpu.memref_slice %arg8[%arg0, %add3A_45, %dma_start3A_83] : memref<2x10112x16xf32, #tpu.memory_space<hbm>> -> memref<1x128x16xf32, #tpu.memory_space<hbm>>
      %dma_start3A_85 = tpu.memref_squeeze %dma_start3A_84 : memref<1x128x16xf32, #tpu.memory_space<hbm>> -> memref<128x16xf32, #tpu.memory_space<hbm>>
      %dma_start3A_86 = arith.constant 0 : i32
      %dma_start3A_87 = arith.constant 0 : i32
      %dma_start3A_88 = tpu.memref_slice %arg14[%dma_start3A_86, %dma_start3A_87] : memref<128x16xf32, #tpu.memory_space<vmem>> -> memref<128x16xf32, #tpu.memory_space<vmem>>
      tpu.enqueue_dma source(%dma_start3A_88 : memref<128x16xf32, #tpu.memory_space<vmem>>) target(%dma_start3A_85 : memref<128x16xf32, #tpu.memory_space<hbm>>) target_semaphore(%run_scoped3A : memref<!tpu.dma_semaphore, #tpu.memory_space<semaphore_mem>>)
      %dma_wait3A = arith.constant 0 : i32
      %dma_wait3A_89 = arith.constant 0 : i32
      %dma_wait3A_90 = tpu.memref_slice %arg14[%dma_wait3A, %dma_wait3A_89] : memref<128x16xf32, #tpu.memory_space<vmem>> -> memref<128x16xf32, #tpu.memory_space<vmem>>
      %dma_wait3A_91 = arith.constant 0 : i32
      %dma_wait3A_92 = tpu.memref_slice %arg8[%arg0, %add3A_45, %dma_wait3A_91] : memref<2x10112x16xf32, #tpu.memory_space<hbm>> -> memref<1x128x16xf32, #tpu.memory_space<hbm>>
      %dma_wait3A_93 = tpu.memref_squeeze %dma_wait3A_92 : memref<1x128x16xf32, #tpu.memory_space<hbm>> -> memref<128x16xf32, #tpu.memory_space<hbm>>
      %dma_wait3A_94 = arith.constant 0 : i32
      %dma_wait3A_95 = tpu.memref_slice %arg8[%arg0, %add3A_45, %dma_wait3A_94] : memref<2x10112x16xf32, #tpu.memory_space<hbm>> -> memref<1x128x16xf32, #tpu.memory_space<hbm>>
      %dma_wait3A_96 = tpu.memref_squeeze %dma_wait3A_95 : memref<1x128x16xf32, #tpu.memory_space<hbm>> -> memref<128x16xf32, #tpu.memory_space<hbm>>
      %dma_wait3A_97 = arith.constant 0 : i32
      %dma_wait3A_98 = arith.constant 0 : i32
      %dma_wait3A_99 = tpu.memref_slice %arg14[%dma_wait3A_97, %dma_wait3A_98] : memref<128x16xf32, #tpu.memory_space<vmem>> -> memref<128x16xf32, #tpu.memory_space<vmem>>
      tpu.wait_dma2 semaphore(%run_scoped3A : memref<!tpu.dma_semaphore, #tpu.memory_space<semaphore_mem>>) src(%dma_wait3A_99 : memref<128x16xf32, #tpu.memory_space<vmem>>) dst(%dma_wait3A_96 : memref<128x16xf32, #tpu.memory_space<hbm>>)
      tpu.yield
    }) : () -> ()
    %add3A_46 = arith.constant 128 : i32
    %add3A_47 = arith.addi %mul3A_2, %add3A_46 : i32
    "tpu.region"() ({
      %run_scoped3A = tpu.sem_alloc : memref<!tpu.dma_semaphore, #tpu.memory_space<semaphore_mem>>
      %dma_start3A = arith.constant 0 : i32
      %dma_start3A_78 = arith.constant 0 : i32
      %dma_start3A_79 = tpu.memref_slice %arg11[%dma_start3A, %dma_start3A_78] : memref<128x128xf32, #tpu.memory_space<vmem>> -> memref<128x128xf32, #tpu.memory_space<vmem>>
      %dma_start3A_80 = arith.constant 0 : i32
      %dma_start3A_81 = tpu.memref_slice %arg15[%add3A_47, %dma_start3A_80] : memref<10112x128xf32, #tpu.memory_space<vmem_shared>> -> memref<128x128xf32, #tpu.memory_space<vmem_shared>>
      %dma_start3A_82 = arith.constant 0 : i32
      %dma_start3A_83 = arith.constant 0 : i32
      %dma_start3A_84 = tpu.memref_slice %arg11[%dma_start3A_82, %dma_start3A_83] : memref<128x128xf32, #tpu.memory_space<vmem>> -> memref<128x128xf32, #tpu.memory_space<vmem>>
      %dma_start3A_85 = arith.constant 0 : i32
      %dma_start3A_86 = tpu.memref_slice %arg15[%add3A_47, %dma_start3A_85] : memref<10112x128xf32, #tpu.memory_space<vmem_shared>> -> memref<128x128xf32, #tpu.memory_space<vmem_shared>>
      tpu.enqueue_dma source(%dma_start3A_86 : memref<128x128xf32, #tpu.memory_space<vmem_shared>>) target(%dma_start3A_84 : memref<128x128xf32, #tpu.memory_space<vmem>>) target_semaphore(%run_scoped3A : memref<!tpu.dma_semaphore, #tpu.memory_space<semaphore_mem>>)
      %dma_wait3A = arith.constant 0 : i32
      %dma_wait3A_87 = arith.constant 0 : i32
      %dma_wait3A_88 = tpu.memref_slice %arg11[%dma_wait3A, %dma_wait3A_87] : memref<128x128xf32, #tpu.memory_space<vmem>> -> memref<128x128xf32, #tpu.memory_space<vmem>>
      %dma_wait3A_89 = arith.constant 0 : i32
      %dma_wait3A_90 = tpu.memref_slice %arg15[%add3A_47, %dma_wait3A_89] : memref<10112x128xf32, #tpu.memory_space<vmem_shared>> -> memref<128x128xf32, #tpu.memory_space<vmem_shared>>
      %dma_wait3A_91 = arith.constant 0 : i32
      %dma_wait3A_92 = arith.constant 0 : i32
      %dma_wait3A_93 = tpu.memref_slice %arg11[%dma_wait3A_91, %dma_wait3A_92] : memref<128x128xf32, #tpu.memory_space<vmem>> -> memref<128x128xf32, #tpu.memory_space<vmem>>
      %dma_wait3A_94 = arith.constant 0 : i32
      %dma_wait3A_95 = tpu.memref_slice %arg15[%add3A_47, %dma_wait3A_94] : memref<10112x128xf32, #tpu.memory_space<vmem_shared>> -> memref<128x128xf32, #tpu.memory_space<vmem_shared>>
      tpu.wait_dma2 semaphore(%run_scoped3A : memref<!tpu.dma_semaphore, #tpu.memory_space<semaphore_mem>>) src(%dma_wait3A_95 : memref<128x128xf32, #tpu.memory_space<vmem_shared>>) dst(%dma_wait3A_93 : memref<128x128xf32, #tpu.memory_space<vmem>>)
      tpu.yield
    }) : () -> ()
    %add3A_48 = arith.constant 128 : i32
    %add3A_49 = arith.addi %mul3A_2, %add3A_48 : i32
    "tpu.region"() ({
      %run_scoped3A = tpu.sem_alloc : memref<!tpu.dma_semaphore, #tpu.memory_space<semaphore_mem>>
      %dma_start3A = arith.constant 0 : i32
      %dma_start3A_78 = arith.constant 0 : i32
      %dma_start3A_79 = tpu.memref_slice %arg11[%dma_start3A, %dma_start3A_78] : memref<128x128xf32, #tpu.memory_space<vmem>> -> memref<128x128xf32, #tpu.memory_space<vmem>>
      %dma_start3A_80 = arith.constant 0 : i32
      %dma_start3A_81 = tpu.memref_slice %arg7[%arg0, %add3A_49, %dma_start3A_80] : memref<2x10112x128xf32, #tpu.memory_space<hbm>> -> memref<1x128x128xf32, #tpu.memory_space<hbm>>
      %dma_start3A_82 = tpu.memref_squeeze %dma_start3A_81 : memref<1x128x128xf32, #tpu.memory_space<hbm>> -> memref<128x128xf32, #tpu.memory_space<hbm>>
      %dma_start3A_83 = arith.constant 0 : i32
      %dma_start3A_84 = tpu.memref_slice %arg7[%arg0, %add3A_49, %dma_start3A_83] : memref<2x10112x128xf32, #tpu.memory_space<hbm>> -> memref<1x128x128xf32, #tpu.memory_space<hbm>>
      %dma_start3A_85 = tpu.memref_squeeze %dma_start3A_84 : memref<1x128x128xf32, #tpu.memory_space<hbm>> -> memref<128x128xf32, #tpu.memory_space<hbm>>
      %dma_start3A_86 = arith.constant 0 : i32
      %dma_start3A_87 = arith.constant 0 : i32
      %dma_start3A_88 = tpu.memref_slice %arg11[%dma_start3A_86, %dma_start3A_87] : memref<128x128xf32, #tpu.memory_space<vmem>> -> memref<128x128xf32, #tpu.memory_space<vmem>>
      tpu.enqueue_dma source(%dma_start3A_88 : memref<128x128xf32, #tpu.memory_space<vmem>>) target(%dma_start3A_85 : memref<128x128xf32, #tpu.memory_space<hbm>>) target_semaphore(%run_scoped3A : memref<!tpu.dma_semaphore, #tpu.memory_space<semaphore_mem>>)
      %dma_wait3A = arith.constant 0 : i32
      %dma_wait3A_89 = arith.constant 0 : i32
      %dma_wait3A_90 = tpu.memref_slice %arg11[%dma_wait3A, %dma_wait3A_89] : memref<128x128xf32, #tpu.memory_space<vmem>> -> memref<128x128xf32, #tpu.memory_space<vmem>>
      %dma_wait3A_91 = arith.constant 0 : i32
      %dma_wait3A_92 = tpu.memref_slice %arg7[%arg0, %add3A_49, %dma_wait3A_91] : memref<2x10112x128xf32, #tpu.memory_space<hbm>> -> memref<1x128x128xf32, #tpu.memory_space<hbm>>
      %dma_wait3A_93 = tpu.memref_squeeze %dma_wait3A_92 : memref<1x128x128xf32, #tpu.memory_space<hbm>> -> memref<128x128xf32, #tpu.memory_space<hbm>>
      %dma_wait3A_94 = arith.constant 0 : i32
      %dma_wait3A_95 = tpu.memref_slice %arg7[%arg0, %add3A_49, %dma_wait3A_94] : memref<2x10112x128xf32, #tpu.memory_space<hbm>> -> memref<1x128x128xf32, #tpu.memory_space<hbm>>
      %dma_wait3A_96 = tpu.memref_squeeze %dma_wait3A_95 : memref<1x128x128xf32, #tpu.memory_space<hbm>> -> memref<128x128xf32, #tpu.memory_space<hbm>>
      %dma_wait3A_97 = arith.constant 0 : i32
      %dma_wait3A_98 = arith.constant 0 : i32
      %dma_wait3A_99 = tpu.memref_slice %arg11[%dma_wait3A_97, %dma_wait3A_98] : memref<128x128xf32, #tpu.memory_space<vmem>> -> memref<128x128xf32, #tpu.memory_space<vmem>>
      tpu.wait_dma2 semaphore(%run_scoped3A : memref<!tpu.dma_semaphore, #tpu.memory_space<semaphore_mem>>) src(%dma_wait3A_99 : memref<128x128xf32, #tpu.memory_space<vmem>>) dst(%dma_wait3A_96 : memref<128x128xf32, #tpu.memory_space<hbm>>)
      tpu.yield
    }) : () -> ()
    %add3A_50 = arith.constant 128 : i32
    %add3A_51 = arith.addi %mul3A_2, %add3A_50 : i32
    "tpu.region"() ({
      %run_scoped3A = tpu.sem_alloc : memref<!tpu.dma_semaphore, #tpu.memory_space<semaphore_mem>>
      %dma_start3A = arith.constant 0 : i32
      %dma_start3A_78 = arith.constant 0 : i32
      %dma_start3A_79 = tpu.memref_slice %arg14[%dma_start3A, %dma_start3A_78] : memref<128x16xf32, #tpu.memory_space<vmem>> -> memref<128x16xf32, #tpu.memory_space<vmem>>
      %dma_start3A_80 = arith.constant 0 : i32
      %dma_start3A_81 = tpu.memref_slice %arg16[%add3A_51, %dma_start3A_80] : memref<10112x16xf32, #tpu.memory_space<vmem_shared>> -> memref<128x16xf32, #tpu.memory_space<vmem_shared>>
      %dma_start3A_82 = arith.constant 0 : i32
      %dma_start3A_83 = arith.constant 0 : i32
      %dma_start3A_84 = tpu.memref_slice %arg14[%dma_start3A_82, %dma_start3A_83] : memref<128x16xf32, #tpu.memory_space<vmem>> -> memref<128x16xf32, #tpu.memory_space<vmem>>
      %dma_start3A_85 = arith.constant 0 : i32
      %dma_start3A_86 = tpu.memref_slice %arg16[%add3A_51, %dma_start3A_85] : memref<10112x16xf32, #tpu.memory_space<vmem_shared>> -> memref<128x16xf32, #tpu.memory_space<vmem_shared>>
      tpu.enqueue_dma source(%dma_start3A_86 : memref<128x16xf32, #tpu.memory_space<vmem_shared>>) target(%dma_start3A_84 : memref<128x16xf32, #tpu.memory_space<vmem>>) target_semaphore(%run_scoped3A : memref<!tpu.dma_semaphore, #tpu.memory_space<semaphore_mem>>)
      %dma_wait3A = arith.constant 0 : i32
      %dma_wait3A_87 = arith.constant 0 : i32
      %dma_wait3A_88 = tpu.memref_slice %arg14[%dma_wait3A, %dma_wait3A_87] : memref<128x16xf32, #tpu.memory_space<vmem>> -> memref<128x16xf32, #tpu.memory_space<vmem>>
      %dma_wait3A_89 = arith.constant 0 : i32
      %dma_wait3A_90 = tpu.memref_slice %arg16[%add3A_51, %dma_wait3A_89] : memref<10112x16xf32, #tpu.memory_space<vmem_shared>> -> memref<128x16xf32, #tpu.memory_space<vmem_shared>>
      %dma_wait3A_91 = arith.constant 0 : i32
      %dma_wait3A_92 = arith.constant 0 : i32
      %dma_wait3A_93 = tpu.memref_slice %arg14[%dma_wait3A_91, %dma_wait3A_92] : memref<128x16xf32, #tpu.memory_space<vmem>> -> memref<128x16xf32, #tpu.memory_space<vmem>>
      %dma_wait3A_94 = arith.constant 0 : i32
      %dma_wait3A_95 = tpu.memref_slice %arg16[%add3A_51, %dma_wait3A_94] : memref<10112x16xf32, #tpu.memory_space<vmem_shared>> -> memref<128x16xf32, #tpu.memory_space<vmem_shared>>
      tpu.wait_dma2 semaphore(%run_scoped3A : memref<!tpu.dma_semaphore, #tpu.memory_space<semaphore_mem>>) src(%dma_wait3A_95 : memref<128x16xf32, #tpu.memory_space<vmem_shared>>) dst(%dma_wait3A_93 : memref<128x16xf32, #tpu.memory_space<vmem>>)
      tpu.yield
    }) : () -> ()
    %add3A_52 = arith.constant 128 : i32
    %add3A_53 = arith.addi %mul3A_2, %add3A_52 : i32
    "tpu.region"() ({
      %run_scoped3A = tpu.sem_alloc : memref<!tpu.dma_semaphore, #tpu.memory_space<semaphore_mem>>
      %dma_start3A = arith.constant 0 : i32
      %dma_start3A_78 = arith.constant 0 : i32
      %dma_start3A_79 = tpu.memref_slice %arg14[%dma_start3A, %dma_start3A_78] : memref<128x16xf32, #tpu.memory_space<vmem>> -> memref<128x16xf32, #tpu.memory_space<vmem>>
      %dma_start3A_80 = arith.constant 0 : i32
      %dma_start3A_81 = tpu.memref_slice %arg8[%arg0, %add3A_53, %dma_start3A_80] : memref<2x10112x16xf32, #tpu.memory_space<hbm>> -> memref<1x128x16xf32, #tpu.memory_space<hbm>>
      %dma_start3A_82 = tpu.memref_squeeze %dma_start3A_81 : memref<1x128x16xf32, #tpu.memory_space<hbm>> -> memref<128x16xf32, #tpu.memory_space<hbm>>
      %dma_start3A_83 = arith.constant 0 : i32
      %dma_start3A_84 = tpu.memref_slice %arg8[%arg0, %add3A_53, %dma_start3A_83] : memref<2x10112x16xf32, #tpu.memory_space<hbm>> -> memref<1x128x16xf32, #tpu.memory_space<hbm>>
      %dma_start3A_85 = tpu.memref_squeeze %dma_start3A_84 : memref<1x128x16xf32, #tpu.memory_space<hbm>> -> memref<128x16xf32, #tpu.memory_space<hbm>>
      %dma_start3A_86 = arith.constant 0 : i32
      %dma_start3A_87 = arith.constant 0 : i32
      %dma_start3A_88 = tpu.memref_slice %arg14[%dma_start3A_86, %dma_start3A_87] : memref<128x16xf32, #tpu.memory_space<vmem>> -> memref<128x16xf32, #tpu.memory_space<vmem>>
      tpu.enqueue_dma source(%dma_start3A_88 : memref<128x16xf32, #tpu.memory_space<vmem>>) target(%dma_start3A_85 : memref<128x16xf32, #tpu.memory_space<hbm>>) target_semaphore(%run_scoped3A : memref<!tpu.dma_semaphore, #tpu.memory_space<semaphore_mem>>)
      %dma_wait3A = arith.constant 0 : i32
      %dma_wait3A_89 = arith.constant 0 : i32
      %dma_wait3A_90 = tpu.memref_slice %arg14[%dma_wait3A, %dma_wait3A_89] : memref<128x16xf32, #tpu.memory_space<vmem>> -> memref<128x16xf32, #tpu.memory_space<vmem>>
      %dma_wait3A_91 = arith.constant 0 : i32
      %dma_wait3A_92 = tpu.memref_slice %arg8[%arg0, %add3A_53, %dma_wait3A_91] : memref<2x10112x16xf32, #tpu.memory_space<hbm>> -> memref<1x128x16xf32, #tpu.memory_space<hbm>>
      %dma_wait3A_93 = tpu.memref_squeeze %dma_wait3A_92 : memref<1x128x16xf32, #tpu.memory_space<hbm>> -> memref<128x16xf32, #tpu.memory_space<hbm>>
      %dma_wait3A_94 = arith.constant 0 : i32
      %dma_wait3A_95 = tpu.memref_slice %arg8[%arg0, %add3A_53, %dma_wait3A_94] : memref<2x10112x16xf32, #tpu.memory_space<hbm>> -> memref<1x128x16xf32, #tpu.memory_space<hbm>>
      %dma_wait3A_96 = tpu.memref_squeeze %dma_wait3A_95 : memref<1x128x16xf32, #tpu.memory_space<hbm>> -> memref<128x16xf32, #tpu.memory_space<hbm>>
      %dma_wait3A_97 = arith.constant 0 : i32
      %dma_wait3A_98 = arith.constant 0 : i32
      %dma_wait3A_99 = tpu.memref_slice %arg14[%dma_wait3A_97, %dma_wait3A_98] : memref<128x16xf32, #tpu.memory_space<vmem>> -> memref<128x16xf32, #tpu.memory_space<vmem>>
      tpu.wait_dma2 semaphore(%run_scoped3A : memref<!tpu.dma_semaphore, #tpu.memory_space<semaphore_mem>>) src(%dma_wait3A_99 : memref<128x16xf32, #tpu.memory_space<vmem>>) dst(%dma_wait3A_96 : memref<128x16xf32, #tpu.memory_space<hbm>>)
      tpu.yield
    }) : () -> ()
    %add3A_54 = arith.constant 256 : i32
    %add3A_55 = arith.addi %mul3A_2, %add3A_54 : i32
    "tpu.region"() ({
      %run_scoped3A = tpu.sem_alloc : memref<!tpu.dma_semaphore, #tpu.memory_space<semaphore_mem>>
      %dma_start3A = arith.constant 0 : i32
      %dma_start3A_78 = arith.constant 0 : i32
      %dma_start3A_79 = tpu.memref_slice %arg11[%dma_start3A, %dma_start3A_78] : memref<128x128xf32, #tpu.memory_space<vmem>> -> memref<128x128xf32, #tpu.memory_space<vmem>>
      %dma_start3A_80 = arith.constant 0 : i32
      %dma_start3A_81 = tpu.memref_slice %arg15[%add3A_55, %dma_start3A_80] : memref<10112x128xf32, #tpu.memory_space<vmem_shared>> -> memref<128x128xf32, #tpu.memory_space<vmem_shared>>
      %dma_start3A_82 = arith.constant 0 : i32
      %dma_start3A_83 = arith.constant 0 : i32
      %dma_start3A_84 = tpu.memref_slice %arg11[%dma_start3A_82, %dma_start3A_83] : memref<128x128xf32, #tpu.memory_space<vmem>> -> memref<128x128xf32, #tpu.memory_space<vmem>>
      %dma_start3A_85 = arith.constant 0 : i32
      %dma_start3A_86 = tpu.memref_slice %arg15[%add3A_55, %dma_start3A_85] : memref<10112x128xf32, #tpu.memory_space<vmem_shared>> -> memref<128x128xf32, #tpu.memory_space<vmem_shared>>
      tpu.enqueue_dma source(%dma_start3A_86 : memref<128x128xf32, #tpu.memory_space<vmem_shared>>) target(%dma_start3A_84 : memref<128x128xf32, #tpu.memory_space<vmem>>) target_semaphore(%run_scoped3A : memref<!tpu.dma_semaphore, #tpu.memory_space<semaphore_mem>>)
      %dma_wait3A = arith.constant 0 : i32
      %dma_wait3A_87 = arith.constant 0 : i32
      %dma_wait3A_88 = tpu.memref_slice %arg11[%dma_wait3A, %dma_wait3A_87] : memref<128x128xf32, #tpu.memory_space<vmem>> -> memref<128x128xf32, #tpu.memory_space<vmem>>
      %dma_wait3A_89 = arith.constant 0 : i32
      %dma_wait3A_90 = tpu.memref_slice %arg15[%add3A_55, %dma_wait3A_89] : memref<10112x128xf32, #tpu.memory_space<vmem_shared>> -> memref<128x128xf32, #tpu.memory_space<vmem_shared>>
      %dma_wait3A_91 = arith.constant 0 : i32
      %dma_wait3A_92 = arith.constant 0 : i32
      %dma_wait3A_93 = tpu.memref_slice %arg11[%dma_wait3A_91, %dma_wait3A_92] : memref<128x128xf32, #tpu.memory_space<vmem>> -> memref<128x128xf32, #tpu.memory_space<vmem>>
      %dma_wait3A_94 = arith.constant 0 : i32
      %dma_wait3A_95 = tpu.memref_slice %arg15[%add3A_55, %dma_wait3A_94] : memref<10112x128xf32, #tpu.memory_space<vmem_shared>> -> memref<128x128xf32, #tpu.memory_space<vmem_shared>>
      tpu.wait_dma2 semaphore(%run_scoped3A : memref<!tpu.dma_semaphore, #tpu.memory_space<semaphore_mem>>) src(%dma_wait3A_95 : memref<128x128xf32, #tpu.memory_space<vmem_shared>>) dst(%dma_wait3A_93 : memref<128x128xf32, #tpu.memory_space<vmem>>)
      tpu.yield
    }) : () -> ()
    %add3A_56 = arith.constant 256 : i32
    %add3A_57 = arith.addi %mul3A_2, %add3A_56 : i32
    "tpu.region"() ({
      %run_scoped3A = tpu.sem_alloc : memref<!tpu.dma_semaphore, #tpu.memory_space<semaphore_mem>>
      %dma_start3A = arith.constant 0 : i32
      %dma_start3A_78 = arith.constant 0 : i32
      %dma_start3A_79 = tpu.memref_slice %arg11[%dma_start3A, %dma_start3A_78] : memref<128x128xf32, #tpu.memory_space<vmem>> -> memref<128x128xf32, #tpu.memory_space<vmem>>
      %dma_start3A_80 = arith.constant 0 : i32
      %dma_start3A_81 = tpu.memref_slice %arg7[%arg0, %add3A_57, %dma_start3A_80] : memref<2x10112x128xf32, #tpu.memory_space<hbm>> -> memref<1x128x128xf32, #tpu.memory_space<hbm>>
      %dma_start3A_82 = tpu.memref_squeeze %dma_start3A_81 : memref<1x128x128xf32, #tpu.memory_space<hbm>> -> memref<128x128xf32, #tpu.memory_space<hbm>>
      %dma_start3A_83 = arith.constant 0 : i32
      %dma_start3A_84 = tpu.memref_slice %arg7[%arg0, %add3A_57, %dma_start3A_83] : memref<2x10112x128xf32, #tpu.memory_space<hbm>> -> memref<1x128x128xf32, #tpu.memory_space<hbm>>
      %dma_start3A_85 = tpu.memref_squeeze %dma_start3A_84 : memref<1x128x128xf32, #tpu.memory_space<hbm>> -> memref<128x128xf32, #tpu.memory_space<hbm>>
      %dma_start3A_86 = arith.constant 0 : i32
      %dma_start3A_87 = arith.constant 0 : i32
      %dma_start3A_88 = tpu.memref_slice %arg11[%dma_start3A_86, %dma_start3A_87] : memref<128x128xf32, #tpu.memory_space<vmem>> -> memref<128x128xf32, #tpu.memory_space<vmem>>
      tpu.enqueue_dma source(%dma_start3A_88 : memref<128x128xf32, #tpu.memory_space<vmem>>) target(%dma_start3A_85 : memref<128x128xf32, #tpu.memory_space<hbm>>) target_semaphore(%run_scoped3A : memref<!tpu.dma_semaphore, #tpu.memory_space<semaphore_mem>>)
      %dma_wait3A = arith.constant 0 : i32
      %dma_wait3A_89 = arith.constant 0 : i32
      %dma_wait3A_90 = tpu.memref_slice %arg11[%dma_wait3A, %dma_wait3A_89] : memref<128x128xf32, #tpu.memory_space<vmem>> -> memref<128x128xf32, #tpu.memory_space<vmem>>
      %dma_wait3A_91 = arith.constant 0 : i32
      %dma_wait3A_92 = tpu.memref_slice %arg7[%arg0, %add3A_57, %dma_wait3A_91] : memref<2x10112x128xf32, #tpu.memory_space<hbm>> -> memref<1x128x128xf32, #tpu.memory_space<hbm>>
      %dma_wait3A_93 = tpu.memref_squeeze %dma_wait3A_92 : memref<1x128x128xf32, #tpu.memory_space<hbm>> -> memref<128x128xf32, #tpu.memory_space<hbm>>
      %dma_wait3A_94 = arith.constant 0 : i32
      %dma_wait3A_95 = tpu.memref_slice %arg7[%arg0, %add3A_57, %dma_wait3A_94] : memref<2x10112x128xf32, #tpu.memory_space<hbm>> -> memref<1x128x128xf32, #tpu.memory_space<hbm>>
      %dma_wait3A_96 = tpu.memref_squeeze %dma_wait3A_95 : memref<1x128x128xf32, #tpu.memory_space<hbm>> -> memref<128x128xf32, #tpu.memory_space<hbm>>
      %dma_wait3A_97 = arith.constant 0 : i32
      %dma_wait3A_98 = arith.constant 0 : i32
      %dma_wait3A_99 = tpu.memref_slice %arg11[%dma_wait3A_97, %dma_wait3A_98] : memref<128x128xf32, #tpu.memory_space<vmem>> -> memref<128x128xf32, #tpu.memory_space<vmem>>
      tpu.wait_dma2 semaphore(%run_scoped3A : memref<!tpu.dma_semaphore, #tpu.memory_space<semaphore_mem>>) src(%dma_wait3A_99 : memref<128x128xf32, #tpu.memory_space<vmem>>) dst(%dma_wait3A_96 : memref<128x128xf32, #tpu.memory_space<hbm>>)
      tpu.yield
    }) : () -> ()
    %add3A_58 = arith.constant 256 : i32
    %add3A_59 = arith.addi %mul3A_2, %add3A_58 : i32
    "tpu.region"() ({
      %run_scoped3A = tpu.sem_alloc : memref<!tpu.dma_semaphore, #tpu.memory_space<semaphore_mem>>
      %dma_start3A = arith.constant 0 : i32
      %dma_start3A_78 = arith.constant 0 : i32
      %dma_start3A_79 = tpu.memref_slice %arg14[%dma_start3A, %dma_start3A_78] : memref<128x16xf32, #tpu.memory_space<vmem>> -> memref<128x16xf32, #tpu.memory_space<vmem>>
      %dma_start3A_80 = arith.constant 0 : i32
      %dma_start3A_81 = tpu.memref_slice %arg16[%add3A_59, %dma_start3A_80] : memref<10112x16xf32, #tpu.memory_space<vmem_shared>> -> memref<128x16xf32, #tpu.memory_space<vmem_shared>>
      %dma_start3A_82 = arith.constant 0 : i32
      %dma_start3A_83 = arith.constant 0 : i32
      %dma_start3A_84 = tpu.memref_slice %arg14[%dma_start3A_82, %dma_start3A_83] : memref<128x16xf32, #tpu.memory_space<vmem>> -> memref<128x16xf32, #tpu.memory_space<vmem>>
      %dma_start3A_85 = arith.constant 0 : i32
      %dma_start3A_86 = tpu.memref_slice %arg16[%add3A_59, %dma_start3A_85] : memref<10112x16xf32, #tpu.memory_space<vmem_shared>> -> memref<128x16xf32, #tpu.memory_space<vmem_shared>>
      tpu.enqueue_dma source(%dma_start3A_86 : memref<128x16xf32, #tpu.memory_space<vmem_shared>>) target(%dma_start3A_84 : memref<128x16xf32, #tpu.memory_space<vmem>>) target_semaphore(%run_scoped3A : memref<!tpu.dma_semaphore, #tpu.memory_space<semaphore_mem>>)
      %dma_wait3A = arith.constant 0 : i32
      %dma_wait3A_87 = arith.constant 0 : i32
      %dma_wait3A_88 = tpu.memref_slice %arg14[%dma_wait3A, %dma_wait3A_87] : memref<128x16xf32, #tpu.memory_space<vmem>> -> memref<128x16xf32, #tpu.memory_space<vmem>>
      %dma_wait3A_89 = arith.constant 0 : i32
      %dma_wait3A_90 = tpu.memref_slice %arg16[%add3A_59, %dma_wait3A_89] : memref<10112x16xf32, #tpu.memory_space<vmem_shared>> -> memref<128x16xf32, #tpu.memory_space<vmem_shared>>
      %dma_wait3A_91 = arith.constant 0 : i32
      %dma_wait3A_92 = arith.constant 0 : i32
      %dma_wait3A_93 = tpu.memref_slice %arg14[%dma_wait3A_91, %dma_wait3A_92] : memref<128x16xf32, #tpu.memory_space<vmem>> -> memref<128x16xf32, #tpu.memory_space<vmem>>
      %dma_wait3A_94 = arith.constant 0 : i32
      %dma_wait3A_95 = tpu.memref_slice %arg16[%add3A_59, %dma_wait3A_94] : memref<10112x16xf32, #tpu.memory_space<vmem_shared>> -> memref<128x16xf32, #tpu.memory_space<vmem_shared>>
      tpu.wait_dma2 semaphore(%run_scoped3A : memref<!tpu.dma_semaphore, #tpu.memory_space<semaphore_mem>>) src(%dma_wait3A_95 : memref<128x16xf32, #tpu.memory_space<vmem_shared>>) dst(%dma_wait3A_93 : memref<128x16xf32, #tpu.memory_space<vmem>>)
      tpu.yield
    }) : () -> ()
    %add3A_60 = arith.constant 256 : i32
    %add3A_61 = arith.addi %mul3A_2, %add3A_60 : i32
    "tpu.region"() ({
      %run_scoped3A = tpu.sem_alloc : memref<!tpu.dma_semaphore, #tpu.memory_space<semaphore_mem>>
      %dma_start3A = arith.constant 0 : i32
      %dma_start3A_78 = arith.constant 0 : i32
      %dma_start3A_79 = tpu.memref_slice %arg14[%dma_start3A, %dma_start3A_78] : memref<128x16xf32, #tpu.memory_space<vmem>> -> memref<128x16xf32, #tpu.memory_space<vmem>>
      %dma_start3A_80 = arith.constant 0 : i32
      %dma_start3A_81 = tpu.memref_slice %arg8[%arg0, %add3A_61, %dma_start3A_80] : memref<2x10112x16xf32, #tpu.memory_space<hbm>> -> memref<1x128x16xf32, #tpu.memory_space<hbm>>
      %dma_start3A_82 = tpu.memref_squeeze %dma_start3A_81 : memref<1x128x16xf32, #tpu.memory_space<hbm>> -> memref<128x16xf32, #tpu.memory_space<hbm>>
      %dma_start3A_83 = arith.constant 0 : i32
      %dma_start3A_84 = tpu.memref_slice %arg8[%arg0, %add3A_61, %dma_start3A_83] : memref<2x10112x16xf32, #tpu.memory_space<hbm>> -> memref<1x128x16xf32, #tpu.memory_space<hbm>>
      %dma_start3A_85 = tpu.memref_squeeze %dma_start3A_84 : memref<1x128x16xf32, #tpu.memory_space<hbm>> -> memref<128x16xf32, #tpu.memory_space<hbm>>
      %dma_start3A_86 = arith.constant 0 : i32
      %dma_start3A_87 = arith.constant 0 : i32
      %dma_start3A_88 = tpu.memref_slice %arg14[%dma_start3A_86, %dma_start3A_87] : memref<128x16xf32, #tpu.memory_space<vmem>> -> memref<128x16xf32, #tpu.memory_space<vmem>>
      tpu.enqueue_dma source(%dma_start3A_88 : memref<128x16xf32, #tpu.memory_space<vmem>>) target(%dma_start3A_85 : memref<128x16xf32, #tpu.memory_space<hbm>>) target_semaphore(%run_scoped3A : memref<!tpu.dma_semaphore, #tpu.memory_space<semaphore_mem>>)
      %dma_wait3A = arith.constant 0 : i32
      %dma_wait3A_89 = arith.constant 0 : i32
      %dma_wait3A_90 = tpu.memref_slice %arg14[%dma_wait3A, %dma_wait3A_89] : memref<128x16xf32, #tpu.memory_space<vmem>> -> memref<128x16xf32, #tpu.memory_space<vmem>>
      %dma_wait3A_91 = arith.constant 0 : i32
      %dma_wait3A_92 = tpu.memref_slice %arg8[%arg0, %add3A_61, %dma_wait3A_91] : memref<2x10112x16xf32, #tpu.memory_space<hbm>> -> memref<1x128x16xf32, #tpu.memory_space<hbm>>
      %dma_wait3A_93 = tpu.memref_squeeze %dma_wait3A_92 : memref<1x128x16xf32, #tpu.memory_space<hbm>> -> memref<128x16xf32, #tpu.memory_space<hbm>>
      %dma_wait3A_94 = arith.constant 0 : i32
      %dma_wait3A_95 = tpu.memref_slice %arg8[%arg0, %add3A_61, %dma_wait3A_94] : memref<2x10112x16xf32, #tpu.memory_space<hbm>> -> memref<1x128x16xf32, #tpu.memory_space<hbm>>
      %dma_wait3A_96 = tpu.memref_squeeze %dma_wait3A_95 : memref<1x128x16xf32, #tpu.memory_space<hbm>> -> memref<128x16xf32, #tpu.memory_space<hbm>>
      %dma_wait3A_97 = arith.constant 0 : i32
      %dma_wait3A_98 = arith.constant 0 : i32
      %dma_wait3A_99 = tpu.memref_slice %arg14[%dma_wait3A_97, %dma_wait3A_98] : memref<128x16xf32, #tpu.memory_space<vmem>> -> memref<128x16xf32, #tpu.memory_space<vmem>>
      tpu.wait_dma2 semaphore(%run_scoped3A : memref<!tpu.dma_semaphore, #tpu.memory_space<semaphore_mem>>) src(%dma_wait3A_99 : memref<128x16xf32, #tpu.memory_space<vmem>>) dst(%dma_wait3A_96 : memref<128x16xf32, #tpu.memory_space<hbm>>)
      tpu.yield
    }) : () -> ()
    %add3A_62 = arith.constant 384 : i32
    %add3A_63 = arith.addi %mul3A_2, %add3A_62 : i32
    "tpu.region"() ({
      %run_scoped3A = tpu.sem_alloc : memref<!tpu.dma_semaphore, #tpu.memory_space<semaphore_mem>>
      %dma_start3A = arith.constant 0 : i32
      %dma_start3A_78 = arith.constant 0 : i32
      %dma_start3A_79 = tpu.memref_slice %arg11[%dma_start3A, %dma_start3A_78] : memref<128x128xf32, #tpu.memory_space<vmem>> -> memref<128x128xf32, #tpu.memory_space<vmem>>
      %dma_start3A_80 = arith.constant 0 : i32
      %dma_start3A_81 = tpu.memref_slice %arg15[%add3A_63, %dma_start3A_80] : memref<10112x128xf32, #tpu.memory_space<vmem_shared>> -> memref<128x128xf32, #tpu.memory_space<vmem_shared>>
      %dma_start3A_82 = arith.constant 0 : i32
      %dma_start3A_83 = arith.constant 0 : i32
      %dma_start3A_84 = tpu.memref_slice %arg11[%dma_start3A_82, %dma_start3A_83] : memref<128x128xf32, #tpu.memory_space<vmem>> -> memref<128x128xf32, #tpu.memory_space<vmem>>
      %dma_start3A_85 = arith.constant 0 : i32
      %dma_start3A_86 = tpu.memref_slice %arg15[%add3A_63, %dma_start3A_85] : memref<10112x128xf32, #tpu.memory_space<vmem_shared>> -> memref<128x128xf32, #tpu.memory_space<vmem_shared>>
      tpu.enqueue_dma source(%dma_start3A_86 : memref<128x128xf32, #tpu.memory_space<vmem_shared>>) target(%dma_start3A_84 : memref<128x128xf32, #tpu.memory_space<vmem>>) target_semaphore(%run_scoped3A : memref<!tpu.dma_semaphore, #tpu.memory_space<semaphore_mem>>)
      %dma_wait3A = arith.constant 0 : i32
      %dma_wait3A_87 = arith.constant 0 : i32
      %dma_wait3A_88 = tpu.memref_slice %arg11[%dma_wait3A, %dma_wait3A_87] : memref<128x128xf32, #tpu.memory_space<vmem>> -> memref<128x128xf32, #tpu.memory_space<vmem>>
      %dma_wait3A_89 = arith.constant 0 : i32
      %dma_wait3A_90 = tpu.memref_slice %arg15[%add3A_63, %dma_wait3A_89] : memref<10112x128xf32, #tpu.memory_space<vmem_shared>> -> memref<128x128xf32, #tpu.memory_space<vmem_shared>>
      %dma_wait3A_91 = arith.constant 0 : i32
      %dma_wait3A_92 = arith.constant 0 : i32
      %dma_wait3A_93 = tpu.memref_slice %arg11[%dma_wait3A_91, %dma_wait3A_92] : memref<128x128xf32, #tpu.memory_space<vmem>> -> memref<128x128xf32, #tpu.memory_space<vmem>>
      %dma_wait3A_94 = arith.constant 0 : i32
      %dma_wait3A_95 = tpu.memref_slice %arg15[%add3A_63, %dma_wait3A_94] : memref<10112x128xf32, #tpu.memory_space<vmem_shared>> -> memref<128x128xf32, #tpu.memory_space<vmem_shared>>
      tpu.wait_dma2 semaphore(%run_scoped3A : memref<!tpu.dma_semaphore, #tpu.memory_space<semaphore_mem>>) src(%dma_wait3A_95 : memref<128x128xf32, #tpu.memory_space<vmem_shared>>) dst(%dma_wait3A_93 : memref<128x128xf32, #tpu.memory_space<vmem>>)
      tpu.yield
    }) : () -> ()
    %add3A_64 = arith.constant 384 : i32
    %add3A_65 = arith.addi %mul3A_2, %add3A_64 : i32
    "tpu.region"() ({
      %run_scoped3A = tpu.sem_alloc : memref<!tpu.dma_semaphore, #tpu.memory_space<semaphore_mem>>
      %dma_start3A = arith.constant 0 : i32
      %dma_start3A_78 = arith.constant 0 : i32
      %dma_start3A_79 = tpu.memref_slice %arg11[%dma_start3A, %dma_start3A_78] : memref<128x128xf32, #tpu.memory_space<vmem>> -> memref<128x128xf32, #tpu.memory_space<vmem>>
      %dma_start3A_80 = arith.constant 0 : i32
      %dma_start3A_81 = tpu.memref_slice %arg7[%arg0, %add3A_65, %dma_start3A_80] : memref<2x10112x128xf32, #tpu.memory_space<hbm>> -> memref<1x128x128xf32, #tpu.memory_space<hbm>>
      %dma_start3A_82 = tpu.memref_squeeze %dma_start3A_81 : memref<1x128x128xf32, #tpu.memory_space<hbm>> -> memref<128x128xf32, #tpu.memory_space<hbm>>
      %dma_start3A_83 = arith.constant 0 : i32
      %dma_start3A_84 = tpu.memref_slice %arg7[%arg0, %add3A_65, %dma_start3A_83] : memref<2x10112x128xf32, #tpu.memory_space<hbm>> -> memref<1x128x128xf32, #tpu.memory_space<hbm>>
      %dma_start3A_85 = tpu.memref_squeeze %dma_start3A_84 : memref<1x128x128xf32, #tpu.memory_space<hbm>> -> memref<128x128xf32, #tpu.memory_space<hbm>>
      %dma_start3A_86 = arith.constant 0 : i32
      %dma_start3A_87 = arith.constant 0 : i32
      %dma_start3A_88 = tpu.memref_slice %arg11[%dma_start3A_86, %dma_start3A_87] : memref<128x128xf32, #tpu.memory_space<vmem>> -> memref<128x128xf32, #tpu.memory_space<vmem>>
      tpu.enqueue_dma source(%dma_start3A_88 : memref<128x128xf32, #tpu.memory_space<vmem>>) target(%dma_start3A_85 : memref<128x128xf32, #tpu.memory_space<hbm>>) target_semaphore(%run_scoped3A : memref<!tpu.dma_semaphore, #tpu.memory_space<semaphore_mem>>)
      %dma_wait3A = arith.constant 0 : i32
      %dma_wait3A_89 = arith.constant 0 : i32
      %dma_wait3A_90 = tpu.memref_slice %arg11[%dma_wait3A, %dma_wait3A_89] : memref<128x128xf32, #tpu.memory_space<vmem>> -> memref<128x128xf32, #tpu.memory_space<vmem>>
      %dma_wait3A_91 = arith.constant 0 : i32
      %dma_wait3A_92 = tpu.memref_slice %arg7[%arg0, %add3A_65, %dma_wait3A_91] : memref<2x10112x128xf32, #tpu.memory_space<hbm>> -> memref<1x128x128xf32, #tpu.memory_space<hbm>>
      %dma_wait3A_93 = tpu.memref_squeeze %dma_wait3A_92 : memref<1x128x128xf32, #tpu.memory_space<hbm>> -> memref<128x128xf32, #tpu.memory_space<hbm>>
      %dma_wait3A_94 = arith.constant 0 : i32
      %dma_wait3A_95 = tpu.memref_slice %arg7[%arg0, %add3A_65, %dma_wait3A_94] : memref<2x10112x128xf32, #tpu.memory_space<hbm>> -> memref<1x128x128xf32, #tpu.memory_space<hbm>>
      %dma_wait3A_96 = tpu.memref_squeeze %dma_wait3A_95 : memref<1x128x128xf32, #tpu.memory_space<hbm>> -> memref<128x128xf32, #tpu.memory_space<hbm>>
      %dma_wait3A_97 = arith.constant 0 : i32
      %dma_wait3A_98 = arith.constant 0 : i32
      %dma_wait3A_99 = tpu.memref_slice %arg11[%dma_wait3A_97, %dma_wait3A_98] : memref<128x128xf32, #tpu.memory_space<vmem>> -> memref<128x128xf32, #tpu.memory_space<vmem>>
      tpu.wait_dma2 semaphore(%run_scoped3A : memref<!tpu.dma_semaphore, #tpu.memory_space<semaphore_mem>>) src(%dma_wait3A_99 : memref<128x128xf32, #tpu.memory_space<vmem>>) dst(%dma_wait3A_96 : memref<128x128xf32, #tpu.memory_space<hbm>>)
      tpu.yield
    }) : () -> ()
    %add3A_66 = arith.constant 384 : i32
    %add3A_67 = arith.addi %mul3A_2, %add3A_66 : i32
    "tpu.region"() ({
      %run_scoped3A = tpu.sem_alloc : memref<!tpu.dma_semaphore, #tpu.memory_space<semaphore_mem>>
      %dma_start3A = arith.constant 0 : i32
      %dma_start3A_78 = arith.constant 0 : i32
      %dma_start3A_79 = tpu.memref_slice %arg14[%dma_start3A, %dma_start3A_78] : memref<128x16xf32, #tpu.memory_space<vmem>> -> memref<128x16xf32, #tpu.memory_space<vmem>>
      %dma_start3A_80 = arith.constant 0 : i32
      %dma_start3A_81 = tpu.memref_slice %arg16[%add3A_67, %dma_start3A_80] : memref<10112x16xf32, #tpu.memory_space<vmem_shared>> -> memref<128x16xf32, #tpu.memory_space<vmem_shared>>
      %dma_start3A_82 = arith.constant 0 : i32
      %dma_start3A_83 = arith.constant 0 : i32
      %dma_start3A_84 = tpu.memref_slice %arg14[%dma_start3A_82, %dma_start3A_83] : memref<128x16xf32, #tpu.memory_space<vmem>> -> memref<128x16xf32, #tpu.memory_space<vmem>>
      %dma_start3A_85 = arith.constant 0 : i32
      %dma_start3A_86 = tpu.memref_slice %arg16[%add3A_67, %dma_start3A_85] : memref<10112x16xf32, #tpu.memory_space<vmem_shared>> -> memref<128x16xf32, #tpu.memory_space<vmem_shared>>
      tpu.enqueue_dma source(%dma_start3A_86 : memref<128x16xf32, #tpu.memory_space<vmem_shared>>) target(%dma_start3A_84 : memref<128x16xf32, #tpu.memory_space<vmem>>) target_semaphore(%run_scoped3A : memref<!tpu.dma_semaphore, #tpu.memory_space<semaphore_mem>>)
      %dma_wait3A = arith.constant 0 : i32
      %dma_wait3A_87 = arith.constant 0 : i32
      %dma_wait3A_88 = tpu.memref_slice %arg14[%dma_wait3A, %dma_wait3A_87] : memref<128x16xf32, #tpu.memory_space<vmem>> -> memref<128x16xf32, #tpu.memory_space<vmem>>
      %dma_wait3A_89 = arith.constant 0 : i32
      %dma_wait3A_90 = tpu.memref_slice %arg16[%add3A_67, %dma_wait3A_89] : memref<10112x16xf32, #tpu.memory_space<vmem_shared>> -> memref<128x16xf32, #tpu.memory_space<vmem_shared>>
      %dma_wait3A_91 = arith.constant 0 : i32
      %dma_wait3A_92 = arith.constant 0 : i32
      %dma_wait3A_93 = tpu.memref_slice %arg14[%dma_wait3A_91, %dma_wait3A_92] : memref<128x16xf32, #tpu.memory_space<vmem>> -> memref<128x16xf32, #tpu.memory_space<vmem>>
      %dma_wait3A_94 = arith.constant 0 : i32
      %dma_wait3A_95 = tpu.memref_slice %arg16[%add3A_67, %dma_wait3A_94] : memref<10112x16xf32, #tpu.memory_space<vmem_shared>> -> memref<128x16xf32, #tpu.memory_space<vmem_shared>>
      tpu.wait_dma2 semaphore(%run_scoped3A : memref<!tpu.dma_semaphore, #tpu.memory_space<semaphore_mem>>) src(%dma_wait3A_95 : memref<128x16xf32, #tpu.memory_space<vmem_shared>>) dst(%dma_wait3A_93 : memref<128x16xf32, #tpu.memory_space<vmem>>)
      tpu.yield
    }) : () -> ()
    %add3A_68 = arith.constant 384 : i32
    %add3A_69 = arith.addi %mul3A_2, %add3A_68 : i32
    "tpu.region"() ({
      %run_scoped3A = tpu.sem_alloc : memref<!tpu.dma_semaphore, #tpu.memory_space<semaphore_mem>>
      %dma_start3A = arith.constant 0 : i32
      %dma_start3A_78 = arith.constant 0 : i32
      %dma_start3A_79 = tpu.memref_slice %arg14[%dma_start3A, %dma_start3A_78] : memref<128x16xf32, #tpu.memory_space<vmem>> -> memref<128x16xf32, #tpu.memory_space<vmem>>
      %dma_start3A_80 = arith.constant 0 : i32
      %dma_start3A_81 = tpu.memref_slice %arg8[%arg0, %add3A_69, %dma_start3A_80] : memref<2x10112x16xf32, #tpu.memory_space<hbm>> -> memref<1x128x16xf32, #tpu.memory_space<hbm>>
      %dma_start3A_82 = tpu.memref_squeeze %dma_start3A_81 : memref<1x128x16xf32, #tpu.memory_space<hbm>> -> memref<128x16xf32, #tpu.memory_space<hbm>>
      %dma_start3A_83 = arith.constant 0 : i32
      %dma_start3A_84 = tpu.memref_slice %arg8[%arg0, %add3A_69, %dma_start3A_83] : memref<2x10112x16xf32, #tpu.memory_space<hbm>> -> memref<1x128x16xf32, #tpu.memory_space<hbm>>
      %dma_start3A_85 = tpu.memref_squeeze %dma_start3A_84 : memref<1x128x16xf32, #tpu.memory_space<hbm>> -> memref<128x16xf32, #tpu.memory_space<hbm>>
      %dma_start3A_86 = arith.constant 0 : i32
      %dma_start3A_87 = arith.constant 0 : i32
      %dma_start3A_88 = tpu.memref_slice %arg14[%dma_start3A_86, %dma_start3A_87] : memref<128x16xf32, #tpu.memory_space<vmem>> -> memref<128x16xf32, #tpu.memory_space<vmem>>
      tpu.enqueue_dma source(%dma_start3A_88 : memref<128x16xf32, #tpu.memory_space<vmem>>) target(%dma_start3A_85 : memref<128x16xf32, #tpu.memory_space<hbm>>) target_semaphore(%run_scoped3A : memref<!tpu.dma_semaphore, #tpu.memory_space<semaphore_mem>>)
      %dma_wait3A = arith.constant 0 : i32
      %dma_wait3A_89 = arith.constant 0 : i32
      %dma_wait3A_90 = tpu.memref_slice %arg14[%dma_wait3A, %dma_wait3A_89] : memref<128x16xf32, #tpu.memory_space<vmem>> -> memref<128x16xf32, #tpu.memory_space<vmem>>
      %dma_wait3A_91 = arith.constant 0 : i32
      %dma_wait3A_92 = tpu.memref_slice %arg8[%arg0, %add3A_69, %dma_wait3A_91] : memref<2x10112x16xf32, #tpu.memory_space<hbm>> -> memref<1x128x16xf32, #tpu.memory_space<hbm>>
      %dma_wait3A_93 = tpu.memref_squeeze %dma_wait3A_92 : memref<1x128x16xf32, #tpu.memory_space<hbm>> -> memref<128x16xf32, #tpu.memory_space<hbm>>
      %dma_wait3A_94 = arith.constant 0 : i32
      %dma_wait3A_95 = tpu.memref_slice %arg8[%arg0, %add3A_69, %dma_wait3A_94] : memref<2x10112x16xf32, #tpu.memory_space<hbm>> -> memref<1x128x16xf32, #tpu.memory_space<hbm>>
      %dma_wait3A_96 = tpu.memref_squeeze %dma_wait3A_95 : memref<1x128x16xf32, #tpu.memory_space<hbm>> -> memref<128x16xf32, #tpu.memory_space<hbm>>
      %dma_wait3A_97 = arith.constant 0 : i32
      %dma_wait3A_98 = arith.constant 0 : i32
      %dma_wait3A_99 = tpu.memref_slice %arg14[%dma_wait3A_97, %dma_wait3A_98] : memref<128x16xf32, #tpu.memory_space<vmem>> -> memref<128x16xf32, #tpu.memory_space<vmem>>
      tpu.wait_dma2 semaphore(%run_scoped3A : memref<!tpu.dma_semaphore, #tpu.memory_space<semaphore_mem>>) src(%dma_wait3A_99 : memref<128x16xf32, #tpu.memory_space<vmem>>) dst(%dma_wait3A_96 : memref<128x16xf32, #tpu.memory_space<hbm>>)
      tpu.yield
    }) : () -> ()
    %add3A_70 = arith.constant 512 : i32
    %add3A_71 = arith.addi %mul3A_2, %add3A_70 : i32
    "tpu.region"() ({
      %run_scoped3A = tpu.sem_alloc : memref<!tpu.dma_semaphore, #tpu.memory_space<semaphore_mem>>
      %dma_start3A = arith.constant 0 : i32
      %dma_start3A_78 = arith.constant 0 : i32
      %dma_start3A_79 = tpu.memref_slice %arg11[%dma_start3A, %dma_start3A_78] : memref<128x128xf32, #tpu.memory_space<vmem>> -> memref<120x128xf32, #tpu.memory_space<vmem>>
      %dma_start3A_80 = arith.constant 0 : i32
      %dma_start3A_81 = tpu.memref_slice %arg15[%add3A_71, %dma_start3A_80] : memref<10112x128xf32, #tpu.memory_space<vmem_shared>> -> memref<120x128xf32, #tpu.memory_space<vmem_shared>>
      %dma_start3A_82 = arith.constant 0 : i32
      %dma_start3A_83 = arith.constant 0 : i32
      %dma_start3A_84 = tpu.memref_slice %arg11[%dma_start3A_82, %dma_start3A_83] : memref<128x128xf32, #tpu.memory_space<vmem>> -> memref<120x128xf32, #tpu.memory_space<vmem>>
      %dma_start3A_85 = arith.constant 0 : i32
      %dma_start3A_86 = tpu.memref_slice %arg15[%add3A_71, %dma_start3A_85] : memref<10112x128xf32, #tpu.memory_space<vmem_shared>> -> memref<120x128xf32, #tpu.memory_space<vmem_shared>>
      tpu.enqueue_dma source(%dma_start3A_86 : memref<120x128xf32, #tpu.memory_space<vmem_shared>>) target(%dma_start3A_84 : memref<120x128xf32, #tpu.memory_space<vmem>>) target_semaphore(%run_scoped3A : memref<!tpu.dma_semaphore, #tpu.memory_space<semaphore_mem>>)
      %dma_wait3A = arith.constant 0 : i32
      %dma_wait3A_87 = arith.constant 0 : i32
      %dma_wait3A_88 = tpu.memref_slice %arg11[%dma_wait3A, %dma_wait3A_87] : memref<128x128xf32, #tpu.memory_space<vmem>> -> memref<120x128xf32, #tpu.memory_space<vmem>>
      %dma_wait3A_89 = arith.constant 0 : i32
      %dma_wait3A_90 = tpu.memref_slice %arg15[%add3A_71, %dma_wait3A_89] : memref<10112x128xf32, #tpu.memory_space<vmem_shared>> -> memref<120x128xf32, #tpu.memory_space<vmem_shared>>
      %dma_wait3A_91 = arith.constant 0 : i32
      %dma_wait3A_92 = arith.constant 0 : i32
      %dma_wait3A_93 = tpu.memref_slice %arg11[%dma_wait3A_91, %dma_wait3A_92] : memref<128x128xf32, #tpu.memory_space<vmem>> -> memref<120x128xf32, #tpu.memory_space<vmem>>
      %dma_wait3A_94 = arith.constant 0 : i32
      %dma_wait3A_95 = tpu.memref_slice %arg15[%add3A_71, %dma_wait3A_94] : memref<10112x128xf32, #tpu.memory_space<vmem_shared>> -> memref<120x128xf32, #tpu.memory_space<vmem_shared>>
      tpu.wait_dma2 semaphore(%run_scoped3A : memref<!tpu.dma_semaphore, #tpu.memory_space<semaphore_mem>>) src(%dma_wait3A_95 : memref<120x128xf32, #tpu.memory_space<vmem_shared>>) dst(%dma_wait3A_93 : memref<120x128xf32, #tpu.memory_space<vmem>>)
      tpu.yield
    }) : () -> ()
    %add3A_72 = arith.constant 512 : i32
    %add3A_73 = arith.addi %mul3A_2, %add3A_72 : i32
    "tpu.region"() ({
      %run_scoped3A = tpu.sem_alloc : memref<!tpu.dma_semaphore, #tpu.memory_space<semaphore_mem>>
      %dma_start3A = arith.constant 0 : i32
      %dma_start3A_78 = arith.constant 0 : i32
      %dma_start3A_79 = tpu.memref_slice %arg11[%dma_start3A, %dma_start3A_78] : memref<128x128xf32, #tpu.memory_space<vmem>> -> memref<120x128xf32, #tpu.memory_space<vmem>>
      %dma_start3A_80 = arith.constant 0 : i32
      %dma_start3A_81 = tpu.memref_slice %arg7[%arg0, %add3A_73, %dma_start3A_80] : memref<2x10112x128xf32, #tpu.memory_space<hbm>> -> memref<1x120x128xf32, #tpu.memory_space<hbm>>
      %dma_start3A_82 = tpu.memref_squeeze %dma_start3A_81 : memref<1x120x128xf32, #tpu.memory_space<hbm>> -> memref<120x128xf32, #tpu.memory_space<hbm>>
      %dma_start3A_83 = arith.constant 0 : i32
      %dma_start3A_84 = tpu.memref_slice %arg7[%arg0, %add3A_73, %dma_start3A_83] : memref<2x10112x128xf32, #tpu.memory_space<hbm>> -> memref<1x120x128xf32, #tpu.memory_space<hbm>>
      %dma_start3A_85 = tpu.memref_squeeze %dma_start3A_84 : memref<1x120x128xf32, #tpu.memory_space<hbm>> -> memref<120x128xf32, #tpu.memory_space<hbm>>
      %dma_start3A_86 = arith.constant 0 : i32
      %dma_start3A_87 = arith.constant 0 : i32
      %dma_start3A_88 = tpu.memref_slice %arg11[%dma_start3A_86, %dma_start3A_87] : memref<128x128xf32, #tpu.memory_space<vmem>> -> memref<120x128xf32, #tpu.memory_space<vmem>>
      tpu.enqueue_dma source(%dma_start3A_88 : memref<120x128xf32, #tpu.memory_space<vmem>>) target(%dma_start3A_85 : memref<120x128xf32, #tpu.memory_space<hbm>>) target_semaphore(%run_scoped3A : memref<!tpu.dma_semaphore, #tpu.memory_space<semaphore_mem>>)
      %dma_wait3A = arith.constant 0 : i32
      %dma_wait3A_89 = arith.constant 0 : i32
      %dma_wait3A_90 = tpu.memref_slice %arg11[%dma_wait3A, %dma_wait3A_89] : memref<128x128xf32, #tpu.memory_space<vmem>> -> memref<120x128xf32, #tpu.memory_space<vmem>>
      %dma_wait3A_91 = arith.constant 0 : i32
      %dma_wait3A_92 = tpu.memref_slice %arg7[%arg0, %add3A_73, %dma_wait3A_91] : memref<2x10112x128xf32, #tpu.memory_space<hbm>> -> memref<1x120x128xf32, #tpu.memory_space<hbm>>
      %dma_wait3A_93 = tpu.memref_squeeze %dma_wait3A_92 : memref<1x120x128xf32, #tpu.memory_space<hbm>> -> memref<120x128xf32, #tpu.memory_space<hbm>>
      %dma_wait3A_94 = arith.constant 0 : i32
      %dma_wait3A_95 = tpu.memref_slice %arg7[%arg0, %add3A_73, %dma_wait3A_94] : memref<2x10112x128xf32, #tpu.memory_space<hbm>> -> memref<1x120x128xf32, #tpu.memory_space<hbm>>
      %dma_wait3A_96 = tpu.memref_squeeze %dma_wait3A_95 : memref<1x120x128xf32, #tpu.memory_space<hbm>> -> memref<120x128xf32, #tpu.memory_space<hbm>>
      %dma_wait3A_97 = arith.constant 0 : i32
      %dma_wait3A_98 = arith.constant 0 : i32
      %dma_wait3A_99 = tpu.memref_slice %arg11[%dma_wait3A_97, %dma_wait3A_98] : memref<128x128xf32, #tpu.memory_space<vmem>> -> memref<120x128xf32, #tpu.memory_space<vmem>>
      tpu.wait_dma2 semaphore(%run_scoped3A : memref<!tpu.dma_semaphore, #tpu.memory_space<semaphore_mem>>) src(%dma_wait3A_99 : memref<120x128xf32, #tpu.memory_space<vmem>>) dst(%dma_wait3A_96 : memref<120x128xf32, #tpu.memory_space<hbm>>)
      tpu.yield
    }) : () -> ()
    %add3A_74 = arith.constant 512 : i32
    %add3A_75 = arith.addi %mul3A_2, %add3A_74 : i32
    "tpu.region"() ({
      %run_scoped3A = tpu.sem_alloc : memref<!tpu.dma_semaphore, #tpu.memory_space<semaphore_mem>>
      %dma_start3A = arith.constant 0 : i32
      %dma_start3A_78 = arith.constant 0 : i32
      %dma_start3A_79 = tpu.memref_slice %arg14[%dma_start3A, %dma_start3A_78] : memref<128x16xf32, #tpu.memory_space<vmem>> -> memref<120x16xf32, #tpu.memory_space<vmem>>
      %dma_start3A_80 = arith.constant 0 : i32
      %dma_start3A_81 = tpu.memref_slice %arg16[%add3A_75, %dma_start3A_80] : memref<10112x16xf32, #tpu.memory_space<vmem_shared>> -> memref<120x16xf32, #tpu.memory_space<vmem_shared>>
      %dma_start3A_82 = arith.constant 0 : i32
      %dma_start3A_83 = arith.constant 0 : i32
      %dma_start3A_84 = tpu.memref_slice %arg14[%dma_start3A_82, %dma_start3A_83] : memref<128x16xf32, #tpu.memory_space<vmem>> -> memref<120x16xf32, #tpu.memory_space<vmem>>
      %dma_start3A_85 = arith.constant 0 : i32
      %dma_start3A_86 = tpu.memref_slice %arg16[%add3A_75, %dma_start3A_85] : memref<10112x16xf32, #tpu.memory_space<vmem_shared>> -> memref<120x16xf32, #tpu.memory_space<vmem_shared>>
      tpu.enqueue_dma source(%dma_start3A_86 : memref<120x16xf32, #tpu.memory_space<vmem_shared>>) target(%dma_start3A_84 : memref<120x16xf32, #tpu.memory_space<vmem>>) target_semaphore(%run_scoped3A : memref<!tpu.dma_semaphore, #tpu.memory_space<semaphore_mem>>)
      %dma_wait3A = arith.constant 0 : i32
      %dma_wait3A_87 = arith.constant 0 : i32
      %dma_wait3A_88 = tpu.memref_slice %arg14[%dma_wait3A, %dma_wait3A_87] : memref<128x16xf32, #tpu.memory_space<vmem>> -> memref<120x16xf32, #tpu.memory_space<vmem>>
      %dma_wait3A_89 = arith.constant 0 : i32
      %dma_wait3A_90 = tpu.memref_slice %arg16[%add3A_75, %dma_wait3A_89] : memref<10112x16xf32, #tpu.memory_space<vmem_shared>> -> memref<120x16xf32, #tpu.memory_space<vmem_shared>>
      %dma_wait3A_91 = arith.constant 0 : i32
      %dma_wait3A_92 = arith.constant 0 : i32
      %dma_wait3A_93 = tpu.memref_slice %arg14[%dma_wait3A_91, %dma_wait3A_92] : memref<128x16xf32, #tpu.memory_space<vmem>> -> memref<120x16xf32, #tpu.memory_space<vmem>>
      %dma_wait3A_94 = arith.constant 0 : i32
      %dma_wait3A_95 = tpu.memref_slice %arg16[%add3A_75, %dma_wait3A_94] : memref<10112x16xf32, #tpu.memory_space<vmem_shared>> -> memref<120x16xf32, #tpu.memory_space<vmem_shared>>
      tpu.wait_dma2 semaphore(%run_scoped3A : memref<!tpu.dma_semaphore, #tpu.memory_space<semaphore_mem>>) src(%dma_wait3A_95 : memref<120x16xf32, #tpu.memory_space<vmem_shared>>) dst(%dma_wait3A_93 : memref<120x16xf32, #tpu.memory_space<vmem>>)
      tpu.yield
    }) : () -> ()
    %add3A_76 = arith.constant 512 : i32
    %add3A_77 = arith.addi %mul3A_2, %add3A_76 : i32
    "tpu.region"() ({
      %run_scoped3A = tpu.sem_alloc : memref<!tpu.dma_semaphore, #tpu.memory_space<semaphore_mem>>
      %dma_start3A = arith.constant 0 : i32
      %dma_start3A_78 = arith.constant 0 : i32
      %dma_start3A_79 = tpu.memref_slice %arg14[%dma_start3A, %dma_start3A_78] : memref<128x16xf32, #tpu.memory_space<vmem>> -> memref<120x16xf32, #tpu.memory_space<vmem>>
      %dma_start3A_80 = arith.constant 0 : i32
      %dma_start3A_81 = tpu.memref_slice %arg8[%arg0, %add3A_77, %dma_start3A_80] : memref<2x10112x16xf32, #tpu.memory_space<hbm>> -> memref<1x120x16xf32, #tpu.memory_space<hbm>>
      %dma_start3A_82 = tpu.memref_squeeze %dma_start3A_81 : memref<1x120x16xf32, #tpu.memory_space<hbm>> -> memref<120x16xf32, #tpu.memory_space<hbm>>
      %dma_start3A_83 = arith.constant 0 : i32
      %dma_start3A_84 = tpu.memref_slice %arg8[%arg0, %add3A_77, %dma_start3A_83] : memref<2x10112x16xf32, #tpu.memory_space<hbm>> -> memref<1x120x16xf32, #tpu.memory_space<hbm>>
      %dma_start3A_85 = tpu.memref_squeeze %dma_start3A_84 : memref<1x120x16xf32, #tpu.memory_space<hbm>> -> memref<120x16xf32, #tpu.memory_space<hbm>>
      %dma_start3A_86 = arith.constant 0 : i32
      %dma_start3A_87 = arith.constant 0 : i32
      %dma_start3A_88 = tpu.memref_slice %arg14[%dma_start3A_86, %dma_start3A_87] : memref<128x16xf32, #tpu.memory_space<vmem>> -> memref<120x16xf32, #tpu.memory_space<vmem>>
      tpu.enqueue_dma source(%dma_start3A_88 : memref<120x16xf32, #tpu.memory_space<vmem>>) target(%dma_start3A_85 : memref<120x16xf32, #tpu.memory_space<hbm>>) target_semaphore(%run_scoped3A : memref<!tpu.dma_semaphore, #tpu.memory_space<semaphore_mem>>)
      %dma_wait3A = arith.constant 0 : i32
      %dma_wait3A_89 = arith.constant 0 : i32
      %dma_wait3A_90 = tpu.memref_slice %arg14[%dma_wait3A, %dma_wait3A_89] : memref<128x16xf32, #tpu.memory_space<vmem>> -> memref<120x16xf32, #tpu.memory_space<vmem>>
      %dma_wait3A_91 = arith.constant 0 : i32
      %dma_wait3A_92 = tpu.memref_slice %arg8[%arg0, %add3A_77, %dma_wait3A_91] : memref<2x10112x16xf32, #tpu.memory_space<hbm>> -> memref<1x120x16xf32, #tpu.memory_space<hbm>>
      %dma_wait3A_93 = tpu.memref_squeeze %dma_wait3A_92 : memref<1x120x16xf32, #tpu.memory_space<hbm>> -> memref<120x16xf32, #tpu.memory_space<hbm>>
      %dma_wait3A_94 = arith.constant 0 : i32
      %dma_wait3A_95 = tpu.memref_slice %arg8[%arg0, %add3A_77, %dma_wait3A_94] : memref<2x10112x16xf32, #tpu.memory_space<hbm>> -> memref<1x120x16xf32, #tpu.memory_space<hbm>>
      %dma_wait3A_96 = tpu.memref_squeeze %dma_wait3A_95 : memref<1x120x16xf32, #tpu.memory_space<hbm>> -> memref<120x16xf32, #tpu.memory_space<hbm>>
      %dma_wait3A_97 = arith.constant 0 : i32
      %dma_wait3A_98 = arith.constant 0 : i32
      %dma_wait3A_99 = tpu.memref_slice %arg14[%dma_wait3A_97, %dma_wait3A_98] : memref<128x16xf32, #tpu.memory_space<vmem>> -> memref<120x16xf32, #tpu.memory_space<vmem>>
      tpu.wait_dma2 semaphore(%run_scoped3A : memref<!tpu.dma_semaphore, #tpu.memory_space<semaphore_mem>>) src(%dma_wait3A_99 : memref<120x16xf32, #tpu.memory_space<vmem>>) dst(%dma_wait3A_96 : memref<120x16xf32, #tpu.memory_space<hbm>>)
      tpu.yield
    }) : () -> ()
    return
  }
}

#map = affine_map<(d0, d1) -> (0)>
#map1 = affine_map<(d0, d1) -> (0, 0)>
#map2 = affine_map<(d0, d1) -> (0, 0, 0)>
module attributes {stable_mosaic.version = 14 : i64} {
  func.func @sc_edge(%arg0: i32, %arg1: i32, %arg2: memref<323584xi32, #tpu.memory_space<hbm>>, %arg3: memref<323584xi32, #tpu.memory_space<hbm>>, %arg4: memref<10000x16xf32, #tpu.memory_space<hbm>>, %arg5: memref<10000x16xf32, #tpu.memory_space<hbm>>, %arg6: memref<10000x128xf32, #tpu.memory_space<hbm>>, %arg7: memref<2x10112x128xf32, #tpu.memory_space<hbm>>, %arg8: memref<2x10112x16xf32, #tpu.memory_space<hbm>>, %arg9: memref<128xi32, #tpu.memory_space<vmem>>, %arg10: memref<128xi32, #tpu.memory_space<vmem>>, %arg11: memref<128x128xf32, #tpu.memory_space<vmem>>, %arg12: memref<128x16xf32, #tpu.memory_space<vmem>>, %arg13: memref<128x16xf32, #tpu.memory_space<vmem>>, %arg14: memref<128x16xf32, #tpu.memory_space<vmem>>, %arg15: memref<10112x128xf32, #tpu.memory_space<vmem_shared>>, %arg16: memref<10112x16xf32, #tpu.memory_space<vmem_shared>>, %arg17: memref<!tpu.dma_semaphore, #tpu.memory_space<semaphore_mem>>) attributes {dimension_semantics = [#tpu.dimension_semantics<core_parallel>, #tpu.dimension_semantics<subcore_parallel>], iteration_bounds = array<i64: 2, 16>, scalar_prefetch = 0 : i64, scratch_operands = 9 : i64, tpu.core_type = #tpu.core_type<sc_vector_subcore>, window_params = [{transform_indices = #map}, {transform_indices = #map}, {transform_indices = #map1}, {transform_indices = #map1}, {transform_indices = #map1}, {transform_indices = #map2}, {transform_indices = #map2}]} {
    %mul3A = arith.constant 16 : i32
    %mul3A_0 = arith.muli %arg0, %mul3A : i32
    %add3A = arith.addi %mul3A_0, %arg1 : i32
    %mul3A_1 = arith.constant 632 : i32
    %mul3A_2 = arith.muli %arg1, %mul3A_1 : i32
    %broadcast_in_dim3A = arith.constant 0.000000e+00 : f32
    %broadcast_in_dim3A_3 = vector.broadcast %broadcast_in_dim3A : f32 to vector<16xf32>
    %scan3A = arith.constant 0 : i32
    %scan3A_4 = arith.constant 0 : i32
    %scan3A_5 = arith.constant 128 : i32
    %scan3A_6 = arith.addi %scan3A_4, %scan3A_5 : i32
    %scan3A_7 = arith.constant 1 : i32
    scf.for %scan3A_78 = %scan3A_4 to %scan3A_6 step %scan3A_7  : i32 {
      %swap3A = arith.index_cast %scan3A_78 : i32 to index
      %swap3A_79 = arith.constant 0 : index
      %swap3A_80 = tpu.vector_load %arg11[%swap3A, %swap3A_79] {strides = array<i32>} : memref<128x128xf32, #tpu.memory_space<vmem>>, vector<16xf32>,
      tpu.vector_store %arg11[%swap3A, %swap3A_79], %broadcast_in_dim3A_3 {strides = array<i32>} : memref<128x128xf32, #tpu.memory_space<vmem>>, vector<16xf32>,
      %swap3A_81 = arith.index_cast %scan3A_78 : i32 to index
      %swap3A_82 = arith.constant 16 : index
      %swap3A_83 = tpu.vector_load %arg11[%swap3A_81, %swap3A_82] {strides = array<i32>} : memref<128x128xf32, #tpu.memory_space<vmem>>, vector<16xf32>,
      tpu.vector_store %arg11[%swap3A_81, %swap3A_82], %broadcast_in_dim3A_3 {strides = array<i32>} : memref<128x128xf32, #tpu.memory_space<vmem>>, vector<16xf32>,
      %swap3A_84 = arith.index_cast %scan3A_78 : i32 to index
      %swap3A_85 = arith.constant 32 : index
      %swap3A_86 = tpu.vector_load %arg11[%swap3A_84, %swap3A_85] {strides = array<i32>} : memref<128x128xf32, #tpu.memory_space<vmem>>, vector<16xf32>,
      tpu.vector_store %arg11[%swap3A_84, %swap3A_85], %broadcast_in_dim3A_3 {strides = array<i32>} : memref<128x128xf32, #tpu.memory_space<vmem>>, vector<16xf32>,
      %swap3A_87 = arith.index_cast %scan3A_78 : i32 to index
      %swap3A_88 = arith.constant 48 : index
      %swap3A_89 = tpu.vector_load %arg11[%swap3A_87, %swap3A_88] {strides = array<i32>} : memref<128x128xf32, #tpu.memory_space<vmem>>, vector<16xf32>,
      tpu.vector_store %arg11[%swap3A_87, %swap3A_88], %broadcast_in_dim3A_3 {strides = array<i32>} : memref<128x128xf32, #tpu.memory_space<vmem>>, vector<16xf32>,
      %swap3A_90 = arith.index_cast %scan3A_78 : i32 to index
      %swap3A_91 = arith.constant 64 : index
      %swap3A_92 = tpu.vector_load %arg11[%swap3A_90, %swap3A_91] {strides = array<i32>} : memref<128x128xf32, #tpu.memory_space<vmem>>, vector<16xf32>,
      tpu.vector_store %arg11[%swap3A_90, %swap3A_91], %broadcast_in_dim3A_3 {strides = array<i32>} : memref<128x128xf32, #tpu.memory_space<vmem>>, vector<16xf32>,
      %swap3A_93 = arith.index_cast %scan3A_78 : i32 to index
      %swap3A_94 = arith.constant 80 : index
      %swap3A_95 = tpu.vector_load %arg11[%swap3A_93, %swap3A_94] {strides = array<i32>} : memref<128x128xf32, #tpu.memory_space<vmem>>, vector<16xf32>,
      tpu.vector_store %arg11[%swap3A_93, %swap3A_94], %broadcast_in_dim3A_3 {strides = array<i32>} : memref<128x128xf32, #tpu.memory_space<vmem>>, vector<16xf32>,
      %swap3A_96 = arith.index_cast %scan3A_78 : i32 to index
      %swap3A_97 = arith.constant 96 : index
      %swap3A_98 = tpu.vector_load %arg11[%swap3A_96, %swap3A_97] {strides = array<i32>} : memref<128x128xf32, #tpu.memory_space<vmem>>, vector<16xf32>,
      tpu.vector_store %arg11[%swap3A_96, %swap3A_97], %broadcast_in_dim3A_3 {strides = array<i32>} : memref<128x128xf32, #tpu.memory_space<vmem>>, vector<16xf32>,
      %swap3A_99 = arith.index_cast %scan3A_78 : i32 to index
      %swap3A_100 = arith.constant 112 : index
      %swap3A_101 = tpu.vector_load %arg11[%swap3A_99, %swap3A_100] {strides = array<i32>} : memref<128x128xf32, #tpu.memory_space<vmem>>, vector<16xf32>,
      tpu.vector_store %arg11[%swap3A_99, %swap3A_100], %broadcast_in_dim3A_3 {strides = array<i32>} : memref<128x128xf32, #tpu.memory_space<vmem>>, vector<16xf32>,
      %swap3A_102 = arith.index_cast %scan3A_78 : i32 to index
      %swap3A_103 = arith.constant 0 : index
      %swap3A_104 = tpu.vector_load %arg14[%swap3A_102, %swap3A_103] {strides = array<i32>} : memref<128x16xf32, #tpu.memory_space<vmem>>, vector<16xf32>,
      tpu.vector_store %arg14[%swap3A_102, %swap3A_103], %broadcast_in_dim3A_3 {strides = array<i32>} : memref<128x16xf32, #tpu.memory_space<vmem>>, vector<16xf32>,
    }
    %scan3A_8 = arith.constant 128 : i32
    %add3A_9 = arith.constant 0 : i32
    %add3A_10 = arith.addi %mul3A_2, %add3A_9 : i32
    "tpu.region"() ({
      %run_scoped3A = tpu.sem_alloc : memref<!tpu.dma_semaphore, #tpu.memory_space<semaphore_mem>>
      %dma_start3A = arith.constant 0 : i32
      %dma_start3A_78 = arith.constant 0 : i32
      %dma_start3A_79 = tpu.memref_slice %arg11[%dma_start3A, %dma_start3A_78] : memref<128x128xf32, #tpu.memory_space<vmem>> -> memref<128x128xf32, #tpu.memory_space<vmem>>
      %dma_start3A_80 = arith.constant 0 : i32
      %dma_start3A_81 = tpu.memref_slice %arg15[%add3A_10, %dma_start3A_80] : memref<10112x128xf32, #tpu.memory_space<vmem_shared>> -> memref<128x128xf32, #tpu.memory_space<vmem_shared>>
      %dma_start3A_82 = arith.constant 0 : i32
      %dma_start3A_83 = tpu.memref_slice %arg15[%add3A_10, %dma_start3A_82] : memref<10112x128xf32, #tpu.memory_space<vmem_shared>> -> memref<128x128xf32, #tpu.memory_space<vmem_shared>>
      %dma_start3A_84 = arith.constant 0 : i32
      %dma_start3A_85 = arith.constant 0 : i32
      %dma_start3A_86 = tpu.memref_slice %arg11[%dma_start3A_84, %dma_start3A_85] : memref<128x128xf32, #tpu.memory_space<vmem>> -> memref<128x128xf32, #tpu.memory_space<vmem>>
      tpu.enqueue_dma source(%dma_start3A_86 : memref<128x128xf32, #tpu.memory_space<vmem>>) target(%dma_start3A_83 : memref<128x128xf32, #tpu.memory_space<vmem_shared>>) target_semaphore(%run_scoped3A : memref<!tpu.dma_semaphore, #tpu.memory_space<semaphore_mem>>)
      %dma_wait3A = arith.constant 0 : i32
      %dma_wait3A_87 = arith.constant 0 : i32
      %dma_wait3A_88 = tpu.memref_slice %arg11[%dma_wait3A, %dma_wait3A_87] : memref<128x128xf32, #tpu.memory_space<vmem>> -> memref<128x128xf32, #tpu.memory_space<vmem>>
      %dma_wait3A_89 = arith.constant 0 : i32
      %dma_wait3A_90 = tpu.memref_slice %arg15[%add3A_10, %dma_wait3A_89] : memref<10112x128xf32, #tpu.memory_space<vmem_shared>> -> memref<128x128xf32, #tpu.memory_space<vmem_shared>>
      %dma_wait3A_91 = arith.constant 0 : i32
      %dma_wait3A_92 = tpu.memref_slice %arg15[%add3A_10, %dma_wait3A_91] : memref<10112x128xf32, #tpu.memory_space<vmem_shared>> -> memref<128x128xf32, #tpu.memory_space<vmem_shared>>
      %dma_wait3A_93 = arith.constant 0 : i32
      %dma_wait3A_94 = arith.constant 0 : i32
      %dma_wait3A_95 = tpu.memref_slice %arg11[%dma_wait3A_93, %dma_wait3A_94] : memref<128x128xf32, #tpu.memory_space<vmem>> -> memref<128x128xf32, #tpu.memory_space<vmem>>
      tpu.wait_dma2 semaphore(%run_scoped3A : memref<!tpu.dma_semaphore, #tpu.memory_space<semaphore_mem>>) src(%dma_wait3A_95 : memref<128x128xf32, #tpu.memory_space<vmem>>) dst(%dma_wait3A_92 : memref<128x128xf32, #tpu.memory_space<vmem_shared>>)
      tpu.yield
    }) : () -> ()
    %add3A_11 = arith.constant 0 : i32
    %add3A_12 = arith.addi %mul3A_2, %add3A_11 : i32
    "tpu.region"() ({
      %run_scoped3A = tpu.sem_alloc : memref<!tpu.dma_semaphore, #tpu.memory_space<semaphore_mem>>
      %dma_start3A = arith.constant 0 : i32
      %dma_start3A_78 = arith.constant 0 : i32
      %dma_start3A_79 = tpu.memref_slice %arg14[%dma_start3A, %dma_start3A_78] : memref<128x16xf32, #tpu.memory_space<vmem>> -> memref<128x16xf32, #tpu.memory_space<vmem>>
      %dma_start3A_80 = arith.constant 0 : i32
      %dma_start3A_81 = tpu.memref_slice %arg16[%add3A_12, %dma_start3A_80] : memref<10112x16xf32, #tpu.memory_space<vmem_shared>> -> memref<128x16xf32, #tpu.memory_space<vmem_shared>>
      %dma_start3A_82 = arith.constant 0 : i32
      %dma_start3A_83 = tpu.memref_slice %arg16[%add3A_12, %dma_start3A_82] : memref<10112x16xf32, #tpu.memory_space<vmem_shared>> -> memref<128x16xf32, #tpu.memory_space<vmem_shared>>
      %dma_start3A_84 = arith.constant 0 : i32
      %dma_start3A_85 = arith.constant 0 : i32
      %dma_start3A_86 = tpu.memref_slice %arg14[%dma_start3A_84, %dma_start3A_85] : memref<128x16xf32, #tpu.memory_space<vmem>> -> memref<128x16xf32, #tpu.memory_space<vmem>>
      tpu.enqueue_dma source(%dma_start3A_86 : memref<128x16xf32, #tpu.memory_space<vmem>>) target(%dma_start3A_83 : memref<128x16xf32, #tpu.memory_space<vmem_shared>>) target_semaphore(%run_scoped3A : memref<!tpu.dma_semaphore, #tpu.memory_space<semaphore_mem>>)
      %dma_wait3A = arith.constant 0 : i32
      %dma_wait3A_87 = arith.constant 0 : i32
      %dma_wait3A_88 = tpu.memref_slice %arg14[%dma_wait3A, %dma_wait3A_87] : memref<128x16xf32, #tpu.memory_space<vmem>> -> memref<128x16xf32, #tpu.memory_space<vmem>>
      %dma_wait3A_89 = arith.constant 0 : i32
      %dma_wait3A_90 = tpu.memref_slice %arg16[%add3A_12, %dma_wait3A_89] : memref<10112x16xf32, #tpu.memory_space<vmem_shared>> -> memref<128x16xf32, #tpu.memory_space<vmem_shared>>
      %dma_wait3A_91 = arith.constant 0 : i32
      %dma_wait3A_92 = tpu.memref_slice %arg16[%add3A_12, %dma_wait3A_91] : memref<10112x16xf32, #tpu.memory_space<vmem_shared>> -> memref<128x16xf32, #tpu.memory_space<vmem_shared>>
      %dma_wait3A_93 = arith.constant 0 : i32
      %dma_wait3A_94 = arith.constant 0 : i32
      %dma_wait3A_95 = tpu.memref_slice %arg14[%dma_wait3A_93, %dma_wait3A_94] : memref<128x16xf32, #tpu.memory_space<vmem>> -> memref<128x16xf32, #tpu.memory_space<vmem>>
      tpu.wait_dma2 semaphore(%run_scoped3A : memref<!tpu.dma_semaphore, #tpu.memory_space<semaphore_mem>>) src(%dma_wait3A_95 : memref<128x16xf32, #tpu.memory_space<vmem>>) dst(%dma_wait3A_92 : memref<128x16xf32, #tpu.memory_space<vmem_shared>>)
      tpu.yield
    }) : () -> ()
    %add3A_13 = arith.constant 128 : i32
    %add3A_14 = arith.addi %mul3A_2, %add3A_13 : i32
    "tpu.region"() ({
      %run_scoped3A = tpu.sem_alloc : memref<!tpu.dma_semaphore, #tpu.memory_space<semaphore_mem>>
      %dma_start3A = arith.constant 0 : i32
      %dma_start3A_78 = arith.constant 0 : i32
      %dma_start3A_79 = tpu.memref_slice %arg11[%dma_start3A, %dma_start3A_78] : memref<128x128xf32, #tpu.memory_space<vmem>> -> memref<128x128xf32, #tpu.memory_space<vmem>>
      %dma_start3A_80 = arith.constant 0 : i32
      %dma_start3A_81 = tpu.memref_slice %arg15[%add3A_14, %dma_start3A_80] : memref<10112x128xf32, #tpu.memory_space<vmem_shared>> -> memref<128x128xf32, #tpu.memory_space<vmem_shared>>
      %dma_start3A_82 = arith.constant 0 : i32
      %dma_start3A_83 = tpu.memref_slice %arg15[%add3A_14, %dma_start3A_82] : memref<10112x128xf32, #tpu.memory_space<vmem_shared>> -> memref<128x128xf32, #tpu.memory_space<vmem_shared>>
      %dma_start3A_84 = arith.constant 0 : i32
      %dma_start3A_85 = arith.constant 0 : i32
      %dma_start3A_86 = tpu.memref_slice %arg11[%dma_start3A_84, %dma_start3A_85] : memref<128x128xf32, #tpu.memory_space<vmem>> -> memref<128x128xf32, #tpu.memory_space<vmem>>
      tpu.enqueue_dma source(%dma_start3A_86 : memref<128x128xf32, #tpu.memory_space<vmem>>) target(%dma_start3A_83 : memref<128x128xf32, #tpu.memory_space<vmem_shared>>) target_semaphore(%run_scoped3A : memref<!tpu.dma_semaphore, #tpu.memory_space<semaphore_mem>>)
      %dma_wait3A = arith.constant 0 : i32
      %dma_wait3A_87 = arith.constant 0 : i32
      %dma_wait3A_88 = tpu.memref_slice %arg11[%dma_wait3A, %dma_wait3A_87] : memref<128x128xf32, #tpu.memory_space<vmem>> -> memref<128x128xf32, #tpu.memory_space<vmem>>
      %dma_wait3A_89 = arith.constant 0 : i32
      %dma_wait3A_90 = tpu.memref_slice %arg15[%add3A_14, %dma_wait3A_89] : memref<10112x128xf32, #tpu.memory_space<vmem_shared>> -> memref<128x128xf32, #tpu.memory_space<vmem_shared>>
      %dma_wait3A_91 = arith.constant 0 : i32
      %dma_wait3A_92 = tpu.memref_slice %arg15[%add3A_14, %dma_wait3A_91] : memref<10112x128xf32, #tpu.memory_space<vmem_shared>> -> memref<128x128xf32, #tpu.memory_space<vmem_shared>>
      %dma_wait3A_93 = arith.constant 0 : i32
      %dma_wait3A_94 = arith.constant 0 : i32
      %dma_wait3A_95 = tpu.memref_slice %arg11[%dma_wait3A_93, %dma_wait3A_94] : memref<128x128xf32, #tpu.memory_space<vmem>> -> memref<128x128xf32, #tpu.memory_space<vmem>>
      tpu.wait_dma2 semaphore(%run_scoped3A : memref<!tpu.dma_semaphore, #tpu.memory_space<semaphore_mem>>) src(%dma_wait3A_95 : memref<128x128xf32, #tpu.memory_space<vmem>>) dst(%dma_wait3A_92 : memref<128x128xf32, #tpu.memory_space<vmem_shared>>)
      tpu.yield
    }) : () -> ()
    %add3A_15 = arith.constant 128 : i32
    %add3A_16 = arith.addi %mul3A_2, %add3A_15 : i32
    "tpu.region"() ({
      %run_scoped3A = tpu.sem_alloc : memref<!tpu.dma_semaphore, #tpu.memory_space<semaphore_mem>>
      %dma_start3A = arith.constant 0 : i32
      %dma_start3A_78 = arith.constant 0 : i32
      %dma_start3A_79 = tpu.memref_slice %arg14[%dma_start3A, %dma_start3A_78] : memref<128x16xf32, #tpu.memory_space<vmem>> -> memref<128x16xf32, #tpu.memory_space<vmem>>
      %dma_start3A_80 = arith.constant 0 : i32
      %dma_start3A_81 = tpu.memref_slice %arg16[%add3A_16, %dma_start3A_80] : memref<10112x16xf32, #tpu.memory_space<vmem_shared>> -> memref<128x16xf32, #tpu.memory_space<vmem_shared>>
      %dma_start3A_82 = arith.constant 0 : i32
      %dma_start3A_83 = tpu.memref_slice %arg16[%add3A_16, %dma_start3A_82] : memref<10112x16xf32, #tpu.memory_space<vmem_shared>> -> memref<128x16xf32, #tpu.memory_space<vmem_shared>>
      %dma_start3A_84 = arith.constant 0 : i32
      %dma_start3A_85 = arith.constant 0 : i32
      %dma_start3A_86 = tpu.memref_slice %arg14[%dma_start3A_84, %dma_start3A_85] : memref<128x16xf32, #tpu.memory_space<vmem>> -> memref<128x16xf32, #tpu.memory_space<vmem>>
      tpu.enqueue_dma source(%dma_start3A_86 : memref<128x16xf32, #tpu.memory_space<vmem>>) target(%dma_start3A_83 : memref<128x16xf32, #tpu.memory_space<vmem_shared>>) target_semaphore(%run_scoped3A : memref<!tpu.dma_semaphore, #tpu.memory_space<semaphore_mem>>)
      %dma_wait3A = arith.constant 0 : i32
      %dma_wait3A_87 = arith.constant 0 : i32
      %dma_wait3A_88 = tpu.memref_slice %arg14[%dma_wait3A, %dma_wait3A_87] : memref<128x16xf32, #tpu.memory_space<vmem>> -> memref<128x16xf32, #tpu.memory_space<vmem>>
      %dma_wait3A_89 = arith.constant 0 : i32
      %dma_wait3A_90 = tpu.memref_slice %arg16[%add3A_16, %dma_wait3A_89] : memref<10112x16xf32, #tpu.memory_space<vmem_shared>> -> memref<128x16xf32, #tpu.memory_space<vmem_shared>>
      %dma_wait3A_91 = arith.constant 0 : i32
      %dma_wait3A_92 = tpu.memref_slice %arg16[%add3A_16, %dma_wait3A_91] : memref<10112x16xf32, #tpu.memory_space<vmem_shared>> -> memref<128x16xf32, #tpu.memory_space<vmem_shared>>
      %dma_wait3A_93 = arith.constant 0 : i32
      %dma_wait3A_94 = arith.constant 0 : i32
      %dma_wait3A_95 = tpu.memref_slice %arg14[%dma_wait3A_93, %dma_wait3A_94] : memref<128x16xf32, #tpu.memory_space<vmem>> -> memref<128x16xf32, #tpu.memory_space<vmem>>
      tpu.wait_dma2 semaphore(%run_scoped3A : memref<!tpu.dma_semaphore, #tpu.memory_space<semaphore_mem>>) src(%dma_wait3A_95 : memref<128x16xf32, #tpu.memory_space<vmem>>) dst(%dma_wait3A_92 : memref<128x16xf32, #tpu.memory_space<vmem_shared>>)
      tpu.yield
    }) : () -> ()
    %add3A_17 = arith.constant 256 : i32
    %add3A_18 = arith.addi %mul3A_2, %add3A_17 : i32
    "tpu.region"() ({
      %run_scoped3A = tpu.sem_alloc : memref<!tpu.dma_semaphore, #tpu.memory_space<semaphore_mem>>
      %dma_start3A = arith.constant 0 : i32
      %dma_start3A_78 = arith.constant 0 : i32
      %dma_start3A_79 = tpu.memref_slice %arg11[%dma_start3A, %dma_start3A_78] : memref<128x128xf32, #tpu.memory_space<vmem>> -> memref<128x128xf32, #tpu.memory_space<vmem>>
      %dma_start3A_80 = arith.constant 0 : i32
      %dma_start3A_81 = tpu.memref_slice %arg15[%add3A_18, %dma_start3A_80] : memref<10112x128xf32, #tpu.memory_space<vmem_shared>> -> memref<128x128xf32, #tpu.memory_space<vmem_shared>>
      %dma_start3A_82 = arith.constant 0 : i32
      %dma_start3A_83 = tpu.memref_slice %arg15[%add3A_18, %dma_start3A_82] : memref<10112x128xf32, #tpu.memory_space<vmem_shared>> -> memref<128x128xf32, #tpu.memory_space<vmem_shared>>
      %dma_start3A_84 = arith.constant 0 : i32
      %dma_start3A_85 = arith.constant 0 : i32
      %dma_start3A_86 = tpu.memref_slice %arg11[%dma_start3A_84, %dma_start3A_85] : memref<128x128xf32, #tpu.memory_space<vmem>> -> memref<128x128xf32, #tpu.memory_space<vmem>>
      tpu.enqueue_dma source(%dma_start3A_86 : memref<128x128xf32, #tpu.memory_space<vmem>>) target(%dma_start3A_83 : memref<128x128xf32, #tpu.memory_space<vmem_shared>>) target_semaphore(%run_scoped3A : memref<!tpu.dma_semaphore, #tpu.memory_space<semaphore_mem>>)
      %dma_wait3A = arith.constant 0 : i32
      %dma_wait3A_87 = arith.constant 0 : i32
      %dma_wait3A_88 = tpu.memref_slice %arg11[%dma_wait3A, %dma_wait3A_87] : memref<128x128xf32, #tpu.memory_space<vmem>> -> memref<128x128xf32, #tpu.memory_space<vmem>>
      %dma_wait3A_89 = arith.constant 0 : i32
      %dma_wait3A_90 = tpu.memref_slice %arg15[%add3A_18, %dma_wait3A_89] : memref<10112x128xf32, #tpu.memory_space<vmem_shared>> -> memref<128x128xf32, #tpu.memory_space<vmem_shared>>
      %dma_wait3A_91 = arith.constant 0 : i32
      %dma_wait3A_92 = tpu.memref_slice %arg15[%add3A_18, %dma_wait3A_91] : memref<10112x128xf32, #tpu.memory_space<vmem_shared>> -> memref<128x128xf32, #tpu.memory_space<vmem_shared>>
      %dma_wait3A_93 = arith.constant 0 : i32
      %dma_wait3A_94 = arith.constant 0 : i32
      %dma_wait3A_95 = tpu.memref_slice %arg11[%dma_wait3A_93, %dma_wait3A_94] : memref<128x128xf32, #tpu.memory_space<vmem>> -> memref<128x128xf32, #tpu.memory_space<vmem>>
      tpu.wait_dma2 semaphore(%run_scoped3A : memref<!tpu.dma_semaphore, #tpu.memory_space<semaphore_mem>>) src(%dma_wait3A_95 : memref<128x128xf32, #tpu.memory_space<vmem>>) dst(%dma_wait3A_92 : memref<128x128xf32, #tpu.memory_space<vmem_shared>>)
      tpu.yield
    }) : () -> ()
    %add3A_19 = arith.constant 256 : i32
    %add3A_20 = arith.addi %mul3A_2, %add3A_19 : i32
    "tpu.region"() ({
      %run_scoped3A = tpu.sem_alloc : memref<!tpu.dma_semaphore, #tpu.memory_space<semaphore_mem>>
      %dma_start3A = arith.constant 0 : i32
      %dma_start3A_78 = arith.constant 0 : i32
      %dma_start3A_79 = tpu.memref_slice %arg14[%dma_start3A, %dma_start3A_78] : memref<128x16xf32, #tpu.memory_space<vmem>> -> memref<128x16xf32, #tpu.memory_space<vmem>>
      %dma_start3A_80 = arith.constant 0 : i32
      %dma_start3A_81 = tpu.memref_slice %arg16[%add3A_20, %dma_start3A_80] : memref<10112x16xf32, #tpu.memory_space<vmem_shared>> -> memref<128x16xf32, #tpu.memory_space<vmem_shared>>
      %dma_start3A_82 = arith.constant 0 : i32
      %dma_start3A_83 = tpu.memref_slice %arg16[%add3A_20, %dma_start3A_82] : memref<10112x16xf32, #tpu.memory_space<vmem_shared>> -> memref<128x16xf32, #tpu.memory_space<vmem_shared>>
      %dma_start3A_84 = arith.constant 0 : i32
      %dma_start3A_85 = arith.constant 0 : i32
      %dma_start3A_86 = tpu.memref_slice %arg14[%dma_start3A_84, %dma_start3A_85] : memref<128x16xf32, #tpu.memory_space<vmem>> -> memref<128x16xf32, #tpu.memory_space<vmem>>
      tpu.enqueue_dma source(%dma_start3A_86 : memref<128x16xf32, #tpu.memory_space<vmem>>) target(%dma_start3A_83 : memref<128x16xf32, #tpu.memory_space<vmem_shared>>) target_semaphore(%run_scoped3A : memref<!tpu.dma_semaphore, #tpu.memory_space<semaphore_mem>>)
      %dma_wait3A = arith.constant 0 : i32
      %dma_wait3A_87 = arith.constant 0 : i32
      %dma_wait3A_88 = tpu.memref_slice %arg14[%dma_wait3A, %dma_wait3A_87] : memref<128x16xf32, #tpu.memory_space<vmem>> -> memref<128x16xf32, #tpu.memory_space<vmem>>
      %dma_wait3A_89 = arith.constant 0 : i32
      %dma_wait3A_90 = tpu.memref_slice %arg16[%add3A_20, %dma_wait3A_89] : memref<10112x16xf32, #tpu.memory_space<vmem_shared>> -> memref<128x16xf32, #tpu.memory_space<vmem_shared>>
      %dma_wait3A_91 = arith.constant 0 : i32
      %dma_wait3A_92 = tpu.memref_slice %arg16[%add3A_20, %dma_wait3A_91] : memref<10112x16xf32, #tpu.memory_space<vmem_shared>> -> memref<128x16xf32, #tpu.memory_space<vmem_shared>>
      %dma_wait3A_93 = arith.constant 0 : i32
      %dma_wait3A_94 = arith.constant 0 : i32
      %dma_wait3A_95 = tpu.memref_slice %arg14[%dma_wait3A_93, %dma_wait3A_94] : memref<128x16xf32, #tpu.memory_space<vmem>> -> memref<128x16xf32, #tpu.memory_space<vmem>>
      tpu.wait_dma2 semaphore(%run_scoped3A : memref<!tpu.dma_semaphore, #tpu.memory_space<semaphore_mem>>) src(%dma_wait3A_95 : memref<128x16xf32, #tpu.memory_space<vmem>>) dst(%dma_wait3A_92 : memref<128x16xf32, #tpu.memory_space<vmem_shared>>)
      tpu.yield
    }) : () -> ()
    %add3A_21 = arith.constant 384 : i32
    %add3A_22 = arith.addi %mul3A_2, %add3A_21 : i32
    "tpu.region"() ({
      %run_scoped3A = tpu.sem_alloc : memref<!tpu.dma_semaphore, #tpu.memory_space<semaphore_mem>>
      %dma_start3A = arith.constant 0 : i32
      %dma_start3A_78 = arith.constant 0 : i32
      %dma_start3A_79 = tpu.memref_slice %arg11[%dma_start3A, %dma_start3A_78] : memref<128x128xf32, #tpu.memory_space<vmem>> -> memref<128x128xf32, #tpu.memory_space<vmem>>
      %dma_start3A_80 = arith.constant 0 : i32
      %dma_start3A_81 = tpu.memref_slice %arg15[%add3A_22, %dma_start3A_80] : memref<10112x128xf32, #tpu.memory_space<vmem_shared>> -> memref<128x128xf32, #tpu.memory_space<vmem_shared>>
      %dma_start3A_82 = arith.constant 0 : i32
      %dma_start3A_83 = tpu.memref_slice %arg15[%add3A_22, %dma_start3A_82] : memref<10112x128xf32, #tpu.memory_space<vmem_shared>> -> memref<128x128xf32, #tpu.memory_space<vmem_shared>>
      %dma_start3A_84 = arith.constant 0 : i32
      %dma_start3A_85 = arith.constant 0 : i32
      %dma_start3A_86 = tpu.memref_slice %arg11[%dma_start3A_84, %dma_start3A_85] : memref<128x128xf32, #tpu.memory_space<vmem>> -> memref<128x128xf32, #tpu.memory_space<vmem>>
      tpu.enqueue_dma source(%dma_start3A_86 : memref<128x128xf32, #tpu.memory_space<vmem>>) target(%dma_start3A_83 : memref<128x128xf32, #tpu.memory_space<vmem_shared>>) target_semaphore(%run_scoped3A : memref<!tpu.dma_semaphore, #tpu.memory_space<semaphore_mem>>)
      %dma_wait3A = arith.constant 0 : i32
      %dma_wait3A_87 = arith.constant 0 : i32
      %dma_wait3A_88 = tpu.memref_slice %arg11[%dma_wait3A, %dma_wait3A_87] : memref<128x128xf32, #tpu.memory_space<vmem>> -> memref<128x128xf32, #tpu.memory_space<vmem>>
      %dma_wait3A_89 = arith.constant 0 : i32
      %dma_wait3A_90 = tpu.memref_slice %arg15[%add3A_22, %dma_wait3A_89] : memref<10112x128xf32, #tpu.memory_space<vmem_shared>> -> memref<128x128xf32, #tpu.memory_space<vmem_shared>>
      %dma_wait3A_91 = arith.constant 0 : i32
      %dma_wait3A_92 = tpu.memref_slice %arg15[%add3A_22, %dma_wait3A_91] : memref<10112x128xf32, #tpu.memory_space<vmem_shared>> -> memref<128x128xf32, #tpu.memory_space<vmem_shared>>
      %dma_wait3A_93 = arith.constant 0 : i32
      %dma_wait3A_94 = arith.constant 0 : i32
      %dma_wait3A_95 = tpu.memref_slice %arg11[%dma_wait3A_93, %dma_wait3A_94] : memref<128x128xf32, #tpu.memory_space<vmem>> -> memref<128x128xf32, #tpu.memory_space<vmem>>
      tpu.wait_dma2 semaphore(%run_scoped3A : memref<!tpu.dma_semaphore, #tpu.memory_space<semaphore_mem>>) src(%dma_wait3A_95 : memref<128x128xf32, #tpu.memory_space<vmem>>) dst(%dma_wait3A_92 : memref<128x128xf32, #tpu.memory_space<vmem_shared>>)
      tpu.yield
    }) : () -> ()
    %add3A_23 = arith.constant 384 : i32
    %add3A_24 = arith.addi %mul3A_2, %add3A_23 : i32
    "tpu.region"() ({
      %run_scoped3A = tpu.sem_alloc : memref<!tpu.dma_semaphore, #tpu.memory_space<semaphore_mem>>
      %dma_start3A = arith.constant 0 : i32
      %dma_start3A_78 = arith.constant 0 : i32
      %dma_start3A_79 = tpu.memref_slice %arg14[%dma_start3A, %dma_start3A_78] : memref<128x16xf32, #tpu.memory_space<vmem>> -> memref<128x16xf32, #tpu.memory_space<vmem>>
      %dma_start3A_80 = arith.constant 0 : i32
      %dma_start3A_81 = tpu.memref_slice %arg16[%add3A_24, %dma_start3A_80] : memref<10112x16xf32, #tpu.memory_space<vmem_shared>> -> memref<128x16xf32, #tpu.memory_space<vmem_shared>>
      %dma_start3A_82 = arith.constant 0 : i32
      %dma_start3A_83 = tpu.memref_slice %arg16[%add3A_24, %dma_start3A_82] : memref<10112x16xf32, #tpu.memory_space<vmem_shared>> -> memref<128x16xf32, #tpu.memory_space<vmem_shared>>
      %dma_start3A_84 = arith.constant 0 : i32
      %dma_start3A_85 = arith.constant 0 : i32
      %dma_start3A_86 = tpu.memref_slice %arg14[%dma_start3A_84, %dma_start3A_85] : memref<128x16xf32, #tpu.memory_space<vmem>> -> memref<128x16xf32, #tpu.memory_space<vmem>>
      tpu.enqueue_dma source(%dma_start3A_86 : memref<128x16xf32, #tpu.memory_space<vmem>>) target(%dma_start3A_83 : memref<128x16xf32, #tpu.memory_space<vmem_shared>>) target_semaphore(%run_scoped3A : memref<!tpu.dma_semaphore, #tpu.memory_space<semaphore_mem>>)
      %dma_wait3A = arith.constant 0 : i32
      %dma_wait3A_87 = arith.constant 0 : i32
      %dma_wait3A_88 = tpu.memref_slice %arg14[%dma_wait3A, %dma_wait3A_87] : memref<128x16xf32, #tpu.memory_space<vmem>> -> memref<128x16xf32, #tpu.memory_space<vmem>>
      %dma_wait3A_89 = arith.constant 0 : i32
      %dma_wait3A_90 = tpu.memref_slice %arg16[%add3A_24, %dma_wait3A_89] : memref<10112x16xf32, #tpu.memory_space<vmem_shared>> -> memref<128x16xf32, #tpu.memory_space<vmem_shared>>
      %dma_wait3A_91 = arith.constant 0 : i32
      %dma_wait3A_92 = tpu.memref_slice %arg16[%add3A_24, %dma_wait3A_91] : memref<10112x16xf32, #tpu.memory_space<vmem_shared>> -> memref<128x16xf32, #tpu.memory_space<vmem_shared>>
      %dma_wait3A_93 = arith.constant 0 : i32
      %dma_wait3A_94 = arith.constant 0 : i32
      %dma_wait3A_95 = tpu.memref_slice %arg14[%dma_wait3A_93, %dma_wait3A_94] : memref<128x16xf32, #tpu.memory_space<vmem>> -> memref<128x16xf32, #tpu.memory_space<vmem>>
      tpu.wait_dma2 semaphore(%run_scoped3A : memref<!tpu.dma_semaphore, #tpu.memory_space<semaphore_mem>>) src(%dma_wait3A_95 : memref<128x16xf32, #tpu.memory_space<vmem>>) dst(%dma_wait3A_92 : memref<128x16xf32, #tpu.memory_space<vmem_shared>>)
      tpu.yield
    }) : () -> ()
    %add3A_25 = arith.constant 512 : i32
    %add3A_26 = arith.addi %mul3A_2, %add3A_25 : i32
    "tpu.region"() ({
      %run_scoped3A = tpu.sem_alloc : memref<!tpu.dma_semaphore, #tpu.memory_space<semaphore_mem>>
      %dma_start3A = arith.constant 0 : i32
      %dma_start3A_78 = arith.constant 0 : i32
      %dma_start3A_79 = tpu.memref_slice %arg11[%dma_start3A, %dma_start3A_78] : memref<128x128xf32, #tpu.memory_space<vmem>> -> memref<120x128xf32, #tpu.memory_space<vmem>>
      %dma_start3A_80 = arith.constant 0 : i32
      %dma_start3A_81 = tpu.memref_slice %arg15[%add3A_26, %dma_start3A_80] : memref<10112x128xf32, #tpu.memory_space<vmem_shared>> -> memref<120x128xf32, #tpu.memory_space<vmem_shared>>
      %dma_start3A_82 = arith.constant 0 : i32
      %dma_start3A_83 = tpu.memref_slice %arg15[%add3A_26, %dma_start3A_82] : memref<10112x128xf32, #tpu.memory_space<vmem_shared>> -> memref<120x128xf32, #tpu.memory_space<vmem_shared>>
      %dma_start3A_84 = arith.constant 0 : i32
      %dma_start3A_85 = arith.constant 0 : i32
      %dma_start3A_86 = tpu.memref_slice %arg11[%dma_start3A_84, %dma_start3A_85] : memref<128x128xf32, #tpu.memory_space<vmem>> -> memref<120x128xf32, #tpu.memory_space<vmem>>
      tpu.enqueue_dma source(%dma_start3A_86 : memref<120x128xf32, #tpu.memory_space<vmem>>) target(%dma_start3A_83 : memref<120x128xf32, #tpu.memory_space<vmem_shared>>) target_semaphore(%run_scoped3A : memref<!tpu.dma_semaphore, #tpu.memory_space<semaphore_mem>>)
      %dma_wait3A = arith.constant 0 : i32
      %dma_wait3A_87 = arith.constant 0 : i32
      %dma_wait3A_88 = tpu.memref_slice %arg11[%dma_wait3A, %dma_wait3A_87] : memref<128x128xf32, #tpu.memory_space<vmem>> -> memref<120x128xf32, #tpu.memory_space<vmem>>
      %dma_wait3A_89 = arith.constant 0 : i32
      %dma_wait3A_90 = tpu.memref_slice %arg15[%add3A_26, %dma_wait3A_89] : memref<10112x128xf32, #tpu.memory_space<vmem_shared>> -> memref<120x128xf32, #tpu.memory_space<vmem_shared>>
      %dma_wait3A_91 = arith.constant 0 : i32
      %dma_wait3A_92 = tpu.memref_slice %arg15[%add3A_26, %dma_wait3A_91] : memref<10112x128xf32, #tpu.memory_space<vmem_shared>> -> memref<120x128xf32, #tpu.memory_space<vmem_shared>>
      %dma_wait3A_93 = arith.constant 0 : i32
      %dma_wait3A_94 = arith.constant 0 : i32
      %dma_wait3A_95 = tpu.memref_slice %arg11[%dma_wait3A_93, %dma_wait3A_94] : memref<128x128xf32, #tpu.memory_space<vmem>> -> memref<120x128xf32, #tpu.memory_space<vmem>>
      tpu.wait_dma2 semaphore(%run_scoped3A : memref<!tpu.dma_semaphore, #tpu.memory_space<semaphore_mem>>) src(%dma_wait3A_95 : memref<120x128xf32, #tpu.memory_space<vmem>>) dst(%dma_wait3A_92 : memref<120x128xf32, #tpu.memory_space<vmem_shared>>)
      tpu.yield
    }) : () -> ()
    %add3A_27 = arith.constant 512 : i32
    %add3A_28 = arith.addi %mul3A_2, %add3A_27 : i32
    "tpu.region"() ({
      %run_scoped3A = tpu.sem_alloc : memref<!tpu.dma_semaphore, #tpu.memory_space<semaphore_mem>>
      %dma_start3A = arith.constant 0 : i32
      %dma_start3A_78 = arith.constant 0 : i32
      %dma_start3A_79 = tpu.memref_slice %arg14[%dma_start3A, %dma_start3A_78] : memref<128x16xf32, #tpu.memory_space<vmem>> -> memref<120x16xf32, #tpu.memory_space<vmem>>
      %dma_start3A_80 = arith.constant 0 : i32
      %dma_start3A_81 = tpu.memref_slice %arg16[%add3A_28, %dma_start3A_80] : memref<10112x16xf32, #tpu.memory_space<vmem_shared>> -> memref<120x16xf32, #tpu.memory_space<vmem_shared>>
      %dma_start3A_82 = arith.constant 0 : i32
      %dma_start3A_83 = tpu.memref_slice %arg16[%add3A_28, %dma_start3A_82] : memref<10112x16xf32, #tpu.memory_space<vmem_shared>> -> memref<120x16xf32, #tpu.memory_space<vmem_shared>>
      %dma_start3A_84 = arith.constant 0 : i32
      %dma_start3A_85 = arith.constant 0 : i32
      %dma_start3A_86 = tpu.memref_slice %arg14[%dma_start3A_84, %dma_start3A_85] : memref<128x16xf32, #tpu.memory_space<vmem>> -> memref<120x16xf32, #tpu.memory_space<vmem>>
      tpu.enqueue_dma source(%dma_start3A_86 : memref<120x16xf32, #tpu.memory_space<vmem>>) target(%dma_start3A_83 : memref<120x16xf32, #tpu.memory_space<vmem_shared>>) target_semaphore(%run_scoped3A : memref<!tpu.dma_semaphore, #tpu.memory_space<semaphore_mem>>)
      %dma_wait3A = arith.constant 0 : i32
      %dma_wait3A_87 = arith.constant 0 : i32
      %dma_wait3A_88 = tpu.memref_slice %arg14[%dma_wait3A, %dma_wait3A_87] : memref<128x16xf32, #tpu.memory_space<vmem>> -> memref<120x16xf32, #tpu.memory_space<vmem>>
      %dma_wait3A_89 = arith.constant 0 : i32
      %dma_wait3A_90 = tpu.memref_slice %arg16[%add3A_28, %dma_wait3A_89] : memref<10112x16xf32, #tpu.memory_space<vmem_shared>> -> memref<120x16xf32, #tpu.memory_space<vmem_shared>>
      %dma_wait3A_91 = arith.constant 0 : i32
      %dma_wait3A_92 = tpu.memref_slice %arg16[%add3A_28, %dma_wait3A_91] : memref<10112x16xf32, #tpu.memory_space<vmem_shared>> -> memref<120x16xf32, #tpu.memory_space<vmem_shared>>
      %dma_wait3A_93 = arith.constant 0 : i32
      %dma_wait3A_94 = arith.constant 0 : i32
      %dma_wait3A_95 = tpu.memref_slice %arg14[%dma_wait3A_93, %dma_wait3A_94] : memref<128x16xf32, #tpu.memory_space<vmem>> -> memref<120x16xf32, #tpu.memory_space<vmem>>
      tpu.wait_dma2 semaphore(%run_scoped3A : memref<!tpu.dma_semaphore, #tpu.memory_space<semaphore_mem>>) src(%dma_wait3A_95 : memref<120x16xf32, #tpu.memory_space<vmem>>) dst(%dma_wait3A_92 : memref<120x16xf32, #tpu.memory_space<vmem_shared>>)
      tpu.yield
    }) : () -> ()
    %barrier3A = arith.constant 0 : index
    tpu.barrier barrier_id(%barrier3A)
    %mul3A_29 = arith.constant 10112 : i32
    %mul3A_30 = arith.muli %add3A, %mul3A_29 : i32
    %iota3A = tpu.iota {dimensions = array<i32: 0>} : vector<16xi32>
    %scan3A_31 = arith.constant 0 : i32
    %scan3A_32 = arith.constant 0 : i32
    %scan3A_33 = arith.constant 79 : i32
    %scan3A_34 = arith.addi %scan3A_32, %scan3A_33 : i32
    %scan3A_35 = arith.constant 1 : i32
    scf.for %scan3A_78 = %scan3A_32 to %scan3A_34 step %scan3A_35  : i32 {
      %mul3A_79 = arith.constant 128 : i32
      %mul3A_80 = arith.muli %scan3A_78, %mul3A_79 : i32
      %add3A_81 = arith.addi %mul3A_30, %mul3A_80 : i32
      "tpu.region"() ({
        %run_scoped3A = tpu.sem_alloc : memref<!tpu.dma_semaphore, #tpu.memory_space<semaphore_mem>>
        %dma_start3A_104 = tpu.memref_slice %arg2[%add3A_81] : memref<323584xi32, #tpu.memory_space<hbm>> -> memref<128xi32, #tpu.memory_space<hbm>>
        %dma_start3A_105 = tpu.memref_slice %arg2[%add3A_81] : memref<323584xi32, #tpu.memory_space<hbm>> -> memref<128xi32, #tpu.memory_space<hbm>>
        tpu.enqueue_dma source(%dma_start3A_105 : memref<128xi32, #tpu.memory_space<hbm>>) target(%arg9 : memref<128xi32, #tpu.memory_space<vmem>>) target_semaphore(%run_scoped3A : memref<!tpu.dma_semaphore, #tpu.memory_space<semaphore_mem>>)
        %dma_wait3A_106 = tpu.memref_slice %arg2[%add3A_81] : memref<323584xi32, #tpu.memory_space<hbm>> -> memref<128xi32, #tpu.memory_space<hbm>>
        %dma_wait3A_107 = tpu.memref_slice %arg2[%add3A_81] : memref<323584xi32, #tpu.memory_space<hbm>> -> memref<128xi32, #tpu.memory_space<hbm>>
        tpu.wait_dma2 semaphore(%run_scoped3A : memref<!tpu.dma_semaphore, #tpu.memory_space<semaphore_mem>>) src(%dma_wait3A_107 : memref<128xi32, #tpu.memory_space<hbm>>) dst(%arg9 : memref<128xi32, #tpu.memory_space<vmem>>)
        tpu.yield
      }) : () -> ()
      "tpu.region"() ({
        %run_scoped3A = tpu.sem_alloc : memref<!tpu.dma_semaphore, #tpu.memory_space<semaphore_mem>>
        %dma_start3A_104 = tpu.memref_slice %arg3[%add3A_81] : memref<323584xi32, #tpu.memory_space<hbm>> -> memref<128xi32, #tpu.memory_space<hbm>>
        %dma_start3A_105 = tpu.memref_slice %arg3[%add3A_81] : memref<323584xi32, #tpu.memory_space<hbm>> -> memref<128xi32, #tpu.memory_space<hbm>>
        tpu.enqueue_dma source(%dma_start3A_105 : memref<128xi32, #tpu.memory_space<hbm>>) target(%arg10 : memref<128xi32, #tpu.memory_space<vmem>>) target_semaphore(%run_scoped3A : memref<!tpu.dma_semaphore, #tpu.memory_space<semaphore_mem>>)
        %dma_wait3A_106 = tpu.memref_slice %arg3[%add3A_81] : memref<323584xi32, #tpu.memory_space<hbm>> -> memref<128xi32, #tpu.memory_space<hbm>>
        %dma_wait3A_107 = tpu.memref_slice %arg3[%add3A_81] : memref<323584xi32, #tpu.memory_space<hbm>> -> memref<128xi32, #tpu.memory_space<hbm>>
        tpu.wait_dma2 semaphore(%run_scoped3A : memref<!tpu.dma_semaphore, #tpu.memory_space<semaphore_mem>>) src(%dma_wait3A_107 : memref<128xi32, #tpu.memory_space<hbm>>) dst(%arg10 : memref<128xi32, #tpu.memory_space<vmem>>)
        tpu.yield
      }) : () -> ()
      %dma_start3A = arith.constant 0 : i32
      %dma_start3A_82 = arith.constant 0 : i32
      %dma_start3A_83 = tpu.memref_slice %arg6[%dma_start3A, %dma_start3A_82] : memref<10000x128xf32, #tpu.memory_space<hbm>> -> memref<10000x128xf32, #tpu.memory_space<hbm>>
      tpu.enqueue_indirect_dma source(%dma_start3A_83 : memref<10000x128xf32, #tpu.memory_space<hbm>>) target(%arg11 : memref<128x128xf32, #tpu.memory_space<vmem>>) offsets(%arg9 : memref<128xi32, #tpu.memory_space<vmem>>) semaphore(%arg17 : memref<!tpu.dma_semaphore, #tpu.memory_space<semaphore_mem>>)
      %dma_wait3A = arith.constant 0 : i32
      %dma_wait3A_84 = arith.constant 0 : i32
      %dma_wait3A_85 = tpu.memref_slice %arg6[%dma_wait3A, %dma_wait3A_84] : memref<10000x128xf32, #tpu.memory_space<hbm>> -> memref<10000x128xf32, #tpu.memory_space<hbm>>
      tpu.wait_indirect_dma semaphore(%arg17 : memref<!tpu.dma_semaphore, #tpu.memory_space<semaphore_mem>>) src(%dma_wait3A_85 : memref<10000x128xf32, #tpu.memory_space<hbm>>) dst(%arg11 : memref<128x128xf32, #tpu.memory_space<vmem>>)
      %dma_start3A_86 = arith.constant 0 : i32
      %dma_start3A_87 = arith.constant 0 : i32
      %dma_start3A_88 = tpu.memref_slice %arg4[%dma_start3A_86, %dma_start3A_87] : memref<10000x16xf32, #tpu.memory_space<hbm>> -> memref<10000x16xf32, #tpu.memory_space<hbm>>
      tpu.enqueue_indirect_dma source(%dma_start3A_88 : memref<10000x16xf32, #tpu.memory_space<hbm>>) target(%arg12 : memref<128x16xf32, #tpu.memory_space<vmem>>) offsets(%arg9 : memref<128xi32, #tpu.memory_space<vmem>>) semaphore(%arg17 : memref<!tpu.dma_semaphore, #tpu.memory_space<semaphore_mem>>)
      %dma_wait3A_89 = arith.constant 0 : i32
      %dma_wait3A_90 = arith.constant 0 : i32
      %dma_wait3A_91 = tpu.memref_slice %arg4[%dma_wait3A_89, %dma_wait3A_90] : memref<10000x16xf32, #tpu.memory_space<hbm>> -> memref<10000x16xf32, #tpu.memory_space<hbm>>
      tpu.wait_indirect_dma semaphore(%arg17 : memref<!tpu.dma_semaphore, #tpu.memory_space<semaphore_mem>>) src(%dma_wait3A_91 : memref<10000x16xf32, #tpu.memory_space<hbm>>) dst(%arg12 : memref<128x16xf32, #tpu.memory_space<vmem>>)
      %dma_start3A_92 = arith.constant 0 : i32
      %dma_start3A_93 = arith.constant 0 : i32
      %dma_start3A_94 = tpu.memref_slice %arg5[%dma_start3A_92, %dma_start3A_93] : memref<10000x16xf32, #tpu.memory_space<hbm>> -> memref<10000x16xf32, #tpu.memory_space<hbm>>
      tpu.enqueue_indirect_dma source(%dma_start3A_94 : memref<10000x16xf32, #tpu.memory_space<hbm>>) target(%arg13 : memref<128x16xf32, #tpu.memory_space<vmem>>) offsets(%arg10 : memref<128xi32, #tpu.memory_space<vmem>>) semaphore(%arg17 : memref<!tpu.dma_semaphore, #tpu.memory_space<semaphore_mem>>)
      %dma_wait3A_95 = arith.constant 0 : i32
      %dma_wait3A_96 = arith.constant 0 : i32
      %dma_wait3A_97 = tpu.memref_slice %arg5[%dma_wait3A_95, %dma_wait3A_96] : memref<10000x16xf32, #tpu.memory_space<hbm>> -> memref<10000x16xf32, #tpu.memory_space<hbm>>
      tpu.wait_indirect_dma semaphore(%arg17 : memref<!tpu.dma_semaphore, #tpu.memory_space<semaphore_mem>>) src(%dma_wait3A_97 : memref<10000x16xf32, #tpu.memory_space<hbm>>) dst(%arg13 : memref<128x16xf32, #tpu.memory_space<vmem>>)
      %scan3A_98 = arith.constant 0 : i32
      %scan3A_99 = arith.constant 0 : i32
      %scan3A_100 = arith.constant 128 : i32
      %scan3A_101 = arith.addi %scan3A_99, %scan3A_100 : i32
      %scan3A_102 = arith.constant 1 : i32
      scf.for %scan3A_104 = %scan3A_99 to %scan3A_101 step %scan3A_102  : i32 {
        %get3A = arith.index_cast %scan3A_104 : i32 to index
        %get3A_105 = arith.constant 0 : index
        %get3A_106 = tpu.vector_load %arg12[%get3A, %get3A_105] {strides = array<i32>} : memref<128x16xf32, #tpu.memory_space<vmem>>, vector<16xf32>,
        %get3A_107 = arith.index_cast %scan3A_104 : i32 to index
        %get3A_108 = arith.constant 0 : index
        %get3A_109 = tpu.vector_load %arg13[%get3A_107, %get3A_108] {strides = array<i32>} : memref<128x16xf32, #tpu.memory_space<vmem>>, vector<16xf32>,
        %add3A_110 = arith.addf %get3A_106, %get3A_109 : vector<16xf32>
        %ge3A = arith.constant 0.000000e+00 : f32
        %ge3A_111 = vector.broadcast %ge3A : f32 to vector<16xf32>
        %ge3A_112 = arith.cmpf oge, %add3A_110, %ge3A_111 : vector<16xf32>
        %mul3A_113 = arith.constant 2.000000e-01 : f32
        %mul3A_114 = vector.broadcast %mul3A_113 : f32 to vector<16xf32>
        %mul3A_115 = arith.mulf %mul3A_114, %add3A_110 : vector<16xf32>
        %select_n3A = arith.select %ge3A_112, %add3A_110, %mul3A_115 : vector<16xi1>, vector<16xf32>
        %exp3A = math.exp %select_n3A : vector<16xf32>
        %add3A_116 = arith.addi %add3A_81, %scan3A_104 : i32
        %lt3A = arith.constant 320000 : i32
        %lt3A_117 = arith.cmpi slt, %add3A_116, %lt3A : i32
        %lt3A_118 = arith.constant 1 : i32
        %lt3A_119 = vector.broadcast %lt3A_118 : i32 to vector<16xi32>
        %lt3A_120 = arith.cmpi slt, %iota3A, %lt3A_119 : vector<16xi32>
        %and3A = vector.broadcast %lt3A_117 : i1 to vector<16xi1>
        %and3A_121 = arith.andi %lt3A_120, %and3A : vector<16xi1>
        %jit3A = arith.constant 0.000000e+00 : f32
        %broadcast_in_dim3A_122 = vector.broadcast %jit3A : f32 to vector<16xf32>
        %select_n3A_123 = arith.select %and3A_121, %exp3A, %broadcast_in_dim3A_122 : vector<16xi1>, vector<16xf32>
        %swap3A = arith.index_cast %scan3A_104 : i32 to index
        %swap3A_124 = arith.constant 0 : index
        %swap3A_125 = tpu.vector_load %arg14[%swap3A, %swap3A_124] {strides = array<i32>} : memref<128x16xf32, #tpu.memory_space<vmem>>, vector<16xf32>,
        tpu.vector_store %arg14[%swap3A, %swap3A_124], %select_n3A_123 {strides = array<i32>} : memref<128x16xf32, #tpu.memory_space<vmem>>, vector<16xf32>,
        %slice3A = vector.extract_strided_slice %select_n3A_123 {offsets = [0], sizes = [1], strides = [1]} : vector<16xf32> to vector<1xf32>
        %squeeze3A = vector.extract %slice3A[0] : f32 from vector<1xf32>
        %get3A_126 = arith.index_cast %scan3A_104 : i32 to index
        %get3A_127 = arith.constant 0 : index
        %get3A_128 = tpu.vector_load %arg11[%get3A_126, %get3A_127] {strides = array<i32>} : memref<128x128xf32, #tpu.memory_space<vmem>>, vector<16xf32>,
        %broadcast_in_dim3A_129 = vector.broadcast %squeeze3A : f32 to vector<16xf32>
        %mul3A_130 = arith.mulf %get3A_128, %broadcast_in_dim3A_129 : vector<16xf32>
        %swap3A_131 = arith.index_cast %scan3A_104 : i32 to index
        %swap3A_132 = arith.constant 0 : index
        %swap3A_133 = tpu.vector_load %arg11[%swap3A_131, %swap3A_132] {strides = array<i32>} : memref<128x128xf32, #tpu.memory_space<vmem>>, vector<16xf32>,
        tpu.vector_store %arg11[%swap3A_131, %swap3A_132], %mul3A_130 {strides = array<i32>} : memref<128x128xf32, #tpu.memory_space<vmem>>, vector<16xf32>,
        %slice3A_134 = vector.extract_strided_slice %select_n3A_123 {offsets = [0], sizes = [1], strides = [1]} : vector<16xf32> to vector<1xf32>
        %squeeze3A_135 = vector.extract %slice3A_134[0] : f32 from vector<1xf32>
        %get3A_136 = arith.index_cast %scan3A_104 : i32 to index
        %get3A_137 = arith.constant 16 : index
        %get3A_138 = tpu.vector_load %arg11[%get3A_136, %get3A_137] {strides = array<i32>} : memref<128x128xf32, #tpu.memory_space<vmem>>, vector<16xf32>,
        %broadcast_in_dim3A_139 = vector.broadcast %squeeze3A_135 : f32 to vector<16xf32>
        %mul3A_140 = arith.mulf %get3A_138, %broadcast_in_dim3A_139 : vector<16xf32>
        %swap3A_141 = arith.index_cast %scan3A_104 : i32 to index
        %swap3A_142 = arith.constant 16 : index
        %swap3A_143 = tpu.vector_load %arg11[%swap3A_141, %swap3A_142] {strides = array<i32>} : memref<128x128xf32, #tpu.memory_space<vmem>>, vector<16xf32>,
        tpu.vector_store %arg11[%swap3A_141, %swap3A_142], %mul3A_140 {strides = array<i32>} : memref<128x128xf32, #tpu.memory_space<vmem>>, vector<16xf32>,
        %slice3A_144 = vector.extract_strided_slice %select_n3A_123 {offsets = [0], sizes = [1], strides = [1]} : vector<16xf32> to vector<1xf32>
        %squeeze3A_145 = vector.extract %slice3A_144[0] : f32 from vector<1xf32>
        %get3A_146 = arith.index_cast %scan3A_104 : i32 to index
        %get3A_147 = arith.constant 32 : index
        %get3A_148 = tpu.vector_load %arg11[%get3A_146, %get3A_147] {strides = array<i32>} : memref<128x128xf32, #tpu.memory_space<vmem>>, vector<16xf32>,
        %broadcast_in_dim3A_149 = vector.broadcast %squeeze3A_145 : f32 to vector<16xf32>
        %mul3A_150 = arith.mulf %get3A_148, %broadcast_in_dim3A_149 : vector<16xf32>
        %swap3A_151 = arith.index_cast %scan3A_104 : i32 to index
        %swap3A_152 = arith.constant 32 : index
        %swap3A_153 = tpu.vector_load %arg11[%swap3A_151, %swap3A_152] {strides = array<i32>} : memref<128x128xf32, #tpu.memory_space<vmem>>, vector<16xf32>,
        tpu.vector_store %arg11[%swap3A_151, %swap3A_152], %mul3A_150 {strides = array<i32>} : memref<128x128xf32, #tpu.memory_space<vmem>>, vector<16xf32>,
        %slice3A_154 = vector.extract_strided_slice %select_n3A_123 {offsets = [0], sizes = [1], strides = [1]} : vector<16xf32> to vector<1xf32>
        %squeeze3A_155 = vector.extract %slice3A_154[0] : f32 from vector<1xf32>
        %get3A_156 = arith.index_cast %scan3A_104 : i32 to index
        %get3A_157 = arith.constant 48 : index
        %get3A_158 = tpu.vector_load %arg11[%get3A_156, %get3A_157] {strides = array<i32>} : memref<128x128xf32, #tpu.memory_space<vmem>>, vector<16xf32>,
        %broadcast_in_dim3A_159 = vector.broadcast %squeeze3A_155 : f32 to vector<16xf32>
        %mul3A_160 = arith.mulf %get3A_158, %broadcast_in_dim3A_159 : vector<16xf32>
        %swap3A_161 = arith.index_cast %scan3A_104 : i32 to index
        %swap3A_162 = arith.constant 48 : index
        %swap3A_163 = tpu.vector_load %arg11[%swap3A_161, %swap3A_162] {strides = array<i32>} : memref<128x128xf32, #tpu.memory_space<vmem>>, vector<16xf32>,
        tpu.vector_store %arg11[%swap3A_161, %swap3A_162], %mul3A_160 {strides = array<i32>} : memref<128x128xf32, #tpu.memory_space<vmem>>, vector<16xf32>,
        %slice3A_164 = vector.extract_strided_slice %select_n3A_123 {offsets = [0], sizes = [1], strides = [1]} : vector<16xf32> to vector<1xf32>
        %squeeze3A_165 = vector.extract %slice3A_164[0] : f32 from vector<1xf32>
        %get3A_166 = arith.index_cast %scan3A_104 : i32 to index
        %get3A_167 = arith.constant 64 : index
        %get3A_168 = tpu.vector_load %arg11[%get3A_166, %get3A_167] {strides = array<i32>} : memref<128x128xf32, #tpu.memory_space<vmem>>, vector<16xf32>,
        %broadcast_in_dim3A_169 = vector.broadcast %squeeze3A_165 : f32 to vector<16xf32>
        %mul3A_170 = arith.mulf %get3A_168, %broadcast_in_dim3A_169 : vector<16xf32>
        %swap3A_171 = arith.index_cast %scan3A_104 : i32 to index
        %swap3A_172 = arith.constant 64 : index
        %swap3A_173 = tpu.vector_load %arg11[%swap3A_171, %swap3A_172] {strides = array<i32>} : memref<128x128xf32, #tpu.memory_space<vmem>>, vector<16xf32>,
        tpu.vector_store %arg11[%swap3A_171, %swap3A_172], %mul3A_170 {strides = array<i32>} : memref<128x128xf32, #tpu.memory_space<vmem>>, vector<16xf32>,
        %slice3A_174 = vector.extract_strided_slice %select_n3A_123 {offsets = [0], sizes = [1], strides = [1]} : vector<16xf32> to vector<1xf32>
        %squeeze3A_175 = vector.extract %slice3A_174[0] : f32 from vector<1xf32>
        %get3A_176 = arith.index_cast %scan3A_104 : i32 to index
        %get3A_177 = arith.constant 80 : index
        %get3A_178 = tpu.vector_load %arg11[%get3A_176, %get3A_177] {strides = array<i32>} : memref<128x128xf32, #tpu.memory_space<vmem>>, vector<16xf32>,
        %broadcast_in_dim3A_179 = vector.broadcast %squeeze3A_175 : f32 to vector<16xf32>
        %mul3A_180 = arith.mulf %get3A_178, %broadcast_in_dim3A_179 : vector<16xf32>
        %swap3A_181 = arith.index_cast %scan3A_104 : i32 to index
        %swap3A_182 = arith.constant 80 : index
        %swap3A_183 = tpu.vector_load %arg11[%swap3A_181, %swap3A_182] {strides = array<i32>} : memref<128x128xf32, #tpu.memory_space<vmem>>, vector<16xf32>,
        tpu.vector_store %arg11[%swap3A_181, %swap3A_182], %mul3A_180 {strides = array<i32>} : memref<128x128xf32, #tpu.memory_space<vmem>>, vector<16xf32>,
        %slice3A_184 = vector.extract_strided_slice %select_n3A_123 {offsets = [0], sizes = [1], strides = [1]} : vector<16xf32> to vector<1xf32>
        %squeeze3A_185 = vector.extract %slice3A_184[0] : f32 from vector<1xf32>
        %get3A_186 = arith.index_cast %scan3A_104 : i32 to index
        %get3A_187 = arith.constant 96 : index
        %get3A_188 = tpu.vector_load %arg11[%get3A_186, %get3A_187] {strides = array<i32>} : memref<128x128xf32, #tpu.memory_space<vmem>>, vector<16xf32>,
        %broadcast_in_dim3A_189 = vector.broadcast %squeeze3A_185 : f32 to vector<16xf32>
        %mul3A_190 = arith.mulf %get3A_188, %broadcast_in_dim3A_189 : vector<16xf32>
        %swap3A_191 = arith.index_cast %scan3A_104 : i32 to index
        %swap3A_192 = arith.constant 96 : index
        %swap3A_193 = tpu.vector_load %arg11[%swap3A_191, %swap3A_192] {strides = array<i32>} : memref<128x128xf32, #tpu.memory_space<vmem>>, vector<16xf32>,
        tpu.vector_store %arg11[%swap3A_191, %swap3A_192], %mul3A_190 {strides = array<i32>} : memref<128x128xf32, #tpu.memory_space<vmem>>, vector<16xf32>,
        %slice3A_194 = vector.extract_strided_slice %select_n3A_123 {offsets = [0], sizes = [1], strides = [1]} : vector<16xf32> to vector<1xf32>
        %squeeze3A_195 = vector.extract %slice3A_194[0] : f32 from vector<1xf32>
        %get3A_196 = arith.index_cast %scan3A_104 : i32 to index
        %get3A_197 = arith.constant 112 : index
        %get3A_198 = tpu.vector_load %arg11[%get3A_196, %get3A_197] {strides = array<i32>} : memref<128x128xf32, #tpu.memory_space<vmem>>, vector<16xf32>,
        %broadcast_in_dim3A_199 = vector.broadcast %squeeze3A_195 : f32 to vector<16xf32>
        %mul3A_200 = arith.mulf %get3A_198, %broadcast_in_dim3A_199 : vector<16xf32>
        %swap3A_201 = arith.index_cast %scan3A_104 : i32 to index
        %swap3A_202 = arith.constant 112 : index
        %swap3A_203 = tpu.vector_load %arg11[%swap3A_201, %swap3A_202] {strides = array<i32>} : memref<128x128xf32, #tpu.memory_space<vmem>>, vector<16xf32>,
        tpu.vector_store %arg11[%swap3A_201, %swap3A_202], %mul3A_200 {strides = array<i32>} : memref<128x128xf32, #tpu.memory_space<vmem>>, vector<16xf32>,
      }
      %scan3A_103 = arith.constant 128 : i32
      "tpu.region"() ({
        %run_scoped3A = tpu.sem_alloc : memref<!tpu.dma_semaphore, #tpu.memory_space<semaphore_mem>>
        %dma_start3A_104 = arith.constant 0 : i32
        %dma_start3A_105 = arith.constant 0 : i32
        %dma_start3A_106 = tpu.memref_slice %arg15[%dma_start3A_104, %dma_start3A_105] : memref<10112x128xf32, #tpu.memory_space<vmem_shared>> -> memref<10112x128xf32, #tpu.memory_space<vmem_shared>>
        tpu.enqueue_indirect_dma source(%arg11 : memref<128x128xf32, #tpu.memory_space<vmem>>) target(%dma_start3A_106 : memref<10112x128xf32, #tpu.memory_space<vmem_shared>>) offsets(%arg10 : memref<128xi32, #tpu.memory_space<vmem>>) semaphore(%run_scoped3A : memref<!tpu.dma_semaphore, #tpu.memory_space<semaphore_mem>>) {add = true}
        %dma_wait3A_107 = arith.constant 0 : i32
        %dma_wait3A_108 = arith.constant 0 : i32
        %dma_wait3A_109 = tpu.memref_slice %arg15[%dma_wait3A_107, %dma_wait3A_108] : memref<10112x128xf32, #tpu.memory_space<vmem_shared>> -> memref<10112x128xf32, #tpu.memory_space<vmem_shared>>
        tpu.wait_indirect_dma semaphore(%run_scoped3A : memref<!tpu.dma_semaphore, #tpu.memory_space<semaphore_mem>>) src(%arg11 : memref<128x128xf32, #tpu.memory_space<vmem>>) dst(%dma_wait3A_109 : memref<10112x128xf32, #tpu.memory_space<vmem_shared>>)
        tpu.yield
      }) : () -> ()
      "tpu.region"() ({
        %run_scoped3A = tpu.sem_alloc : memref<!tpu.dma_semaphore, #tpu.memory_space<semaphore_mem>>
        %dma_start3A_104 = arith.constant 0 : i32
        %dma_start3A_105 = arith.constant 0 : i32
        %dma_start3A_106 = tpu.memref_slice %arg16[%dma_start3A_104, %dma_start3A_105] : memref<10112x16xf32, #tpu.memory_space<vmem_shared>> -> memref<10112x16xf32, #tpu.memory_space<vmem_shared>>
        tpu.enqueue_indirect_dma source(%arg14 : memref<128x16xf32, #tpu.memory_space<vmem>>) target(%dma_start3A_106 : memref<10112x16xf32, #tpu.memory_space<vmem_shared>>) offsets(%arg10 : memref<128xi32, #tpu.memory_space<vmem>>) semaphore(%run_scoped3A : memref<!tpu.dma_semaphore, #tpu.memory_space<semaphore_mem>>) {add = true}
        %dma_wait3A_107 = arith.constant 0 : i32
        %dma_wait3A_108 = arith.constant 0 : i32
        %dma_wait3A_109 = tpu.memref_slice %arg16[%dma_wait3A_107, %dma_wait3A_108] : memref<10112x16xf32, #tpu.memory_space<vmem_shared>> -> memref<10112x16xf32, #tpu.memory_space<vmem_shared>>
        tpu.wait_indirect_dma semaphore(%run_scoped3A : memref<!tpu.dma_semaphore, #tpu.memory_space<semaphore_mem>>) src(%arg14 : memref<128x16xf32, #tpu.memory_space<vmem>>) dst(%dma_wait3A_109 : memref<10112x16xf32, #tpu.memory_space<vmem_shared>>)
        tpu.yield
      }) : () -> ()
    }
    %scan3A_36 = arith.constant 79 : i32
    %barrier3A_37 = arith.constant 0 : index
    tpu.barrier barrier_id(%barrier3A_37)
    %add3A_38 = arith.constant 0 : i32
    %add3A_39 = arith.addi %mul3A_2, %add3A_38 : i32
    "tpu.region"() ({
      %run_scoped3A = tpu.sem_alloc : memref<!tpu.dma_semaphore, #tpu.memory_space<semaphore_mem>>
      %dma_start3A = arith.constant 0 : i32
      %dma_start3A_78 = arith.constant 0 : i32
      %dma_start3A_79 = tpu.memref_slice %arg11[%dma_start3A, %dma_start3A_78] : memref<128x128xf32, #tpu.memory_space<vmem>> -> memref<128x128xf32, #tpu.memory_space<vmem>>
      %dma_start3A_80 = arith.constant 0 : i32
      %dma_start3A_81 = tpu.memref_slice %arg15[%add3A_39, %dma_start3A_80] : memref<10112x128xf32, #tpu.memory_space<vmem_shared>> -> memref<128x128xf32, #tpu.memory_space<vmem_shared>>
      %dma_start3A_82 = arith.constant 0 : i32
      %dma_start3A_83 = arith.constant 0 : i32
      %dma_start3A_84 = tpu.memref_slice %arg11[%dma_start3A_82, %dma_start3A_83] : memref<128x128xf32, #tpu.memory_space<vmem>> -> memref<128x128xf32, #tpu.memory_space<vmem>>
      %dma_start3A_85 = arith.constant 0 : i32
      %dma_start3A_86 = tpu.memref_slice %arg15[%add3A_39, %dma_start3A_85] : memref<10112x128xf32, #tpu.memory_space<vmem_shared>> -> memref<128x128xf32, #tpu.memory_space<vmem_shared>>
      tpu.enqueue_dma source(%dma_start3A_86 : memref<128x128xf32, #tpu.memory_space<vmem_shared>>) target(%dma_start3A_84 : memref<128x128xf32, #tpu.memory_space<vmem>>) target_semaphore(%run_scoped3A : memref<!tpu.dma_semaphore, #tpu.memory_space<semaphore_mem>>)
      %dma_wait3A = arith.constant 0 : i32
      %dma_wait3A_87 = arith.constant 0 : i32
      %dma_wait3A_88 = tpu.memref_slice %arg11[%dma_wait3A, %dma_wait3A_87] : memref<128x128xf32, #tpu.memory_space<vmem>> -> memref<128x128xf32, #tpu.memory_space<vmem>>
      %dma_wait3A_89 = arith.constant 0 : i32
      %dma_wait3A_90 = tpu.memref_slice %arg15[%add3A_39, %dma_wait3A_89] : memref<10112x128xf32, #tpu.memory_space<vmem_shared>> -> memref<128x128xf32, #tpu.memory_space<vmem_shared>>
      %dma_wait3A_91 = arith.constant 0 : i32
      %dma_wait3A_92 = arith.constant 0 : i32
      %dma_wait3A_93 = tpu.memref_slice %arg11[%dma_wait3A_91, %dma_wait3A_92] : memref<128x128xf32, #tpu.memory_space<vmem>> -> memref<128x128xf32, #tpu.memory_space<vmem>>
      %dma_wait3A_94 = arith.constant 0 : i32
      %dma_wait3A_95 = tpu.memref_slice %arg15[%add3A_39, %dma_wait3A_94] : memref<10112x128xf32, #tpu.memory_space<vmem_shared>> -> memref<128x128xf32, #tpu.memory_space<vmem_shared>>
      tpu.wait_dma2 semaphore(%run_scoped3A : memref<!tpu.dma_semaphore, #tpu.memory_space<semaphore_mem>>) src(%dma_wait3A_95 : memref<128x128xf32, #tpu.memory_space<vmem_shared>>) dst(%dma_wait3A_93 : memref<128x128xf32, #tpu.memory_space<vmem>>)
      tpu.yield
    }) : () -> ()
    %add3A_40 = arith.constant 0 : i32
    %add3A_41 = arith.addi %mul3A_2, %add3A_40 : i32
    "tpu.region"() ({
      %run_scoped3A = tpu.sem_alloc : memref<!tpu.dma_semaphore, #tpu.memory_space<semaphore_mem>>
      %dma_start3A = arith.constant 0 : i32
      %dma_start3A_78 = arith.constant 0 : i32
      %dma_start3A_79 = tpu.memref_slice %arg11[%dma_start3A, %dma_start3A_78] : memref<128x128xf32, #tpu.memory_space<vmem>> -> memref<128x128xf32, #tpu.memory_space<vmem>>
      %dma_start3A_80 = arith.constant 0 : i32
      %dma_start3A_81 = tpu.memref_slice %arg7[%arg0, %add3A_41, %dma_start3A_80] : memref<2x10112x128xf32, #tpu.memory_space<hbm>> -> memref<1x128x128xf32, #tpu.memory_space<hbm>>
      %dma_start3A_82 = tpu.memref_squeeze %dma_start3A_81 : memref<1x128x128xf32, #tpu.memory_space<hbm>> -> memref<128x128xf32, #tpu.memory_space<hbm>>
      %dma_start3A_83 = arith.constant 0 : i32
      %dma_start3A_84 = tpu.memref_slice %arg7[%arg0, %add3A_41, %dma_start3A_83] : memref<2x10112x128xf32, #tpu.memory_space<hbm>> -> memref<1x128x128xf32, #tpu.memory_space<hbm>>
      %dma_start3A_85 = tpu.memref_squeeze %dma_start3A_84 : memref<1x128x128xf32, #tpu.memory_space<hbm>> -> memref<128x128xf32, #tpu.memory_space<hbm>>
      %dma_start3A_86 = arith.constant 0 : i32
      %dma_start3A_87 = arith.constant 0 : i32
      %dma_start3A_88 = tpu.memref_slice %arg11[%dma_start3A_86, %dma_start3A_87] : memref<128x128xf32, #tpu.memory_space<vmem>> -> memref<128x128xf32, #tpu.memory_space<vmem>>
      tpu.enqueue_dma source(%dma_start3A_88 : memref<128x128xf32, #tpu.memory_space<vmem>>) target(%dma_start3A_85 : memref<128x128xf32, #tpu.memory_space<hbm>>) target_semaphore(%run_scoped3A : memref<!tpu.dma_semaphore, #tpu.memory_space<semaphore_mem>>)
      %dma_wait3A = arith.constant 0 : i32
      %dma_wait3A_89 = arith.constant 0 : i32
      %dma_wait3A_90 = tpu.memref_slice %arg11[%dma_wait3A, %dma_wait3A_89] : memref<128x128xf32, #tpu.memory_space<vmem>> -> memref<128x128xf32, #tpu.memory_space<vmem>>
      %dma_wait3A_91 = arith.constant 0 : i32
      %dma_wait3A_92 = tpu.memref_slice %arg7[%arg0, %add3A_41, %dma_wait3A_91] : memref<2x10112x128xf32, #tpu.memory_space<hbm>> -> memref<1x128x128xf32, #tpu.memory_space<hbm>>
      %dma_wait3A_93 = tpu.memref_squeeze %dma_wait3A_92 : memref<1x128x128xf32, #tpu.memory_space<hbm>> -> memref<128x128xf32, #tpu.memory_space<hbm>>
      %dma_wait3A_94 = arith.constant 0 : i32
      %dma_wait3A_95 = tpu.memref_slice %arg7[%arg0, %add3A_41, %dma_wait3A_94] : memref<2x10112x128xf32, #tpu.memory_space<hbm>> -> memref<1x128x128xf32, #tpu.memory_space<hbm>>
      %dma_wait3A_96 = tpu.memref_squeeze %dma_wait3A_95 : memref<1x128x128xf32, #tpu.memory_space<hbm>> -> memref<128x128xf32, #tpu.memory_space<hbm>>
      %dma_wait3A_97 = arith.constant 0 : i32
      %dma_wait3A_98 = arith.constant 0 : i32
      %dma_wait3A_99 = tpu.memref_slice %arg11[%dma_wait3A_97, %dma_wait3A_98] : memref<128x128xf32, #tpu.memory_space<vmem>> -> memref<128x128xf32, #tpu.memory_space<vmem>>
      tpu.wait_dma2 semaphore(%run_scoped3A : memref<!tpu.dma_semaphore, #tpu.memory_space<semaphore_mem>>) src(%dma_wait3A_99 : memref<128x128xf32, #tpu.memory_space<vmem>>) dst(%dma_wait3A_96 : memref<128x128xf32, #tpu.memory_space<hbm>>)
      tpu.yield
    }) : () -> ()
    %add3A_42 = arith.constant 0 : i32
    %add3A_43 = arith.addi %mul3A_2, %add3A_42 : i32
    "tpu.region"() ({
      %run_scoped3A = tpu.sem_alloc : memref<!tpu.dma_semaphore, #tpu.memory_space<semaphore_mem>>
      %dma_start3A = arith.constant 0 : i32
      %dma_start3A_78 = arith.constant 0 : i32
      %dma_start3A_79 = tpu.memref_slice %arg14[%dma_start3A, %dma_start3A_78] : memref<128x16xf32, #tpu.memory_space<vmem>> -> memref<128x16xf32, #tpu.memory_space<vmem>>
      %dma_start3A_80 = arith.constant 0 : i32
      %dma_start3A_81 = tpu.memref_slice %arg16[%add3A_43, %dma_start3A_80] : memref<10112x16xf32, #tpu.memory_space<vmem_shared>> -> memref<128x16xf32, #tpu.memory_space<vmem_shared>>
      %dma_start3A_82 = arith.constant 0 : i32
      %dma_start3A_83 = arith.constant 0 : i32
      %dma_start3A_84 = tpu.memref_slice %arg14[%dma_start3A_82, %dma_start3A_83] : memref<128x16xf32, #tpu.memory_space<vmem>> -> memref<128x16xf32, #tpu.memory_space<vmem>>
      %dma_start3A_85 = arith.constant 0 : i32
      %dma_start3A_86 = tpu.memref_slice %arg16[%add3A_43, %dma_start3A_85] : memref<10112x16xf32, #tpu.memory_space<vmem_shared>> -> memref<128x16xf32, #tpu.memory_space<vmem_shared>>
      tpu.enqueue_dma source(%dma_start3A_86 : memref<128x16xf32, #tpu.memory_space<vmem_shared>>) target(%dma_start3A_84 : memref<128x16xf32, #tpu.memory_space<vmem>>) target_semaphore(%run_scoped3A : memref<!tpu.dma_semaphore, #tpu.memory_space<semaphore_mem>>)
      %dma_wait3A = arith.constant 0 : i32
      %dma_wait3A_87 = arith.constant 0 : i32
      %dma_wait3A_88 = tpu.memref_slice %arg14[%dma_wait3A, %dma_wait3A_87] : memref<128x16xf32, #tpu.memory_space<vmem>> -> memref<128x16xf32, #tpu.memory_space<vmem>>
      %dma_wait3A_89 = arith.constant 0 : i32
      %dma_wait3A_90 = tpu.memref_slice %arg16[%add3A_43, %dma_wait3A_89] : memref<10112x16xf32, #tpu.memory_space<vmem_shared>> -> memref<128x16xf32, #tpu.memory_space<vmem_shared>>
      %dma_wait3A_91 = arith.constant 0 : i32
      %dma_wait3A_92 = arith.constant 0 : i32
      %dma_wait3A_93 = tpu.memref_slice %arg14[%dma_wait3A_91, %dma_wait3A_92] : memref<128x16xf32, #tpu.memory_space<vmem>> -> memref<128x16xf32, #tpu.memory_space<vmem>>
      %dma_wait3A_94 = arith.constant 0 : i32
      %dma_wait3A_95 = tpu.memref_slice %arg16[%add3A_43, %dma_wait3A_94] : memref<10112x16xf32, #tpu.memory_space<vmem_shared>> -> memref<128x16xf32, #tpu.memory_space<vmem_shared>>
      tpu.wait_dma2 semaphore(%run_scoped3A : memref<!tpu.dma_semaphore, #tpu.memory_space<semaphore_mem>>) src(%dma_wait3A_95 : memref<128x16xf32, #tpu.memory_space<vmem_shared>>) dst(%dma_wait3A_93 : memref<128x16xf32, #tpu.memory_space<vmem>>)
      tpu.yield
    }) : () -> ()
    %add3A_44 = arith.constant 0 : i32
    %add3A_45 = arith.addi %mul3A_2, %add3A_44 : i32
    "tpu.region"() ({
      %run_scoped3A = tpu.sem_alloc : memref<!tpu.dma_semaphore, #tpu.memory_space<semaphore_mem>>
      %dma_start3A = arith.constant 0 : i32
      %dma_start3A_78 = arith.constant 0 : i32
      %dma_start3A_79 = tpu.memref_slice %arg14[%dma_start3A, %dma_start3A_78] : memref<128x16xf32, #tpu.memory_space<vmem>> -> memref<128x16xf32, #tpu.memory_space<vmem>>
      %dma_start3A_80 = arith.constant 0 : i32
      %dma_start3A_81 = tpu.memref_slice %arg8[%arg0, %add3A_45, %dma_start3A_80] : memref<2x10112x16xf32, #tpu.memory_space<hbm>> -> memref<1x128x16xf32, #tpu.memory_space<hbm>>
      %dma_start3A_82 = tpu.memref_squeeze %dma_start3A_81 : memref<1x128x16xf32, #tpu.memory_space<hbm>> -> memref<128x16xf32, #tpu.memory_space<hbm>>
      %dma_start3A_83 = arith.constant 0 : i32
      %dma_start3A_84 = tpu.memref_slice %arg8[%arg0, %add3A_45, %dma_start3A_83] : memref<2x10112x16xf32, #tpu.memory_space<hbm>> -> memref<1x128x16xf32, #tpu.memory_space<hbm>>
      %dma_start3A_85 = tpu.memref_squeeze %dma_start3A_84 : memref<1x128x16xf32, #tpu.memory_space<hbm>> -> memref<128x16xf32, #tpu.memory_space<hbm>>
      %dma_start3A_86 = arith.constant 0 : i32
      %dma_start3A_87 = arith.constant 0 : i32
      %dma_start3A_88 = tpu.memref_slice %arg14[%dma_start3A_86, %dma_start3A_87] : memref<128x16xf32, #tpu.memory_space<vmem>> -> memref<128x16xf32, #tpu.memory_space<vmem>>
      tpu.enqueue_dma source(%dma_start3A_88 : memref<128x16xf32, #tpu.memory_space<vmem>>) target(%dma_start3A_85 : memref<128x16xf32, #tpu.memory_space<hbm>>) target_semaphore(%run_scoped3A : memref<!tpu.dma_semaphore, #tpu.memory_space<semaphore_mem>>)
      %dma_wait3A = arith.constant 0 : i32
      %dma_wait3A_89 = arith.constant 0 : i32
      %dma_wait3A_90 = tpu.memref_slice %arg14[%dma_wait3A, %dma_wait3A_89] : memref<128x16xf32, #tpu.memory_space<vmem>> -> memref<128x16xf32, #tpu.memory_space<vmem>>
      %dma_wait3A_91 = arith.constant 0 : i32
      %dma_wait3A_92 = tpu.memref_slice %arg8[%arg0, %add3A_45, %dma_wait3A_91] : memref<2x10112x16xf32, #tpu.memory_space<hbm>> -> memref<1x128x16xf32, #tpu.memory_space<hbm>>
      %dma_wait3A_93 = tpu.memref_squeeze %dma_wait3A_92 : memref<1x128x16xf32, #tpu.memory_space<hbm>> -> memref<128x16xf32, #tpu.memory_space<hbm>>
      %dma_wait3A_94 = arith.constant 0 : i32
      %dma_wait3A_95 = tpu.memref_slice %arg8[%arg0, %add3A_45, %dma_wait3A_94] : memref<2x10112x16xf32, #tpu.memory_space<hbm>> -> memref<1x128x16xf32, #tpu.memory_space<hbm>>
      %dma_wait3A_96 = tpu.memref_squeeze %dma_wait3A_95 : memref<1x128x16xf32, #tpu.memory_space<hbm>> -> memref<128x16xf32, #tpu.memory_space<hbm>>
      %dma_wait3A_97 = arith.constant 0 : i32
      %dma_wait3A_98 = arith.constant 0 : i32
      %dma_wait3A_99 = tpu.memref_slice %arg14[%dma_wait3A_97, %dma_wait3A_98] : memref<128x16xf32, #tpu.memory_space<vmem>> -> memref<128x16xf32, #tpu.memory_space<vmem>>
      tpu.wait_dma2 semaphore(%run_scoped3A : memref<!tpu.dma_semaphore, #tpu.memory_space<semaphore_mem>>) src(%dma_wait3A_99 : memref<128x16xf32, #tpu.memory_space<vmem>>) dst(%dma_wait3A_96 : memref<128x16xf32, #tpu.memory_space<hbm>>)
      tpu.yield
    }) : () -> ()
    %add3A_46 = arith.constant 128 : i32
    %add3A_47 = arith.addi %mul3A_2, %add3A_46 : i32
    "tpu.region"() ({
      %run_scoped3A = tpu.sem_alloc : memref<!tpu.dma_semaphore, #tpu.memory_space<semaphore_mem>>
      %dma_start3A = arith.constant 0 : i32
      %dma_start3A_78 = arith.constant 0 : i32
      %dma_start3A_79 = tpu.memref_slice %arg11[%dma_start3A, %dma_start3A_78] : memref<128x128xf32, #tpu.memory_space<vmem>> -> memref<128x128xf32, #tpu.memory_space<vmem>>
      %dma_start3A_80 = arith.constant 0 : i32
      %dma_start3A_81 = tpu.memref_slice %arg15[%add3A_47, %dma_start3A_80] : memref<10112x128xf32, #tpu.memory_space<vmem_shared>> -> memref<128x128xf32, #tpu.memory_space<vmem_shared>>
      %dma_start3A_82 = arith.constant 0 : i32
      %dma_start3A_83 = arith.constant 0 : i32
      %dma_start3A_84 = tpu.memref_slice %arg11[%dma_start3A_82, %dma_start3A_83] : memref<128x128xf32, #tpu.memory_space<vmem>> -> memref<128x128xf32, #tpu.memory_space<vmem>>
      %dma_start3A_85 = arith.constant 0 : i32
      %dma_start3A_86 = tpu.memref_slice %arg15[%add3A_47, %dma_start3A_85] : memref<10112x128xf32, #tpu.memory_space<vmem_shared>> -> memref<128x128xf32, #tpu.memory_space<vmem_shared>>
      tpu.enqueue_dma source(%dma_start3A_86 : memref<128x128xf32, #tpu.memory_space<vmem_shared>>) target(%dma_start3A_84 : memref<128x128xf32, #tpu.memory_space<vmem>>) target_semaphore(%run_scoped3A : memref<!tpu.dma_semaphore, #tpu.memory_space<semaphore_mem>>)
      %dma_wait3A = arith.constant 0 : i32
      %dma_wait3A_87 = arith.constant 0 : i32
      %dma_wait3A_88 = tpu.memref_slice %arg11[%dma_wait3A, %dma_wait3A_87] : memref<128x128xf32, #tpu.memory_space<vmem>> -> memref<128x128xf32, #tpu.memory_space<vmem>>
      %dma_wait3A_89 = arith.constant 0 : i32
      %dma_wait3A_90 = tpu.memref_slice %arg15[%add3A_47, %dma_wait3A_89] : memref<10112x128xf32, #tpu.memory_space<vmem_shared>> -> memref<128x128xf32, #tpu.memory_space<vmem_shared>>
      %dma_wait3A_91 = arith.constant 0 : i32
      %dma_wait3A_92 = arith.constant 0 : i32
      %dma_wait3A_93 = tpu.memref_slice %arg11[%dma_wait3A_91, %dma_wait3A_92] : memref<128x128xf32, #tpu.memory_space<vmem>> -> memref<128x128xf32, #tpu.memory_space<vmem>>
      %dma_wait3A_94 = arith.constant 0 : i32
      %dma_wait3A_95 = tpu.memref_slice %arg15[%add3A_47, %dma_wait3A_94] : memref<10112x128xf32, #tpu.memory_space<vmem_shared>> -> memref<128x128xf32, #tpu.memory_space<vmem_shared>>
      tpu.wait_dma2 semaphore(%run_scoped3A : memref<!tpu.dma_semaphore, #tpu.memory_space<semaphore_mem>>) src(%dma_wait3A_95 : memref<128x128xf32, #tpu.memory_space<vmem_shared>>) dst(%dma_wait3A_93 : memref<128x128xf32, #tpu.memory_space<vmem>>)
      tpu.yield
    }) : () -> ()
    %add3A_48 = arith.constant 128 : i32
    %add3A_49 = arith.addi %mul3A_2, %add3A_48 : i32
    "tpu.region"() ({
      %run_scoped3A = tpu.sem_alloc : memref<!tpu.dma_semaphore, #tpu.memory_space<semaphore_mem>>
      %dma_start3A = arith.constant 0 : i32
      %dma_start3A_78 = arith.constant 0 : i32
      %dma_start3A_79 = tpu.memref_slice %arg11[%dma_start3A, %dma_start3A_78] : memref<128x128xf32, #tpu.memory_space<vmem>> -> memref<128x128xf32, #tpu.memory_space<vmem>>
      %dma_start3A_80 = arith.constant 0 : i32
      %dma_start3A_81 = tpu.memref_slice %arg7[%arg0, %add3A_49, %dma_start3A_80] : memref<2x10112x128xf32, #tpu.memory_space<hbm>> -> memref<1x128x128xf32, #tpu.memory_space<hbm>>
      %dma_start3A_82 = tpu.memref_squeeze %dma_start3A_81 : memref<1x128x128xf32, #tpu.memory_space<hbm>> -> memref<128x128xf32, #tpu.memory_space<hbm>>
      %dma_start3A_83 = arith.constant 0 : i32
      %dma_start3A_84 = tpu.memref_slice %arg7[%arg0, %add3A_49, %dma_start3A_83] : memref<2x10112x128xf32, #tpu.memory_space<hbm>> -> memref<1x128x128xf32, #tpu.memory_space<hbm>>
      %dma_start3A_85 = tpu.memref_squeeze %dma_start3A_84 : memref<1x128x128xf32, #tpu.memory_space<hbm>> -> memref<128x128xf32, #tpu.memory_space<hbm>>
      %dma_start3A_86 = arith.constant 0 : i32
      %dma_start3A_87 = arith.constant 0 : i32
      %dma_start3A_88 = tpu.memref_slice %arg11[%dma_start3A_86, %dma_start3A_87] : memref<128x128xf32, #tpu.memory_space<vmem>> -> memref<128x128xf32, #tpu.memory_space<vmem>>
      tpu.enqueue_dma source(%dma_start3A_88 : memref<128x128xf32, #tpu.memory_space<vmem>>) target(%dma_start3A_85 : memref<128x128xf32, #tpu.memory_space<hbm>>) target_semaphore(%run_scoped3A : memref<!tpu.dma_semaphore, #tpu.memory_space<semaphore_mem>>)
      %dma_wait3A = arith.constant 0 : i32
      %dma_wait3A_89 = arith.constant 0 : i32
      %dma_wait3A_90 = tpu.memref_slice %arg11[%dma_wait3A, %dma_wait3A_89] : memref<128x128xf32, #tpu.memory_space<vmem>> -> memref<128x128xf32, #tpu.memory_space<vmem>>
      %dma_wait3A_91 = arith.constant 0 : i32
      %dma_wait3A_92 = tpu.memref_slice %arg7[%arg0, %add3A_49, %dma_wait3A_91] : memref<2x10112x128xf32, #tpu.memory_space<hbm>> -> memref<1x128x128xf32, #tpu.memory_space<hbm>>
      %dma_wait3A_93 = tpu.memref_squeeze %dma_wait3A_92 : memref<1x128x128xf32, #tpu.memory_space<hbm>> -> memref<128x128xf32, #tpu.memory_space<hbm>>
      %dma_wait3A_94 = arith.constant 0 : i32
      %dma_wait3A_95 = tpu.memref_slice %arg7[%arg0, %add3A_49, %dma_wait3A_94] : memref<2x10112x128xf32, #tpu.memory_space<hbm>> -> memref<1x128x128xf32, #tpu.memory_space<hbm>>
      %dma_wait3A_96 = tpu.memref_squeeze %dma_wait3A_95 : memref<1x128x128xf32, #tpu.memory_space<hbm>> -> memref<128x128xf32, #tpu.memory_space<hbm>>
      %dma_wait3A_97 = arith.constant 0 : i32
      %dma_wait3A_98 = arith.constant 0 : i32
      %dma_wait3A_99 = tpu.memref_slice %arg11[%dma_wait3A_97, %dma_wait3A_98] : memref<128x128xf32, #tpu.memory_space<vmem>> -> memref<128x128xf32, #tpu.memory_space<vmem>>
      tpu.wait_dma2 semaphore(%run_scoped3A : memref<!tpu.dma_semaphore, #tpu.memory_space<semaphore_mem>>) src(%dma_wait3A_99 : memref<128x128xf32, #tpu.memory_space<vmem>>) dst(%dma_wait3A_96 : memref<128x128xf32, #tpu.memory_space<hbm>>)
      tpu.yield
    }) : () -> ()
    %add3A_50 = arith.constant 128 : i32
    %add3A_51 = arith.addi %mul3A_2, %add3A_50 : i32
    "tpu.region"() ({
      %run_scoped3A = tpu.sem_alloc : memref<!tpu.dma_semaphore, #tpu.memory_space<semaphore_mem>>
      %dma_start3A = arith.constant 0 : i32
      %dma_start3A_78 = arith.constant 0 : i32
      %dma_start3A_79 = tpu.memref_slice %arg14[%dma_start3A, %dma_start3A_78] : memref<128x16xf32, #tpu.memory_space<vmem>> -> memref<128x16xf32, #tpu.memory_space<vmem>>
      %dma_start3A_80 = arith.constant 0 : i32
      %dma_start3A_81 = tpu.memref_slice %arg16[%add3A_51, %dma_start3A_80] : memref<10112x16xf32, #tpu.memory_space<vmem_shared>> -> memref<128x16xf32, #tpu.memory_space<vmem_shared>>
      %dma_start3A_82 = arith.constant 0 : i32
      %dma_start3A_83 = arith.constant 0 : i32
      %dma_start3A_84 = tpu.memref_slice %arg14[%dma_start3A_82, %dma_start3A_83] : memref<128x16xf32, #tpu.memory_space<vmem>> -> memref<128x16xf32, #tpu.memory_space<vmem>>
      %dma_start3A_85 = arith.constant 0 : i32
      %dma_start3A_86 = tpu.memref_slice %arg16[%add3A_51, %dma_start3A_85] : memref<10112x16xf32, #tpu.memory_space<vmem_shared>> -> memref<128x16xf32, #tpu.memory_space<vmem_shared>>
      tpu.enqueue_dma source(%dma_start3A_86 : memref<128x16xf32, #tpu.memory_space<vmem_shared>>) target(%dma_start3A_84 : memref<128x16xf32, #tpu.memory_space<vmem>>) target_semaphore(%run_scoped3A : memref<!tpu.dma_semaphore, #tpu.memory_space<semaphore_mem>>)
      %dma_wait3A = arith.constant 0 : i32
      %dma_wait3A_87 = arith.constant 0 : i32
      %dma_wait3A_88 = tpu.memref_slice %arg14[%dma_wait3A, %dma_wait3A_87] : memref<128x16xf32, #tpu.memory_space<vmem>> -> memref<128x16xf32, #tpu.memory_space<vmem>>
      %dma_wait3A_89 = arith.constant 0 : i32
      %dma_wait3A_90 = tpu.memref_slice %arg16[%add3A_51, %dma_wait3A_89] : memref<10112x16xf32, #tpu.memory_space<vmem_shared>> -> memref<128x16xf32, #tpu.memory_space<vmem_shared>>
      %dma_wait3A_91 = arith.constant 0 : i32
      %dma_wait3A_92 = arith.constant 0 : i32
      %dma_wait3A_93 = tpu.memref_slice %arg14[%dma_wait3A_91, %dma_wait3A_92] : memref<128x16xf32, #tpu.memory_space<vmem>> -> memref<128x16xf32, #tpu.memory_space<vmem>>
      %dma_wait3A_94 = arith.constant 0 : i32
      %dma_wait3A_95 = tpu.memref_slice %arg16[%add3A_51, %dma_wait3A_94] : memref<10112x16xf32, #tpu.memory_space<vmem_shared>> -> memref<128x16xf32, #tpu.memory_space<vmem_shared>>
      tpu.wait_dma2 semaphore(%run_scoped3A : memref<!tpu.dma_semaphore, #tpu.memory_space<semaphore_mem>>) src(%dma_wait3A_95 : memref<128x16xf32, #tpu.memory_space<vmem_shared>>) dst(%dma_wait3A_93 : memref<128x16xf32, #tpu.memory_space<vmem>>)
      tpu.yield
    }) : () -> ()
    %add3A_52 = arith.constant 128 : i32
    %add3A_53 = arith.addi %mul3A_2, %add3A_52 : i32
    "tpu.region"() ({
      %run_scoped3A = tpu.sem_alloc : memref<!tpu.dma_semaphore, #tpu.memory_space<semaphore_mem>>
      %dma_start3A = arith.constant 0 : i32
      %dma_start3A_78 = arith.constant 0 : i32
      %dma_start3A_79 = tpu.memref_slice %arg14[%dma_start3A, %dma_start3A_78] : memref<128x16xf32, #tpu.memory_space<vmem>> -> memref<128x16xf32, #tpu.memory_space<vmem>>
      %dma_start3A_80 = arith.constant 0 : i32
      %dma_start3A_81 = tpu.memref_slice %arg8[%arg0, %add3A_53, %dma_start3A_80] : memref<2x10112x16xf32, #tpu.memory_space<hbm>> -> memref<1x128x16xf32, #tpu.memory_space<hbm>>
      %dma_start3A_82 = tpu.memref_squeeze %dma_start3A_81 : memref<1x128x16xf32, #tpu.memory_space<hbm>> -> memref<128x16xf32, #tpu.memory_space<hbm>>
      %dma_start3A_83 = arith.constant 0 : i32
      %dma_start3A_84 = tpu.memref_slice %arg8[%arg0, %add3A_53, %dma_start3A_83] : memref<2x10112x16xf32, #tpu.memory_space<hbm>> -> memref<1x128x16xf32, #tpu.memory_space<hbm>>
      %dma_start3A_85 = tpu.memref_squeeze %dma_start3A_84 : memref<1x128x16xf32, #tpu.memory_space<hbm>> -> memref<128x16xf32, #tpu.memory_space<hbm>>
      %dma_start3A_86 = arith.constant 0 : i32
      %dma_start3A_87 = arith.constant 0 : i32
      %dma_start3A_88 = tpu.memref_slice %arg14[%dma_start3A_86, %dma_start3A_87] : memref<128x16xf32, #tpu.memory_space<vmem>> -> memref<128x16xf32, #tpu.memory_space<vmem>>
      tpu.enqueue_dma source(%dma_start3A_88 : memref<128x16xf32, #tpu.memory_space<vmem>>) target(%dma_start3A_85 : memref<128x16xf32, #tpu.memory_space<hbm>>) target_semaphore(%run_scoped3A : memref<!tpu.dma_semaphore, #tpu.memory_space<semaphore_mem>>)
      %dma_wait3A = arith.constant 0 : i32
      %dma_wait3A_89 = arith.constant 0 : i32
      %dma_wait3A_90 = tpu.memref_slice %arg14[%dma_wait3A, %dma_wait3A_89] : memref<128x16xf32, #tpu.memory_space<vmem>> -> memref<128x16xf32, #tpu.memory_space<vmem>>
      %dma_wait3A_91 = arith.constant 0 : i32
      %dma_wait3A_92 = tpu.memref_slice %arg8[%arg0, %add3A_53, %dma_wait3A_91] : memref<2x10112x16xf32, #tpu.memory_space<hbm>> -> memref<1x128x16xf32, #tpu.memory_space<hbm>>
      %dma_wait3A_93 = tpu.memref_squeeze %dma_wait3A_92 : memref<1x128x16xf32, #tpu.memory_space<hbm>> -> memref<128x16xf32, #tpu.memory_space<hbm>>
      %dma_wait3A_94 = arith.constant 0 : i32
      %dma_wait3A_95 = tpu.memref_slice %arg8[%arg0, %add3A_53, %dma_wait3A_94] : memref<2x10112x16xf32, #tpu.memory_space<hbm>> -> memref<1x128x16xf32, #tpu.memory_space<hbm>>
      %dma_wait3A_96 = tpu.memref_squeeze %dma_wait3A_95 : memref<1x128x16xf32, #tpu.memory_space<hbm>> -> memref<128x16xf32, #tpu.memory_space<hbm>>
      %dma_wait3A_97 = arith.constant 0 : i32
      %dma_wait3A_98 = arith.constant 0 : i32
      %dma_wait3A_99 = tpu.memref_slice %arg14[%dma_wait3A_97, %dma_wait3A_98] : memref<128x16xf32, #tpu.memory_space<vmem>> -> memref<128x16xf32, #tpu.memory_space<vmem>>
      tpu.wait_dma2 semaphore(%run_scoped3A : memref<!tpu.dma_semaphore, #tpu.memory_space<semaphore_mem>>) src(%dma_wait3A_99 : memref<128x16xf32, #tpu.memory_space<vmem>>) dst(%dma_wait3A_96 : memref<128x16xf32, #tpu.memory_space<hbm>>)
      tpu.yield
    }) : () -> ()
    %add3A_54 = arith.constant 256 : i32
    %add3A_55 = arith.addi %mul3A_2, %add3A_54 : i32
    "tpu.region"() ({
      %run_scoped3A = tpu.sem_alloc : memref<!tpu.dma_semaphore, #tpu.memory_space<semaphore_mem>>
      %dma_start3A = arith.constant 0 : i32
      %dma_start3A_78 = arith.constant 0 : i32
      %dma_start3A_79 = tpu.memref_slice %arg11[%dma_start3A, %dma_start3A_78] : memref<128x128xf32, #tpu.memory_space<vmem>> -> memref<128x128xf32, #tpu.memory_space<vmem>>
      %dma_start3A_80 = arith.constant 0 : i32
      %dma_start3A_81 = tpu.memref_slice %arg15[%add3A_55, %dma_start3A_80] : memref<10112x128xf32, #tpu.memory_space<vmem_shared>> -> memref<128x128xf32, #tpu.memory_space<vmem_shared>>
      %dma_start3A_82 = arith.constant 0 : i32
      %dma_start3A_83 = arith.constant 0 : i32
      %dma_start3A_84 = tpu.memref_slice %arg11[%dma_start3A_82, %dma_start3A_83] : memref<128x128xf32, #tpu.memory_space<vmem>> -> memref<128x128xf32, #tpu.memory_space<vmem>>
      %dma_start3A_85 = arith.constant 0 : i32
      %dma_start3A_86 = tpu.memref_slice %arg15[%add3A_55, %dma_start3A_85] : memref<10112x128xf32, #tpu.memory_space<vmem_shared>> -> memref<128x128xf32, #tpu.memory_space<vmem_shared>>
      tpu.enqueue_dma source(%dma_start3A_86 : memref<128x128xf32, #tpu.memory_space<vmem_shared>>) target(%dma_start3A_84 : memref<128x128xf32, #tpu.memory_space<vmem>>) target_semaphore(%run_scoped3A : memref<!tpu.dma_semaphore, #tpu.memory_space<semaphore_mem>>)
      %dma_wait3A = arith.constant 0 : i32
      %dma_wait3A_87 = arith.constant 0 : i32
      %dma_wait3A_88 = tpu.memref_slice %arg11[%dma_wait3A, %dma_wait3A_87] : memref<128x128xf32, #tpu.memory_space<vmem>> -> memref<128x128xf32, #tpu.memory_space<vmem>>
      %dma_wait3A_89 = arith.constant 0 : i32
      %dma_wait3A_90 = tpu.memref_slice %arg15[%add3A_55, %dma_wait3A_89] : memref<10112x128xf32, #tpu.memory_space<vmem_shared>> -> memref<128x128xf32, #tpu.memory_space<vmem_shared>>
      %dma_wait3A_91 = arith.constant 0 : i32
      %dma_wait3A_92 = arith.constant 0 : i32
      %dma_wait3A_93 = tpu.memref_slice %arg11[%dma_wait3A_91, %dma_wait3A_92] : memref<128x128xf32, #tpu.memory_space<vmem>> -> memref<128x128xf32, #tpu.memory_space<vmem>>
      %dma_wait3A_94 = arith.constant 0 : i32
      %dma_wait3A_95 = tpu.memref_slice %arg15[%add3A_55, %dma_wait3A_94] : memref<10112x128xf32, #tpu.memory_space<vmem_shared>> -> memref<128x128xf32, #tpu.memory_space<vmem_shared>>
      tpu.wait_dma2 semaphore(%run_scoped3A : memref<!tpu.dma_semaphore, #tpu.memory_space<semaphore_mem>>) src(%dma_wait3A_95 : memref<128x128xf32, #tpu.memory_space<vmem_shared>>) dst(%dma_wait3A_93 : memref<128x128xf32, #tpu.memory_space<vmem>>)
      tpu.yield
    }) : () -> ()
    %add3A_56 = arith.constant 256 : i32
    %add3A_57 = arith.addi %mul3A_2, %add3A_56 : i32
    "tpu.region"() ({
      %run_scoped3A = tpu.sem_alloc : memref<!tpu.dma_semaphore, #tpu.memory_space<semaphore_mem>>
      %dma_start3A = arith.constant 0 : i32
      %dma_start3A_78 = arith.constant 0 : i32
      %dma_start3A_79 = tpu.memref_slice %arg11[%dma_start3A, %dma_start3A_78] : memref<128x128xf32, #tpu.memory_space<vmem>> -> memref<128x128xf32, #tpu.memory_space<vmem>>
      %dma_start3A_80 = arith.constant 0 : i32
      %dma_start3A_81 = tpu.memref_slice %arg7[%arg0, %add3A_57, %dma_start3A_80] : memref<2x10112x128xf32, #tpu.memory_space<hbm>> -> memref<1x128x128xf32, #tpu.memory_space<hbm>>
      %dma_start3A_82 = tpu.memref_squeeze %dma_start3A_81 : memref<1x128x128xf32, #tpu.memory_space<hbm>> -> memref<128x128xf32, #tpu.memory_space<hbm>>
      %dma_start3A_83 = arith.constant 0 : i32
      %dma_start3A_84 = tpu.memref_slice %arg7[%arg0, %add3A_57, %dma_start3A_83] : memref<2x10112x128xf32, #tpu.memory_space<hbm>> -> memref<1x128x128xf32, #tpu.memory_space<hbm>>
      %dma_start3A_85 = tpu.memref_squeeze %dma_start3A_84 : memref<1x128x128xf32, #tpu.memory_space<hbm>> -> memref<128x128xf32, #tpu.memory_space<hbm>>
      %dma_start3A_86 = arith.constant 0 : i32
      %dma_start3A_87 = arith.constant 0 : i32
      %dma_start3A_88 = tpu.memref_slice %arg11[%dma_start3A_86, %dma_start3A_87] : memref<128x128xf32, #tpu.memory_space<vmem>> -> memref<128x128xf32, #tpu.memory_space<vmem>>
      tpu.enqueue_dma source(%dma_start3A_88 : memref<128x128xf32, #tpu.memory_space<vmem>>) target(%dma_start3A_85 : memref<128x128xf32, #tpu.memory_space<hbm>>) target_semaphore(%run_scoped3A : memref<!tpu.dma_semaphore, #tpu.memory_space<semaphore_mem>>)
      %dma_wait3A = arith.constant 0 : i32
      %dma_wait3A_89 = arith.constant 0 : i32
      %dma_wait3A_90 = tpu.memref_slice %arg11[%dma_wait3A, %dma_wait3A_89] : memref<128x128xf32, #tpu.memory_space<vmem>> -> memref<128x128xf32, #tpu.memory_space<vmem>>
      %dma_wait3A_91 = arith.constant 0 : i32
      %dma_wait3A_92 = tpu.memref_slice %arg7[%arg0, %add3A_57, %dma_wait3A_91] : memref<2x10112x128xf32, #tpu.memory_space<hbm>> -> memref<1x128x128xf32, #tpu.memory_space<hbm>>
      %dma_wait3A_93 = tpu.memref_squeeze %dma_wait3A_92 : memref<1x128x128xf32, #tpu.memory_space<hbm>> -> memref<128x128xf32, #tpu.memory_space<hbm>>
      %dma_wait3A_94 = arith.constant 0 : i32
      %dma_wait3A_95 = tpu.memref_slice %arg7[%arg0, %add3A_57, %dma_wait3A_94] : memref<2x10112x128xf32, #tpu.memory_space<hbm>> -> memref<1x128x128xf32, #tpu.memory_space<hbm>>
      %dma_wait3A_96 = tpu.memref_squeeze %dma_wait3A_95 : memref<1x128x128xf32, #tpu.memory_space<hbm>> -> memref<128x128xf32, #tpu.memory_space<hbm>>
      %dma_wait3A_97 = arith.constant 0 : i32
      %dma_wait3A_98 = arith.constant 0 : i32
      %dma_wait3A_99 = tpu.memref_slice %arg11[%dma_wait3A_97, %dma_wait3A_98] : memref<128x128xf32, #tpu.memory_space<vmem>> -> memref<128x128xf32, #tpu.memory_space<vmem>>
      tpu.wait_dma2 semaphore(%run_scoped3A : memref<!tpu.dma_semaphore, #tpu.memory_space<semaphore_mem>>) src(%dma_wait3A_99 : memref<128x128xf32, #tpu.memory_space<vmem>>) dst(%dma_wait3A_96 : memref<128x128xf32, #tpu.memory_space<hbm>>)
      tpu.yield
    }) : () -> ()
    %add3A_58 = arith.constant 256 : i32
    %add3A_59 = arith.addi %mul3A_2, %add3A_58 : i32
    "tpu.region"() ({
      %run_scoped3A = tpu.sem_alloc : memref<!tpu.dma_semaphore, #tpu.memory_space<semaphore_mem>>
      %dma_start3A = arith.constant 0 : i32
      %dma_start3A_78 = arith.constant 0 : i32
      %dma_start3A_79 = tpu.memref_slice %arg14[%dma_start3A, %dma_start3A_78] : memref<128x16xf32, #tpu.memory_space<vmem>> -> memref<128x16xf32, #tpu.memory_space<vmem>>
      %dma_start3A_80 = arith.constant 0 : i32
      %dma_start3A_81 = tpu.memref_slice %arg16[%add3A_59, %dma_start3A_80] : memref<10112x16xf32, #tpu.memory_space<vmem_shared>> -> memref<128x16xf32, #tpu.memory_space<vmem_shared>>
      %dma_start3A_82 = arith.constant 0 : i32
      %dma_start3A_83 = arith.constant 0 : i32
      %dma_start3A_84 = tpu.memref_slice %arg14[%dma_start3A_82, %dma_start3A_83] : memref<128x16xf32, #tpu.memory_space<vmem>> -> memref<128x16xf32, #tpu.memory_space<vmem>>
      %dma_start3A_85 = arith.constant 0 : i32
      %dma_start3A_86 = tpu.memref_slice %arg16[%add3A_59, %dma_start3A_85] : memref<10112x16xf32, #tpu.memory_space<vmem_shared>> -> memref<128x16xf32, #tpu.memory_space<vmem_shared>>
      tpu.enqueue_dma source(%dma_start3A_86 : memref<128x16xf32, #tpu.memory_space<vmem_shared>>) target(%dma_start3A_84 : memref<128x16xf32, #tpu.memory_space<vmem>>) target_semaphore(%run_scoped3A : memref<!tpu.dma_semaphore, #tpu.memory_space<semaphore_mem>>)
      %dma_wait3A = arith.constant 0 : i32
      %dma_wait3A_87 = arith.constant 0 : i32
      %dma_wait3A_88 = tpu.memref_slice %arg14[%dma_wait3A, %dma_wait3A_87] : memref<128x16xf32, #tpu.memory_space<vmem>> -> memref<128x16xf32, #tpu.memory_space<vmem>>
      %dma_wait3A_89 = arith.constant 0 : i32
      %dma_wait3A_90 = tpu.memref_slice %arg16[%add3A_59, %dma_wait3A_89] : memref<10112x16xf32, #tpu.memory_space<vmem_shared>> -> memref<128x16xf32, #tpu.memory_space<vmem_shared>>
      %dma_wait3A_91 = arith.constant 0 : i32
      %dma_wait3A_92 = arith.constant 0 : i32
      %dma_wait3A_93 = tpu.memref_slice %arg14[%dma_wait3A_91, %dma_wait3A_92] : memref<128x16xf32, #tpu.memory_space<vmem>> -> memref<128x16xf32, #tpu.memory_space<vmem>>
      %dma_wait3A_94 = arith.constant 0 : i32
      %dma_wait3A_95 = tpu.memref_slice %arg16[%add3A_59, %dma_wait3A_94] : memref<10112x16xf32, #tpu.memory_space<vmem_shared>> -> memref<128x16xf32, #tpu.memory_space<vmem_shared>>
      tpu.wait_dma2 semaphore(%run_scoped3A : memref<!tpu.dma_semaphore, #tpu.memory_space<semaphore_mem>>) src(%dma_wait3A_95 : memref<128x16xf32, #tpu.memory_space<vmem_shared>>) dst(%dma_wait3A_93 : memref<128x16xf32, #tpu.memory_space<vmem>>)
      tpu.yield
    }) : () -> ()
    %add3A_60 = arith.constant 256 : i32
    %add3A_61 = arith.addi %mul3A_2, %add3A_60 : i32
    "tpu.region"() ({
      %run_scoped3A = tpu.sem_alloc : memref<!tpu.dma_semaphore, #tpu.memory_space<semaphore_mem>>
      %dma_start3A = arith.constant 0 : i32
      %dma_start3A_78 = arith.constant 0 : i32
      %dma_start3A_79 = tpu.memref_slice %arg14[%dma_start3A, %dma_start3A_78] : memref<128x16xf32, #tpu.memory_space<vmem>> -> memref<128x16xf32, #tpu.memory_space<vmem>>
      %dma_start3A_80 = arith.constant 0 : i32
      %dma_start3A_81 = tpu.memref_slice %arg8[%arg0, %add3A_61, %dma_start3A_80] : memref<2x10112x16xf32, #tpu.memory_space<hbm>> -> memref<1x128x16xf32, #tpu.memory_space<hbm>>
      %dma_start3A_82 = tpu.memref_squeeze %dma_start3A_81 : memref<1x128x16xf32, #tpu.memory_space<hbm>> -> memref<128x16xf32, #tpu.memory_space<hbm>>
      %dma_start3A_83 = arith.constant 0 : i32
      %dma_start3A_84 = tpu.memref_slice %arg8[%arg0, %add3A_61, %dma_start3A_83] : memref<2x10112x16xf32, #tpu.memory_space<hbm>> -> memref<1x128x16xf32, #tpu.memory_space<hbm>>
      %dma_start3A_85 = tpu.memref_squeeze %dma_start3A_84 : memref<1x128x16xf32, #tpu.memory_space<hbm>> -> memref<128x16xf32, #tpu.memory_space<hbm>>
      %dma_start3A_86 = arith.constant 0 : i32
      %dma_start3A_87 = arith.constant 0 : i32
      %dma_start3A_88 = tpu.memref_slice %arg14[%dma_start3A_86, %dma_start3A_87] : memref<128x16xf32, #tpu.memory_space<vmem>> -> memref<128x16xf32, #tpu.memory_space<vmem>>
      tpu.enqueue_dma source(%dma_start3A_88 : memref<128x16xf32, #tpu.memory_space<vmem>>) target(%dma_start3A_85 : memref<128x16xf32, #tpu.memory_space<hbm>>) target_semaphore(%run_scoped3A : memref<!tpu.dma_semaphore, #tpu.memory_space<semaphore_mem>>)
      %dma_wait3A = arith.constant 0 : i32
      %dma_wait3A_89 = arith.constant 0 : i32
      %dma_wait3A_90 = tpu.memref_slice %arg14[%dma_wait3A, %dma_wait3A_89] : memref<128x16xf32, #tpu.memory_space<vmem>> -> memref<128x16xf32, #tpu.memory_space<vmem>>
      %dma_wait3A_91 = arith.constant 0 : i32
      %dma_wait3A_92 = tpu.memref_slice %arg8[%arg0, %add3A_61, %dma_wait3A_91] : memref<2x10112x16xf32, #tpu.memory_space<hbm>> -> memref<1x128x16xf32, #tpu.memory_space<hbm>>
      %dma_wait3A_93 = tpu.memref_squeeze %dma_wait3A_92 : memref<1x128x16xf32, #tpu.memory_space<hbm>> -> memref<128x16xf32, #tpu.memory_space<hbm>>
      %dma_wait3A_94 = arith.constant 0 : i32
      %dma_wait3A_95 = tpu.memref_slice %arg8[%arg0, %add3A_61, %dma_wait3A_94] : memref<2x10112x16xf32, #tpu.memory_space<hbm>> -> memref<1x128x16xf32, #tpu.memory_space<hbm>>
      %dma_wait3A_96 = tpu.memref_squeeze %dma_wait3A_95 : memref<1x128x16xf32, #tpu.memory_space<hbm>> -> memref<128x16xf32, #tpu.memory_space<hbm>>
      %dma_wait3A_97 = arith.constant 0 : i32
      %dma_wait3A_98 = arith.constant 0 : i32
      %dma_wait3A_99 = tpu.memref_slice %arg14[%dma_wait3A_97, %dma_wait3A_98] : memref<128x16xf32, #tpu.memory_space<vmem>> -> memref<128x16xf32, #tpu.memory_space<vmem>>
      tpu.wait_dma2 semaphore(%run_scoped3A : memref<!tpu.dma_semaphore, #tpu.memory_space<semaphore_mem>>) src(%dma_wait3A_99 : memref<128x16xf32, #tpu.memory_space<vmem>>) dst(%dma_wait3A_96 : memref<128x16xf32, #tpu.memory_space<hbm>>)
      tpu.yield
    }) : () -> ()
    %add3A_62 = arith.constant 384 : i32
    %add3A_63 = arith.addi %mul3A_2, %add3A_62 : i32
    "tpu.region"() ({
      %run_scoped3A = tpu.sem_alloc : memref<!tpu.dma_semaphore, #tpu.memory_space<semaphore_mem>>
      %dma_start3A = arith.constant 0 : i32
      %dma_start3A_78 = arith.constant 0 : i32
      %dma_start3A_79 = tpu.memref_slice %arg11[%dma_start3A, %dma_start3A_78] : memref<128x128xf32, #tpu.memory_space<vmem>> -> memref<128x128xf32, #tpu.memory_space<vmem>>
      %dma_start3A_80 = arith.constant 0 : i32
      %dma_start3A_81 = tpu.memref_slice %arg15[%add3A_63, %dma_start3A_80] : memref<10112x128xf32, #tpu.memory_space<vmem_shared>> -> memref<128x128xf32, #tpu.memory_space<vmem_shared>>
      %dma_start3A_82 = arith.constant 0 : i32
      %dma_start3A_83 = arith.constant 0 : i32
      %dma_start3A_84 = tpu.memref_slice %arg11[%dma_start3A_82, %dma_start3A_83] : memref<128x128xf32, #tpu.memory_space<vmem>> -> memref<128x128xf32, #tpu.memory_space<vmem>>
      %dma_start3A_85 = arith.constant 0 : i32
      %dma_start3A_86 = tpu.memref_slice %arg15[%add3A_63, %dma_start3A_85] : memref<10112x128xf32, #tpu.memory_space<vmem_shared>> -> memref<128x128xf32, #tpu.memory_space<vmem_shared>>
      tpu.enqueue_dma source(%dma_start3A_86 : memref<128x128xf32, #tpu.memory_space<vmem_shared>>) target(%dma_start3A_84 : memref<128x128xf32, #tpu.memory_space<vmem>>) target_semaphore(%run_scoped3A : memref<!tpu.dma_semaphore, #tpu.memory_space<semaphore_mem>>)
      %dma_wait3A = arith.constant 0 : i32
      %dma_wait3A_87 = arith.constant 0 : i32
      %dma_wait3A_88 = tpu.memref_slice %arg11[%dma_wait3A, %dma_wait3A_87] : memref<128x128xf32, #tpu.memory_space<vmem>> -> memref<128x128xf32, #tpu.memory_space<vmem>>
      %dma_wait3A_89 = arith.constant 0 : i32
      %dma_wait3A_90 = tpu.memref_slice %arg15[%add3A_63, %dma_wait3A_89] : memref<10112x128xf32, #tpu.memory_space<vmem_shared>> -> memref<128x128xf32, #tpu.memory_space<vmem_shared>>
      %dma_wait3A_91 = arith.constant 0 : i32
      %dma_wait3A_92 = arith.constant 0 : i32
      %dma_wait3A_93 = tpu.memref_slice %arg11[%dma_wait3A_91, %dma_wait3A_92] : memref<128x128xf32, #tpu.memory_space<vmem>> -> memref<128x128xf32, #tpu.memory_space<vmem>>
      %dma_wait3A_94 = arith.constant 0 : i32
      %dma_wait3A_95 = tpu.memref_slice %arg15[%add3A_63, %dma_wait3A_94] : memref<10112x128xf32, #tpu.memory_space<vmem_shared>> -> memref<128x128xf32, #tpu.memory_space<vmem_shared>>
      tpu.wait_dma2 semaphore(%run_scoped3A : memref<!tpu.dma_semaphore, #tpu.memory_space<semaphore_mem>>) src(%dma_wait3A_95 : memref<128x128xf32, #tpu.memory_space<vmem_shared>>) dst(%dma_wait3A_93 : memref<128x128xf32, #tpu.memory_space<vmem>>)
      tpu.yield
    }) : () -> ()
    %add3A_64 = arith.constant 384 : i32
    %add3A_65 = arith.addi %mul3A_2, %add3A_64 : i32
    "tpu.region"() ({
      %run_scoped3A = tpu.sem_alloc : memref<!tpu.dma_semaphore, #tpu.memory_space<semaphore_mem>>
      %dma_start3A = arith.constant 0 : i32
      %dma_start3A_78 = arith.constant 0 : i32
      %dma_start3A_79 = tpu.memref_slice %arg11[%dma_start3A, %dma_start3A_78] : memref<128x128xf32, #tpu.memory_space<vmem>> -> memref<128x128xf32, #tpu.memory_space<vmem>>
      %dma_start3A_80 = arith.constant 0 : i32
      %dma_start3A_81 = tpu.memref_slice %arg7[%arg0, %add3A_65, %dma_start3A_80] : memref<2x10112x128xf32, #tpu.memory_space<hbm>> -> memref<1x128x128xf32, #tpu.memory_space<hbm>>
      %dma_start3A_82 = tpu.memref_squeeze %dma_start3A_81 : memref<1x128x128xf32, #tpu.memory_space<hbm>> -> memref<128x128xf32, #tpu.memory_space<hbm>>
      %dma_start3A_83 = arith.constant 0 : i32
      %dma_start3A_84 = tpu.memref_slice %arg7[%arg0, %add3A_65, %dma_start3A_83] : memref<2x10112x128xf32, #tpu.memory_space<hbm>> -> memref<1x128x128xf32, #tpu.memory_space<hbm>>
      %dma_start3A_85 = tpu.memref_squeeze %dma_start3A_84 : memref<1x128x128xf32, #tpu.memory_space<hbm>> -> memref<128x128xf32, #tpu.memory_space<hbm>>
      %dma_start3A_86 = arith.constant 0 : i32
      %dma_start3A_87 = arith.constant 0 : i32
      %dma_start3A_88 = tpu.memref_slice %arg11[%dma_start3A_86, %dma_start3A_87] : memref<128x128xf32, #tpu.memory_space<vmem>> -> memref<128x128xf32, #tpu.memory_space<vmem>>
      tpu.enqueue_dma source(%dma_start3A_88 : memref<128x128xf32, #tpu.memory_space<vmem>>) target(%dma_start3A_85 : memref<128x128xf32, #tpu.memory_space<hbm>>) target_semaphore(%run_scoped3A : memref<!tpu.dma_semaphore, #tpu.memory_space<semaphore_mem>>)
      %dma_wait3A = arith.constant 0 : i32
      %dma_wait3A_89 = arith.constant 0 : i32
      %dma_wait3A_90 = tpu.memref_slice %arg11[%dma_wait3A, %dma_wait3A_89] : memref<128x128xf32, #tpu.memory_space<vmem>> -> memref<128x128xf32, #tpu.memory_space<vmem>>
      %dma_wait3A_91 = arith.constant 0 : i32
      %dma_wait3A_92 = tpu.memref_slice %arg7[%arg0, %add3A_65, %dma_wait3A_91] : memref<2x10112x128xf32, #tpu.memory_space<hbm>> -> memref<1x128x128xf32, #tpu.memory_space<hbm>>
      %dma_wait3A_93 = tpu.memref_squeeze %dma_wait3A_92 : memref<1x128x128xf32, #tpu.memory_space<hbm>> -> memref<128x128xf32, #tpu.memory_space<hbm>>
      %dma_wait3A_94 = arith.constant 0 : i32
      %dma_wait3A_95 = tpu.memref_slice %arg7[%arg0, %add3A_65, %dma_wait3A_94] : memref<2x10112x128xf32, #tpu.memory_space<hbm>> -> memref<1x128x128xf32, #tpu.memory_space<hbm>>
      %dma_wait3A_96 = tpu.memref_squeeze %dma_wait3A_95 : memref<1x128x128xf32, #tpu.memory_space<hbm>> -> memref<128x128xf32, #tpu.memory_space<hbm>>
      %dma_wait3A_97 = arith.constant 0 : i32
      %dma_wait3A_98 = arith.constant 0 : i32
      %dma_wait3A_99 = tpu.memref_slice %arg11[%dma_wait3A_97, %dma_wait3A_98] : memref<128x128xf32, #tpu.memory_space<vmem>> -> memref<128x128xf32, #tpu.memory_space<vmem>>
      tpu.wait_dma2 semaphore(%run_scoped3A : memref<!tpu.dma_semaphore, #tpu.memory_space<semaphore_mem>>) src(%dma_wait3A_99 : memref<128x128xf32, #tpu.memory_space<vmem>>) dst(%dma_wait3A_96 : memref<128x128xf32, #tpu.memory_space<hbm>>)
      tpu.yield
    }) : () -> ()
    %add3A_66 = arith.constant 384 : i32
    %add3A_67 = arith.addi %mul3A_2, %add3A_66 : i32
    "tpu.region"() ({
      %run_scoped3A = tpu.sem_alloc : memref<!tpu.dma_semaphore, #tpu.memory_space<semaphore_mem>>
      %dma_start3A = arith.constant 0 : i32
      %dma_start3A_78 = arith.constant 0 : i32
      %dma_start3A_79 = tpu.memref_slice %arg14[%dma_start3A, %dma_start3A_78] : memref<128x16xf32, #tpu.memory_space<vmem>> -> memref<128x16xf32, #tpu.memory_space<vmem>>
      %dma_start3A_80 = arith.constant 0 : i32
      %dma_start3A_81 = tpu.memref_slice %arg16[%add3A_67, %dma_start3A_80] : memref<10112x16xf32, #tpu.memory_space<vmem_shared>> -> memref<128x16xf32, #tpu.memory_space<vmem_shared>>
      %dma_start3A_82 = arith.constant 0 : i32
      %dma_start3A_83 = arith.constant 0 : i32
      %dma_start3A_84 = tpu.memref_slice %arg14[%dma_start3A_82, %dma_start3A_83] : memref<128x16xf32, #tpu.memory_space<vmem>> -> memref<128x16xf32, #tpu.memory_space<vmem>>
      %dma_start3A_85 = arith.constant 0 : i32
      %dma_start3A_86 = tpu.memref_slice %arg16[%add3A_67, %dma_start3A_85] : memref<10112x16xf32, #tpu.memory_space<vmem_shared>> -> memref<128x16xf32, #tpu.memory_space<vmem_shared>>
      tpu.enqueue_dma source(%dma_start3A_86 : memref<128x16xf32, #tpu.memory_space<vmem_shared>>) target(%dma_start3A_84 : memref<128x16xf32, #tpu.memory_space<vmem>>) target_semaphore(%run_scoped3A : memref<!tpu.dma_semaphore, #tpu.memory_space<semaphore_mem>>)
      %dma_wait3A = arith.constant 0 : i32
      %dma_wait3A_87 = arith.constant 0 : i32
      %dma_wait3A_88 = tpu.memref_slice %arg14[%dma_wait3A, %dma_wait3A_87] : memref<128x16xf32, #tpu.memory_space<vmem>> -> memref<128x16xf32, #tpu.memory_space<vmem>>
      %dma_wait3A_89 = arith.constant 0 : i32
      %dma_wait3A_90 = tpu.memref_slice %arg16[%add3A_67, %dma_wait3A_89] : memref<10112x16xf32, #tpu.memory_space<vmem_shared>> -> memref<128x16xf32, #tpu.memory_space<vmem_shared>>
      %dma_wait3A_91 = arith.constant 0 : i32
      %dma_wait3A_92 = arith.constant 0 : i32
      %dma_wait3A_93 = tpu.memref_slice %arg14[%dma_wait3A_91, %dma_wait3A_92] : memref<128x16xf32, #tpu.memory_space<vmem>> -> memref<128x16xf32, #tpu.memory_space<vmem>>
      %dma_wait3A_94 = arith.constant 0 : i32
      %dma_wait3A_95 = tpu.memref_slice %arg16[%add3A_67, %dma_wait3A_94] : memref<10112x16xf32, #tpu.memory_space<vmem_shared>> -> memref<128x16xf32, #tpu.memory_space<vmem_shared>>
      tpu.wait_dma2 semaphore(%run_scoped3A : memref<!tpu.dma_semaphore, #tpu.memory_space<semaphore_mem>>) src(%dma_wait3A_95 : memref<128x16xf32, #tpu.memory_space<vmem_shared>>) dst(%dma_wait3A_93 : memref<128x16xf32, #tpu.memory_space<vmem>>)
      tpu.yield
    }) : () -> ()
    %add3A_68 = arith.constant 384 : i32
    %add3A_69 = arith.addi %mul3A_2, %add3A_68 : i32
    "tpu.region"() ({
      %run_scoped3A = tpu.sem_alloc : memref<!tpu.dma_semaphore, #tpu.memory_space<semaphore_mem>>
      %dma_start3A = arith.constant 0 : i32
      %dma_start3A_78 = arith.constant 0 : i32
      %dma_start3A_79 = tpu.memref_slice %arg14[%dma_start3A, %dma_start3A_78] : memref<128x16xf32, #tpu.memory_space<vmem>> -> memref<128x16xf32, #tpu.memory_space<vmem>>
      %dma_start3A_80 = arith.constant 0 : i32
      %dma_start3A_81 = tpu.memref_slice %arg8[%arg0, %add3A_69, %dma_start3A_80] : memref<2x10112x16xf32, #tpu.memory_space<hbm>> -> memref<1x128x16xf32, #tpu.memory_space<hbm>>
      %dma_start3A_82 = tpu.memref_squeeze %dma_start3A_81 : memref<1x128x16xf32, #tpu.memory_space<hbm>> -> memref<128x16xf32, #tpu.memory_space<hbm>>
      %dma_start3A_83 = arith.constant 0 : i32
      %dma_start3A_84 = tpu.memref_slice %arg8[%arg0, %add3A_69, %dma_start3A_83] : memref<2x10112x16xf32, #tpu.memory_space<hbm>> -> memref<1x128x16xf32, #tpu.memory_space<hbm>>
      %dma_start3A_85 = tpu.memref_squeeze %dma_start3A_84 : memref<1x128x16xf32, #tpu.memory_space<hbm>> -> memref<128x16xf32, #tpu.memory_space<hbm>>
      %dma_start3A_86 = arith.constant 0 : i32
      %dma_start3A_87 = arith.constant 0 : i32
      %dma_start3A_88 = tpu.memref_slice %arg14[%dma_start3A_86, %dma_start3A_87] : memref<128x16xf32, #tpu.memory_space<vmem>> -> memref<128x16xf32, #tpu.memory_space<vmem>>
      tpu.enqueue_dma source(%dma_start3A_88 : memref<128x16xf32, #tpu.memory_space<vmem>>) target(%dma_start3A_85 : memref<128x16xf32, #tpu.memory_space<hbm>>) target_semaphore(%run_scoped3A : memref<!tpu.dma_semaphore, #tpu.memory_space<semaphore_mem>>)
      %dma_wait3A = arith.constant 0 : i32
      %dma_wait3A_89 = arith.constant 0 : i32
      %dma_wait3A_90 = tpu.memref_slice %arg14[%dma_wait3A, %dma_wait3A_89] : memref<128x16xf32, #tpu.memory_space<vmem>> -> memref<128x16xf32, #tpu.memory_space<vmem>>
      %dma_wait3A_91 = arith.constant 0 : i32
      %dma_wait3A_92 = tpu.memref_slice %arg8[%arg0, %add3A_69, %dma_wait3A_91] : memref<2x10112x16xf32, #tpu.memory_space<hbm>> -> memref<1x128x16xf32, #tpu.memory_space<hbm>>
      %dma_wait3A_93 = tpu.memref_squeeze %dma_wait3A_92 : memref<1x128x16xf32, #tpu.memory_space<hbm>> -> memref<128x16xf32, #tpu.memory_space<hbm>>
      %dma_wait3A_94 = arith.constant 0 : i32
      %dma_wait3A_95 = tpu.memref_slice %arg8[%arg0, %add3A_69, %dma_wait3A_94] : memref<2x10112x16xf32, #tpu.memory_space<hbm>> -> memref<1x128x16xf32, #tpu.memory_space<hbm>>
      %dma_wait3A_96 = tpu.memref_squeeze %dma_wait3A_95 : memref<1x128x16xf32, #tpu.memory_space<hbm>> -> memref<128x16xf32, #tpu.memory_space<hbm>>
      %dma_wait3A_97 = arith.constant 0 : i32
      %dma_wait3A_98 = arith.constant 0 : i32
      %dma_wait3A_99 = tpu.memref_slice %arg14[%dma_wait3A_97, %dma_wait3A_98] : memref<128x16xf32, #tpu.memory_space<vmem>> -> memref<128x16xf32, #tpu.memory_space<vmem>>
      tpu.wait_dma2 semaphore(%run_scoped3A : memref<!tpu.dma_semaphore, #tpu.memory_space<semaphore_mem>>) src(%dma_wait3A_99 : memref<128x16xf32, #tpu.memory_space<vmem>>) dst(%dma_wait3A_96 : memref<128x16xf32, #tpu.memory_space<hbm>>)
      tpu.yield
    }) : () -> ()
    %add3A_70 = arith.constant 512 : i32
    %add3A_71 = arith.addi %mul3A_2, %add3A_70 : i32
    "tpu.region"() ({
      %run_scoped3A = tpu.sem_alloc : memref<!tpu.dma_semaphore, #tpu.memory_space<semaphore_mem>>
      %dma_start3A = arith.constant 0 : i32
      %dma_start3A_78 = arith.constant 0 : i32
      %dma_start3A_79 = tpu.memref_slice %arg11[%dma_start3A, %dma_start3A_78] : memref<128x128xf32, #tpu.memory_space<vmem>> -> memref<120x128xf32, #tpu.memory_space<vmem>>
      %dma_start3A_80 = arith.constant 0 : i32
      %dma_start3A_81 = tpu.memref_slice %arg15[%add3A_71, %dma_start3A_80] : memref<10112x128xf32, #tpu.memory_space<vmem_shared>> -> memref<120x128xf32, #tpu.memory_space<vmem_shared>>
      %dma_start3A_82 = arith.constant 0 : i32
      %dma_start3A_83 = arith.constant 0 : i32
      %dma_start3A_84 = tpu.memref_slice %arg11[%dma_start3A_82, %dma_start3A_83] : memref<128x128xf32, #tpu.memory_space<vmem>> -> memref<120x128xf32, #tpu.memory_space<vmem>>
      %dma_start3A_85 = arith.constant 0 : i32
      %dma_start3A_86 = tpu.memref_slice %arg15[%add3A_71, %dma_start3A_85] : memref<10112x128xf32, #tpu.memory_space<vmem_shared>> -> memref<120x128xf32, #tpu.memory_space<vmem_shared>>
      tpu.enqueue_dma source(%dma_start3A_86 : memref<120x128xf32, #tpu.memory_space<vmem_shared>>) target(%dma_start3A_84 : memref<120x128xf32, #tpu.memory_space<vmem>>) target_semaphore(%run_scoped3A : memref<!tpu.dma_semaphore, #tpu.memory_space<semaphore_mem>>)
      %dma_wait3A = arith.constant 0 : i32
      %dma_wait3A_87 = arith.constant 0 : i32
      %dma_wait3A_88 = tpu.memref_slice %arg11[%dma_wait3A, %dma_wait3A_87] : memref<128x128xf32, #tpu.memory_space<vmem>> -> memref<120x128xf32, #tpu.memory_space<vmem>>
      %dma_wait3A_89 = arith.constant 0 : i32
      %dma_wait3A_90 = tpu.memref_slice %arg15[%add3A_71, %dma_wait3A_89] : memref<10112x128xf32, #tpu.memory_space<vmem_shared>> -> memref<120x128xf32, #tpu.memory_space<vmem_shared>>
      %dma_wait3A_91 = arith.constant 0 : i32
      %dma_wait3A_92 = arith.constant 0 : i32
      %dma_wait3A_93 = tpu.memref_slice %arg11[%dma_wait3A_91, %dma_wait3A_92] : memref<128x128xf32, #tpu.memory_space<vmem>> -> memref<120x128xf32, #tpu.memory_space<vmem>>
      %dma_wait3A_94 = arith.constant 0 : i32
      %dma_wait3A_95 = tpu.memref_slice %arg15[%add3A_71, %dma_wait3A_94] : memref<10112x128xf32, #tpu.memory_space<vmem_shared>> -> memref<120x128xf32, #tpu.memory_space<vmem_shared>>
      tpu.wait_dma2 semaphore(%run_scoped3A : memref<!tpu.dma_semaphore, #tpu.memory_space<semaphore_mem>>) src(%dma_wait3A_95 : memref<120x128xf32, #tpu.memory_space<vmem_shared>>) dst(%dma_wait3A_93 : memref<120x128xf32, #tpu.memory_space<vmem>>)
      tpu.yield
    }) : () -> ()
    %add3A_72 = arith.constant 512 : i32
    %add3A_73 = arith.addi %mul3A_2, %add3A_72 : i32
    "tpu.region"() ({
      %run_scoped3A = tpu.sem_alloc : memref<!tpu.dma_semaphore, #tpu.memory_space<semaphore_mem>>
      %dma_start3A = arith.constant 0 : i32
      %dma_start3A_78 = arith.constant 0 : i32
      %dma_start3A_79 = tpu.memref_slice %arg11[%dma_start3A, %dma_start3A_78] : memref<128x128xf32, #tpu.memory_space<vmem>> -> memref<120x128xf32, #tpu.memory_space<vmem>>
      %dma_start3A_80 = arith.constant 0 : i32
      %dma_start3A_81 = tpu.memref_slice %arg7[%arg0, %add3A_73, %dma_start3A_80] : memref<2x10112x128xf32, #tpu.memory_space<hbm>> -> memref<1x120x128xf32, #tpu.memory_space<hbm>>
      %dma_start3A_82 = tpu.memref_squeeze %dma_start3A_81 : memref<1x120x128xf32, #tpu.memory_space<hbm>> -> memref<120x128xf32, #tpu.memory_space<hbm>>
      %dma_start3A_83 = arith.constant 0 : i32
      %dma_start3A_84 = tpu.memref_slice %arg7[%arg0, %add3A_73, %dma_start3A_83] : memref<2x10112x128xf32, #tpu.memory_space<hbm>> -> memref<1x120x128xf32, #tpu.memory_space<hbm>>
      %dma_start3A_85 = tpu.memref_squeeze %dma_start3A_84 : memref<1x120x128xf32, #tpu.memory_space<hbm>> -> memref<120x128xf32, #tpu.memory_space<hbm>>
      %dma_start3A_86 = arith.constant 0 : i32
      %dma_start3A_87 = arith.constant 0 : i32
      %dma_start3A_88 = tpu.memref_slice %arg11[%dma_start3A_86, %dma_start3A_87] : memref<128x128xf32, #tpu.memory_space<vmem>> -> memref<120x128xf32, #tpu.memory_space<vmem>>
      tpu.enqueue_dma source(%dma_start3A_88 : memref<120x128xf32, #tpu.memory_space<vmem>>) target(%dma_start3A_85 : memref<120x128xf32, #tpu.memory_space<hbm>>) target_semaphore(%run_scoped3A : memref<!tpu.dma_semaphore, #tpu.memory_space<semaphore_mem>>)
      %dma_wait3A = arith.constant 0 : i32
      %dma_wait3A_89 = arith.constant 0 : i32
      %dma_wait3A_90 = tpu.memref_slice %arg11[%dma_wait3A, %dma_wait3A_89] : memref<128x128xf32, #tpu.memory_space<vmem>> -> memref<120x128xf32, #tpu.memory_space<vmem>>
      %dma_wait3A_91 = arith.constant 0 : i32
      %dma_wait3A_92 = tpu.memref_slice %arg7[%arg0, %add3A_73, %dma_wait3A_91] : memref<2x10112x128xf32, #tpu.memory_space<hbm>> -> memref<1x120x128xf32, #tpu.memory_space<hbm>>
      %dma_wait3A_93 = tpu.memref_squeeze %dma_wait3A_92 : memref<1x120x128xf32, #tpu.memory_space<hbm>> -> memref<120x128xf32, #tpu.memory_space<hbm>>
      %dma_wait3A_94 = arith.constant 0 : i32
      %dma_wait3A_95 = tpu.memref_slice %arg7[%arg0, %add3A_73, %dma_wait3A_94] : memref<2x10112x128xf32, #tpu.memory_space<hbm>> -> memref<1x120x128xf32, #tpu.memory_space<hbm>>
      %dma_wait3A_96 = tpu.memref_squeeze %dma_wait3A_95 : memref<1x120x128xf32, #tpu.memory_space<hbm>> -> memref<120x128xf32, #tpu.memory_space<hbm>>
      %dma_wait3A_97 = arith.constant 0 : i32
      %dma_wait3A_98 = arith.constant 0 : i32
      %dma_wait3A_99 = tpu.memref_slice %arg11[%dma_wait3A_97, %dma_wait3A_98] : memref<128x128xf32, #tpu.memory_space<vmem>> -> memref<120x128xf32, #tpu.memory_space<vmem>>
      tpu.wait_dma2 semaphore(%run_scoped3A : memref<!tpu.dma_semaphore, #tpu.memory_space<semaphore_mem>>) src(%dma_wait3A_99 : memref<120x128xf32, #tpu.memory_space<vmem>>) dst(%dma_wait3A_96 : memref<120x128xf32, #tpu.memory_space<hbm>>)
      tpu.yield
    }) : () -> ()
    %add3A_74 = arith.constant 512 : i32
    %add3A_75 = arith.addi %mul3A_2, %add3A_74 : i32
    "tpu.region"() ({
      %run_scoped3A = tpu.sem_alloc : memref<!tpu.dma_semaphore, #tpu.memory_space<semaphore_mem>>
      %dma_start3A = arith.constant 0 : i32
      %dma_start3A_78 = arith.constant 0 : i32
      %dma_start3A_79 = tpu.memref_slice %arg14[%dma_start3A, %dma_start3A_78] : memref<128x16xf32, #tpu.memory_space<vmem>> -> memref<120x16xf32, #tpu.memory_space<vmem>>
      %dma_start3A_80 = arith.constant 0 : i32
      %dma_start3A_81 = tpu.memref_slice %arg16[%add3A_75, %dma_start3A_80] : memref<10112x16xf32, #tpu.memory_space<vmem_shared>> -> memref<120x16xf32, #tpu.memory_space<vmem_shared>>
      %dma_start3A_82 = arith.constant 0 : i32
      %dma_start3A_83 = arith.constant 0 : i32
      %dma_start3A_84 = tpu.memref_slice %arg14[%dma_start3A_82, %dma_start3A_83] : memref<128x16xf32, #tpu.memory_space<vmem>> -> memref<120x16xf32, #tpu.memory_space<vmem>>
      %dma_start3A_85 = arith.constant 0 : i32
      %dma_start3A_86 = tpu.memref_slice %arg16[%add3A_75, %dma_start3A_85] : memref<10112x16xf32, #tpu.memory_space<vmem_shared>> -> memref<120x16xf32, #tpu.memory_space<vmem_shared>>
      tpu.enqueue_dma source(%dma_start3A_86 : memref<120x16xf32, #tpu.memory_space<vmem_shared>>) target(%dma_start3A_84 : memref<120x16xf32, #tpu.memory_space<vmem>>) target_semaphore(%run_scoped3A : memref<!tpu.dma_semaphore, #tpu.memory_space<semaphore_mem>>)
      %dma_wait3A = arith.constant 0 : i32
      %dma_wait3A_87 = arith.constant 0 : i32
      %dma_wait3A_88 = tpu.memref_slice %arg14[%dma_wait3A, %dma_wait3A_87] : memref<128x16xf32, #tpu.memory_space<vmem>> -> memref<120x16xf32, #tpu.memory_space<vmem>>
      %dma_wait3A_89 = arith.constant 0 : i32
      %dma_wait3A_90 = tpu.memref_slice %arg16[%add3A_75, %dma_wait3A_89] : memref<10112x16xf32, #tpu.memory_space<vmem_shared>> -> memref<120x16xf32, #tpu.memory_space<vmem_shared>>
      %dma_wait3A_91 = arith.constant 0 : i32
      %dma_wait3A_92 = arith.constant 0 : i32
      %dma_wait3A_93 = tpu.memref_slice %arg14[%dma_wait3A_91, %dma_wait3A_92] : memref<128x16xf32, #tpu.memory_space<vmem>> -> memref<120x16xf32, #tpu.memory_space<vmem>>
      %dma_wait3A_94 = arith.constant 0 : i32
      %dma_wait3A_95 = tpu.memref_slice %arg16[%add3A_75, %dma_wait3A_94] : memref<10112x16xf32, #tpu.memory_space<vmem_shared>> -> memref<120x16xf32, #tpu.memory_space<vmem_shared>>
      tpu.wait_dma2 semaphore(%run_scoped3A : memref<!tpu.dma_semaphore, #tpu.memory_space<semaphore_mem>>) src(%dma_wait3A_95 : memref<120x16xf32, #tpu.memory_space<vmem_shared>>) dst(%dma_wait3A_93 : memref<120x16xf32, #tpu.memory_space<vmem>>)
      tpu.yield
    }) : () -> ()
    %add3A_76 = arith.constant 512 : i32
    %add3A_77 = arith.addi %mul3A_2, %add3A_76 : i32
    "tpu.region"() ({
      %run_scoped3A = tpu.sem_alloc : memref<!tpu.dma_semaphore, #tpu.memory_space<semaphore_mem>>
      %dma_start3A = arith.constant 0 : i32
      %dma_start3A_78 = arith.constant 0 : i32
      %dma_start3A_79 = tpu.memref_slice %arg14[%dma_start3A, %dma_start3A_78] : memref<128x16xf32, #tpu.memory_space<vmem>> -> memref<120x16xf32, #tpu.memory_space<vmem>>
      %dma_start3A_80 = arith.constant 0 : i32
      %dma_start3A_81 = tpu.memref_slice %arg8[%arg0, %add3A_77, %dma_start3A_80] : memref<2x10112x16xf32, #tpu.memory_space<hbm>> -> memref<1x120x16xf32, #tpu.memory_space<hbm>>
      %dma_start3A_82 = tpu.memref_squeeze %dma_start3A_81 : memref<1x120x16xf32, #tpu.memory_space<hbm>> -> memref<120x16xf32, #tpu.memory_space<hbm>>
      %dma_start3A_83 = arith.constant 0 : i32
      %dma_start3A_84 = tpu.memref_slice %arg8[%arg0, %add3A_77, %dma_start3A_83] : memref<2x10112x16xf32, #tpu.memory_space<hbm>> -> memref<1x120x16xf32, #tpu.memory_space<hbm>>
      %dma_start3A_85 = tpu.memref_squeeze %dma_start3A_84 : memref<1x120x16xf32, #tpu.memory_space<hbm>> -> memref<120x16xf32, #tpu.memory_space<hbm>>
      %dma_start3A_86 = arith.constant 0 : i32
      %dma_start3A_87 = arith.constant 0 : i32
      %dma_start3A_88 = tpu.memref_slice %arg14[%dma_start3A_86, %dma_start3A_87] : memref<128x16xf32, #tpu.memory_space<vmem>> -> memref<120x16xf32, #tpu.memory_space<vmem>>
      tpu.enqueue_dma source(%dma_start3A_88 : memref<120x16xf32, #tpu.memory_space<vmem>>) target(%dma_start3A_85 : memref<120x16xf32, #tpu.memory_space<hbm>>) target_semaphore(%run_scoped3A : memref<!tpu.dma_semaphore, #tpu.memory_space<semaphore_mem>>)
      %dma_wait3A = arith.constant 0 : i32
      %dma_wait3A_89 = arith.constant 0 : i32
      %dma_wait3A_90 = tpu.memref_slice %arg14[%dma_wait3A, %dma_wait3A_89] : memref<128x16xf32, #tpu.memory_space<vmem>> -> memref<120x16xf32, #tpu.memory_space<vmem>>
      %dma_wait3A_91 = arith.constant 0 : i32
      %dma_wait3A_92 = tpu.memref_slice %arg8[%arg0, %add3A_77, %dma_wait3A_91] : memref<2x10112x16xf32, #tpu.memory_space<hbm>> -> memref<1x120x16xf32, #tpu.memory_space<hbm>>
      %dma_wait3A_93 = tpu.memref_squeeze %dma_wait3A_92 : memref<1x120x16xf32, #tpu.memory_space<hbm>> -> memref<120x16xf32, #tpu.memory_space<hbm>>
      %dma_wait3A_94 = arith.constant 0 : i32
      %dma_wait3A_95 = tpu.memref_slice %arg8[%arg0, %add3A_77, %dma_wait3A_94] : memref<2x10112x16xf32, #tpu.memory_space<hbm>> -> memref<1x120x16xf32, #tpu.memory_space<hbm>>
      %dma_wait3A_96 = tpu.memref_squeeze %dma_wait3A_95 : memref<1x120x16xf32, #tpu.memory_space<hbm>> -> memref<120x16xf32, #tpu.memory_space<hbm>>
      %dma_wait3A_97 = arith.constant 0 : i32
      %dma_wait3A_98 = arith.constant 0 : i32
      %dma_wait3A_99 = tpu.memref_slice %arg14[%dma_wait3A_97, %dma_wait3A_98] : memref<128x16xf32, #tpu.memory_space<vmem>> -> memref<120x16xf32, #tpu.memory_space<vmem>>
      tpu.wait_dma2 semaphore(%run_scoped3A : memref<!tpu.dma_semaphore, #tpu.memory_space<semaphore_mem>>) src(%dma_wait3A_99 : memref<120x16xf32, #tpu.memory_space<vmem>>) dst(%dma_wait3A_96 : memref<120x16xf32, #tpu.memory_space<hbm>>)
      tpu.yield
    }) : () -> ()
    return
  }
}

module attributes {stable_mosaic.version = 14 : i64} {
  func.func @_tc1_body(%arg0: i32, %arg1: memref<1000x128xf32, #tpu.memory_space<vmem>>, %arg2: memref<128x128xf32, #tpu.memory_space<vmem>>, %arg3: memref<128x16xf32, #tpu.memory_space<vmem>>, %arg4: memref<128x16xf32, #tpu.memory_space<vmem>>, %arg5: memref<1000x128xf32, #tpu.memory_space<vmem>>, %arg6: memref<1000x16xf32, #tpu.memory_space<vmem>>, %arg7: memref<1000x16xf32, #tpu.memory_space<vmem>>) attributes {dimension_semantics = [#tpu.dimension_semantics<arbitrary>], iteration_bounds = array<i64: 10>, scalar_prefetch = 0 : i64, scratch_operands = 0 : i64, tpu.core_type = #tpu.core_type<tc>, window_params = [{transform_indices = @transform_0, window_bounds = array<i64: 1000, 128>}, {pipeline_mode = #tpu.pipeline_mode<synchronous>, transform_indices = @transform_1, window_bounds = array<i64: 128, 128>}, {pipeline_mode = #tpu.pipeline_mode<synchronous>, transform_indices = @transform_2, window_bounds = array<i64: 128, 16>}, {pipeline_mode = #tpu.pipeline_mode<synchronous>, transform_indices = @transform_3, window_bounds = array<i64: 128, 16>}, {transform_indices = @transform_4, window_bounds = array<i64: 1000, 128>}, {transform_indices = @transform_5, window_bounds = array<i64: 1000, 16>}, {transform_indices = @transform_6, window_bounds = array<i64: 1000, 16>}]} {
    %get3A = arith.constant 0 : index
    %get3A_0 = arith.constant 0 : index
    %get3A_1 = vector.load %arg1[%get3A, %get3A_0] : memref<1000x128xf32, #tpu.memory_space<vmem>>, vector<1000x128xf32>
    %get3A_2 = arith.constant 0 : index
    %get3A_3 = arith.constant 0 : index
    %get3A_4 = vector.load %arg2[%get3A_2, %get3A_3] : memref<128x128xf32, #tpu.memory_space<vmem>>, vector<128x128xf32>
    %dot_general3A = arith.constant dense<0.000000e+00> : vector<1000x128xf32>
    %dot_general3A_5 = tpu.matmul %get3A_1, %get3A_4, %dot_general3A {dimension_numbers = #tpu.dot_dimension_numbers<[1], [0], [0], [1], [0, 0, 1, 1], [], []>, transpose_lhs_hint = false} : vector<1000x128xf32>, vector<128x128xf32>, vector<1000x128xf32> -> vector<1000x128xf32>
    %swap3A = arith.constant 0 : index
    %swap3A_6 = arith.constant 0 : index
    %swap3A_7 = vector.load %arg5[%swap3A, %swap3A_6] : memref<1000x128xf32, #tpu.memory_space<vmem>>, vector<1000x128xf32>
    tpu.vector_store %arg5[%swap3A, %swap3A_6], %dot_general3A_5 {strides = array<i32>} : memref<1000x128xf32, #tpu.memory_space<vmem>>, vector<1000x128xf32>,
    %get3A_8 = arith.constant 0 : index
    %get3A_9 = arith.constant 0 : index
    %get3A_10 = vector.load %arg3[%get3A_8, %get3A_9] : memref<128x16xf32, #tpu.memory_space<vmem>>, vector<128x16xf32>
    %dot_general3A_11 = arith.constant dense<0.000000e+00> : vector<1000x16xf32>
    %dot_general3A_12 = tpu.matmul %dot_general3A_5, %get3A_10, %dot_general3A_11 {dimension_numbers = #tpu.dot_dimension_numbers<[1], [0], [0], [1], [0, 0, 1, 1], [], []>, transpose_lhs_hint = false} : vector<1000x128xf32>, vector<128x16xf32>, vector<1000x16xf32> -> vector<1000x16xf32>
    %swap3A_13 = arith.constant 0 : index
    %swap3A_14 = arith.constant 0 : index
    %swap3A_15 = vector.load %arg6[%swap3A_13, %swap3A_14] : memref<1000x16xf32, #tpu.memory_space<vmem>>, vector<1000x16xf32>
    tpu.vector_store %arg6[%swap3A_13, %swap3A_14], %dot_general3A_12 {strides = array<i32>} : memref<1000x16xf32, #tpu.memory_space<vmem>>, vector<1000x16xf32>,
    %get3A_16 = arith.constant 0 : index
    %get3A_17 = arith.constant 0 : index
    %get3A_18 = vector.load %arg4[%get3A_16, %get3A_17] : memref<128x16xf32, #tpu.memory_space<vmem>>, vector<128x16xf32>
    %dot_general3A_19 = arith.constant dense<0.000000e+00> : vector<1000x16xf32>
    %dot_general3A_20 = tpu.matmul %dot_general3A_5, %get3A_18, %dot_general3A_19 {dimension_numbers = #tpu.dot_dimension_numbers<[1], [0], [0], [1], [0, 0, 1, 1], [], []>, transpose_lhs_hint = false} : vector<1000x128xf32>, vector<128x16xf32>, vector<1000x16xf32> -> vector<1000x16xf32>
    %swap3A_21 = arith.constant 0 : index
    %swap3A_22 = arith.constant 0 : index
    %swap3A_23 = vector.load %arg7[%swap3A_21, %swap3A_22] : memref<1000x16xf32, #tpu.memory_space<vmem>>, vector<1000x16xf32>
    tpu.vector_store %arg7[%swap3A_21, %swap3A_22], %dot_general3A_20 {strides = array<i32>} : memref<1000x16xf32, #tpu.memory_space<vmem>>, vector<1000x16xf32>,
    return
  }
  func.func @transform_0(%arg0: i32) -> (i32, i32) {
    %c0_i32 = arith.constant 0 : i32
    %c0_i32_0 = arith.constant 0 : i32
    return %arg0, %c0_i32 : i32, i32
  }
  func.func @transform_1(%arg0: i32) -> (i32, i32) {
    %c0_i32 = arith.constant 0 : i32
    %c0_i32_0 = arith.constant 0 : i32
    %c0_i32_1 = arith.constant 0 : i32
    return %c0_i32, %c0_i32_0 : i32, i32
  }
  func.func @transform_2(%arg0: i32) -> (i32, i32) {
    %c0_i32 = arith.constant 0 : i32
    %c0_i32_0 = arith.constant 0 : i32
    %c0_i32_1 = arith.constant 0 : i32
    return %c0_i32, %c0_i32_0 : i32, i32
  }
  func.func @transform_3(%arg0: i32) -> (i32, i32) {
    %c0_i32 = arith.constant 0 : i32
    %c0_i32_0 = arith.constant 0 : i32
    %c0_i32_1 = arith.constant 0 : i32
    return %c0_i32, %c0_i32_0 : i32, i32
  }
  func.func @transform_4(%arg0: i32) -> (i32, i32) {
    %c0_i32 = arith.constant 0 : i32
    %c0_i32_0 = arith.constant 0 : i32
    return %arg0, %c0_i32 : i32, i32
  }
  func.func @transform_5(%arg0: i32) -> (i32, i32) {
    %c0_i32 = arith.constant 0 : i32
    %c0_i32_0 = arith.constant 0 : i32
    return %arg0, %c0_i32 : i32, i32
  }
  func.func @transform_6(%arg0: i32) -> (i32, i32) {
    %c0_i32 = arith.constant 0 : i32
    %c0_i32_0 = arith.constant 0 : i32
    return %arg0, %c0_i32 : i32, i32
  }
}

module attributes {stable_mosaic.version = 14 : i64} {
  func.func @_tc2_body(%arg0: i32, %arg1: memref<2x1000x128xf32, #tpu.memory_space<vmem>>, %arg2: memref<2x1000x16xf32, #tpu.memory_space<vmem>>, %arg3: memref<1000x128xf32, #tpu.memory_space<vmem>>, %arg4: memref<128x128xf32, #tpu.memory_space<vmem>>, %arg5: memref<16x128xf32, #tpu.memory_space<vmem>>, %arg6: memref<128x128xf32, #tpu.memory_space<vmem>>, %arg7: memref<128x16xf32, #tpu.memory_space<vmem>>, %arg8: memref<128x16xf32, #tpu.memory_space<vmem>>, %arg9: memref<1x128xf32, #tpu.memory_space<vmem>>, %arg10: memref<1000x128xf32, #tpu.memory_space<vmem>>, %arg11: memref<1000x16xf32, #tpu.memory_space<vmem>>, %arg12: memref<1000x16xf32, #tpu.memory_space<vmem>>) attributes {dimension_semantics = [#tpu.dimension_semantics<arbitrary>], iteration_bounds = array<i64: 10>, scalar_prefetch = 0 : i64, scratch_operands = 0 : i64, tpu.core_type = #tpu.core_type<tc>, window_params = [{transform_indices = @transform_0, window_bounds = array<i64: 2, 1000, 128>}, {transform_indices = @transform_1, window_bounds = array<i64: 2, 1000, 16>}, {transform_indices = @transform_2, window_bounds = array<i64: 1000, 128>}, {pipeline_mode = #tpu.pipeline_mode<synchronous>, transform_indices = @transform_3, window_bounds = array<i64: 128, 128>}, {pipeline_mode = #tpu.pipeline_mode<synchronous>, transform_indices = @transform_4, window_bounds = array<i64: 16, 128>}, {pipeline_mode = #tpu.pipeline_mode<synchronous>, transform_indices = @transform_5, window_bounds = array<i64: 128, 128>}, {pipeline_mode = #tpu.pipeline_mode<synchronous>, transform_indices = @transform_6, window_bounds = array<i64: 128, 16>}, {pipeline_mode = #tpu.pipeline_mode<synchronous>, transform_indices = @transform_7, window_bounds = array<i64: 128, 16>}, {pipeline_mode = #tpu.pipeline_mode<synchronous>, transform_indices = @transform_8, window_bounds = array<i64: 1, 128>}, {transform_indices = @transform_9, window_bounds = array<i64: 1000, 128>}, {transform_indices = @transform_10, window_bounds = array<i64: 1000, 16>}, {transform_indices = @transform_11, window_bounds = array<i64: 1000, 16>}]} {
    %get3A = arith.constant 0 : index
    %get3A_0 = arith.constant 0 : index
    %get3A_1 = arith.constant 0 : index
    %get3A_2 = vector.load %arg1[%get3A, %get3A_0, %get3A_1] : memref<2x1000x128xf32, #tpu.memory_space<vmem>>, vector<1x1000x128xf32>
    %get3A_3 = vector.shape_cast %get3A_2 : vector<1x1000x128xf32> to vector<1000x128xf32>
    %get3A_4 = arith.constant 1 : index
    %get3A_5 = arith.constant 0 : index
    %get3A_6 = arith.constant 0 : index
    %get3A_7 = vector.load %arg1[%get3A_4, %get3A_5, %get3A_6] : memref<2x1000x128xf32, #tpu.memory_space<vmem>>, vector<1x1000x128xf32>
    %get3A_8 = vector.shape_cast %get3A_7 : vector<1x1000x128xf32> to vector<1000x128xf32>
    %add3A = arith.addf %get3A_3, %get3A_8 : vector<1000x128xf32>
    %get3A_9 = arith.constant 0 : index
    %get3A_10 = arith.constant 0 : index
    %get3A_11 = arith.constant 0 : index
    %get3A_12 = vector.load %arg2[%get3A_9, %get3A_10, %get3A_11] : memref<2x1000x16xf32, #tpu.memory_space<vmem>>, vector<1x1000x16xf32>
    %get3A_13 = vector.shape_cast %get3A_12 : vector<1x1000x16xf32> to vector<1000x16xf32>
    %get3A_14 = arith.constant 1 : index
    %get3A_15 = arith.constant 0 : index
    %get3A_16 = arith.constant 0 : index
    %get3A_17 = vector.load %arg2[%get3A_14, %get3A_15, %get3A_16] : memref<2x1000x16xf32, #tpu.memory_space<vmem>>, vector<1x1000x16xf32>
    %get3A_18 = vector.shape_cast %get3A_17 : vector<1x1000x16xf32> to vector<1000x16xf32>
    %add3A_19 = arith.addf %get3A_13, %get3A_18 : vector<1000x16xf32>
    %get3A_20 = arith.constant 0 : index
    %get3A_21 = arith.constant 0 : index
    %get3A_22 = vector.load %arg5[%get3A_20, %get3A_21] : memref<16x128xf32, #tpu.memory_space<vmem>>, vector<16x128xf32>
    %dot_general3A = arith.constant dense<0.000000e+00> : vector<1000x128xf32>
    %dot_general3A_23 = tpu.matmul %add3A_19, %get3A_22, %dot_general3A {dimension_numbers = #tpu.dot_dimension_numbers<[1], [0], [0], [1], [0, 0, 1, 1], [], []>, transpose_lhs_hint = false} : vector<1000x16xf32>, vector<16x128xf32>, vector<1000x128xf32> -> vector<1000x128xf32>
    %get3A_24 = arith.constant 0 : index
    %get3A_25 = arith.constant 0 : index
    %get3A_26 = vector.load %arg3[%get3A_24, %get3A_25] : memref<1000x128xf32, #tpu.memory_space<vmem>>, vector<1000x128xf32>
    %get3A_27 = arith.constant 0 : index
    %get3A_28 = arith.constant 0 : index
    %get3A_29 = vector.load %arg4[%get3A_27, %get3A_28] : memref<128x128xf32, #tpu.memory_space<vmem>>, vector<128x128xf32>
    %dot_general3A_30 = arith.constant dense<0.000000e+00> : vector<1000x128xf32>
    %dot_general3A_31 = tpu.matmul %get3A_26, %get3A_29, %dot_general3A_30 {dimension_numbers = #tpu.dot_dimension_numbers<[1], [0], [0], [1], [0, 0, 1, 1], [], []>, transpose_lhs_hint = false} : vector<1000x128xf32>, vector<128x128xf32>, vector<1000x128xf32> -> vector<1000x128xf32>
    %ge3A = arith.constant 0.000000e+00 : f32
    %ge3A_32 = vector.broadcast %ge3A : f32 to vector<1000x128xf32>
    %ge3A_33 = arith.cmpf oge, %dot_general3A_31, %ge3A_32 : vector<1000x128xf32>
    %mul3A = arith.constant 2.000000e-01 : f32
    %mul3A_34 = vector.broadcast %mul3A : f32 to vector<1000x128xf32>
    %mul3A_35 = arith.mulf %mul3A_34, %dot_general3A_31 : vector<1000x128xf32>
    %select_n3A = arith.select %ge3A_33, %dot_general3A_31, %mul3A_35 : vector<1000x128xi1>, vector<1000x128xf32>
    %exp3A = math.exp %select_n3A : vector<1000x128xf32>
    %mul3A_36 = arith.mulf %exp3A, %get3A_26 : vector<1000x128xf32>
    %add3A_37 = arith.addf %add3A, %mul3A_36 : vector<1000x128xf32>
    %add3A_38 = arith.addf %dot_general3A_23, %exp3A : vector<1000x128xf32>
    %add3A_39 = arith.constant 1.000000e-16 : f32
    %add3A_40 = vector.broadcast %add3A_39 : f32 to vector<1000x128xf32>
    %add3A_41 = arith.addf %add3A_38, %add3A_40 : vector<1000x128xf32>
    %div3A = arith.divf %add3A_37, %add3A_41 : vector<1000x128xf32>
    %get3A_42 = arith.constant 0 : index
    %get3A_43 = arith.constant 0 : index
    %get3A_44 = vector.load %arg9[%get3A_42, %get3A_43] : memref<1x128xf32, #tpu.memory_space<vmem>>, vector<1x128xf32>
    %add3A_45 = vector.broadcast %get3A_44 : vector<1x128xf32> to vector<1000x128xf32>
    %add3A_46 = arith.addf %div3A, %add3A_45 : vector<1000x128xf32>
    %gt3A = arith.constant 0.000000e+00 : f32
    %gt3A_47 = vector.broadcast %gt3A : f32 to vector<1000x128xf32>
    %gt3A_48 = arith.cmpf ogt, %add3A_46, %gt3A_47 : vector<1000x128xf32>
    %exp3A_49 = math.exp %add3A_46 : vector<1000x128xf32>
    %sub3A = arith.constant 1.000000e+00 : f32
    %sub3A_50 = vector.broadcast %sub3A : f32 to vector<1000x128xf32>
    %sub3A_51 = arith.subf %exp3A_49, %sub3A_50 : vector<1000x128xf32>
    %select_n3A_52 = arith.select %gt3A_48, %add3A_46, %sub3A_51 : vector<1000x128xi1>, vector<1000x128xf32>
    %get3A_53 = arith.constant 0 : index
    %get3A_54 = arith.constant 0 : index
    %get3A_55 = vector.load %arg6[%get3A_53, %get3A_54] : memref<128x128xf32, #tpu.memory_space<vmem>>, vector<128x128xf32>
    %dot_general3A_56 = arith.constant dense<0.000000e+00> : vector<1000x128xf32>
    %dot_general3A_57 = tpu.matmul %select_n3A_52, %get3A_55, %dot_general3A_56 {dimension_numbers = #tpu.dot_dimension_numbers<[1], [0], [0], [1], [0, 0, 1, 1], [], []>, transpose_lhs_hint = false} : vector<1000x128xf32>, vector<128x128xf32>, vector<1000x128xf32> -> vector<1000x128xf32>
    %swap3A = arith.constant 0 : index
    %swap3A_58 = arith.constant 0 : index
    %swap3A_59 = vector.load %arg10[%swap3A, %swap3A_58] : memref<1000x128xf32, #tpu.memory_space<vmem>>, vector<1000x128xf32>
    tpu.vector_store %arg10[%swap3A, %swap3A_58], %dot_general3A_57 {strides = array<i32>} : memref<1000x128xf32, #tpu.memory_space<vmem>>, vector<1000x128xf32>,
    %get3A_60 = arith.constant 0 : index
    %get3A_61 = arith.constant 0 : index
    %get3A_62 = vector.load %arg7[%get3A_60, %get3A_61] : memref<128x16xf32, #tpu.memory_space<vmem>>, vector<128x16xf32>
    %dot_general3A_63 = arith.constant dense<0.000000e+00> : vector<1000x16xf32>
    %dot_general3A_64 = tpu.matmul %dot_general3A_57, %get3A_62, %dot_general3A_63 {dimension_numbers = #tpu.dot_dimension_numbers<[1], [0], [0], [1], [0, 0, 1, 1], [], []>, transpose_lhs_hint = false} : vector<1000x128xf32>, vector<128x16xf32>, vector<1000x16xf32> -> vector<1000x16xf32>
    %swap3A_65 = arith.constant 0 : index
    %swap3A_66 = arith.constant 0 : index
    %swap3A_67 = vector.load %arg11[%swap3A_65, %swap3A_66] : memref<1000x16xf32, #tpu.memory_space<vmem>>, vector<1000x16xf32>
    tpu.vector_store %arg11[%swap3A_65, %swap3A_66], %dot_general3A_64 {strides = array<i32>} : memref<1000x16xf32, #tpu.memory_space<vmem>>, vector<1000x16xf32>,
    %get3A_68 = arith.constant 0 : index
    %get3A_69 = arith.constant 0 : index
    %get3A_70 = vector.load %arg8[%get3A_68, %get3A_69] : memref<128x16xf32, #tpu.memory_space<vmem>>, vector<128x16xf32>
    %dot_general3A_71 = arith.constant dense<0.000000e+00> : vector<1000x16xf32>
    %dot_general3A_72 = tpu.matmul %dot_general3A_57, %get3A_70, %dot_general3A_71 {dimension_numbers = #tpu.dot_dimension_numbers<[1], [0], [0], [1], [0, 0, 1, 1], [], []>, transpose_lhs_hint = false} : vector<1000x128xf32>, vector<128x16xf32>, vector<1000x16xf32> -> vector<1000x16xf32>
    %swap3A_73 = arith.constant 0 : index
    %swap3A_74 = arith.constant 0 : index
    %swap3A_75 = vector.load %arg12[%swap3A_73, %swap3A_74] : memref<1000x16xf32, #tpu.memory_space<vmem>>, vector<1000x16xf32>
    tpu.vector_store %arg12[%swap3A_73, %swap3A_74], %dot_general3A_72 {strides = array<i32>} : memref<1000x16xf32, #tpu.memory_space<vmem>>, vector<1000x16xf32>,
    return
  }
  func.func @transform_0(%arg0: i32) -> (i32, i32, i32) {
    %c0_i32 = arith.constant 0 : i32
    %c0_i32_0 = arith.constant 0 : i32
    %c0_i32_1 = arith.constant 0 : i32
    return %c0_i32, %arg0, %c0_i32_0 : i32, i32, i32
  }
  func.func @transform_1(%arg0: i32) -> (i32, i32, i32) {
    %c0_i32 = arith.constant 0 : i32
    %c0_i32_0 = arith.constant 0 : i32
    %c0_i32_1 = arith.constant 0 : i32
    return %c0_i32, %arg0, %c0_i32_0 : i32, i32, i32
  }
  func.func @transform_2(%arg0: i32) -> (i32, i32) {
    %c0_i32 = arith.constant 0 : i32
    %c0_i32_0 = arith.constant 0 : i32
    return %arg0, %c0_i32 : i32, i32
  }
  func.func @transform_3(%arg0: i32) -> (i32, i32) {
    %c0_i32 = arith.constant 0 : i32
    %c0_i32_0 = arith.constant 0 : i32
    %c0_i32_1 = arith.constant 0 : i32
    return %c0_i32, %c0_i32_0 : i32, i32
  }
  func.func @transform_4(%arg0: i32) -> (i32, i32) {
    %c0_i32 = arith.constant 0 : i32
    %c0_i32_0 = arith.constant 0 : i32
    %c0_i32_1 = arith.constant 0 : i32
    return %c0_i32, %c0_i32_0 : i32, i32
  }
  func.func @transform_5(%arg0: i32) -> (i32, i32) {
    %c0_i32 = arith.constant 0 : i32
    %c0_i32_0 = arith.constant 0 : i32
    %c0_i32_1 = arith.constant 0 : i32
    return %c0_i32, %c0_i32_0 : i32, i32
  }
  func.func @transform_6(%arg0: i32) -> (i32, i32) {
    %c0_i32 = arith.constant 0 : i32
    %c0_i32_0 = arith.constant 0 : i32
    %c0_i32_1 = arith.constant 0 : i32
    return %c0_i32, %c0_i32_0 : i32, i32
  }
  func.func @transform_7(%arg0: i32) -> (i32, i32) {
    %c0_i32 = arith.constant 0 : i32
    %c0_i32_0 = arith.constant 0 : i32
    %c0_i32_1 = arith.constant 0 : i32
    return %c0_i32, %c0_i32_0 : i32, i32
  }
  func.func @transform_8(%arg0: i32) -> (i32, i32) {
    %c0_i32 = arith.constant 0 : i32
    %c0_i32_0 = arith.constant 0 : i32
    %c0_i32_1 = arith.constant 0 : i32
    return %c0_i32, %c0_i32_0 : i32, i32
  }
  func.func @transform_9(%arg0: i32) -> (i32, i32) {
    %c0_i32 = arith.constant 0 : i32
    %c0_i32_0 = arith.constant 0 : i32
    return %arg0, %c0_i32 : i32, i32
  }
  func.func @transform_10(%arg0: i32) -> (i32, i32) {
    %c0_i32 = arith.constant 0 : i32
    %c0_i32_0 = arith.constant 0 : i32
    return %arg0, %c0_i32 : i32, i32
  }
  func.func @transform_11(%arg0: i32) -> (i32, i32) {
    %c0_i32 = arith.constant 0 : i32
    %c0_i32_0 = arith.constant 0 : i32
    return %arg0, %c0_i32 : i32, i32
  }
}

module attributes {stable_mosaic.version = 14 : i64} {
  func.func @_tc3_body(%arg0: i32, %arg1: memref<2x1000x128xf32, #tpu.memory_space<vmem>>, %arg2: memref<2x1000x16xf32, #tpu.memory_space<vmem>>, %arg3: memref<1000x128xf32, #tpu.memory_space<vmem>>, %arg4: memref<128x128xf32, #tpu.memory_space<vmem>>, %arg5: memref<16x128xf32, #tpu.memory_space<vmem>>, %arg6: memref<1x128xf32, #tpu.memory_space<vmem>>, %arg7: memref<1000x128xf32, #tpu.memory_space<vmem>>) attributes {dimension_semantics = [#tpu.dimension_semantics<arbitrary>], iteration_bounds = array<i64: 10>, scalar_prefetch = 0 : i64, scratch_operands = 0 : i64, tpu.core_type = #tpu.core_type<tc>, window_params = [{transform_indices = @transform_0, window_bounds = array<i64: 2, 1000, 128>}, {transform_indices = @transform_1, window_bounds = array<i64: 2, 1000, 16>}, {transform_indices = @transform_2, window_bounds = array<i64: 1000, 128>}, {pipeline_mode = #tpu.pipeline_mode<synchronous>, transform_indices = @transform_3, window_bounds = array<i64: 128, 128>}, {pipeline_mode = #tpu.pipeline_mode<synchronous>, transform_indices = @transform_4, window_bounds = array<i64: 16, 128>}, {pipeline_mode = #tpu.pipeline_mode<synchronous>, transform_indices = @transform_5, window_bounds = array<i64: 1, 128>}, {transform_indices = @transform_6, window_bounds = array<i64: 1000, 128>}]} {
    %get3A = arith.constant 0 : index
    %get3A_0 = arith.constant 0 : index
    %get3A_1 = arith.constant 0 : index
    %get3A_2 = vector.load %arg1[%get3A, %get3A_0, %get3A_1] : memref<2x1000x128xf32, #tpu.memory_space<vmem>>, vector<1x1000x128xf32>
    %get3A_3 = vector.shape_cast %get3A_2 : vector<1x1000x128xf32> to vector<1000x128xf32>
    %get3A_4 = arith.constant 1 : index
    %get3A_5 = arith.constant 0 : index
    %get3A_6 = arith.constant 0 : index
    %get3A_7 = vector.load %arg1[%get3A_4, %get3A_5, %get3A_6] : memref<2x1000x128xf32, #tpu.memory_space<vmem>>, vector<1x1000x128xf32>
    %get3A_8 = vector.shape_cast %get3A_7 : vector<1x1000x128xf32> to vector<1000x128xf32>
    %add3A = arith.addf %get3A_3, %get3A_8 : vector<1000x128xf32>
    %get3A_9 = arith.constant 0 : index
    %get3A_10 = arith.constant 0 : index
    %get3A_11 = arith.constant 0 : index
    %get3A_12 = vector.load %arg2[%get3A_9, %get3A_10, %get3A_11] : memref<2x1000x16xf32, #tpu.memory_space<vmem>>, vector<1x1000x16xf32>
    %get3A_13 = vector.shape_cast %get3A_12 : vector<1x1000x16xf32> to vector<1000x16xf32>
    %get3A_14 = arith.constant 1 : index
    %get3A_15 = arith.constant 0 : index
    %get3A_16 = arith.constant 0 : index
    %get3A_17 = vector.load %arg2[%get3A_14, %get3A_15, %get3A_16] : memref<2x1000x16xf32, #tpu.memory_space<vmem>>, vector<1x1000x16xf32>
    %get3A_18 = vector.shape_cast %get3A_17 : vector<1x1000x16xf32> to vector<1000x16xf32>
    %add3A_19 = arith.addf %get3A_13, %get3A_18 : vector<1000x16xf32>
    %get3A_20 = arith.constant 0 : index
    %get3A_21 = arith.constant 0 : index
    %get3A_22 = vector.load %arg5[%get3A_20, %get3A_21] : memref<16x128xf32, #tpu.memory_space<vmem>>, vector<16x128xf32>
    %dot_general3A = arith.constant dense<0.000000e+00> : vector<1000x128xf32>
    %dot_general3A_23 = tpu.matmul %add3A_19, %get3A_22, %dot_general3A {dimension_numbers = #tpu.dot_dimension_numbers<[1], [0], [0], [1], [0, 0, 1, 1], [], []>, transpose_lhs_hint = false} : vector<1000x16xf32>, vector<16x128xf32>, vector<1000x128xf32> -> vector<1000x128xf32>
    %get3A_24 = arith.constant 0 : index
    %get3A_25 = arith.constant 0 : index
    %get3A_26 = vector.load %arg3[%get3A_24, %get3A_25] : memref<1000x128xf32, #tpu.memory_space<vmem>>, vector<1000x128xf32>
    %get3A_27 = arith.constant 0 : index
    %get3A_28 = arith.constant 0 : index
    %get3A_29 = vector.load %arg4[%get3A_27, %get3A_28] : memref<128x128xf32, #tpu.memory_space<vmem>>, vector<128x128xf32>
    %dot_general3A_30 = arith.constant dense<0.000000e+00> : vector<1000x128xf32>
    %dot_general3A_31 = tpu.matmul %get3A_26, %get3A_29, %dot_general3A_30 {dimension_numbers = #tpu.dot_dimension_numbers<[1], [0], [0], [1], [0, 0, 1, 1], [], []>, transpose_lhs_hint = false} : vector<1000x128xf32>, vector<128x128xf32>, vector<1000x128xf32> -> vector<1000x128xf32>
    %ge3A = arith.constant 0.000000e+00 : f32
    %ge3A_32 = vector.broadcast %ge3A : f32 to vector<1000x128xf32>
    %ge3A_33 = arith.cmpf oge, %dot_general3A_31, %ge3A_32 : vector<1000x128xf32>
    %mul3A = arith.constant 2.000000e-01 : f32
    %mul3A_34 = vector.broadcast %mul3A : f32 to vector<1000x128xf32>
    %mul3A_35 = arith.mulf %mul3A_34, %dot_general3A_31 : vector<1000x128xf32>
    %select_n3A = arith.select %ge3A_33, %dot_general3A_31, %mul3A_35 : vector<1000x128xi1>, vector<1000x128xf32>
    %exp3A = math.exp %select_n3A : vector<1000x128xf32>
    %mul3A_36 = arith.mulf %exp3A, %get3A_26 : vector<1000x128xf32>
    %add3A_37 = arith.addf %add3A, %mul3A_36 : vector<1000x128xf32>
    %add3A_38 = arith.addf %dot_general3A_23, %exp3A : vector<1000x128xf32>
    %add3A_39 = arith.constant 1.000000e-16 : f32
    %add3A_40 = vector.broadcast %add3A_39 : f32 to vector<1000x128xf32>
    %add3A_41 = arith.addf %add3A_38, %add3A_40 : vector<1000x128xf32>
    %div3A = arith.divf %add3A_37, %add3A_41 : vector<1000x128xf32>
    %get3A_42 = arith.constant 0 : index
    %get3A_43 = arith.constant 0 : index
    %get3A_44 = vector.load %arg6[%get3A_42, %get3A_43] : memref<1x128xf32, #tpu.memory_space<vmem>>, vector<1x128xf32>
    %add3A_45 = vector.broadcast %get3A_44 : vector<1x128xf32> to vector<1000x128xf32>
    %add3A_46 = arith.addf %div3A, %add3A_45 : vector<1000x128xf32>
    %swap3A = arith.constant 0 : index
    %swap3A_47 = arith.constant 0 : index
    %swap3A_48 = vector.load %arg7[%swap3A, %swap3A_47] : memref<1000x128xf32, #tpu.memory_space<vmem>>, vector<1000x128xf32>
    tpu.vector_store %arg7[%swap3A, %swap3A_47], %add3A_46 {strides = array<i32>} : memref<1000x128xf32, #tpu.memory_space<vmem>>, vector<1000x128xf32>,
    return
  }
  func.func @transform_0(%arg0: i32) -> (i32, i32, i32) {
    %c0_i32 = arith.constant 0 : i32
    %c0_i32_0 = arith.constant 0 : i32
    %c0_i32_1 = arith.constant 0 : i32
    return %c0_i32, %arg0, %c0_i32_0 : i32, i32, i32
  }
  func.func @transform_1(%arg0: i32) -> (i32, i32, i32) {
    %c0_i32 = arith.constant 0 : i32
    %c0_i32_0 = arith.constant 0 : i32
    %c0_i32_1 = arith.constant 0 : i32
    return %c0_i32, %arg0, %c0_i32_0 : i32, i32, i32
  }
  func.func @transform_2(%arg0: i32) -> (i32, i32) {
    %c0_i32 = arith.constant 0 : i32
    %c0_i32_0 = arith.constant 0 : i32
    return %arg0, %c0_i32 : i32, i32
  }
  func.func @transform_3(%arg0: i32) -> (i32, i32) {
    %c0_i32 = arith.constant 0 : i32
    %c0_i32_0 = arith.constant 0 : i32
    %c0_i32_1 = arith.constant 0 : i32
    return %c0_i32, %c0_i32_0 : i32, i32
  }
  func.func @transform_4(%arg0: i32) -> (i32, i32) {
    %c0_i32 = arith.constant 0 : i32
    %c0_i32_0 = arith.constant 0 : i32
    %c0_i32_1 = arith.constant 0 : i32
    return %c0_i32, %c0_i32_0 : i32, i32
  }
  func.func @transform_5(%arg0: i32) -> (i32, i32) {
    %c0_i32 = arith.constant 0 : i32
    %c0_i32_0 = arith.constant 0 : i32
    %c0_i32_1 = arith.constant 0 : i32
    return %c0_i32, %c0_i32_0 : i32, i32
  }
  func.func @transform_6(%arg0: i32) -> (i32, i32) {
    %c0_i32 = arith.constant 0 : i32
    %c0_i32_0 = arith.constant 0 : i32
    return %arg0, %c0_i32 : i32, i32
  }
}

</mosaic_0001>

<sc_bundles>
// kernel: kernel.10.cloned.1.call-start
scs
__scs_entry_jumppad:
0x0: {  	(pc) =	sbr.rel $0x88, $3  }
0x1: {  	(tag) =	ssettag $0x0;
	lr =	simm.s32 $0x1  }
0x2: {  	[smem:$0x3F97] =	sst lr;
	_ =	strace $0xD0000000  }
0x3: {  	_ = 	snop  }
0x4: {  	_ = 	snop  }
0x5: {  	_ = 	snop  }
0x6: {  	_ = 	snop  }
0x7: {  	_ = 	snop  }
__scs_overlays_trampoline_lowered:
0x8: {  	[smem:$0x3FA6] =	sst s0  }
0x9: {  	[smem:$0x3FA7] =	sst s1  }
0xa: {  	[smem:$0x3FA8] =	sst s2  }
0xb: {  	[smem:$0x3FA9] =	sst s3  }
0xc: {  	[smem:$0x3FAA] =	sst s4  }
0xd: {  	[smem:$0x3FAB] =	sst s5  }
0xe: {  	[smem:$0x3FAC] =	sst s6  }
0xf: {  	[smem:$0x3FAD] =	sst s7  }
0x10: {  	[smem:$0x3FAE] =	sst s8  }
0x11: {  	[smem:$0x3FAF] =	sst s9;
	s0 =	simm.s32 @!p0 $0x0  }
0x12: {  	s1 =	sld [smem:$0x3F95];
	s0 =	simm.s32 @p0 $0x1  }
0x13: {  	[smem:$0x3FB0] =	sst s0;
	s0 =	simm.s32 @!p1 $0x0  }
0x14: {  	s2 =	sld [smem:$0x3F94];
	s0 =	simm.s32 @p1 $0x1  }
0x15: {  	[smem:$0x3FB1] =	sst s0;
	s0 =	simm.s32 @!p2 $0x0  }
0x16: {  	s3 =	sld [smem:$0x3FDB];
	s0 =	simm.s32 @p2 $0x1  }
0x17: {  	s4 =	simm.s32 $0x1BF5;
	[smem:$0x3FB3] =	sst s0  }
0x18: {  	s0 =	sld [smem:$0x3F96];
	_ =	swait.ge [sflag:s4], $0x0  }
0x19: {  	s7 =	sld [smem:$0x3F97]  }
0x1a: {  	s8 =	sadd.s32 $0xFFFFE003, lr  }
0x1b: {  	s9 =	sadd.s32 $0xFFFFFEF7, lr;
	s5 =	simm.s32 $0xFFFFFFFF;
	p2 =	slt.u32 s8, $0xFFFFF086  }
0x1c: {  	p1 =	slt.u32 s9, $0xF7A;
	s5 =	simm.s32 @!p2 $0x0  }
0x1d: {  	s5 =	simm.s32 @p1 $0x1;
	p0 =	seq.s32 s7, s2  }
0x1e: {  	s7 =	smul.u32 @!p0 $0xF7A, s2;
	p2 =	seq.s32 @!p0 s5, $0x0  }
0x1f: {  	s9 =	smul.u32 $0xF7A, s1;
	s8 =	simm.s32 @!p0 $0x1BF5;
	p2 =	por !p2, p0  }
0x20: {  	[sflag:s8] =	ssyncset.s32 @!p0 $0xFFFFF086;
	s6 =	sadd.s32 @!p0 s3, s7;
	s7 =	simm.s32 @!p0 $0x108  }
0x21: {  	s3 =	sadd.s32 s3, s9;
	s6 =	sadd.s32 @!p0 $0x88, s6;
	s7 =	simm.s32 @p2 $0x1082  }
0x22: {  	[simem:s7], [sflag:s8] =	dma.local @!p0 [hbm:s6], $0xF7A  }
0x23: {  	s9 =	sor.u32 $0xD0000000, s2;
	s6 =	simm.s32 $0x108;
	_ =	swait.ge @!p0 [sflag:s8], $0x0  }
0x24: {  	s3 =	sadd.s32 $0x88, s3;
	s6 =	simm.s32 @!p1 $0x1082;
	[sflag:s4] =	ssyncset.s32 $0xFFFFF086  }
0x25: {  	[simem:s6], [sflag:s4] =	dma.local [hbm:s3], $0xF7A  }
0x26: {  	[smem:$0x3F97] =	sst s1;
	(tag) =	ssettag s2;
	_ =	strace s9  }
0x27: {  	s1 =	sld [smem:$0x3FA7]  }
0x28: {  	s2 =	sld [smem:$0x3FA8]  }
0x29: {  	s4 =	sld [smem:$0x3FAA]  }
0x2a: {  	p0 =	seq.s32 s5, $0x0;
	s5 =	sld [smem:$0x3FAB]  }
0x2b: {  	s6 =	sld [smem:$0x3FAC]  }
0x2c: {  	s7 =	sld [smem:$0x3FAD]  }
0x2d: {  	s3 =	simm.s32 $0x108;
	s8 =	sld [smem:$0x3FAE]  }
0x2e: {  	s3 =	simm.s32 @!p0 $0x1082;
	s9 =	sld [smem:$0x3FAF]  }
0x2f: {  	lr =	sadd.s32 s0, s3;
	s0 =	sld [smem:$0x3FA6]  }
0x30: {  	s3 =	sld [smem:$0x3FA9]  }
0x31: {  	[smem:$0x3FB2] =	sst s10  }
0x32: {  	s10 =	sld [smem:$0x3FB0];
	_ =	sdelay $0x3  }
0x33: {  	p0 =	seq.s32 s10, $0x1;
	s10 =	sld [smem:$0x3FB2];
	_ =	sdelay $0x3  }
0x34: {  	[smem:$0x3FB2] =	sst s10  }
0x35: {  	s10 =	sld [smem:$0x3FB1];
	_ =	sdelay $0x3  }
0x36: {  	p1 =	seq.s32 s10, $0x1;
	s10 =	sld [smem:$0x3FB2];
	_ =	sdelay $0x3  }
0x37: {  	[smem:$0x3FB2] =	sst s10  }
0x38: {  	s10 =	sld [smem:$0x3FB3]  }
0x39: {  	_ = 	snop;
	(pc) =	sbr.ind lr, $3  }
0x3a: {  	_ = 	snop  }
0x3b: {  	_ = 	snop  }
0x3c: {  	p2 =	seq.s32 s10, $0x1;
	s10 =	sld [smem:$0x3FB2]  }
0x3d: {  	_ =	shalt  }
0x3e: {  	_ =	shalt  }
0x3f: {  	_ =	shalt  }
0x40: {  	_ =	shalt  }
0x41: {  	_ =	shalt  }
0x42: {  	_ =	shalt  }
0x43: {  	_ =	shalt  }
0x44: {  	_ =	shalt  }
0x45: {  	_ =	shalt  }
0x46: {  	_ =	shalt  }
0x47: {  	_ =	shalt  }
0x48: {  	_ =	shalt  }
0x49: {  	_ =	shalt  }
0x4a: {  	_ =	shalt  }
0x4b: {  	_ =	shalt  }
0x4c: {  	_ =	shalt  }
0x4d: {  	_ =	shalt  }
0x4e: {  	_ =	shalt  }
0x4f: {  	_ =	shalt  }
0x50: {  	_ =	shalt  }
0x51: {  	_ =	shalt  }
0x52: {  	_ =	shalt  }
0x53: {  	_ =	shalt  }
0x54: {  	_ =	shalt  }
0x55: {  	_ =	shalt  }
0x56: {  	_ =	shalt  }
0x57: {  	_ =	shalt  }
0x58: {  	_ =	shalt  }
0x59: {  	_ =	shalt  }
0x5a: {  	_ =	shalt  }
0x5b: {  	_ =	shalt  }
0x5c: {  	_ =	shalt  }
0x5d: {  	_ =	shalt  }
0x5e: {  	_ =	shalt  }
0x5f: {  	_ =	shalt  }
0x60: {  	_ =	shalt  }
0x61: {  	_ =	shalt  }
0x62: {  	_ =	shalt  }
0x63: {  	_ =	shalt  }
0x64: {  	_ =	shalt  }
0x65: {  	_ =	shalt  }
0x66: {  	_ =	shalt  }
0x67: {  	_ =	shalt  }
0x68: {  	_ =	shalt  }
0x69: {  	_ =	shalt  }
0x6a: {  	_ =	shalt  }
0x6b: {  	_ =	shalt  }
0x6c: {  	_ =	shalt  }
0x6d: {  	_ =	shalt  }
0x6e: {  	_ =	shalt  }
0x6f: {  	_ =	shalt  }
0x70: {  	_ =	shalt  }
0x71: {  	_ =	shalt  }
0x72: {  	_ =	shalt  }
0x73: {  	_ =	shalt  }
0x74: {  	_ =	shalt  }
0x75: {  	_ =	shalt  }
0x76: {  	_ =	shalt  }
0x77: {  	_ =	shalt  }
0x78: {  	_ =	shalt  }
0x79: {  	_ =	shalt  }
0x7a: {  	_ =	shalt  }
0x7b: {  	_ =	shalt  }
0x7c: {  	_ =	shalt  }
0x7d: {  	_ =	shalt  }
0x7e: {  	_ =	shalt  }
0x7f: {  	_ =	shalt  }
0x80: {  	_ =	shalt  }
0x81: {  	_ =	shalt  }
0x82: {  	_ =	shalt  }
0x83: {  	_ =	shalt  }
0x84: {  	_ =	shalt  }
0x85: {  	_ =	shalt  }
0x86: {  	_ =	shalt  }
0x87: {  	_ =	shalt  }
.Lfunc_end0:
.L_simem_size_0:
called_computation.1_lowered:
.L_overlay_start_0:
0x88: {  	s2 =	sld [smem:$0x3FD9]  }
0x89: {  	s3 =	sld [smem:$0x3FFE];
	_ =	sdelay $0x1  }
0x8a: {  	s1 =	srdreg.scid  }
0x8b: {  	s0 =	sand.u32 $0x1, s1  }
0x8c: {  	s17 =	sshll.u32 s0, $0xA;
	s2 =	sadd.s32 s3, s2  }
0x8d: {  	s2 =	sadd.s32 s2, s17  }
0x8e: {  	[smem:$0x3FBE] =	sst s2  }
0x8f: {  	_ = 	snop  }
0x90: {  	s2 =	sld [smem:$0x3FD0];
	(tm) =	ssettm $0x1  }
0x91: {  	s18 =	sld [smem:$0x3FFB];
	_ =	sdelay $0x3  }
0x92: {  	_ =	strace s18  }
0x93: {  	s3 =	sld [smem:$0x3FFC];
	_ =	sdelay $0x3  }
0x94: {  	_ =	strace s3  }
0x95: {  	s3 =	sld [smem:$0x3FFD];
	_ =	sdelay $0x3  }
0x96: {  	_ =	strace s3  }
0x97: {  	_ =	strace $0x8FFFFFFF  }
0x98: {  	s19 =	sld [smem:$0x3FDB];
	_ =	sdelay $0x1  }
0x99: {  	s4 =	simm.s32 $_scs_section_size  }
0x9a: {  	s5 =	simm.s32 $_size__tile_overlayer_lowered;
	s6 =	simm.s32 $_tile_overlayer_lowered  }
0x9b: {  	s22 =	simm.s32 $0x1BFF;
	s21 =	sshll.u32 s6, $0x1;
	s3 =	sadd.s32 s4, s19  }
0x9c: {  	s7 =	simm.s32 $0x0;
	s20 =	sshll.u32 s5, $0x1;
	s5 =	sadd.s32 s21, s3  }
0x9d: {  	[timem:s7], [sflag:s22] =	dma.local [hbm:s5], s20  }
0x9e: {  	_ =	swait.ge [sflag:s22], s20  }
0x9f: {  	s4 =	ssub.s32 $0x0, s20;
	[sflag:s22] =	ssyncset.done $0x0  }
0xa0: {  	[sflag:s22] =	ssyncadd.s32 s4;
	_ =	sdelay $0x1  }
0xa1: {  	s23 =	simm.s32 $0x1B8B  }
0xa2: {  	_ =	swait.ge [sflag:s23], $0x1  }
0xa3: {  	[sflag:s23] =	ssyncset.done $0x0  }
0xa4: {  	s25 =	simm.s32 $0x1B8E;
	s24 =	sld [smem:$0x3FFE];
	[sflag:s23] =	ssyncadd.s32 $0xFFFFFFFF  }
0xa5: {  	s26 =	simm.s32 $execute0_lowered;
	[smem:$0x3FD2] =	sst s25  }
0xa6: {  	s5 =	sshll.u32 s26, $0x1;
	_ =	strace $0x80000049;
	[dreg:$0x1] =	wrdreg $0xFFFFFFFF  }
0xa7: {  	s28 =	simm.s32 $_size_execute0_lowered;
	s3 =	sadd.s32 s3, s5;
	[dreg:$0x0] =	wrdreg $0x0  }
0xa8: {  	s5 =	sshll.u32 s28, $0x1;
	[dreg:$0x2] =	wrdreg s3  }
0xa9: {  	[dreg:$0x3] =	wrdreg s5  }
0xaa: {  	[dreg:$0x4] =	wrdreg $0xC0  }
0xab: {  	_ =	task [dreg:s7], $0x5FFFF  }
0xac: {  	[dreg:$0x1] =	wrdreg $0xFFFFFFFF  }
0xad: {  	[dreg:$0x0] =	wrdreg $0x60  }
0xae: {  	[dreg:$0x2] =	wrdreg s24  }
0xaf: {  	[dreg:$0x3] =	wrdreg s2  }
0xb0: {  	[dreg:$0x4] =	wrdreg $0x59000  }
0xb1: {  	[dreg:$0x5] =	wrdreg $0x195000  }
0xb2: {  	[dreg:$0x6] =	wrdreg $0x9  }
0xb3: {  	_ =	task.clear_ibuf [dreg:s7], $0x7FFFF;
	_ =	strace $0x90000049  }
0xb4: {  	s29 =	simm.s32 $0x9;
	_ =	strace $0x8000004B  }
0xb5: {  	_ =	swait.ge [sflag:s29], $0x1  }
0xb6: {  	[sflag:s29] =	ssyncadd.s32 $0xFFFFFFFF  }
0xb7: {  	_ =	strace $0x9000004B  }
0xb8: {  	_ =	sfence  }
0xb9: {  	s30 =	sld [smem:$0x0];
	_ =	sdelay $0x2  }
0xba: {  	s31 =	sshll.u32 s1, $0xD;
	s1 =	sshrl.u32 s1, $0x2  }
0xbb: {  	s3 =	sand.u32 $0x4000, s31;
	s1 =	sadd.s32 s1, s30  }
0xbc: {  	s0 =	sor.u32 s3, s0;
	s1 =	sshll.u32 s1, $0x11  }
0xbd: {  	s0 =	sor.u32 s1, s0  }
0xbe: {  	s0 =	sadd.s32 $0x8F2B, s0  }
0xbf: {  	[sflag:s0] =	ssyncadd.remote.s32 $0x1  }
0xc0: {  	_ =	sfence.sel $0xFFFF  }
0xc1: {  	[dreg:$0x0] =	wrdreg $0xFFFFFFFF;
	(pc) =	sbr.abs _section_cstart, $3  }
0xc2: {  	[dreg:$0x1] =	wrdreg $0xFFFFFFFF  }
0xc3: {  	_ =	task.clear_ibuf [dreg:s7], $0x2FFFF;
	_ =	strace $0x9FFFFFFF  }
0xc4: {  	(tm) =	ssettm $0x7FFFFFFF  }
0xc5: {  	_ =	shalt  }
tec
execute0_lowered:
.L_overlay_start_1:
0x0: {  	(tag) =	ssettag $0x1  }
0x1: {  	s2 =	rddreg [dreg:$0x0];
	s23 =	stileid.u32  }
0x2: {  	s0 =	srdreg.scid;
	s1 =	simm.s32 $0x0;
	s4 =	smul.u32 $0x278, s23  }
0x3: {  	s3 =	sand.u32 $0x1, s0;
	[smem:$0x7FF] =	sst s1;
	s9 =	smul.u32 $0x2780, s23  }
0x4: {  	s5 =	sadd.s32 $0x2AC00, s2;
	s0 =	ssub.s32 $0x2, s3;
	s26 =	smul.u32 $0x13C000, s3  }
0x5: {  	s7 =	sshrl.u32 s0, $0x1;
	s8 =	sadd.s32 $0x80, s4;
	s11 =	sadd.s32 $0x100, s4  }
0x6: {  	s13 =	sadd.s32 $0x180, s4;
	s4 =	sadd.s32 $0x200, s4;
	s0 =	ssub.s32 s0, s7  }
0x7: {  	s7 =	smul.u32 $0x13C00, s23;
	s10 =	sshll.u32 s8, $0x7;
	s8 =	sshll.u32 s8, $0x4  }
0x8: {  	s12 =	sshll.u32 s11, $0x7;
	s15 =	sshll.u32 s11, $0x4;
	s16 =	sshll.u32 s13, $0x7  }
0x9: {  	s21 =	sshll.u32 s13, $0x4;
	s13 =	smul.u32 $0x27800, s3;
	s22 =	sshll.u32 s4, $0x7  }
0xa: {  	s4 =	sshll.u32 s4, $0x4;
	s17 =	sadd.s32 s26, s10;
	s24 =	sadd.s32 s26, s12  }
0xb: {  	s19 =	sadd.s32 s26, s16;
	s11 =	sadd.s32 s26, s22;
	s14 =	sadd.s32 s7, s26  }
0xc: {  	s18 =	sadd.s32 s9, s13;
	s17 =	sshrl.u32 s17, $0x3;
	s20 =	sadd.s32 s13, s8  }
0xd: {  	s25 =	sshrl.u32 s19, $0x3;
	s26 =	sadd.s32 s13, s15;
	s14 =	sshrl.u32 s14, $0x3  }
0xe: {  	[dreg:$0x5] =	wrdreg s18;
	s17 =	sadd.s32 s5, s17;
	s19 =	sshrl.u32 s20, $0x3  }
0xf: {  	s20 =	sadd.s32 s13, s21;
	s14 =	sadd.s32 s5, s14;
	[dreg:$0x7] =	wrdreg s17  }
0x10: {  	[dreg:$0x6] =	wrdreg s14;
	s14 =	sshrl.u32 s18, $0x3;
	s18 =	sshrl.u32 s24, $0x3  }
0x11: {  	s24 =	sadd.s32 s13, s4;
	s13 =	rddreg [dreg:$0x2];
	s18 =	sadd.s32 s5, s18  }
0x12: {  	s11 =	sshrl.u32 s11, $0x3;
	[dreg:$0x8] =	wrdreg s18;
	s18 =	sadd.s32 s5, s25  }
0x13: {  	s6 =	sadd.s32 $0x20E00, s2;
	s5 =	sadd.s32 s5, s11;
	[dreg:$0x9] =	wrdreg s18  }
0x14: {  	s0 =	smax.u32 s0, $0x1;
	s11 =	sadd.s32 s6, s19;
	[dreg:$0xa] =	wrdreg s5  }
0x15: {  	s17 =	sadd.s32 $0x17000, s2;
	s28 =	sadd.s32 s16, s13;
	[dreg:$0xc] =	wrdreg s11  }
0x16: {  	s30 =	sadd.s32 s22, s13;
	s25 =	sshrl.u32 s24, $0x3;
	s11 =	rddreg [dreg:$0x1]  }
0x17: {  	s19 =	sadd.s32 $0x8200, s2;
	s18 =	sadd.s32 s6, s14;
	s14 =	rddreg [dreg:$0x3]  }
0x18: {  	s5 =	sshrl.u32 s26, $0x3;
	s26 =	sadd.s32 s6, s25;
	[dreg:$0xb] =	wrdreg s18  }
0x19: {  	s25 =	sadd.s32 s12, s13;
	s5 =	sadd.s32 s6, s5;
	[dreg:$0xf] =	wrdreg s26  }
0x1a: {  	s18 =	sadd.s32 $0xD200, s2;
	s24 =	sadd.s32 s9, s14;
	s9 =	sadd.s32 s10, s13  }
0x1b: {  	s10 =	sadd.s32 s8, s14;
	s26 =	sadd.s32 s15, s14;
	s29 =	sadd.s32 s21, s14  }
0x1c: {  	s31 =	sadd.s32 s4, s14;
	[dreg:$0xd] =	wrdreg s5;
	s5 =	sshrl.u32 s20, $0x3  }
0x1d: {  	s4 =	simm.s32 $0x2;
	s8 =	simm.s32 $0x4900;
	s5 =	sadd.s32 s6, s5  }
0x1e: {  	s20 =	sadd.s32 $0x3200, s2;
	s6 =	sshll.u32 s3, $0x4;
	[dreg:$0xe] =	wrdreg s5  }
0x1f: {  	s3 =	simm.s32 $0x100;
	_ =	strace $0x8000004A;
	[dreg:$0x10] =	wrdreg s9  }
0x20: {  	s2 =	sor.u32 s23, s6;
	s23 =	sadd.s32 s7, s13;
	[dreg:$0x11] =	wrdreg s10  }
0x21: {  	s5 =	simm.s32 $0x5100;
	s6 =	simm.s32 $0x80;
	[dreg:$0x12] =	wrdreg s25  }
0x22: {  	s7 =	simm.s32 $0x1;
	[dreg:$0x13] =	wrdreg s26;
	s12 =	smul.u32 $0x2780, s2  }
0x23: {  	v0 =	vimm.f32 $0.0e+00;
	vm0 =	vmxor vm0, vm0;
	vm1 =	vmmov $0x1;
	[dreg:$0x14] =	wrdreg s0;
	s2 =	simm.s32 $0x4100;
	s9 =	simm.s32 $0x0  }
.LBB2_1:
0x24: {  	s0 =	simm.s32 $0x140  }
0x25: {  	[tilespmem:s0+$0xFFFFFFD0] =	vst v0  }
0x26: {  	[tilespmem:s0+$0xFFFFFFE0] =	vst v0  }
0x27: {  	[tilespmem:s0+$0xFFFFFFF0] =	vst v0  }
0x28: {  	[tilespmem:s0+$0x0] =	vst v0  }
0x29: {  	[tilespmem:s0+$0x10] =	vst v0  }
0x2a: {  	[tilespmem:s0+$0x20] =	vst v0  }
0x2b: {  	[tilespmem:s0+$0x30] =	vst v0  }
0x2c: {  	s15 =	simm.s32 $0x0;
	s10 =	simm.s32 $0x40;
	[tilespmem:s0+$0xFFFFFFC0] =	vst v0  }
.LBB2_2:
0x2d: {  	p0 =	sne.s32 s10, $0x1FC0;
	[tilespmem:s15+$0x5100] =	vst v0;
	s0 =	sadd.s32 $0x80, s0  }
0x2e: {  	[tilespmem:s0+$0xFFFFFFD0] =	vst v0  }
0x2f: {  	[tilespmem:s0+$0xFFFFFFE0] =	vst v0  }
0x30: {  	[tilespmem:s0+$0xFFFFFFF0] =	vst v0  }
.Ltmp0:
0x31: {  	[tilespmem:s0+$0x0] =	vst v0;
	(pc) =	sbr.rel @p0 .LBB2_2-.Ltmp0, $4  }
0x32: {  	[tilespmem:s0+$0x10] =	vst v0  }
0x33: {  	[tilespmem:s0+$0x20] =	vst v0  }
0x34: {  	[tilespmem:s0+$0x30] =	vst v0  }
0x35: {  	s15 =	sshra.s32 s10, $0x2;
	s10 =	sadd.s32 $0x40, s10;
	[tilespmem:s0+$0xFFFFFFC0] =	vst v0  }
0x36: {  	[tilespmem:s15+$0x5100] =	vst v0  }
0x37: {  	[spmem:s23] =	stream.linear.scatter [tilespmem:s3], [sflag:$0x2], $0x4000, $0x38;
	[tilespmem:$0x1BC80] =	vst v63  }
0x38: {  	_ =	swait.ge [sflag:s4], $0x4000  }
0x39: {  	[sflag:s4] =	ssyncset.done $0x0  }
0x3a: {  	[sflag:s4] =	ssyncadd.s32 $0xFFFFC000  }
0x3b: {  	[spmem:s24] =	stream.linear.scatter [tilespmem:s5], [sflag:$0x2], $0x800, $0x38;
	[tilespmem:$0x1BC80] =	vst v63  }
0x3c: {  	_ =	swait.ge [sflag:s4], $0x800  }
0x3d: {  	[sflag:s4] =	ssyncset.done $0x0  }
0x3e: {  	s0 =	rddreg [dreg:$0x10];
	[sflag:s4] =	ssyncadd.s32 $0xFFFFF800  }
0x3f: {  	[spmem:s0] =	stream.linear.scatter [tilespmem:s3], [sflag:$0x2], $0x4000, $0x38;
	[tilespmem:$0x1BC80] =	vst v63  }
0x40: {  	_ =	swait.ge [sflag:s4], $0x4000  }
0x41: {  	[sflag:s4] =	ssyncset.done $0x0  }
0x42: {  	s22 =	rddreg [dreg:$0x11];
	[sflag:s4] =	ssyncadd.s32 $0xFFFFC000  }
0x43: {  	[spmem:s22] =	stream.linear.scatter [tilespmem:s5], [sflag:$0x2], $0x800, $0x38;
	[tilespmem:$0x1BC80] =	vst v63  }
0x44: {  	_ =	swait.ge [sflag:s4], $0x800  }
0x45: {  	[sflag:s4] =	ssyncset.done $0x0  }
0x46: {  	s25 =	smov.u32 s23;
	s23 =	rddreg [dreg:$0x12];
	[sflag:s4] =	ssyncadd.s32 $0xFFFFF800  }
0x47: {  	[spmem:s23] =	stream.linear.scatter [tilespmem:s3], [sflag:$0x2], $0x4000, $0x38;
	[tilespmem:$0x1BC80] =	vst v63  }
0x48: {  	_ =	swait.ge [sflag:s4], $0x4000  }
0x49: {  	[sflag:s4] =	ssyncset.done $0x0  }
0x4a: {  	s26 =	smov.u32 s24;
	s24 =	rddreg [dreg:$0x13];
	[sflag:s4] =	ssyncadd.s32 $0xFFFFC000  }
0x4b: {  	[spmem:s24] =	stream.linear.scatter [tilespmem:s5], [sflag:$0x2], $0x800, $0x38;
	[tilespmem:$0x1BC80] =	vst v63  }
0x4c: {  	_ =	swait.ge [sflag:s4], $0x800  }
0x4d: {  	[sflag:s4] =	ssyncset.done $0x0  }
0x4e: {  	[sflag:s4] =	ssyncadd.s32 $0xFFFFF800  }
0x4f: {  	[spmem:s28] =	stream.linear.scatter [tilespmem:s3], [sflag:$0x2], $0x4000, $0x38;
	[tilespmem:$0x1BC80] =	vst v63  }
0x50: {  	_ =	swait.ge [sflag:s4], $0x4000  }
0x51: {  	[sflag:s4] =	ssyncset.done $0x0  }
0x52: {  	[sflag:s4] =	ssyncadd.s32 $0xFFFFC000  }
0x53: {  	[spmem:s29] =	stream.linear.scatter [tilespmem:s5], [sflag:$0x2], $0x800, $0x38;
	[tilespmem:$0x1BC80] =	vst v63  }
0x54: {  	_ =	swait.ge [sflag:s4], $0x800  }
0x55: {  	[sflag:s4] =	ssyncset.done $0x0  }
0x56: {  	[sflag:s4] =	ssyncadd.s32 $0xFFFFF800  }
0x57: {  	[spmem:s30] =	stream.linear.scatter [tilespmem:s3], [sflag:$0x2], $0x3C00, $0x38;
	[tilespmem:$0x1BC80] =	vst v63  }
0x58: {  	_ =	swait.ge [sflag:s4], $0x3C00  }
0x59: {  	[sflag:s4] =	ssyncset.done $0x0  }
0x5a: {  	[sflag:s4] =	ssyncadd.s32 $0xFFFFC400  }
0x5b: {  	[spmem:s31] =	stream.linear.scatter [tilespmem:s5], [sflag:$0x2], $0x780, $0x38;
	[tilespmem:$0x1BC80] =	vst v63  }
0x5c: {  	_ =	swait.ge [sflag:s4], $0x780  }
0x5d: {  	[sflag:s4] =	ssyncset.done $0x0  }
0x5e: {  	[sflag:s4] =	ssyncadd.s32 $0xFFFFF880  }
0x5f: {  	[bflag:$0x0] =	sbarrier.arrive $0xFFFF  }
0x60: {  	s10 =	simm.s32 $0x0;
	s16 =	simm.s32 $0x0;
	s22 =	rddreg [dreg:$0x5]  }
.LBB2_4:
0x61: {  	s0 =	sshll.u32 s16, $0x7  }
0x62: {  	s0 =	sadd.s32 s12, s0  }
0x63: {  	s0 =	sshrl.u32 s0, $0x3  }
0x64: {  	s15 =	sadd.s32 s17, s0  }
0x65: {  	[tilespmem:s10], [sflag:$0x2] =	stream.linear.gather [hbm4b:s15+s10], $0x80, $0x38;
	[tilespmem:$0x1BC80] =	vst v63  }
0x66: {  	_ =	swait.ge [sflag:s4], $0x80  }
0x67: {  	[sflag:s4] =	ssyncset.done $0x0  }
0x68: {  	s0 =	sadd.s32 s18, s0;
	[sflag:s4] =	ssyncadd.s32 $0xFFFFFF80  }
0x69: {  	[tilespmem:s6], [sflag:$0x2] =	stream.linear.gather [hbm4b:s0+s10], $0x80, $0x38;
	[tilespmem:$0x1BC80] =	vst v63  }
0x6a: {  	_ =	swait.ge [sflag:s4], $0x80  }
0x6b: {  	[sflag:s4] =	ssyncset.done $0x0  }
0x6c: {  	[sflag:s4] =	ssyncadd.s32 $0xFFFFFF80  }
0x6d: {  	[tilespmem:s3], [sflag:$0x1] =	stream.indirect.gather [hbm4b:s11+s6], $0x80, s10, s6, $0xb8;
	[tilespmem:$0x1BC80] =	vst v63  }
0x6e: {  	_ =	swait.ge [sflag:s7], $0x4000  }
0x6f: {  	[sflag:s7] =	ssyncset.done $0x0  }
0x70: {  	[sflag:s7] =	ssyncadd.s32 $0xFFFFC000  }
0x71: {  	[tilespmem:s2], [sflag:$0x1] =	stream.indirect.gather [hbm4b:s19+s6], $0x10, s10, s6, $0xb8;
	[tilespmem:$0x1BC80] =	vst v63  }
0x72: {  	_ =	swait.ge [sflag:s7], $0x800  }
0x73: {  	[sflag:s7] =	ssyncset.done $0x0  }
0x74: {  	[sflag:s7] =	ssyncadd.s32 $0xFFFFF800  }
0x75: {  	[tilespmem:s8], [sflag:$0x1] =	stream.indirect.gather [hbm4b:s20+s6], $0x10, s6, s6, $0xb8;
	[tilespmem:$0x1BC80] =	vst v63  }
0x76: {  	_ =	swait.ge [sflag:s7], $0x800  }
0x77: {  	[sflag:s7] =	ssyncset.done $0x0  }
0x78: {  	s24 =	simm.s32 $0x0;
	[sflag:s7] =	ssyncadd.s32 $0xFFFFF800  }
0x79: {  	v1 =	vld [tilespmem:s24+$0x4100]  }
0x7a: {  	v2 =	vld [tilespmem:s24+$0x4900];
	_ =	sdelay $0x4  }
0x7b: {  	v1 =	vadd.f32 v2, v1;
	_ =	sdelay $0x1  }
0x7c: {  	v2 =	vmul.f32 $2.000000030e-01, v1  }
0x7d: {  	vm2 =	vge.f32 v1, $0.0e+00  }
0x7e: {  	v1 =	vsel vm2, v1, v2  }
0x7f: {  	v1 =	vmul.f32 $1.442695020e+00, v1;
	_ =	sdelay $0x1  }
0x80: {  	(erf) = vpow2.f32 v1;
	_ =	sdelay $0x6  }
0x81: {  	p0 =	slt.u32 s22, $0x4E200;
	vm2 =	vmmov vm0  }
0x82: {  	vm2 =	vmneg @p0 vm2  }
0x83: {  	vm2 =	vmand vm2, vm1;
	v1 =	vpop (erf)  }
0x84: {  	v1 =	vnsel vm2, $0x0, v1  }
0x85: {  	s0 =	simm.s32 $0x140;
	[tilespmem:s24+$0x5100] =	vst v1  }
0x86: {  	v7 =	vld [tilespmem:s0+$0x30]  }
0x87: {  	v6 =	vld [tilespmem:s0+$0xFFFFFFE0]  }
0x88: {  	v5 =	vld [tilespmem:s0+$0x10]  }
0x89: {  	v1 =	vbroadcast v1, $0x0;
	v3 =	vld [tilespmem:s0+$0x20]  }
0x8a: {  	v4 =	vld [tilespmem:s0+$0xFFFFFFD0]  }
0x8b: {  	s21 =	simm.s32 $0x40;
	s23 =	simm.s32 $0x140;
	s15 =	smov.u32 s22;
	v2 =	vld [tilespmem:s0+$0x0];
	v7 =	vmul.f32 v7, v1  }
.LBB2_5:
0x8c: {  	p0 =	sne.s32 s21, $0x1FC0;
	v6 =	vmul.f32 v1, v6;
	v8 =	vld [tilespmem:s0+$0xFFFFFFF0];
	s15 =	sadd.s32 $0x1, s15;
	s23 =	sadd.s32 $0x80, s23  }
0x8d: {  	s24 =	smov.u32 s21;
	s21 =	sadd.s32 $0x40, s21;
	v9 =	vld [tilespmem:s0+$0xFFFFFFC0];
	v5 =	vmul.f32 v5, v1;
	[tilespmem:s0+$0x30] =	vst v7  }
0x8e: {  	[tilespmem:s0+$0xFFFFFFE0] =	vst v6;
	v3 =	vmul.f32 v3, v1  }
0x8f: {  	v4 =	vmul.f32 v1, v4;
	[tilespmem:s0+$0x10] =	vst v5  }
0x90: {  	v2 =	vmul.f32 v2, v1;
	[tilespmem:s0+$0x20] =	vst v3  }
0x91: {  	[tilespmem:s0+$0xFFFFFFD0] =	vst v4;
	v3 =	vmul.f32 v8, v1  }
0x92: {  	v1 =	vmul.f32 v1, v9;
	[tilespmem:s0+$0x0] =	vst v2  }
0x93: {  	[tilespmem:s0+$0xFFFFFFF0] =	vst v3  }
0x94: {  	s24 =	sshra.s32 s24, $0x2;
	[tilespmem:s0+$0xFFFFFFC0] =	vst v1;
	s0 =	smov.u32 s23  }
0x95: {  	v1 =	vld [tilespmem:s24+$0x4100]  }
0x96: {  	v2 =	vld [tilespmem:s24+$0x4900];
	_ =	sdelay $0x4  }
0x97: {  	v1 =	vadd.f32 v2, v1;
	_ =	sdelay $0x1  }
0x98: {  	vm2 =	vge.f32 v1, $0.0e+00;
	v2 =	vmul.f32 $2.000000030e-01, v1;
	_ =	sdelay $0x1  }
0x99: {  	v1 =	vsel vm2, v1, v2  }
0x9a: {  	v1 =	vmul.f32 $1.442695020e+00, v1;
	_ =	sdelay $0x1  }
0x9b: {  	(erf) = vpow2.f32 v1;
	_ =	sdelay $0x5  }
0x9c: {  	p1 =	slt.u32 s15, $0x4E200;
	vm2 =	vmmov vm0  }
0x9d: {  	vm2 =	vmneg @p1 vm2  }
0x9e: {  	vm2 =	vmand vm2, vm1  }
0x9f: {  	v1 =	vpop (erf)  }
0xa0: {  	v1 =	vnsel vm2, $0x0, v1  }
0xa1: {  	[tilespmem:s24+$0x5100] =	vst v1  }
0xa2: {  	v7 =	vld [tilespmem:s23+$0x30]  }
.Ltmp1:
0xa3: {  	v6 =	vld [tilespmem:s23+$0xFFFFFFE0];
	(pc) =	sbr.rel @p0 .LBB2_5-.Ltmp1, $4  }
0xa4: {  	v5 =	vld [tilespmem:s23+$0x10]  }
0xa5: {  	v1 =	vbroadcast v1, $0x0;
	v3 =	vld [tilespmem:s23+$0x20]  }
0xa6: {  	v4 =	vld [tilespmem:s23+$0xFFFFFFD0]  }
0xa7: {  	v2 =	vld [tilespmem:s23+$0x0];
	v7 =	vmul.f32 v7, v1  }
0xa8: {  	v6 =	vmul.f32 v1, v6;
	v8 =	vld [tilespmem:s0+$0xFFFFFFF0]  }
0xa9: {  	v9 =	vld [tilespmem:s0+$0xFFFFFFC0];
	v5 =	vmul.f32 v5, v1;
	[tilespmem:s0+$0x30] =	vst v7  }
0xaa: {  	[tilespmem:s0+$0xFFFFFFE0] =	vst v6;
	v3 =	vmul.f32 v3, v1  }
0xab: {  	v4 =	vmul.f32 v1, v4;
	[tilespmem:s0+$0x10] =	vst v5  }
0xac: {  	v2 =	vmul.f32 v2, v1;
	[tilespmem:s0+$0x20] =	vst v3  }
0xad: {  	[tilespmem:s0+$0xFFFFFFD0] =	vst v4;
	v3 =	vmul.f32 v8, v1  }
0xae: {  	v1 =	vmul.f32 v1, v9;
	[tilespmem:s0+$0x0] =	vst v2  }
0xaf: {  	[tilespmem:s0+$0xFFFFFFF0] =	vst v3  }
0xb0: {  	[tilespmem:s0+$0xFFFFFFC0] =	vst v1  }
0xb1: {  	[spmem:s13] =	stream.indirect.scatter.add.f32 [tilespmem:s3], [sflag:$0x2], $0x80, s6, s6, $0xb8;
	[tilespmem:$0x1BC80] =	vst v63  }
0xb2: {  	s16 =	sadd.s32 $0x1, s16;
	_ =	swait.ge [sflag:s4], $0x4000  }
0xb3: {  	p0 =	sne.s32 s16, $0x4F;
	[sflag:s4] =	ssyncset.done $0x0  }
.Ltmp2:
0xb4: {  	[sflag:s4] =	ssyncadd.s32 $0xFFFFC000;
	(pc) =	sbr.rel @p0 .LBB2_4-.Ltmp2, $4  }
0xb5: {  	[spmem:s14] =	stream.indirect.scatter.add.f32 [tilespmem:s5], [sflag:$0x2], $0x10, s6, s6, $0xb8;
	[tilespmem:$0x1BC80] =	vst v63  }
0xb6: {  	_ =	swait.ge [sflag:s4], $0x800  }
0xb7: {  	[sflag:s4] =	ssyncset.done $0x0  }
0xb8: {  	s22 =	sadd.s32 $0x80, s22;
	[sflag:s4] =	ssyncadd.s32 $0xFFFFF800  }
0xb9: {  	[bflag:$0x0] =	sbarrier.arrive $0xFFFF  }
0xba: {  	[tilespmem:s3], [sflag:$0x2] =	stream.linear.gather [spmem:s25], $0x4000, $0x38;
	[tilespmem:$0x1BC80] =	vst v63  }
0xbb: {  	_ =	swait.ge [sflag:s4], $0x4000  }
0xbc: {  	[sflag:s4] =	ssyncset.done $0x0  }
0xbd: {  	s0 =	rddreg [dreg:$0x6];
	[sflag:s4] =	ssyncadd.s32 $0xFFFFC000  }
0xbe: {  	[hbm4b:s0+s1] =	stream.linear.scatter [tilespmem:s3], [sflag:$0x2], $0x4000, $0x38;
	[tilespmem:$0x1BC80] =	vst v63  }
0xbf: {  	_ =	swait.ge [sflag:s4], $0x4000  }
0xc0: {  	[sflag:s4] =	ssyncset.done $0x0  }
0xc1: {  	[sflag:s4] =	ssyncadd.s32 $0xFFFFC000  }
0xc2: {  	[tilespmem:s5], [sflag:$0x2] =	stream.linear.gather [spmem:s26], $0x800, $0x38;
	[tilespmem:$0x1BC80] =	vst v63  }
0xc3: {  	_ =	swait.ge [sflag:s4], $0x800  }
0xc4: {  	[sflag:s4] =	ssyncset.done $0x0  }
0xc5: {  	s10 =	rddreg [dreg:$0xb];
	[sflag:s4] =	ssyncadd.s32 $0xFFFFF800  }
0xc6: {  	[hbm4b:s10+s1] =	stream.linear.scatter [tilespmem:s5], [sflag:$0x2], $0x800, $0x38;
	[tilespmem:$0x1BC80] =	vst v63  }
0xc7: {  	_ =	swait.ge [sflag:s4], $0x800  }
0xc8: {  	[sflag:s4] =	ssyncset.done $0x0  }
0xc9: {  	s15 =	rddreg [dreg:$0x10];
	[sflag:s4] =	ssyncadd.s32 $0xFFFFF800  }
0xca: {  	[tilespmem:s3], [sflag:$0x2] =	stream.linear.gather [spmem:s15], $0x4000, $0x38;
	[tilespmem:$0x1BC80] =	vst v63  }
0xcb: {  	_ =	swait.ge [sflag:s4], $0x4000  }
0xcc: {  	[sflag:s4] =	ssyncset.done $0x0  }
0xcd: {  	s16 =	rddreg [dreg:$0x7];
	[sflag:s4] =	ssyncadd.s32 $0xFFFFC000  }
0xce: {  	[hbm4b:s16+s1] =	stream.linear.scatter [tilespmem:s3], [sflag:$0x2], $0x4000, $0x38;
	[tilespmem:$0x1BC80] =	vst v63  }
0xcf: {  	_ =	swait.ge [sflag:s4], $0x4000  }
0xd0: {  	[sflag:s4] =	ssyncset.done $0x0  }
0xd1: {  	s21 =	rddreg [dreg:$0x11];
	[sflag:s4] =	ssyncadd.s32 $0xFFFFC000  }
0xd2: {  	[tilespmem:s5], [sflag:$0x2] =	stream.linear.gather [spmem:s21], $0x800, $0x38;
	[tilespmem:$0x1BC80] =	vst v63  }
0xd3: {  	_ =	swait.ge [sflag:s4], $0x800  }
0xd4: {  	[sflag:s4] =	ssyncset.done $0x0  }
0xd5: {  	s22 =	rddreg [dreg:$0xc];
	[sflag:s4] =	ssyncadd.s32 $0xFFFFF800  }
0xd6: {  	[hbm4b:s22+s1] =	stream.linear.scatter [tilespmem:s5], [sflag:$0x2], $0x800, $0x38;
	[tilespmem:$0x1BC80] =	vst v63  }
0xd7: {  	_ =	swait.ge [sflag:s4], $0x800  }
0xd8: {  	[sflag:s4] =	ssyncset.done $0x0  }
0xd9: {  	s23 =	smov.u32 s25;
	s25 =	rddreg [dreg:$0x12];
	[sflag:s4] =	ssyncadd.s32 $0xFFFFF800  }
0xda: {  	[tilespmem:s3], [sflag:$0x2] =	stream.linear.gather [spmem:s25], $0x4000, $0x38;
	[tilespmem:$0x1BC80] =	vst v63  }
0xdb: {  	_ =	swait.ge [sflag:s4], $0x4000  }
0xdc: {  	[sflag:s4] =	ssyncset.done $0x0  }
0xdd: {  	s24 =	smov.u32 s26;
	s26 =	rddreg [dreg:$0x8];
	[sflag:s4] =	ssyncadd.s32 $0xFFFFC000  }
0xde: {  	[hbm4b:s26+s1] =	stream.linear.scatter [tilespmem:s3], [sflag:$0x2], $0x4000, $0x38;
	[tilespmem:$0x1BC80] =	vst v63  }
0xdf: {  	_ =	swait.ge [sflag:s4], $0x4000  }
0xe0: {  	[sflag:s4] =	ssyncset.done $0x0  }
0xe1: {  	s10 =	rddreg [dreg:$0x13];
	[sflag:s4] =	ssyncadd.s32 $0xFFFFC000  }
0xe2: {  	[tilespmem:s5], [sflag:$0x2] =	stream.linear.gather [spmem:s10], $0x800, $0x38;
	[tilespmem:$0x1BC80] =	vst v63  }
0xe3: {  	_ =	swait.ge [sflag:s4], $0x800  }
0xe4: {  	[sflag:s4] =	ssyncset.done $0x0  }
0xe5: {  	s15 =	rddreg [dreg:$0xd];
	[sflag:s4] =	ssyncadd.s32 $0xFFFFF800  }
0xe6: {  	[hbm4b:s15+s1] =	stream.linear.scatter [tilespmem:s5], [sflag:$0x2], $0x800, $0x38;
	[tilespmem:$0x1BC80] =	vst v63  }
0xe7: {  	_ =	swait.ge [sflag:s4], $0x800  }
0xe8: {  	[sflag:s4] =	ssyncset.done $0x0  }
0xe9: {  	[sflag:s4] =	ssyncadd.s32 $0xFFFFF800  }
0xea: {  	[tilespmem:s3], [sflag:$0x2] =	stream.linear.gather [spmem:s28], $0x4000, $0x38;
	[tilespmem:$0x1BC80] =	vst v63  }
0xeb: {  	_ =	swait.ge [sflag:s4], $0x4000  }
0xec: {  	[sflag:s4] =	ssyncset.done $0x0  }
0xed: {  	s16 =	rddreg [dreg:$0x9];
	[sflag:s4] =	ssyncadd.s32 $0xFFFFC000  }
0xee: {  	[hbm4b:s16+s1] =	stream.linear.scatter [tilespmem:s3], [sflag:$0x2], $0x4000, $0x38;
	[tilespmem:$0x1BC80] =	vst v63  }
0xef: {  	_ =	swait.ge [sflag:s4], $0x4000  }
0xf0: {  	[sflag:s4] =	ssyncset.done $0x0  }
0xf1: {  	[sflag:s4] =	ssyncadd.s32 $0xFFFFC000  }
0xf2: {  	[tilespmem:s5], [sflag:$0x2] =	stream.linear.gather [spmem:s29], $0x800, $0x38;
	[tilespmem:$0x1BC80] =	vst v63  }
0xf3: {  	_ =	swait.ge [sflag:s4], $0x800  }
0xf4: {  	[sflag:s4] =	ssyncset.done $0x0  }
0xf5: {  	s21 =	rddreg [dreg:$0xe];
	[sflag:s4] =	ssyncadd.s32 $0xFFFFF800  }
0xf6: {  	[hbm4b:s21+s1] =	stream.linear.scatter [tilespmem:s5], [sflag:$0x2], $0x800, $0x38;
	[tilespmem:$0x1BC80] =	vst v63  }
0xf7: {  	_ =	swait.ge [sflag:s4], $0x800  }
0xf8: {  	[sflag:s4] =	ssyncset.done $0x0  }
0xf9: {  	[sflag:s4] =	ssyncadd.s32 $0xFFFFF800  }
0xfa: {  	[tilespmem:s3], [sflag:$0x2] =	stream.linear.gather [spmem:s30], $0x3C00, $0x38;
	[tilespmem:$0x1BC80] =	vst v63  }
0xfb: {  	_ =	swait.ge [sflag:s4], $0x3C00  }
0xfc: {  	[sflag:s4] =	ssyncset.done $0x0  }
0xfd: {  	s22 =	rddreg [dreg:$0xa];
	[sflag:s4] =	ssyncadd.s32 $0xFFFFC400  }
0xfe: {  	[hbm4b:s22+s1] =	stream.linear.scatter [tilespmem:s3], [sflag:$0x2], $0x3C00, $0x38;
	[tilespmem:$0x1BC80] =	vst v63  }
0xff: {  	_ =	swait.ge [sflag:s4], $0x3C00  }
0x100: {  	[sflag:s4] =	ssyncset.done $0x0  }
0x101: {  	[sflag:s4] =	ssyncadd.s32 $0xFFFFC400  }
0x102: {  	[tilespmem:s5], [sflag:$0x2] =	stream.linear.gather [spmem:s31], $0x780, $0x38;
	[tilespmem:$0x1BC80] =	vst v63  }
0x103: {  	_ =	swait.ge [sflag:s4], $0x780  }
0x104: {  	[sflag:s4] =	ssyncset.done $0x0  }
0x105: {  	s25 =	rddreg [dreg:$0xf];
	[sflag:s4] =	ssyncadd.s32 $0xFFFFF880  }
0x106: {  	[hbm4b:s25+s1] =	stream.linear.scatter [tilespmem:s5], [sflag:$0x2], $0x780, $0x38;
	[tilespmem:$0x1BC80] =	vst v63  }
0x107: {  	_ =	swait.ge [sflag:s4], $0x780  }
0x108: {  	s9 =	sadd.s32 $0x1, s9;
	s26 =	rddreg [dreg:$0x14]  }
0x109: {  	p0 =	sne.s32 s9, s26  }
.Ltmp3:
0x10a: {  	_ = 	snop;
	(pc) =	sbr.rel @p0 .LBB2_1-.Ltmp3, $3  }
0x10b: {  	_ =	sdelay $0x1  }
0x10c: {  	[sflag:s4] =	ssyncset.done $0x0  }
0x10d: {  	[sflag:s4] =	ssyncadd.s32 $0xFFFFF880  }
0x10e: {  	_ =	sfence.sel $0x180000  }
0x10f: {  	[bflag:$0x0] =	sbarrier.arrive $0xFFFF  }
0x110: {  	_ =	strace $0x9000004A  }
0x111: {  	s0 =	stileid.u32;
	[bflag:$0x2] =	sbarrier.arrive $0xFFFF  }
0x112: {  	p0 =	sne.s32 s0, $0x0;
	s0 =	rddreg [dreg:$0x4]  }
0x113: {  	s0 =	sadd.s32 @!p0 $0x100000, s0  }
0x114: {  	[sflag:s0] =	ssyncadd.tile.s32 @!p0 $0x1;
	_ =	shalt  }
.Lfunc_end2:
_tile_overlayer_lowered:
.L_overlay_start_2:
0x115: {  	(tag) =	ssettag $0x2  }
0x116: {  	s0 =	rddreg [dreg:$0x0];
	s2 =	stileid.u32  }
0x117: {  	s1 =	rddreg [dreg:$0x1];
	p0 =	sne.s32 s2, $0x0  }
0x118: {  	s3 =	rddreg [dreg:$0x2];
	[bflag:$0x3] =	sbarrier.arrive $0xFFFF;
	s2 =	simm.s32 @!p0 $0x1C02  }
0x119: {  	[timem:s3], [sflag:s2] =	dma.local @!p0 [hbm:s0], s1  }
0x11a: {  	s0 =	simm.s32 @!p0 $0x2  }
0x11b: {  	_ =	swait.ge @!p0 [sflag:s0], s1  }
0x11c: {  	s1 =	ssub.s32 @!p0 $0x0, s1;
	[sflag:s0] =	ssyncset.done @!p0 $0x0  }
0x11d: {  	[sflag:s0] =	ssyncadd.s32 @!p0 s1  }
0x11e: {  	[bflag:$0x3] =	sbarrier.arrive $0xFFFF  }
0x11f: {  	_ =	shalt  }

// kernel: kernel.7.cloned.1.call-start
scs
__scs_entry_jumppad:
0x0: {  	(pc) =	sbr.rel $0x88, $3  }
0x1: {  	(tag) =	ssettag $0x0;
	lr =	simm.s32 $0x1  }
0x2: {  	[smem:$0x3F97] =	sst lr;
	_ =	strace $0xD0000000  }
0x3: {  	_ = 	snop  }
0x4: {  	_ = 	snop  }
0x5: {  	_ = 	snop  }
0x6: {  	_ = 	snop  }
0x7: {  	_ = 	snop  }
__scs_overlays_trampoline_lowered:
0x8: {  	[smem:$0x3FA6] =	sst s0  }
0x9: {  	[smem:$0x3FA7] =	sst s1  }
0xa: {  	[smem:$0x3FA8] =	sst s2  }
0xb: {  	[smem:$0x3FA9] =	sst s3  }
0xc: {  	[smem:$0x3FAA] =	sst s4  }
0xd: {  	[smem:$0x3FAB] =	sst s5  }
0xe: {  	[smem:$0x3FAC] =	sst s6  }
0xf: {  	[smem:$0x3FAD] =	sst s7  }
0x10: {  	[smem:$0x3FAE] =	sst s8  }
0x11: {  	[smem:$0x3FAF] =	sst s9;
	s0 =	simm.s32 @!p0 $0x0  }
0x12: {  	s1 =	sld [smem:$0x3F95];
	s0 =	simm.s32 @p0 $0x1  }
0x13: {  	[smem:$0x3FB0] =	sst s0;
	s0 =	simm.s32 @!p1 $0x0  }
0x14: {  	s2 =	sld [smem:$0x3F94];
	s0 =	simm.s32 @p1 $0x1  }
0x15: {  	[smem:$0x3FB1] =	sst s0;
	s0 =	simm.s32 @!p2 $0x0  }
0x16: {  	s3 =	sld [smem:$0x3FDB];
	s0 =	simm.s32 @p2 $0x1  }
0x17: {  	s4 =	simm.s32 $0x1BF5;
	[smem:$0x3FB3] =	sst s0  }
0x18: {  	s0 =	sld [smem:$0x3F96];
	_ =	swait.ge [sflag:s4], $0x0  }
0x19: {  	s7 =	sld [smem:$0x3F97]  }
0x1a: {  	s8 =	sadd.s32 $0xFFFFE003, lr  }
0x1b: {  	s9 =	sadd.s32 $0xFFFFFEF7, lr;
	s5 =	simm.s32 $0xFFFFFFFF;
	p2 =	slt.u32 s8, $0xFFFFF086  }
0x1c: {  	p1 =	slt.u32 s9, $0xF7A;
	s5 =	simm.s32 @!p2 $0x0  }
0x1d: {  	s5 =	simm.s32 @p1 $0x1;
	p0 =	seq.s32 s7, s2  }
0x1e: {  	s7 =	smul.u32 @!p0 $0xF7A, s2;
	p2 =	seq.s32 @!p0 s5, $0x0  }
0x1f: {  	s9 =	smul.u32 $0xF7A, s1;
	s8 =	simm.s32 @!p0 $0x1BF5;
	p2 =	por !p2, p0  }
0x20: {  	[sflag:s8] =	ssyncset.s32 @!p0 $0xFFFFF086;
	s6 =	sadd.s32 @!p0 s3, s7;
	s7 =	simm.s32 @!p0 $0x108  }
0x21: {  	s3 =	sadd.s32 s3, s9;
	s6 =	sadd.s32 @!p0 $0x88, s6;
	s7 =	simm.s32 @p2 $0x1082  }
0x22: {  	[simem:s7], [sflag:s8] =	dma.local @!p0 [hbm:s6], $0xF7A  }
0x23: {  	s9 =	sor.u32 $0xD0000000, s2;
	s6 =	simm.s32 $0x108;
	_ =	swait.ge @!p0 [sflag:s8], $0x0  }
0x24: {  	s3 =	sadd.s32 $0x88, s3;
	s6 =	simm.s32 @!p1 $0x1082;
	[sflag:s4] =	ssyncset.s32 $0xFFFFF086  }
0x25: {  	[simem:s6], [sflag:s4] =	dma.local [hbm:s3], $0xF7A  }
0x26: {  	[smem:$0x3F97] =	sst s1;
	(tag) =	ssettag s2;
	_ =	strace s9  }
0x27: {  	s1 =	sld [smem:$0x3FA7]  }
0x28: {  	s2 =	sld [smem:$0x3FA8]  }
0x29: {  	s4 =	sld [smem:$0x3FAA]  }
0x2a: {  	p0 =	seq.s32 s5, $0x0;
	s5 =	sld [smem:$0x3FAB]  }
0x2b: {  	s6 =	sld [smem:$0x3FAC]  }
0x2c: {  	s7 =	sld [smem:$0x3FAD]  }
0x2d: {  	s3 =	simm.s32 $0x108;
	s8 =	sld [smem:$0x3FAE]  }
0x2e: {  	s3 =	simm.s32 @!p0 $0x1082;
	s9 =	sld [smem:$0x3FAF]  }
0x2f: {  	lr =	sadd.s32 s0, s3;
	s0 =	sld [smem:$0x3FA6]  }
0x30: {  	s3 =	sld [smem:$0x3FA9]  }
0x31: {  	[smem:$0x3FB2] =	sst s10  }
0x32: {  	s10 =	sld [smem:$0x3FB0];
	_ =	sdelay $0x3  }
0x33: {  	p0 =	seq.s32 s10, $0x1;
	s10 =	sld [smem:$0x3FB2];
	_ =	sdelay $0x3  }
0x34: {  	[smem:$0x3FB2] =	sst s10  }
0x35: {  	s10 =	sld [smem:$0x3FB1];
	_ =	sdelay $0x3  }
0x36: {  	p1 =	seq.s32 s10, $0x1;
	s10 =	sld [smem:$0x3FB2];
	_ =	sdelay $0x3  }
0x37: {  	[smem:$0x3FB2] =	sst s10  }
0x38: {  	s10 =	sld [smem:$0x3FB3]  }
0x39: {  	_ = 	snop;
	(pc) =	sbr.ind lr, $3  }
0x3a: {  	_ = 	snop  }
0x3b: {  	_ = 	snop  }
0x3c: {  	p2 =	seq.s32 s10, $0x1;
	s10 =	sld [smem:$0x3FB2]  }
0x3d: {  	_ =	shalt  }
0x3e: {  	_ =	shalt  }
0x3f: {  	_ =	shalt  }
0x40: {  	_ =	shalt  }
0x41: {  	_ =	shalt  }
0x42: {  	_ =	shalt  }
0x43: {  	_ =	shalt  }
0x44: {  	_ =	shalt  }
0x45: {  	_ =	shalt  }
0x46: {  	_ =	shalt  }
0x47: {  	_ =	shalt  }
0x48: {  	_ =	shalt  }
0x49: {  	_ =	shalt  }
0x4a: {  	_ =	shalt  }
0x4b: {  	_ =	shalt  }
0x4c: {  	_ =	shalt  }
0x4d: {  	_ =	shalt  }
0x4e: {  	_ =	shalt  }
0x4f: {  	_ =	shalt  }
0x50: {  	_ =	shalt  }
0x51: {  	_ =	shalt  }
0x52: {  	_ =	shalt  }
0x53: {  	_ =	shalt  }
0x54: {  	_ =	shalt  }
0x55: {  	_ =	shalt  }
0x56: {  	_ =	shalt  }
0x57: {  	_ =	shalt  }
0x58: {  	_ =	shalt  }
0x59: {  	_ =	shalt  }
0x5a: {  	_ =	shalt  }
0x5b: {  	_ =	shalt  }
0x5c: {  	_ =	shalt  }
0x5d: {  	_ =	shalt  }
0x5e: {  	_ =	shalt  }
0x5f: {  	_ =	shalt  }
0x60: {  	_ =	shalt  }
0x61: {  	_ =	shalt  }
0x62: {  	_ =	shalt  }
0x63: {  	_ =	shalt  }
0x64: {  	_ =	shalt  }
0x65: {  	_ =	shalt  }
0x66: {  	_ =	shalt  }
0x67: {  	_ =	shalt  }
0x68: {  	_ =	shalt  }
0x69: {  	_ =	shalt  }
0x6a: {  	_ =	shalt  }
0x6b: {  	_ =	shalt  }
0x6c: {  	_ =	shalt  }
0x6d: {  	_ =	shalt  }
0x6e: {  	_ =	shalt  }
0x6f: {  	_ =	shalt  }
0x70: {  	_ =	shalt  }
0x71: {  	_ =	shalt  }
0x72: {  	_ =	shalt  }
0x73: {  	_ =	shalt  }
0x74: {  	_ =	shalt  }
0x75: {  	_ =	shalt  }
0x76: {  	_ =	shalt  }
0x77: {  	_ =	shalt  }
0x78: {  	_ =	shalt  }
0x79: {  	_ =	shalt  }
0x7a: {  	_ =	shalt  }
0x7b: {  	_ =	shalt  }
0x7c: {  	_ =	shalt  }
0x7d: {  	_ =	shalt  }
0x7e: {  	_ =	shalt  }
0x7f: {  	_ =	shalt  }
0x80: {  	_ =	shalt  }
0x81: {  	_ =	shalt  }
0x82: {  	_ =	shalt  }
0x83: {  	_ =	shalt  }
0x84: {  	_ =	shalt  }
0x85: {  	_ =	shalt  }
0x86: {  	_ =	shalt  }
0x87: {  	_ =	shalt  }
.Lfunc_end0:
.L_simem_size_0:
called_computation_lowered:
.L_overlay_start_0:
0x88: {  	s2 =	sld [smem:$0x3FD9]  }
0x89: {  	s3 =	sld [smem:$0x3FFE];
	_ =	sdelay $0x1  }
0x8a: {  	s1 =	srdreg.scid  }
0x8b: {  	s0 =	sand.u32 $0x1, s1  }
0x8c: {  	s17 =	sshll.u32 s0, $0xA;
	s2 =	sadd.s32 s3, s2  }
0x8d: {  	s2 =	sadd.s32 s2, s17  }
0x8e: {  	[smem:$0x3FBE] =	sst s2  }
0x8f: {  	_ = 	snop  }
0x90: {  	s2 =	sld [smem:$0x3FD0];
	(tm) =	ssettm $0x1  }
0x91: {  	s18 =	sld [smem:$0x3FFB];
	_ =	sdelay $0x3  }
0x92: {  	_ =	strace s18  }
0x93: {  	s3 =	sld [smem:$0x3FFC];
	_ =	sdelay $0x3  }
0x94: {  	_ =	strace s3  }
0x95: {  	s3 =	sld [smem:$0x3FFD];
	_ =	sdelay $0x3  }
0x96: {  	_ =	strace s3  }
0x97: {  	_ =	strace $0x8FFFFFFF  }
0x98: {  	s19 =	sld [smem:$0x3FDB];
	_ =	sdelay $0x1  }
0x99: {  	s4 =	simm.s32 $_scs_section_size  }
0x9a: {  	s5 =	simm.s32 $_size__tile_overlayer_lowered;
	s6 =	simm.s32 $_tile_overlayer_lowered  }
0x9b: {  	s22 =	simm.s32 $0x1BFF;
	s21 =	sshll.u32 s6, $0x1;
	s3 =	sadd.s32 s4, s19  }
0x9c: {  	s7 =	simm.s32 $0x0;
	s20 =	sshll.u32 s5, $0x1;
	s5 =	sadd.s32 s21, s3  }
0x9d: {  	[timem:s7], [sflag:s22] =	dma.local [hbm:s5], s20  }
0x9e: {  	_ =	swait.ge [sflag:s22], s20  }
0x9f: {  	s4 =	ssub.s32 $0x0, s20;
	[sflag:s22] =	ssyncset.done $0x0  }
0xa0: {  	[sflag:s22] =	ssyncadd.s32 s4;
	_ =	sdelay $0x1  }
0xa1: {  	s23 =	simm.s32 $0x1B8B  }
0xa2: {  	_ =	swait.ge [sflag:s23], $0x1  }
0xa3: {  	[sflag:s23] =	ssyncset.done $0x0  }
0xa4: {  	s25 =	simm.s32 $0x1B8E;
	s24 =	sld [smem:$0x3FFE];
	[sflag:s23] =	ssyncadd.s32 $0xFFFFFFFF  }
0xa5: {  	s26 =	simm.s32 $execute0_lowered;
	[smem:$0x3FD2] =	sst s25  }
0xa6: {  	s5 =	sshll.u32 s26, $0x1;
	_ =	strace $0x80000046;
	[dreg:$0x1] =	wrdreg $0xFFFFFFFF  }
0xa7: {  	s28 =	simm.s32 $_size_execute0_lowered;
	s3 =	sadd.s32 s3, s5;
	[dreg:$0x0] =	wrdreg $0x0  }
0xa8: {  	s5 =	sshll.u32 s28, $0x1;
	[dreg:$0x2] =	wrdreg s3  }
0xa9: {  	[dreg:$0x3] =	wrdreg s5  }
0xaa: {  	[dreg:$0x4] =	wrdreg $0xC0  }
0xab: {  	_ =	task [dreg:s7], $0x5FFFF  }
0xac: {  	[dreg:$0x1] =	wrdreg $0xFFFFFFFF  }
0xad: {  	[dreg:$0x0] =	wrdreg $0x60  }
0xae: {  	[dreg:$0x2] =	wrdreg s24  }
0xaf: {  	[dreg:$0x3] =	wrdreg s2  }
0xb0: {  	[dreg:$0x4] =	wrdreg $0x59000  }
0xb1: {  	[dreg:$0x5] =	wrdreg $0x195000  }
0xb2: {  	[dreg:$0x6] =	wrdreg $0x9  }
0xb3: {  	_ =	task.clear_ibuf [dreg:s7], $0x7FFFF;
	_ =	strace $0x90000046  }
0xb4: {  	s29 =	simm.s32 $0x9;
	_ =	strace $0x80000048  }
0xb5: {  	_ =	swait.ge [sflag:s29], $0x1  }
0xb6: {  	[sflag:s29] =	ssyncadd.s32 $0xFFFFFFFF  }
0xb7: {  	_ =	strace $0x90000048  }
0xb8: {  	_ =	sfence  }
0xb9: {  	s30 =	sld [smem:$0x0];
	_ =	sdelay $0x2  }
0xba: {  	s31 =	sshll.u32 s1, $0xD;
	s1 =	sshrl.u32 s1, $0x2  }
0xbb: {  	s3 =	sand.u32 $0x4000, s31;
	s1 =	sadd.s32 s1, s30  }
0xbc: {  	s0 =	sor.u32 s3, s0;
	s1 =	sshll.u32 s1, $0x11  }
0xbd: {  	s0 =	sor.u32 s1, s0  }
0xbe: {  	s0 =	sadd.s32 $0x8F2B, s0  }
0xbf: {  	[sflag:s0] =	ssyncadd.remote.s32 $0x1  }
0xc0: {  	_ =	sfence.sel $0xFFFF  }
0xc1: {  	[dreg:$0x0] =	wrdreg $0xFFFFFFFF;
	(pc) =	sbr.abs _section_cstart, $3  }
0xc2: {  	[dreg:$0x1] =	wrdreg $0xFFFFFFFF  }
0xc3: {  	_ =	task.clear_ibuf [dreg:s7], $0x2FFFF;
	_ =	strace $0x9FFFFFFF  }
0xc4: {  	(tm) =	ssettm $0x7FFFFFFF  }
0xc5: {  	_ =	shalt  }
tec
execute0_lowered:
.L_overlay_start_1:
0x0: {  	(tag) =	ssettag $0x1  }
0x1: {  	s2 =	rddreg [dreg:$0x0];
	s23 =	stileid.u32  }
0x2: {  	s0 =	srdreg.scid;
	s1 =	simm.s32 $0x0;
	s4 =	smul.u32 $0x278, s23  }
0x3: {  	s3 =	sand.u32 $0x1, s0;
	[smem:$0x7FF] =	sst s1;
	s9 =	smul.u32 $0x2780, s23  }
0x4: {  	s5 =	sadd.s32 $0x2AC00, s2;
	s0 =	ssub.s32 $0x2, s3;
	s26 =	smul.u32 $0x13C000, s3  }
0x5: {  	s7 =	sshrl.u32 s0, $0x1;
	s8 =	sadd.s32 $0x80, s4;
	s11 =	sadd.s32 $0x100, s4  }
0x6: {  	s13 =	sadd.s32 $0x180, s4;
	s4 =	sadd.s32 $0x200, s4;
	s0 =	ssub.s32 s0, s7  }
0x7: {  	s7 =	smul.u32 $0x13C00, s23;
	s10 =	sshll.u32 s8, $0x7;
	s8 =	sshll.u32 s8, $0x4  }
0x8: {  	s12 =	sshll.u32 s11, $0x7;
	s15 =	sshll.u32 s11, $0x4;
	s16 =	sshll.u32 s13, $0x7  }
0x9: {  	s21 =	sshll.u32 s13, $0x4;
	s13 =	smul.u32 $0x27800, s3;
	s22 =	sshll.u32 s4, $0x7  }
0xa: {  	s4 =	sshll.u32 s4, $0x4;
	s17 =	sadd.s32 s26, s10;
	s24 =	sadd.s32 s26, s12  }
0xb: {  	s19 =	sadd.s32 s26, s16;
	s11 =	sadd.s32 s26, s22;
	s14 =	sadd.s32 s7, s26  }
0xc: {  	s18 =	sadd.s32 s9, s13;
	s17 =	sshrl.u32 s17, $0x3;
	s20 =	sadd.s32 s13, s8  }
0xd: {  	s25 =	sshrl.u32 s19, $0x3;
	s26 =	sadd.s32 s13, s15;
	s14 =	sshrl.u32 s14, $0x3  }
0xe: {  	[dreg:$0x5] =	wrdreg s18;
	s17 =	sadd.s32 s5, s17;
	s19 =	sshrl.u32 s20, $0x3  }
0xf: {  	s20 =	sadd.s32 s13, s21;
	s14 =	sadd.s32 s5, s14;
	[dreg:$0x7] =	wrdreg s17  }
0x10: {  	[dreg:$0x6] =	wrdreg s14;
	s14 =	sshrl.u32 s18, $0x3;
	s18 =	sshrl.u32 s24, $0x3  }
0x11: {  	s24 =	sadd.s32 s13, s4;
	s13 =	rddreg [dreg:$0x2];
	s18 =	sadd.s32 s5, s18  }
0x12: {  	s11 =	sshrl.u32 s11, $0x3;
	[dreg:$0x8] =	wrdreg s18;
	s18 =	sadd.s32 s5, s25  }
0x13: {  	s6 =	sadd.s32 $0x20E00, s2;
	s5 =	sadd.s32 s5, s11;
	[dreg:$0x9] =	wrdreg s18  }
0x14: {  	s0 =	smax.u32 s0, $0x1;
	s11 =	sadd.s32 s6, s19;
	[dreg:$0xa] =	wrdreg s5  }
0x15: {  	s17 =	sadd.s32 $0x17000, s2;
	s28 =	sadd.s32 s16, s13;
	[dreg:$0xc] =	wrdreg s11  }
0x16: {  	s30 =	sadd.s32 s22, s13;
	s25 =	sshrl.u32 s24, $0x3;
	s11 =	rddreg [dreg:$0x1]  }
0x17: {  	s19 =	sadd.s32 $0x8200, s2;
	s18 =	sadd.s32 s6, s14;
	s14 =	rddreg [dreg:$0x3]  }
0x18: {  	s5 =	sshrl.u32 s26, $0x3;
	s26 =	sadd.s32 s6, s25;
	[dreg:$0xb] =	wrdreg s18  }
0x19: {  	s25 =	sadd.s32 s12, s13;
	s5 =	sadd.s32 s6, s5;
	[dreg:$0xf] =	wrdreg s26  }
0x1a: {  	s18 =	sadd.s32 $0xD200, s2;
	s24 =	sadd.s32 s9, s14;
	s9 =	sadd.s32 s10, s13  }
0x1b: {  	s10 =	sadd.s32 s8, s14;
	s26 =	sadd.s32 s15, s14;
	s29 =	sadd.s32 s21, s14  }
0x1c: {  	s31 =	sadd.s32 s4, s14;
	[dreg:$0xd] =	wrdreg s5;
	s5 =	sshrl.u32 s20, $0x3  }
0x1d: {  	s4 =	simm.s32 $0x2;
	s8 =	simm.s32 $0x4100;
	s5 =	sadd.s32 s6, s5  }
0x1e: {  	s20 =	sadd.s32 $0x3200, s2;
	s6 =	sshll.u32 s3, $0x4;
	[dreg:$0xe] =	wrdreg s5  }
0x1f: {  	s3 =	simm.s32 $0x100;
	_ =	strace $0x80000047;
	[dreg:$0x10] =	wrdreg s9  }
0x20: {  	s2 =	sor.u32 s23, s6;
	s23 =	sadd.s32 s7, s13;
	[dreg:$0x11] =	wrdreg s10  }
0x21: {  	s5 =	simm.s32 $0x5100;
	s6 =	simm.s32 $0x80;
	[dreg:$0x12] =	wrdreg s25  }
0x22: {  	s7 =	simm.s32 $0x1;
	[dreg:$0x13] =	wrdreg s26;
	s12 =	smul.u32 $0x2780, s2  }
0x23: {  	v0 =	vimm.f32 $0.0e+00;
	vm0 =	vmxor vm0, vm0;
	vm1 =	vmmov $0xf;
	[dreg:$0x14] =	wrdreg s0;
	s2 =	simm.s32 $0x4900;
	s9 =	simm.s32 $0x0  }
.LBB2_1:
0x24: {  	s0 =	simm.s32 $0x140  }
0x25: {  	[tilespmem:s0+$0xFFFFFFD0] =	vst v0  }
0x26: {  	[tilespmem:s0+$0xFFFFFFE0] =	vst v0  }
0x27: {  	[tilespmem:s0+$0xFFFFFFF0] =	vst v0  }
0x28: {  	[tilespmem:s0+$0x0] =	vst v0  }
0x29: {  	[tilespmem:s0+$0x10] =	vst v0  }
0x2a: {  	[tilespmem:s0+$0x20] =	vst v0  }
0x2b: {  	[tilespmem:s0+$0x30] =	vst v0  }
0x2c: {  	s15 =	simm.s32 $0x0;
	s10 =	simm.s32 $0x40;
	[tilespmem:s0+$0xFFFFFFC0] =	vst v0  }
.LBB2_2:
0x2d: {  	p0 =	sne.s32 s10, $0x1FC0;
	[tilespmem:s15+$0x5100] =	vst v0;
	s0 =	sadd.s32 $0x80, s0  }
0x2e: {  	[tilespmem:s0+$0xFFFFFFD0] =	vst v0  }
0x2f: {  	[tilespmem:s0+$0xFFFFFFE0] =	vst v0  }
0x30: {  	[tilespmem:s0+$0xFFFFFFF0] =	vst v0  }
.Ltmp0:
0x31: {  	[tilespmem:s0+$0x0] =	vst v0;
	(pc) =	sbr.rel @p0 .LBB2_2-.Ltmp0, $4  }
0x32: {  	[tilespmem:s0+$0x10] =	vst v0  }
0x33: {  	[tilespmem:s0+$0x20] =	vst v0  }
0x34: {  	[tilespmem:s0+$0x30] =	vst v0  }
0x35: {  	s15 =	sshra.s32 s10, $0x2;
	s10 =	sadd.s32 $0x40, s10;
	[tilespmem:s0+$0xFFFFFFC0] =	vst v0  }
0x36: {  	[tilespmem:s15+$0x5100] =	vst v0  }
0x37: {  	[spmem:s23] =	stream.linear.scatter [tilespmem:s3], [sflag:$0x2], $0x4000, $0x38;
	[tilespmem:$0x1BC80] =	vst v63  }
0x38: {  	_ =	swait.ge [sflag:s4], $0x4000  }
0x39: {  	[sflag:s4] =	ssyncset.done $0x0  }
0x3a: {  	[sflag:s4] =	ssyncadd.s32 $0xFFFFC000  }
0x3b: {  	[spmem:s24] =	stream.linear.scatter [tilespmem:s5], [sflag:$0x2], $0x800, $0x38;
	[tilespmem:$0x1BC80] =	vst v63  }
0x3c: {  	_ =	swait.ge [sflag:s4], $0x800  }
0x3d: {  	[sflag:s4] =	ssyncset.done $0x0  }
0x3e: {  	s0 =	rddreg [dreg:$0x10];
	[sflag:s4] =	ssyncadd.s32 $0xFFFFF800  }
0x3f: {  	[spmem:s0] =	stream.linear.scatter [tilespmem:s3], [sflag:$0x2], $0x4000, $0x38;
	[tilespmem:$0x1BC80] =	vst v63  }
0x40: {  	_ =	swait.ge [sflag:s4], $0x4000  }
0x41: {  	[sflag:s4] =	ssyncset.done $0x0  }
0x42: {  	s22 =	rddreg [dreg:$0x11];
	[sflag:s4] =	ssyncadd.s32 $0xFFFFC000  }
0x43: {  	[spmem:s22] =	stream.linear.scatter [tilespmem:s5], [sflag:$0x2], $0x800, $0x38;
	[tilespmem:$0x1BC80] =	vst v63  }
0x44: {  	_ =	swait.ge [sflag:s4], $0x800  }
0x45: {  	[sflag:s4] =	ssyncset.done $0x0  }
0x46: {  	s25 =	smov.u32 s23;
	s23 =	rddreg [dreg:$0x12];
	[sflag:s4] =	ssyncadd.s32 $0xFFFFF800  }
0x47: {  	[spmem:s23] =	stream.linear.scatter [tilespmem:s3], [sflag:$0x2], $0x4000, $0x38;
	[tilespmem:$0x1BC80] =	vst v63  }
0x48: {  	_ =	swait.ge [sflag:s4], $0x4000  }
0x49: {  	[sflag:s4] =	ssyncset.done $0x0  }
0x4a: {  	s26 =	smov.u32 s24;
	s24 =	rddreg [dreg:$0x13];
	[sflag:s4] =	ssyncadd.s32 $0xFFFFC000  }
0x4b: {  	[spmem:s24] =	stream.linear.scatter [tilespmem:s5], [sflag:$0x2], $0x800, $0x38;
	[tilespmem:$0x1BC80] =	vst v63  }
0x4c: {  	_ =	swait.ge [sflag:s4], $0x800  }
0x4d: {  	[sflag:s4] =	ssyncset.done $0x0  }
0x4e: {  	[sflag:s4] =	ssyncadd.s32 $0xFFFFF800  }
0x4f: {  	[spmem:s28] =	stream.linear.scatter [tilespmem:s3], [sflag:$0x2], $0x4000, $0x38;
	[tilespmem:$0x1BC80] =	vst v63  }
0x50: {  	_ =	swait.ge [sflag:s4], $0x4000  }
0x51: {  	[sflag:s4] =	ssyncset.done $0x0  }
0x52: {  	[sflag:s4] =	ssyncadd.s32 $0xFFFFC000  }
0x53: {  	[spmem:s29] =	stream.linear.scatter [tilespmem:s5], [sflag:$0x2], $0x800, $0x38;
	[tilespmem:$0x1BC80] =	vst v63  }
0x54: {  	_ =	swait.ge [sflag:s4], $0x800  }
0x55: {  	[sflag:s4] =	ssyncset.done $0x0  }
0x56: {  	[sflag:s4] =	ssyncadd.s32 $0xFFFFF800  }
0x57: {  	[spmem:s30] =	stream.linear.scatter [tilespmem:s3], [sflag:$0x2], $0x3C00, $0x38;
	[tilespmem:$0x1BC80] =	vst v63  }
0x58: {  	_ =	swait.ge [sflag:s4], $0x3C00  }
0x59: {  	[sflag:s4] =	ssyncset.done $0x0  }
0x5a: {  	[sflag:s4] =	ssyncadd.s32 $0xFFFFC400  }
0x5b: {  	[spmem:s31] =	stream.linear.scatter [tilespmem:s5], [sflag:$0x2], $0x780, $0x38;
	[tilespmem:$0x1BC80] =	vst v63  }
0x5c: {  	_ =	swait.ge [sflag:s4], $0x780  }
0x5d: {  	[sflag:s4] =	ssyncset.done $0x0  }
0x5e: {  	[sflag:s4] =	ssyncadd.s32 $0xFFFFF880  }
0x5f: {  	[bflag:$0x0] =	sbarrier.arrive $0xFFFF  }
0x60: {  	s10 =	simm.s32 $0x0;
	s16 =	simm.s32 $0x0;
	s22 =	rddreg [dreg:$0x5]  }
.LBB2_4:
0x61: {  	s0 =	sshll.u32 s16, $0x7  }
0x62: {  	s0 =	sadd.s32 s12, s0  }
0x63: {  	s0 =	sshrl.u32 s0, $0x3  }
0x64: {  	s15 =	sadd.s32 s17, s0  }
0x65: {  	[tilespmem:s10], [sflag:$0x2] =	stream.linear.gather [hbm4b:s15+s10], $0x80, $0x38;
	[tilespmem:$0x1BC80] =	vst v63  }
0x66: {  	_ =	swait.ge [sflag:s4], $0x80  }
0x67: {  	[sflag:s4] =	ssyncset.done $0x0  }
0x68: {  	s0 =	sadd.s32 s18, s0;
	[sflag:s4] =	ssyncadd.s32 $0xFFFFFF80  }
0x69: {  	[tilespmem:s6], [sflag:$0x2] =	stream.linear.gather [hbm4b:s0+s10], $0x80, $0x38;
	[tilespmem:$0x1BC80] =	vst v63  }
0x6a: {  	_ =	swait.ge [sflag:s4], $0x80  }
0x6b: {  	[sflag:s4] =	ssyncset.done $0x0  }
0x6c: {  	[sflag:s4] =	ssyncadd.s32 $0xFFFFFF80  }
0x6d: {  	[tilespmem:s3], [sflag:$0x1] =	stream.indirect.gather [hbm4b:s11+s6], $0x80, s10, s6, $0xb8;
	[tilespmem:$0x1BC80] =	vst v63  }
0x6e: {  	_ =	swait.ge [sflag:s7], $0x4000  }
0x6f: {  	[sflag:s7] =	ssyncset.done $0x0  }
0x70: {  	[sflag:s7] =	ssyncadd.s32 $0xFFFFC000  }
0x71: {  	[tilespmem:s8], [sflag:$0x1] =	stream.indirect.gather [hbm4b:s19+s6], $0x10, s10, s6, $0xb8;
	[tilespmem:$0x1BC80] =	vst v63  }
0x72: {  	_ =	swait.ge [sflag:s7], $0x800  }
0x73: {  	[sflag:s7] =	ssyncset.done $0x0  }
0x74: {  	[sflag:s7] =	ssyncadd.s32 $0xFFFFF800  }
0x75: {  	[tilespmem:s2], [sflag:$0x1] =	stream.indirect.gather [hbm4b:s20+s6], $0x10, s6, s6, $0xb8;
	[tilespmem:$0x1BC80] =	vst v63  }
0x76: {  	_ =	swait.ge [sflag:s7], $0x800  }
0x77: {  	[sflag:s7] =	ssyncset.done $0x0  }
0x78: {  	s24 =	simm.s32 $0x0;
	[sflag:s7] =	ssyncadd.s32 $0xFFFFF800  }
0x79: {  	v1 =	vld [tilespmem:s24+$0x4100]  }
0x7a: {  	v2 =	vld [tilespmem:s24+$0x4900];
	_ =	sdelay $0x4  }
0x7b: {  	v1 =	vadd.f32 v2, v1;
	_ =	sdelay $0x1  }
0x7c: {  	v2 =	vmul.f32 $2.000000030e-01, v1  }
0x7d: {  	vm2 =	vge.f32 v1, $0.0e+00  }
0x7e: {  	v1 =	vsel vm2, v1, v2  }
0x7f: {  	v1 =	vmul.f32 $1.442695020e+00, v1;
	_ =	sdelay $0x1  }
0x80: {  	(erf) = vpow2.f32 v1;
	_ =	sdelay $0x6  }
0x81: {  	p0 =	slt.u32 s22, $0x4E200;
	vm2 =	vmmov vm0  }
0x82: {  	vm2 =	vmneg @p0 vm2  }
0x83: {  	vm2 =	vmand vm2, vm1;
	v1 =	vpop (erf)  }
0x84: {  	v2 =	vnsel vm2, $0x0, v1  }
0x85: {  	s0 =	simm.s32 $0x140;
	[tilespmem:s24+$0x5100] =	vst v2  }
0x86: {  	v10 =	vld [tilespmem:s0+$0x30]  }
0x87: {  	v9 =	vld [tilespmem:s0+$0xFFFFFFE0]  }
0x88: {  	v8 =	vld [tilespmem:s0+$0x10]  }
0x89: {  	v4 =	vbroadcast v2, $0x3;
	v3 =	vld [tilespmem:s0+$0x20]  }
0x8a: {  	v1 =	vbroadcast v2, $0x1;
	v5 =	vld [tilespmem:s0+$0xFFFFFFD0]  }
0x8b: {  	s21 =	simm.s32 $0x40;
	s23 =	simm.s32 $0x140;
	s15 =	smov.u32 s22;
	v7 =	vbroadcast v2, $0x2;
	v6 =	vld [tilespmem:s0+$0x0];
	v10 =	vmul.f32 v10, v4  }
.LBB2_5:
0x8c: {  	p0 =	sne.s32 s21, $0x1FC0;
	v9 =	vmul.f32 v1, v9;
	v11 =	vld [tilespmem:s0+$0xFFFFFFF0];
	s15 =	sadd.s32 $0x1, s15;
	s23 =	sadd.s32 $0x80, s23  }
0x8d: {  	v2 =	vbroadcast v2, $0x0;
	s24 =	smov.u32 s21;
	s21 =	sadd.s32 $0x40, s21;
	v12 =	vld [tilespmem:s0+$0xFFFFFFC0];
	v8 =	vmul.f32 v8, v7;
	[tilespmem:s0+$0x30] =	vst v10  }
0x8e: {  	[tilespmem:s0+$0xFFFFFFE0] =	vst v9;
	v3 =	vmul.f32 v3, v4  }
0x8f: {  	v4 =	vmul.f32 v2, v5;
	[tilespmem:s0+$0x10] =	vst v8  }
0x90: {  	v5 =	vmul.f32 v6, v7;
	[tilespmem:s0+$0x20] =	vst v3  }
0x91: {  	[tilespmem:s0+$0xFFFFFFD0] =	vst v4;
	v1 =	vmul.f32 v11, v1  }
0x92: {  	v2 =	vmul.f32 v2, v12;
	[tilespmem:s0+$0x0] =	vst v5  }
0x93: {  	[tilespmem:s0+$0xFFFFFFF0] =	vst v1  }
0x94: {  	s24 =	sshra.s32 s24, $0x2;
	[tilespmem:s0+$0xFFFFFFC0] =	vst v2;
	s0 =	smov.u32 s23  }
0x95: {  	v1 =	vld [tilespmem:s24+$0x4100]  }
0x96: {  	v2 =	vld [tilespmem:s24+$0x4900];
	_ =	sdelay $0x4  }
0x97: {  	v1 =	vadd.f32 v2, v1;
	_ =	sdelay $0x1  }
0x98: {  	vm2 =	vge.f32 v1, $0.0e+00;
	v2 =	vmul.f32 $2.000000030e-01, v1;
	_ =	sdelay $0x1  }
0x99: {  	v1 =	vsel vm2, v1, v2  }
0x9a: {  	v1 =	vmul.f32 $1.442695020e+00, v1;
	_ =	sdelay $0x1  }
0x9b: {  	(erf) = vpow2.f32 v1;
	_ =	sdelay $0x5  }
0x9c: {  	p1 =	slt.u32 s15, $0x4E200;
	vm2 =	vmmov vm0  }
0x9d: {  	vm2 =	vmneg @p1 vm2  }
0x9e: {  	vm2 =	vmand vm2, vm1  }
0x9f: {  	v1 =	vpop (erf)  }
0xa0: {  	v2 =	vnsel vm2, $0x0, v1  }
0xa1: {  	[tilespmem:s24+$0x5100] =	vst v2  }
0xa2: {  	v10 =	vld [tilespmem:s23+$0x30]  }
.Ltmp1:
0xa3: {  	v9 =	vld [tilespmem:s23+$0xFFFFFFE0];
	(pc) =	sbr.rel @p0 .LBB2_5-.Ltmp1, $4  }
0xa4: {  	v8 =	vld [tilespmem:s23+$0x10]  }
0xa5: {  	v4 =	vbroadcast v2, $0x3;
	v3 =	vld [tilespmem:s23+$0x20]  }
0xa6: {  	v1 =	vbroadcast v2, $0x1;
	v5 =	vld [tilespmem:s23+$0xFFFFFFD0]  }
0xa7: {  	v7 =	vbroadcast v2, $0x2;
	v6 =	vld [tilespmem:s23+$0x0];
	v10 =	vmul.f32 v10, v4  }
0xa8: {  	v9 =	vmul.f32 v1, v9;
	v11 =	vld [tilespmem:s0+$0xFFFFFFF0]  }
0xa9: {  	v12 =	vld [tilespmem:s0+$0xFFFFFFC0];
	v2 =	vbroadcast v2, $0x0;
	v8 =	vmul.f32 v8, v7;
	[tilespmem:s0+$0x30] =	vst v10  }
0xaa: {  	[tilespmem:s0+$0xFFFFFFE0] =	vst v9;
	v3 =	vmul.f32 v3, v4  }
0xab: {  	v62 =	vmul.f32 v2, v5;
	[tilespmem:s0+$0x10] =	vst v8  }
0xac: {  	v63 =	vmul.f32 v6, v7;
	[tilespmem:s0+$0x20] =	vst v3  }
0xad: {  	[tilespmem:s0+$0xFFFFFFD0] =	vst v62;
	v1 =	vmul.f32 v11, v1  }
0xae: {  	v2 =	vmul.f32 v2, v12;
	[tilespmem:s0+$0x0] =	vst v63  }
0xaf: {  	[tilespmem:s0+$0xFFFFFFF0] =	vst v1  }
0xb0: {  	[tilespmem:s0+$0xFFFFFFC0] =	vst v2  }
0xb1: {  	[spmem:s13] =	stream.indirect.scatter.add.f32 [tilespmem:s3], [sflag:$0x2], $0x80, s6, s6, $0xb8;
	[tilespmem:$0x1BC80] =	vst v63  }
0xb2: {  	s16 =	sadd.s32 $0x1, s16;
	_ =	swait.ge [sflag:s4], $0x4000  }
0xb3: {  	p0 =	sne.s32 s16, $0x4F;
	[sflag:s4] =	ssyncset.done $0x0  }
.Ltmp2:
0xb4: {  	[sflag:s4] =	ssyncadd.s32 $0xFFFFC000;
	(pc) =	sbr.rel @p0 .LBB2_4-.Ltmp2, $4  }
0xb5: {  	[spmem:s14] =	stream.indirect.scatter.add.f32 [tilespmem:s5], [sflag:$0x2], $0x10, s6, s6, $0xb8;
	[tilespmem:$0x1BC80] =	vst v63  }
0xb6: {  	_ =	swait.ge [sflag:s4], $0x800  }
0xb7: {  	[sflag:s4] =	ssyncset.done $0x0  }
0xb8: {  	s22 =	sadd.s32 $0x80, s22;
	[sflag:s4] =	ssyncadd.s32 $0xFFFFF800  }
0xb9: {  	[bflag:$0x0] =	sbarrier.arrive $0xFFFF  }
0xba: {  	[tilespmem:s3], [sflag:$0x2] =	stream.linear.gather [spmem:s25], $0x4000, $0x38;
	[tilespmem:$0x1BC80] =	vst v63  }
0xbb: {  	_ =	swait.ge [sflag:s4], $0x4000  }
0xbc: {  	[sflag:s4] =	ssyncset.done $0x0  }
0xbd: {  	s0 =	rddreg [dreg:$0x6];
	[sflag:s4] =	ssyncadd.s32 $0xFFFFC000  }
0xbe: {  	[hbm4b:s0+s1] =	stream.linear.scatter [tilespmem:s3], [sflag:$0x2], $0x4000, $0x38;
	[tilespmem:$0x1BC80] =	vst v63  }
0xbf: {  	_ =	swait.ge [sflag:s4], $0x4000  }
0xc0: {  	[sflag:s4] =	ssyncset.done $0x0  }
0xc1: {  	[sflag:s4] =	ssyncadd.s32 $0xFFFFC000  }
0xc2: {  	[tilespmem:s5], [sflag:$0x2] =	stream.linear.gather [spmem:s26], $0x800, $0x38;
	[tilespmem:$0x1BC80] =	vst v63  }
0xc3: {  	_ =	swait.ge [sflag:s4], $0x800  }
0xc4: {  	[sflag:s4] =	ssyncset.done $0x0  }
0xc5: {  	s10 =	rddreg [dreg:$0xb];
	[sflag:s4] =	ssyncadd.s32 $0xFFFFF800  }
0xc6: {  	[hbm4b:s10+s1] =	stream.linear.scatter [tilespmem:s5], [sflag:$0x2], $0x800, $0x38;
	[tilespmem:$0x1BC80] =	vst v63  }
0xc7: {  	_ =	swait.ge [sflag:s4], $0x800  }
0xc8: {  	[sflag:s4] =	ssyncset.done $0x0  }
0xc9: {  	s15 =	rddreg [dreg:$0x10];
	[sflag:s4] =	ssyncadd.s32 $0xFFFFF800  }
0xca: {  	[tilespmem:s3], [sflag:$0x2] =	stream.linear.gather [spmem:s15], $0x4000, $0x38;
	[tilespmem:$0x1BC80] =	vst v63  }
0xcb: {  	_ =	swait.ge [sflag:s4], $0x4000  }
0xcc: {  	[sflag:s4] =	ssyncset.done $0x0  }
0xcd: {  	s16 =	rddreg [dreg:$0x7];
	[sflag:s4] =	ssyncadd.s32 $0xFFFFC000  }
0xce: {  	[hbm4b:s16+s1] =	stream.linear.scatter [tilespmem:s3], [sflag:$0x2], $0x4000, $0x38;
	[tilespmem:$0x1BC80] =	vst v63  }
0xcf: {  	_ =	swait.ge [sflag:s4], $0x4000  }
0xd0: {  	[sflag:s4] =	ssyncset.done $0x0  }
0xd1: {  	s21 =	rddreg [dreg:$0x11];
	[sflag:s4] =	ssyncadd.s32 $0xFFFFC000  }
0xd2: {  	[tilespmem:s5], [sflag:$0x2] =	stream.linear.gather [spmem:s21], $0x800, $0x38;
	[tilespmem:$0x1BC80] =	vst v63  }
0xd3: {  	_ =	swait.ge [sflag:s4], $0x800  }
0xd4: {  	[sflag:s4] =	ssyncset.done $0x0  }
0xd5: {  	s22 =	rddreg [dreg:$0xc];
	[sflag:s4] =	ssyncadd.s32 $0xFFFFF800  }
0xd6: {  	[hbm4b:s22+s1] =	stream.linear.scatter [tilespmem:s5], [sflag:$0x2], $0x800, $0x38;
	[tilespmem:$0x1BC80] =	vst v63  }
0xd7: {  	_ =	swait.ge [sflag:s4], $0x800  }
0xd8: {  	[sflag:s4] =	ssyncset.done $0x0  }
0xd9: {  	s23 =	smov.u32 s25;
	s25 =	rddreg [dreg:$0x12];
	[sflag:s4] =	ssyncadd.s32 $0xFFFFF800  }
0xda: {  	[tilespmem:s3], [sflag:$0x2] =	stream.linear.gather [spmem:s25], $0x4000, $0x38;
	[tilespmem:$0x1BC80] =	vst v63  }
0xdb: {  	_ =	swait.ge [sflag:s4], $0x4000  }
0xdc: {  	[sflag:s4] =	ssyncset.done $0x0  }
0xdd: {  	s24 =	smov.u32 s26;
	s26 =	rddreg [dreg:$0x8];
	[sflag:s4] =	ssyncadd.s32 $0xFFFFC000  }
0xde: {  	[hbm4b:s26+s1] =	stream.linear.scatter [tilespmem:s3], [sflag:$0x2], $0x4000, $0x38;
	[tilespmem:$0x1BC80] =	vst v63  }
0xdf: {  	_ =	swait.ge [sflag:s4], $0x4000  }
0xe0: {  	[sflag:s4] =	ssyncset.done $0x0  }
0xe1: {  	s10 =	rddreg [dreg:$0x13];
	[sflag:s4] =	ssyncadd.s32 $0xFFFFC000  }
0xe2: {  	[tilespmem:s5], [sflag:$0x2] =	stream.linear.gather [spmem:s10], $0x800, $0x38;
	[tilespmem:$0x1BC80] =	vst v63  }
0xe3: {  	_ =	swait.ge [sflag:s4], $0x800  }
0xe4: {  	[sflag:s4] =	ssyncset.done $0x0  }
0xe5: {  	s15 =	rddreg [dreg:$0xd];
	[sflag:s4] =	ssyncadd.s32 $0xFFFFF800  }
0xe6: {  	[hbm4b:s15+s1] =	stream.linear.scatter [tilespmem:s5], [sflag:$0x2], $0x800, $0x38;
	[tilespmem:$0x1BC80] =	vst v63  }
0xe7: {  	_ =	swait.ge [sflag:s4], $0x800  }
0xe8: {  	[sflag:s4] =	ssyncset.done $0x0  }
0xe9: {  	[sflag:s4] =	ssyncadd.s32 $0xFFFFF800  }
0xea: {  	[tilespmem:s3], [sflag:$0x2] =	stream.linear.gather [spmem:s28], $0x4000, $0x38;
	[tilespmem:$0x1BC80] =	vst v63  }
0xeb: {  	_ =	swait.ge [sflag:s4], $0x4000  }
0xec: {  	[sflag:s4] =	ssyncset.done $0x0  }
0xed: {  	s16 =	rddreg [dreg:$0x9];
	[sflag:s4] =	ssyncadd.s32 $0xFFFFC000  }
0xee: {  	[hbm4b:s16+s1] =	stream.linear.scatter [tilespmem:s3], [sflag:$0x2], $0x4000, $0x38;
	[tilespmem:$0x1BC80] =	vst v63  }
0xef: {  	_ =	swait.ge [sflag:s4], $0x4000  }
0xf0: {  	[sflag:s4] =	ssyncset.done $0x0  }
0xf1: {  	[sflag:s4] =	ssyncadd.s32 $0xFFFFC000  }
0xf2: {  	[tilespmem:s5], [sflag:$0x2] =	stream.linear.gather [spmem:s29], $0x800, $0x38;
	[tilespmem:$0x1BC80] =	vst v63  }
0xf3: {  	_ =	swait.ge [sflag:s4], $0x800  }
0xf4: {  	[sflag:s4] =	ssyncset.done $0x0  }
0xf5: {  	s21 =	rddreg [dreg:$0xe];
	[sflag:s4] =	ssyncadd.s32 $0xFFFFF800  }
0xf6: {  	[hbm4b:s21+s1] =	stream.linear.scatter [tilespmem:s5], [sflag:$0x2], $0x800, $0x38;
	[tilespmem:$0x1BC80] =	vst v63  }
0xf7: {  	_ =	swait.ge [sflag:s4], $0x800  }
0xf8: {  	[sflag:s4] =	ssyncset.done $0x0  }
0xf9: {  	[sflag:s4] =	ssyncadd.s32 $0xFFFFF800  }
0xfa: {  	[tilespmem:s3], [sflag:$0x2] =	stream.linear.gather [spmem:s30], $0x3C00, $0x38;
	[tilespmem:$0x1BC80] =	vst v63  }
0xfb: {  	_ =	swait.ge [sflag:s4], $0x3C00  }
0xfc: {  	[sflag:s4] =	ssyncset.done $0x0  }
0xfd: {  	s22 =	rddreg [dreg:$0xa];
	[sflag:s4] =	ssyncadd.s32 $0xFFFFC400  }
0xfe: {  	[hbm4b:s22+s1] =	stream.linear.scatter [tilespmem:s3], [sflag:$0x2], $0x3C00, $0x38;
	[tilespmem:$0x1BC80] =	vst v63  }
0xff: {  	_ =	swait.ge [sflag:s4], $0x3C00  }
0x100: {  	[sflag:s4] =	ssyncset.done $0x0  }
0x101: {  	[sflag:s4] =	ssyncadd.s32 $0xFFFFC400  }
0x102: {  	[tilespmem:s5], [sflag:$0x2] =	stream.linear.gather [spmem:s31], $0x780, $0x38;
	[tilespmem:$0x1BC80] =	vst v63  }
0x103: {  	_ =	swait.ge [sflag:s4], $0x780  }
0x104: {  	[sflag:s4] =	ssyncset.done $0x0  }
0x105: {  	s25 =	rddreg [dreg:$0xf];
	[sflag:s4] =	ssyncadd.s32 $0xFFFFF880  }
0x106: {  	[hbm4b:s25+s1] =	stream.linear.scatter [tilespmem:s5], [sflag:$0x2], $0x780, $0x38;
	[tilespmem:$0x1BC80] =	vst v63  }
0x107: {  	_ =	swait.ge [sflag:s4], $0x780  }
0x108: {  	s9 =	sadd.s32 $0x1, s9;
	s26 =	rddreg [dreg:$0x14]  }
0x109: {  	p0 =	sne.s32 s9, s26  }
.Ltmp3:
0x10a: {  	_ = 	snop;
	(pc) =	sbr.rel @p0 .LBB2_1-.Ltmp3, $3  }
0x10b: {  	_ =	sdelay $0x1  }
0x10c: {  	[sflag:s4] =	ssyncset.done $0x0  }
0x10d: {  	[sflag:s4] =	ssyncadd.s32 $0xFFFFF880  }
0x10e: {  	_ =	sfence.sel $0x180000  }
0x10f: {  	[bflag:$0x0] =	sbarrier.arrive $0xFFFF  }
0x110: {  	_ =	strace $0x90000047  }
0x111: {  	s0 =	stileid.u32;
	[bflag:$0x2] =	sbarrier.arrive $0xFFFF  }
0x112: {  	p0 =	sne.s32 s0, $0x0;
	s0 =	rddreg [dreg:$0x4]  }
0x113: {  	s0 =	sadd.s32 @!p0 $0x100000, s0  }
0x114: {  	[sflag:s0] =	ssyncadd.tile.s32 @!p0 $0x1;
	_ =	shalt  }
.Lfunc_end2:
_tile_overlayer_lowered:
.L_overlay_start_2:
0x115: {  	(tag) =	ssettag $0x2  }
0x116: {  	s0 =	rddreg [dreg:$0x0];
	s2 =	stileid.u32  }
0x117: {  	s1 =	rddreg [dreg:$0x1];
	p0 =	sne.s32 s2, $0x0  }
0x118: {  	s3 =	rddreg [dreg:$0x2];
	[bflag:$0x3] =	sbarrier.arrive $0xFFFF;
	s2 =	simm.s32 @!p0 $0x1C02  }
0x119: {  	[timem:s3], [sflag:s2] =	dma.local @!p0 [hbm:s0], s1  }
0x11a: {  	s0 =	simm.s32 @!p0 $0x2  }
0x11b: {  	_ =	swait.ge @!p0 [sflag:s0], s1  }
0x11c: {  	s1 =	ssub.s32 @!p0 $0x0, s1;
	[sflag:s0] =	ssyncset.done @!p0 $0x0  }
0x11d: {  	[sflag:s0] =	ssyncadd.s32 @!p0 s1  }
0x11e: {  	[bflag:$0x3] =	sbarrier.arrive $0xFFFF  }
0x11f: {  	_ =	shalt  }

</sc_bundles>
